<compile_context>
chip_gen: v7x
topology: tpu7x:2x2x1
jax: 0.10.2.dev20260603
libtpu: 0.0.44.dev20260713+nightly
codegen_flags: <defaults>
</compile_context>

<pallas_src>
import functools

import jax
import jax.numpy as jnp
from jax.experimental import pallas as pl
from jax.experimental.pallas import tpu as pltpu
from jax.experimental.pallas import tpu_sc as plsc

_T1 = 19
_N = 512
_NP = 256
_CH = 8
_L = 16


def _fac_sc_kernel(pi_hbm, ot_hbm, out_hbm, buf_v, tf_v, idx_v):
    wid = jax.lax.axis_index("s") * 2 + jax.lax.axis_index("c")

    @pl.when(wid == 0)
    def _():
        pltpu.sync_copy(ot_hbm, idx_v)
        for i in range(_N // _L):
            buf_v[pl.ds(i * _L, _L)] = jnp.zeros((_L,), jnp.float32)
        pltpu.sync_copy(pi_hbm, idx_v.at[pl.ds(0, _NP)])
        ones = jnp.ones((_L,), jnp.float32)
        for k in range(_NP // _L):
            idx = idx_v[pl.ds(k * _L, _L)]
            plsc.store_scatter(buf_v, [idx], ones)
        pltpu.sync_copy(ot_hbm, idx_v)
        for i in range(_N // _L):
            sl = pl.ds(i * _L, _L)
            tf_v[sl] = buf_v[sl] * jnp.where(idx_v[sl] == 4, 0.65, 1.0)
        pltpu.sync_copy(tf_v, out_hbm)


def _fac_on_sparsecore(pedestrian_index, obs_traj_type):
    return pl.kernel(
        _fac_sc_kernel,
        mesh=plsc.VectorSubcoreMesh(core_axis_name="c", subcore_axis_name="s"),
        out_type=jax.ShapeDtypeStruct((_N,), jnp.float32),
        scratch_types=[
            pltpu.VMEM((_N,), jnp.float32),
            pltpu.VMEM((_N,), jnp.float32),
            pltpu.VMEM((_N,), jnp.int32),
        ],
        compiler_params=pltpu.CompilerParams(needs_layout_passes=False),
    )(pedestrian_index, obs_traj_type)


def _risk_kernel(w_ref, xc_ref, xp_ref, yc_ref, yp_ref, fac_ref, out_ref):
    xcur = xc_ref[0]
    xprev = xp_ref[0]
    ycur = yc_ref[0]
    yprev = yp_ref[0]

    dispx = xcur - xprev
    dispy = ycur - yprev
    d2 = dispx * dispx + dispy * dispy
    v = jnp.sqrt(d2 + 1e-12) / 0.5
    pos = d2 > 0.0
    d2s = jnp.where(pos, d2, 1.0)
    inv0 = jax.lax.rsqrt(d2s)
    inv = inv0 * (1.5 - 0.5 * d2s * inv0 * inv0)
    ux = jnp.where(pos, dispx * inv, 1.0)
    uy = jnp.where(pos, dispy * inv, 0.0)
    wx = v * ux
    wy = v * uy
    angle = jnp.arctan2(dispy, dispx)

    cx = w_ref[8] * w_ref[0]
    cy = w_ref[9] * w_ref[2]
    cv = w_ref[10] * w_ref[4]
    ca = w_ref[11] * w_ref[6]
    cx2 = w_ref[8] * w_ref[1]
    cy2 = w_ref[9] * w_ref[3]
    cv2 = w_ref[10] * w_ref[5]
    ca2 = w_ref[11] * w_ref[7]
    xl = xcur[:, _N - 1:]
    yl = ycur[:, _N - 1:]
    vl = v[:, _N - 1:]
    al = angle[:, _N - 1:]
    dl2 = (xcur - xl) ** 2 + (ycur - yl) ** 2 + 1e-12
    m = jnp.where(dl2 <= 144.0, 1.0, 0.0)
    km = xl * cx2 + yl * cy2 + vl * cv2 + al * ca2
    node = xcur * cx + ycur * cy + v * cv + angle * ca + m * km

    fac = fac_ref[0]

    packed = jnp.concatenate([
        xcur, ycur, wx, wy, ux, uy,
        node * w_ref[12] * fac,
        fac * w_ref[13],
    ], axis=0)
    cols = jnp.transpose(packed, (1, 0))

    for c in range(0, _N, _CH):
        xc = cols[c:c + _CH, 0:1]
        yc = cols[c:c + _CH, 1:2]
        wxc = cols[c:c + _CH, 2:3]
        wyc = cols[c:c + _CH, 3:4]
        uxc = cols[c:c + _CH, 4:5]
        uyc = cols[c:c + _CH, 5:6]
        bbfc = cols[c:c + _CH, 6:7]
        w1fc = cols[c:c + _CH, 7:8]
        dx = xcur - xc
        dy = ycur - yc
        dis2 = dx * dx + dy * dy
        numer = jnp.abs((wxc - wx) * dx + (wyc - wy) * dy)
        risk1 = numer / dis2
        cd = dx * uxc + dy * uyc
        s = ((dx.view(jnp.int32) & uxc.view(jnp.int32))
             & (dy.view(jnp.int32) ^ uyc.view(jnp.int32)) & (-2147483648))
        cdw = (cd.view(jnp.int32) | s).view(jnp.float32)
        bb = node * w1fc + bbfc
        out_ref[0, c:c + _CH, :] = jnp.where(cdw > 0.0, risk1 * bb, 0.0)


def kernel(a, start, end, sa_out, se_out, pedestrian_index, obs_traj_type,
           W1, b1, W2, b2, W3, b3, W4, b4, W5, b5, W6, b6, Wr, br):
    att = a.reshape(_N, 40).T.reshape(40, 1, _N)
    wcat = jnp.concatenate([W1, W2, W3, W4, W5, Wr])
    fac = _fac_on_sparsecore(pedestrian_index, obs_traj_type)
    facr = fac.reshape(1, 1, _N)

    xrow = pl.BlockSpec((1, 1, _N), lambda t: (t + 1, 0, 0))
    xprow = pl.BlockSpec((1, 1, _N), lambda t: (t, 0, 0))
    yrow = pl.BlockSpec((1, 1, _N), lambda t: (t + 21, 0, 0))
    yprow = pl.BlockSpec((1, 1, _N), lambda t: (t + 20, 0, 0))
    facrow = pl.BlockSpec((1, 1, _N), lambda t: (0, 0, 0))

    risk = pl.pallas_call(
        _risk_kernel,
        grid=(_T1,),
        in_specs=[
            pl.BlockSpec(memory_space=pltpu.SMEM),
            xrow, xprow, yrow, yprow, facrow,
        ],
        out_specs=pl.BlockSpec((1, _N, _N), lambda t: (t, 0, 0)),
        out_shape=jax.ShapeDtypeStruct((_T1, _N, _N), jnp.float32),
    )(wcat, att, att, att, att, facr)
    return risk

# --- scband reference (transcript-rebuilt; emitter-appended) ---
"""Pipeline reference for scband-risk-interaction-89404039233801 (READ-ONLY COPY).

The authoritative reference and input builder live on the scoring server;
editing this copy changes nothing except your own understanding.
"""

import jax, jax.numpy as jnp
import numpy as np


def setup_inputs(seed: int = 0):
    key = jax.random.key(seed)
    ks = jax.random.split(key, 16)
    N, T, K, F = 512, 20, 16, 8
    inp = {}
    inp["a"] = jax.random.normal(ks[0], (N, 2, T), dtype=jnp.float32) * 10.0
    inp["start"] = 0
    inp["end"] = N
    inp["sa_out"] = jax.random.normal(ks[1], (T, K, F), dtype=jnp.float32)
    inp["se_out"] = jax.random.normal(ks[2], (T, K, K), dtype=jnp.float32)
    inp["pedestrian_index"] = jax.random.randint(ks[3], (256,), 0, N)
    inp["obs_traj_type"] = jax.random.randint(ks[4], (N,), 0, 5)
    def w(k, shape):
        return jax.random.normal(k, shape, dtype=jnp.float32) * 0.1
    inp["W1"] = w(ks[5], (2,)); inp["b1"] = jnp.zeros((), jnp.float32)
    inp["W2"] = w(ks[6], (2,)); inp["b2"] = jnp.zeros((), jnp.float32)
    inp["W3"] = w(ks[7], (2,)); inp["b3"] = jnp.zeros((), jnp.float32)
    inp["W4"] = w(ks[8], (2,)); inp["b4"] = jnp.zeros((), jnp.float32)
    inp["W5"] = w(ks[9], (4,)); inp["b5"] = jnp.zeros((), jnp.float32)
    inp["W6"] = w(ks[10], (4, 64)); inp["b6"] = jnp.zeros((64,), jnp.float32)
    inp["Wr"] = w(ks[11], (2,)); inp["br"] = jnp.zeros((), jnp.float32)
    return inp


def _risk_forward(a, start, pedestrian_index, obs_traj_type,
                  W1, b1, W2, b2, W3, b3, W4, b4, W5, b5, W6, b6, Wr, br):
    # a: [N, 2, T] -> permute(2,0,1) -> [T, N, 2]
    a = jnp.transpose(a, (2, 0, 1))
    T, N, _ = a.shape
    cur = a[1:]              # [T-1, N, 2]
    prev = a[:-1]
    disp = cur - prev
    v = jnp.sqrt(jnp.sum(disp * disp, axis=-1) + 1e-12) / 0.5   # speed, dt=0.5
    angle = jnp.arctan2(disp[..., 1], disp[..., 0])             # heading angle
    # node_o: inner qqq loop overwrites sss, so only the last neighbor (qqq=N-1) survives
    xj = cur[:, -1:, 0]
    yj = cur[:, -1:, 1]
    vj = v[:, -1:]
    aj = angle[:, -1:]
    dis_last = jnp.sqrt((cur[..., 0] - xj) ** 2 + (cur[..., 1] - yj) ** 2 + 1e-12)
    m = (dis_last <= 12.0).astype(jnp.float32)   # neighbor included iff dis <= 12
    def lin2(W, b, fi, fj):
        return fi * W[0] + m * fj * W[1] + b
    x_mlp = lin2(W1, b1, cur[..., 0], jnp.broadcast_to(xj, (T - 1, N)))
    y_mlp = lin2(W2, b2, cur[..., 1], jnp.broadcast_to(yj, (T - 1, N)))
    v_mlp = lin2(W3, b3, v, jnp.broadcast_to(vj, (T - 1, N)))
    ang_mlp = lin2(W4, b4, angle, jnp.broadcast_to(aj, (T - 1, N)))
    feats = jnp.stack([x_mlp, y_mlp, v_mlp, ang_mlp], axis=-1)  # [T-1, N, 4]
    node = feats @ W5 + b5                                      # node_ou [T-1, N]
    node64 = feats @ W6 + b6                                    # node_ou_64 [T-1, N, 64]
    # pairwise risk over (i, j) per timestep
    dxy = cur[:, None, :, :] - cur[:, :, None, :]   # a[k][j] - a[k][i]: [T-1, N, N, 2]
    dis = jnp.sqrt(jnp.sum(dxy * dxy, axis=-1) + 1e-12)
    angle3 = jnp.arctan2(dxy[..., 1], dxy[..., 0])
    a1 = angle[:, :, None]
    a2 = angle[:, None, :]
    v1 = v[:, :, None]
    v2 = v[:, None, :]
    front = (angle3 > a1 - np.pi / 2) & (angle3 < a1 + np.pi / 2)
    # buggy if-chain in source: final else overrides, lij = 0.65 iff type==4 else 1 (when front)
    lij = jnp.where(obs_traj_type[None, :, None] == 4, 0.65, 1.0)
    lij = jnp.where(front, lij, 0.0)
    vv = jnp.abs(v1 * jnp.cos(jnp.abs(a1 - angle3)) - v2 * jnp.cos(jnp.abs(a2 - angle3)))
    risk1 = vv / dis                               # 1 / (dis / vv)
    bb = node[:, :, None] * Wr[0] + node[:, None, :] * Wr[1] + br  # self.mlp([node_i, node_j])
    risk = risk1 * bb * lij
    ids = jnp.arange(N) + start
    is_ped = (pedestrian_index[None, :] == ids[:, None]).any(axis=1).astype(jnp.float32)
    risk = risk * is_ped[None, :, None]            # rows only for pedestrian indices
    eye = jnp.eye(N, dtype=risk.dtype)
    risk = risk * (1.0 - eye)[None]                # risk_inter1[i, i] = 0
    return risk


def reference(a, start, end, sa_out, se_out, pedestrian_index, obs_traj_type,
              W1, b1, W2, b2, W3, b3, W4, b4, W5, b5, W6, b6, Wr, br):
    return _risk_forward(a, start, pedestrian_index, obs_traj_type,
                         W1, b1, W2, b2, W3, b3, W4, b4, W5, b5, W6, b6, Wr, br)

if __name__ == "__main__":
    import jax
    _d = setup_inputs()
    print(jax.jit(kernel)(*tuple(_d.values())))

</pallas_src>

<mosaic_0001>
#map = affine_map<(d0, d1) -> (0)>
module attributes {stable_mosaic.version = 14 : i64} {
  func.func @_fac_sc_kernel(%arg0: i32, %arg1: i32, %arg2: memref<256xi32, #tpu.memory_space<hbm>>, %arg3: memref<512xi32, #tpu.memory_space<hbm>>, %arg4: memref<512xf32, #tpu.memory_space<hbm>>, %arg5: memref<512xf32, #tpu.memory_space<vmem>>, %arg6: memref<512xf32, #tpu.memory_space<vmem>>, %arg7: memref<512xi32, #tpu.memory_space<vmem>>) attributes {dimension_semantics = [#tpu.dimension_semantics<core_parallel>, #tpu.dimension_semantics<subcore_parallel>], iteration_bounds = array<i64: 2, 16>, scalar_prefetch = 0 : i64, scratch_operands = 3 : i64, tpu.core_type = #tpu.core_type<sc_vector_subcore>, window_params = [{transform_indices = #map}, {transform_indices = #map}, {transform_indices = #map}]} {
    %mul3A = arith.constant 2 : i32
    %mul3A_0 = arith.muli %arg1, %mul3A : i32
    %add3A = arith.addi %mul3A_0, %arg0 : i32
    %eq3A = arith.constant 0 : i32
    %eq3A_1 = arith.cmpi eq, %add3A, %eq3A : i32
    %convert_element_type3A = arith.extui %eq3A_1 : i1 to i32
    %cond3A = arith.constant 0 : i32
    %cond3A_2 = arith.cmpi ne, %convert_element_type3A, %cond3A : i32
    scf.if %cond3A_2 {
      "tpu.region"() ({
        %run_scoped3A = tpu.sem_alloc : memref<!tpu.dma_semaphore, #tpu.memory_space<semaphore_mem>>
        tpu.enqueue_dma source(%arg3 : memref<512xi32, #tpu.memory_space<hbm>>) target(%arg7 : memref<512xi32, #tpu.memory_space<vmem>>) target_semaphore(%run_scoped3A : memref<!tpu.dma_semaphore, #tpu.memory_space<semaphore_mem>>)
        tpu.wait_dma2 semaphore(%run_scoped3A : memref<!tpu.dma_semaphore, #tpu.memory_space<semaphore_mem>>) src(%arg3 : memref<512xi32, #tpu.memory_space<hbm>>) dst(%arg7 : memref<512xi32, #tpu.memory_space<vmem>>)
        tpu.yield
      }) : () -> ()
      %broadcast_in_dim3A = arith.constant 0.000000e+00 : f32
      %broadcast_in_dim3A_3 = vector.broadcast %broadcast_in_dim3A : f32 to vector<16xf32>
      %swap3A = arith.constant 0 : index
      %swap3A_4 = tpu.vector_load %arg5[%swap3A] {strides = array<i32>} : memref<512xf32, #tpu.memory_space<vmem>>, vector<16xf32>,
      tpu.vector_store %arg5[%swap3A], %broadcast_in_dim3A_3 {strides = array<i32>} : memref<512xf32, #tpu.memory_space<vmem>>, vector<16xf32>,
      %broadcast_in_dim3A_5 = arith.constant 0.000000e+00 : f32
      %broadcast_in_dim3A_6 = vector.broadcast %broadcast_in_dim3A_5 : f32 to vector<16xf32>
      %swap3A_7 = arith.constant 16 : index
      %swap3A_8 = tpu.vector_load %arg5[%swap3A_7] {strides = array<i32>} : memref<512xf32, #tpu.memory_space<vmem>>, vector<16xf32>,
      tpu.vector_store %arg5[%swap3A_7], %broadcast_in_dim3A_6 {strides = array<i32>} : memref<512xf32, #tpu.memory_space<vmem>>, vector<16xf32>,
      %broadcast_in_dim3A_9 = arith.constant 0.000000e+00 : f32
      %broadcast_in_dim3A_10 = vector.broadcast %broadcast_in_dim3A_9 : f32 to vector<16xf32>
      %swap3A_11 = arith.constant 32 : index
      %swap3A_12 = tpu.vector_load %arg5[%swap3A_11] {strides = array<i32>} : memref<512xf32, #tpu.memory_space<vmem>>, vector<16xf32>,
      tpu.vector_store %arg5[%swap3A_11], %broadcast_in_dim3A_10 {strides = array<i32>} : memref<512xf32, #tpu.memory_space<vmem>>, vector<16xf32>,
      %broadcast_in_dim3A_13 = arith.constant 0.000000e+00 : f32
      %broadcast_in_dim3A_14 = vector.broadcast %broadcast_in_dim3A_13 : f32 to vector<16xf32>
      %swap3A_15 = arith.constant 48 : index
      %swap3A_16 = tpu.vector_load %arg5[%swap3A_15] {strides = array<i32>} : memref<512xf32, #tpu.memory_space<vmem>>, vector<16xf32>,
      tpu.vector_store %arg5[%swap3A_15], %broadcast_in_dim3A_14 {strides = array<i32>} : memref<512xf32, #tpu.memory_space<vmem>>, vector<16xf32>,
      %broadcast_in_dim3A_17 = arith.constant 0.000000e+00 : f32
      %broadcast_in_dim3A_18 = vector.broadcast %broadcast_in_dim3A_17 : f32 to vector<16xf32>
      %swap3A_19 = arith.constant 64 : index
      %swap3A_20 = tpu.vector_load %arg5[%swap3A_19] {strides = array<i32>} : memref<512xf32, #tpu.memory_space<vmem>>, vector<16xf32>,
      tpu.vector_store %arg5[%swap3A_19], %broadcast_in_dim3A_18 {strides = array<i32>} : memref<512xf32, #tpu.memory_space<vmem>>, vector<16xf32>,
      %broadcast_in_dim3A_21 = arith.constant 0.000000e+00 : f32
      %broadcast_in_dim3A_22 = vector.broadcast %broadcast_in_dim3A_21 : f32 to vector<16xf32>
      %swap3A_23 = arith.constant 80 : index
      %swap3A_24 = tpu.vector_load %arg5[%swap3A_23] {strides = array<i32>} : memref<512xf32, #tpu.memory_space<vmem>>, vector<16xf32>,
      tpu.vector_store %arg5[%swap3A_23], %broadcast_in_dim3A_22 {strides = array<i32>} : memref<512xf32, #tpu.memory_space<vmem>>, vector<16xf32>,
      %broadcast_in_dim3A_25 = arith.constant 0.000000e+00 : f32
      %broadcast_in_dim3A_26 = vector.broadcast %broadcast_in_dim3A_25 : f32 to vector<16xf32>
      %swap3A_27 = arith.constant 96 : index
      %swap3A_28 = tpu.vector_load %arg5[%swap3A_27] {strides = array<i32>} : memref<512xf32, #tpu.memory_space<vmem>>, vector<16xf32>,
      tpu.vector_store %arg5[%swap3A_27], %broadcast_in_dim3A_26 {strides = array<i32>} : memref<512xf32, #tpu.memory_space<vmem>>, vector<16xf32>,
      %broadcast_in_dim3A_29 = arith.constant 0.000000e+00 : f32
      %broadcast_in_dim3A_30 = vector.broadcast %broadcast_in_dim3A_29 : f32 to vector<16xf32>
      %swap3A_31 = arith.constant 112 : index
      %swap3A_32 = tpu.vector_load %arg5[%swap3A_31] {strides = array<i32>} : memref<512xf32, #tpu.memory_space<vmem>>, vector<16xf32>,
      tpu.vector_store %arg5[%swap3A_31], %broadcast_in_dim3A_30 {strides = array<i32>} : memref<512xf32, #tpu.memory_space<vmem>>, vector<16xf32>,
      %broadcast_in_dim3A_33 = arith.constant 0.000000e+00 : f32
      %broadcast_in_dim3A_34 = vector.broadcast %broadcast_in_dim3A_33 : f32 to vector<16xf32>
      %swap3A_35 = arith.constant 128 : index
      %swap3A_36 = tpu.vector_load %arg5[%swap3A_35] {strides = array<i32>} : memref<512xf32, #tpu.memory_space<vmem>>, vector<16xf32>,
      tpu.vector_store %arg5[%swap3A_35], %broadcast_in_dim3A_34 {strides = array<i32>} : memref<512xf32, #tpu.memory_space<vmem>>, vector<16xf32>,
      %broadcast_in_dim3A_37 = arith.constant 0.000000e+00 : f32
      %broadcast_in_dim3A_38 = vector.broadcast %broadcast_in_dim3A_37 : f32 to vector<16xf32>
      %swap3A_39 = arith.constant 144 : index
      %swap3A_40 = tpu.vector_load %arg5[%swap3A_39] {strides = array<i32>} : memref<512xf32, #tpu.memory_space<vmem>>, vector<16xf32>,
      tpu.vector_store %arg5[%swap3A_39], %broadcast_in_dim3A_38 {strides = array<i32>} : memref<512xf32, #tpu.memory_space<vmem>>, vector<16xf32>,
      %broadcast_in_dim3A_41 = arith.constant 0.000000e+00 : f32
      %broadcast_in_dim3A_42 = vector.broadcast %broadcast_in_dim3A_41 : f32 to vector<16xf32>
      %swap3A_43 = arith.constant 160 : index
      %swap3A_44 = tpu.vector_load %arg5[%swap3A_43] {strides = array<i32>} : memref<512xf32, #tpu.memory_space<vmem>>, vector<16xf32>,
      tpu.vector_store %arg5[%swap3A_43], %broadcast_in_dim3A_42 {strides = array<i32>} : memref<512xf32, #tpu.memory_space<vmem>>, vector<16xf32>,
      %broadcast_in_dim3A_45 = arith.constant 0.000000e+00 : f32
      %broadcast_in_dim3A_46 = vector.broadcast %broadcast_in_dim3A_45 : f32 to vector<16xf32>
      %swap3A_47 = arith.constant 176 : index
      %swap3A_48 = tpu.vector_load %arg5[%swap3A_47] {strides = array<i32>} : memref<512xf32, #tpu.memory_space<vmem>>, vector<16xf32>,
      tpu.vector_store %arg5[%swap3A_47], %broadcast_in_dim3A_46 {strides = array<i32>} : memref<512xf32, #tpu.memory_space<vmem>>, vector<16xf32>,
      %broadcast_in_dim3A_49 = arith.constant 0.000000e+00 : f32
      %broadcast_in_dim3A_50 = vector.broadcast %broadcast_in_dim3A_49 : f32 to vector<16xf32>
      %swap3A_51 = arith.constant 192 : index
      %swap3A_52 = tpu.vector_load %arg5[%swap3A_51] {strides = array<i32>} : memref<512xf32, #tpu.memory_space<vmem>>, vector<16xf32>,
      tpu.vector_store %arg5[%swap3A_51], %broadcast_in_dim3A_50 {strides = array<i32>} : memref<512xf32, #tpu.memory_space<vmem>>, vector<16xf32>,
      %broadcast_in_dim3A_53 = arith.constant 0.000000e+00 : f32
      %broadcast_in_dim3A_54 = vector.broadcast %broadcast_in_dim3A_53 : f32 to vector<16xf32>
      %swap3A_55 = arith.constant 208 : index
      %swap3A_56 = tpu.vector_load %arg5[%swap3A_55] {strides = array<i32>} : memref<512xf32, #tpu.memory_space<vmem>>, vector<16xf32>,
      tpu.vector_store %arg5[%swap3A_55], %broadcast_in_dim3A_54 {strides = array<i32>} : memref<512xf32, #tpu.memory_space<vmem>>, vector<16xf32>,
      %broadcast_in_dim3A_57 = arith.constant 0.000000e+00 : f32
      %broadcast_in_dim3A_58 = vector.broadcast %broadcast_in_dim3A_57 : f32 to vector<16xf32>
      %swap3A_59 = arith.constant 224 : index
      %swap3A_60 = tpu.vector_load %arg5[%swap3A_59] {strides = array<i32>} : memref<512xf32, #tpu.memory_space<vmem>>, vector<16xf32>,
      tpu.vector_store %arg5[%swap3A_59], %broadcast_in_dim3A_58 {strides = array<i32>} : memref<512xf32, #tpu.memory_space<vmem>>, vector<16xf32>,
      %broadcast_in_dim3A_61 = arith.constant 0.000000e+00 : f32
      %broadcast_in_dim3A_62 = vector.broadcast %broadcast_in_dim3A_61 : f32 to vector<16xf32>
      %swap3A_63 = arith.constant 240 : index
      %swap3A_64 = tpu.vector_load %arg5[%swap3A_63] {strides = array<i32>} : memref<512xf32, #tpu.memory_space<vmem>>, vector<16xf32>,
      tpu.vector_store %arg5[%swap3A_63], %broadcast_in_dim3A_62 {strides = array<i32>} : memref<512xf32, #tpu.memory_space<vmem>>, vector<16xf32>,
      %broadcast_in_dim3A_65 = arith.constant 0.000000e+00 : f32
      %broadcast_in_dim3A_66 = vector.broadcast %broadcast_in_dim3A_65 : f32 to vector<16xf32>
      %swap3A_67 = arith.constant 256 : index
      %swap3A_68 = tpu.vector_load %arg5[%swap3A_67] {strides = array<i32>} : memref<512xf32, #tpu.memory_space<vmem>>, vector<16xf32>,
      tpu.vector_store %arg5[%swap3A_67], %broadcast_in_dim3A_66 {strides = array<i32>} : memref<512xf32, #tpu.memory_space<vmem>>, vector<16xf32>,
      %broadcast_in_dim3A_69 = arith.constant 0.000000e+00 : f32
      %broadcast_in_dim3A_70 = vector.broadcast %broadcast_in_dim3A_69 : f32 to vector<16xf32>
      %swap3A_71 = arith.constant 272 : index
      %swap3A_72 = tpu.vector_load %arg5[%swap3A_71] {strides = array<i32>} : memref<512xf32, #tpu.memory_space<vmem>>, vector<16xf32>,
      tpu.vector_store %arg5[%swap3A_71], %broadcast_in_dim3A_70 {strides = array<i32>} : memref<512xf32, #tpu.memory_space<vmem>>, vector<16xf32>,
      %broadcast_in_dim3A_73 = arith.constant 0.000000e+00 : f32
      %broadcast_in_dim3A_74 = vector.broadcast %broadcast_in_dim3A_73 : f32 to vector<16xf32>
      %swap3A_75 = arith.constant 288 : index
      %swap3A_76 = tpu.vector_load %arg5[%swap3A_75] {strides = array<i32>} : memref<512xf32, #tpu.memory_space<vmem>>, vector<16xf32>,
      tpu.vector_store %arg5[%swap3A_75], %broadcast_in_dim3A_74 {strides = array<i32>} : memref<512xf32, #tpu.memory_space<vmem>>, vector<16xf32>,
      %broadcast_in_dim3A_77 = arith.constant 0.000000e+00 : f32
      %broadcast_in_dim3A_78 = vector.broadcast %broadcast_in_dim3A_77 : f32 to vector<16xf32>
      %swap3A_79 = arith.constant 304 : index
      %swap3A_80 = tpu.vector_load %arg5[%swap3A_79] {strides = array<i32>} : memref<512xf32, #tpu.memory_space<vmem>>, vector<16xf32>,
      tpu.vector_store %arg5[%swap3A_79], %broadcast_in_dim3A_78 {strides = array<i32>} : memref<512xf32, #tpu.memory_space<vmem>>, vector<16xf32>,
      %broadcast_in_dim3A_81 = arith.constant 0.000000e+00 : f32
      %broadcast_in_dim3A_82 = vector.broadcast %broadcast_in_dim3A_81 : f32 to vector<16xf32>
      %swap3A_83 = arith.constant 320 : index
      %swap3A_84 = tpu.vector_load %arg5[%swap3A_83] {strides = array<i32>} : memref<512xf32, #tpu.memory_space<vmem>>, vector<16xf32>,
      tpu.vector_store %arg5[%swap3A_83], %broadcast_in_dim3A_82 {strides = array<i32>} : memref<512xf32, #tpu.memory_space<vmem>>, vector<16xf32>,
      %broadcast_in_dim3A_85 = arith.constant 0.000000e+00 : f32
      %broadcast_in_dim3A_86 = vector.broadcast %broadcast_in_dim3A_85 : f32 to vector<16xf32>
      %swap3A_87 = arith.constant 336 : index
      %swap3A_88 = tpu.vector_load %arg5[%swap3A_87] {strides = array<i32>} : memref<512xf32, #tpu.memory_space<vmem>>, vector<16xf32>,
      tpu.vector_store %arg5[%swap3A_87], %broadcast_in_dim3A_86 {strides = array<i32>} : memref<512xf32, #tpu.memory_space<vmem>>, vector<16xf32>,
      %broadcast_in_dim3A_89 = arith.constant 0.000000e+00 : f32
      %broadcast_in_dim3A_90 = vector.broadcast %broadcast_in_dim3A_89 : f32 to vector<16xf32>
      %swap3A_91 = arith.constant 352 : index
      %swap3A_92 = tpu.vector_load %arg5[%swap3A_91] {strides = array<i32>} : memref<512xf32, #tpu.memory_space<vmem>>, vector<16xf32>,
      tpu.vector_store %arg5[%swap3A_91], %broadcast_in_dim3A_90 {strides = array<i32>} : memref<512xf32, #tpu.memory_space<vmem>>, vector<16xf32>,
      %broadcast_in_dim3A_93 = arith.constant 0.000000e+00 : f32
      %broadcast_in_dim3A_94 = vector.broadcast %broadcast_in_dim3A_93 : f32 to vector<16xf32>
      %swap3A_95 = arith.constant 368 : index
      %swap3A_96 = tpu.vector_load %arg5[%swap3A_95] {strides = array<i32>} : memref<512xf32, #tpu.memory_space<vmem>>, vector<16xf32>,
      tpu.vector_store %arg5[%swap3A_95], %broadcast_in_dim3A_94 {strides = array<i32>} : memref<512xf32, #tpu.memory_space<vmem>>, vector<16xf32>,
      %broadcast_in_dim3A_97 = arith.constant 0.000000e+00 : f32
      %broadcast_in_dim3A_98 = vector.broadcast %broadcast_in_dim3A_97 : f32 to vector<16xf32>
      %swap3A_99 = arith.constant 384 : index
      %swap3A_100 = tpu.vector_load %arg5[%swap3A_99] {strides = array<i32>} : memref<512xf32, #tpu.memory_space<vmem>>, vector<16xf32>,
      tpu.vector_store %arg5[%swap3A_99], %broadcast_in_dim3A_98 {strides = array<i32>} : memref<512xf32, #tpu.memory_space<vmem>>, vector<16xf32>,
      %broadcast_in_dim3A_101 = arith.constant 0.000000e+00 : f32
      %broadcast_in_dim3A_102 = vector.broadcast %broadcast_in_dim3A_101 : f32 to vector<16xf32>
      %swap3A_103 = arith.constant 400 : index
      %swap3A_104 = tpu.vector_load %arg5[%swap3A_103] {strides = array<i32>} : memref<512xf32, #tpu.memory_space<vmem>>, vector<16xf32>,
      tpu.vector_store %arg5[%swap3A_103], %broadcast_in_dim3A_102 {strides = array<i32>} : memref<512xf32, #tpu.memory_space<vmem>>, vector<16xf32>,
      %broadcast_in_dim3A_105 = arith.constant 0.000000e+00 : f32
      %broadcast_in_dim3A_106 = vector.broadcast %broadcast_in_dim3A_105 : f32 to vector<16xf32>
      %swap3A_107 = arith.constant 416 : index
      %swap3A_108 = tpu.vector_load %arg5[%swap3A_107] {strides = array<i32>} : memref<512xf32, #tpu.memory_space<vmem>>, vector<16xf32>,
      tpu.vector_store %arg5[%swap3A_107], %broadcast_in_dim3A_106 {strides = array<i32>} : memref<512xf32, #tpu.memory_space<vmem>>, vector<16xf32>,
      %broadcast_in_dim3A_109 = arith.constant 0.000000e+00 : f32
      %broadcast_in_dim3A_110 = vector.broadcast %broadcast_in_dim3A_109 : f32 to vector<16xf32>
      %swap3A_111 = arith.constant 432 : index
      %swap3A_112 = tpu.vector_load %arg5[%swap3A_111] {strides = array<i32>} : memref<512xf32, #tpu.memory_space<vmem>>, vector<16xf32>,
      tpu.vector_store %arg5[%swap3A_111], %broadcast_in_dim3A_110 {strides = array<i32>} : memref<512xf32, #tpu.memory_space<vmem>>, vector<16xf32>,
      %broadcast_in_dim3A_113 = arith.constant 0.000000e+00 : f32
      %broadcast_in_dim3A_114 = vector.broadcast %broadcast_in_dim3A_113 : f32 to vector<16xf32>
      %swap3A_115 = arith.constant 448 : index
      %swap3A_116 = tpu.vector_load %arg5[%swap3A_115] {strides = array<i32>} : memref<512xf32, #tpu.memory_space<vmem>>, vector<16xf32>,
      tpu.vector_store %arg5[%swap3A_115], %broadcast_in_dim3A_114 {strides = array<i32>} : memref<512xf32, #tpu.memory_space<vmem>>, vector<16xf32>,
      %broadcast_in_dim3A_117 = arith.constant 0.000000e+00 : f32
      %broadcast_in_dim3A_118 = vector.broadcast %broadcast_in_dim3A_117 : f32 to vector<16xf32>
      %swap3A_119 = arith.constant 464 : index
      %swap3A_120 = tpu.vector_load %arg5[%swap3A_119] {strides = array<i32>} : memref<512xf32, #tpu.memory_space<vmem>>, vector<16xf32>,
      tpu.vector_store %arg5[%swap3A_119], %broadcast_in_dim3A_118 {strides = array<i32>} : memref<512xf32, #tpu.memory_space<vmem>>, vector<16xf32>,
      %broadcast_in_dim3A_121 = arith.constant 0.000000e+00 : f32
      %broadcast_in_dim3A_122 = vector.broadcast %broadcast_in_dim3A_121 : f32 to vector<16xf32>
      %swap3A_123 = arith.constant 480 : index
      %swap3A_124 = tpu.vector_load %arg5[%swap3A_123] {strides = array<i32>} : memref<512xf32, #tpu.memory_space<vmem>>, vector<16xf32>,
      tpu.vector_store %arg5[%swap3A_123], %broadcast_in_dim3A_122 {strides = array<i32>} : memref<512xf32, #tpu.memory_space<vmem>>, vector<16xf32>,
      %broadcast_in_dim3A_125 = arith.constant 0.000000e+00 : f32
      %broadcast_in_dim3A_126 = vector.broadcast %broadcast_in_dim3A_125 : f32 to vector<16xf32>
      %swap3A_127 = arith.constant 496 : index
      %swap3A_128 = tpu.vector_load %arg5[%swap3A_127] {strides = array<i32>} : memref<512xf32, #tpu.memory_space<vmem>>, vector<16xf32>,
      tpu.vector_store %arg5[%swap3A_127], %broadcast_in_dim3A_126 {strides = array<i32>} : memref<512xf32, #tpu.memory_space<vmem>>, vector<16xf32>,
      "tpu.region"() ({
        %run_scoped3A = tpu.sem_alloc : memref<!tpu.dma_semaphore, #tpu.memory_space<semaphore_mem>>
        %dma_start3A = arith.constant 0 : i32
        %dma_start3A_640 = tpu.memref_slice %arg7[%dma_start3A] : memref<512xi32, #tpu.memory_space<vmem>> -> memref<256xi32, #tpu.memory_space<vmem>>
        %dma_start3A_641 = arith.constant 0 : i32
        %dma_start3A_642 = tpu.memref_slice %arg7[%dma_start3A_641] : memref<512xi32, #tpu.memory_space<vmem>> -> memref<256xi32, #tpu.memory_space<vmem>>
        tpu.enqueue_dma source(%arg2 : memref<256xi32, #tpu.memory_space<hbm>>) target(%dma_start3A_642 : memref<256xi32, #tpu.memory_space<vmem>>) target_semaphore(%run_scoped3A : memref<!tpu.dma_semaphore, #tpu.memory_space<semaphore_mem>>)
        %dma_wait3A = arith.constant 0 : i32
        %dma_wait3A_643 = tpu.memref_slice %arg7[%dma_wait3A] : memref<512xi32, #tpu.memory_space<vmem>> -> memref<256xi32, #tpu.memory_space<vmem>>
        %dma_wait3A_644 = arith.constant 0 : i32
        %dma_wait3A_645 = tpu.memref_slice %arg7[%dma_wait3A_644] : memref<512xi32, #tpu.memory_space<vmem>> -> memref<256xi32, #tpu.memory_space<vmem>>
        tpu.wait_dma2 semaphore(%run_scoped3A : memref<!tpu.dma_semaphore, #tpu.memory_space<semaphore_mem>>) src(%arg2 : memref<256xi32, #tpu.memory_space<hbm>>) dst(%dma_wait3A_645 : memref<256xi32, #tpu.memory_space<vmem>>)
        tpu.yield
      }) : () -> ()
      %broadcast_in_dim3A_129 = arith.constant 1.000000e+00 : f32
      %broadcast_in_dim3A_130 = vector.broadcast %broadcast_in_dim3A_129 : f32 to vector<16xf32>
      %get3A = arith.constant 0 : index
      %get3A_131 = tpu.vector_load %arg7[%get3A] {strides = array<i32>} : memref<512xi32, #tpu.memory_space<vmem>>, vector<16xi32>,
      tpu.vector_store_idx %arg5[%get3A_131], %broadcast_in_dim3A_130 : memref<512xf32, #tpu.memory_space<vmem>>[vector<16xi32>], vector<16xf32>,
      %get3A_132 = arith.constant 16 : index
      %get3A_133 = tpu.vector_load %arg7[%get3A_132] {strides = array<i32>} : memref<512xi32, #tpu.memory_space<vmem>>, vector<16xi32>,
      tpu.vector_store_idx %arg5[%get3A_133], %broadcast_in_dim3A_130 : memref<512xf32, #tpu.memory_space<vmem>>[vector<16xi32>], vector<16xf32>,
      %get3A_134 = arith.constant 32 : index
      %get3A_135 = tpu.vector_load %arg7[%get3A_134] {strides = array<i32>} : memref<512xi32, #tpu.memory_space<vmem>>, vector<16xi32>,
      tpu.vector_store_idx %arg5[%get3A_135], %broadcast_in_dim3A_130 : memref<512xf32, #tpu.memory_space<vmem>>[vector<16xi32>], vector<16xf32>,
      %get3A_136 = arith.constant 48 : index
      %get3A_137 = tpu.vector_load %arg7[%get3A_136] {strides = array<i32>} : memref<512xi32, #tpu.memory_space<vmem>>, vector<16xi32>,
      tpu.vector_store_idx %arg5[%get3A_137], %broadcast_in_dim3A_130 : memref<512xf32, #tpu.memory_space<vmem>>[vector<16xi32>], vector<16xf32>,
      %get3A_138 = arith.constant 64 : index
      %get3A_139 = tpu.vector_load %arg7[%get3A_138] {strides = array<i32>} : memref<512xi32, #tpu.memory_space<vmem>>, vector<16xi32>,
      tpu.vector_store_idx %arg5[%get3A_139], %broadcast_in_dim3A_130 : memref<512xf32, #tpu.memory_space<vmem>>[vector<16xi32>], vector<16xf32>,
      %get3A_140 = arith.constant 80 : index
      %get3A_141 = tpu.vector_load %arg7[%get3A_140] {strides = array<i32>} : memref<512xi32, #tpu.memory_space<vmem>>, vector<16xi32>,
      tpu.vector_store_idx %arg5[%get3A_141], %broadcast_in_dim3A_130 : memref<512xf32, #tpu.memory_space<vmem>>[vector<16xi32>], vector<16xf32>,
      %get3A_142 = arith.constant 96 : index
      %get3A_143 = tpu.vector_load %arg7[%get3A_142] {strides = array<i32>} : memref<512xi32, #tpu.memory_space<vmem>>, vector<16xi32>,
      tpu.vector_store_idx %arg5[%get3A_143], %broadcast_in_dim3A_130 : memref<512xf32, #tpu.memory_space<vmem>>[vector<16xi32>], vector<16xf32>,
      %get3A_144 = arith.constant 112 : index
      %get3A_145 = tpu.vector_load %arg7[%get3A_144] {strides = array<i32>} : memref<512xi32, #tpu.memory_space<vmem>>, vector<16xi32>,
      tpu.vector_store_idx %arg5[%get3A_145], %broadcast_in_dim3A_130 : memref<512xf32, #tpu.memory_space<vmem>>[vector<16xi32>], vector<16xf32>,
      %get3A_146 = arith.constant 128 : index
      %get3A_147 = tpu.vector_load %arg7[%get3A_146] {strides = array<i32>} : memref<512xi32, #tpu.memory_space<vmem>>, vector<16xi32>,
      tpu.vector_store_idx %arg5[%get3A_147], %broadcast_in_dim3A_130 : memref<512xf32, #tpu.memory_space<vmem>>[vector<16xi32>], vector<16xf32>,
      %get3A_148 = arith.constant 144 : index
      %get3A_149 = tpu.vector_load %arg7[%get3A_148] {strides = array<i32>} : memref<512xi32, #tpu.memory_space<vmem>>, vector<16xi32>,
      tpu.vector_store_idx %arg5[%get3A_149], %broadcast_in_dim3A_130 : memref<512xf32, #tpu.memory_space<vmem>>[vector<16xi32>], vector<16xf32>,
      %get3A_150 = arith.constant 160 : index
      %get3A_151 = tpu.vector_load %arg7[%get3A_150] {strides = array<i32>} : memref<512xi32, #tpu.memory_space<vmem>>, vector<16xi32>,
      tpu.vector_store_idx %arg5[%get3A_151], %broadcast_in_dim3A_130 : memref<512xf32, #tpu.memory_space<vmem>>[vector<16xi32>], vector<16xf32>,
      %get3A_152 = arith.constant 176 : index
      %get3A_153 = tpu.vector_load %arg7[%get3A_152] {strides = array<i32>} : memref<512xi32, #tpu.memory_space<vmem>>, vector<16xi32>,
      tpu.vector_store_idx %arg5[%get3A_153], %broadcast_in_dim3A_130 : memref<512xf32, #tpu.memory_space<vmem>>[vector<16xi32>], vector<16xf32>,
      %get3A_154 = arith.constant 192 : index
      %get3A_155 = tpu.vector_load %arg7[%get3A_154] {strides = array<i32>} : memref<512xi32, #tpu.memory_space<vmem>>, vector<16xi32>,
      tpu.vector_store_idx %arg5[%get3A_155], %broadcast_in_dim3A_130 : memref<512xf32, #tpu.memory_space<vmem>>[vector<16xi32>], vector<16xf32>,
      %get3A_156 = arith.constant 208 : index
      %get3A_157 = tpu.vector_load %arg7[%get3A_156] {strides = array<i32>} : memref<512xi32, #tpu.memory_space<vmem>>, vector<16xi32>,
      tpu.vector_store_idx %arg5[%get3A_157], %broadcast_in_dim3A_130 : memref<512xf32, #tpu.memory_space<vmem>>[vector<16xi32>], vector<16xf32>,
      %get3A_158 = arith.constant 224 : index
      %get3A_159 = tpu.vector_load %arg7[%get3A_158] {strides = array<i32>} : memref<512xi32, #tpu.memory_space<vmem>>, vector<16xi32>,
      tpu.vector_store_idx %arg5[%get3A_159], %broadcast_in_dim3A_130 : memref<512xf32, #tpu.memory_space<vmem>>[vector<16xi32>], vector<16xf32>,
      %get3A_160 = arith.constant 240 : index
      %get3A_161 = tpu.vector_load %arg7[%get3A_160] {strides = array<i32>} : memref<512xi32, #tpu.memory_space<vmem>>, vector<16xi32>,
      tpu.vector_store_idx %arg5[%get3A_161], %broadcast_in_dim3A_130 : memref<512xf32, #tpu.memory_space<vmem>>[vector<16xi32>], vector<16xf32>,
      "tpu.region"() ({
        %run_scoped3A = tpu.sem_alloc : memref<!tpu.dma_semaphore, #tpu.memory_space<semaphore_mem>>
        tpu.enqueue_dma source(%arg3 : memref<512xi32, #tpu.memory_space<hbm>>) target(%arg7 : memref<512xi32, #tpu.memory_space<vmem>>) target_semaphore(%run_scoped3A : memref<!tpu.dma_semaphore, #tpu.memory_space<semaphore_mem>>)
        tpu.wait_dma2 semaphore(%run_scoped3A : memref<!tpu.dma_semaphore, #tpu.memory_space<semaphore_mem>>) src(%arg3 : memref<512xi32, #tpu.memory_space<hbm>>) dst(%arg7 : memref<512xi32, #tpu.memory_space<vmem>>)
        tpu.yield
      }) : () -> ()
      %get3A_162 = arith.constant 0 : index
      %get3A_163 = tpu.vector_load %arg5[%get3A_162] {strides = array<i32>} : memref<512xf32, #tpu.memory_space<vmem>>, vector<16xf32>,
      %get3A_164 = arith.constant 0 : index
      %get3A_165 = tpu.vector_load %arg7[%get3A_164] {strides = array<i32>} : memref<512xi32, #tpu.memory_space<vmem>>, vector<16xi32>,
      %eq3A_166 = arith.constant 4 : i32
      %eq3A_167 = vector.broadcast %eq3A_166 : i32 to vector<16xi32>
      %eq3A_168 = arith.cmpi eq, %get3A_165, %eq3A_167 : vector<16xi32>
      %jit3A = arith.constant 6.500000e-01 : f32
      %jit3A_169 = arith.constant 1.000000e+00 : f32
      %broadcast_in_dim3A_170 = vector.broadcast %jit3A : f32 to vector<16xf32>
      %broadcast_in_dim3A_171 = vector.broadcast %jit3A_169 : f32 to vector<16xf32>
      %select_n3A = arith.select %eq3A_168, %broadcast_in_dim3A_170, %broadcast_in_dim3A_171 : vector<16xi1>, vector<16xf32>
      %mul3A_172 = arith.mulf %get3A_163, %select_n3A : vector<16xf32>
      %swap3A_173 = arith.constant 0 : index
      %swap3A_174 = tpu.vector_load %arg6[%swap3A_173] {strides = array<i32>} : memref<512xf32, #tpu.memory_space<vmem>>, vector<16xf32>,
      tpu.vector_store %arg6[%swap3A_173], %mul3A_172 {strides = array<i32>} : memref<512xf32, #tpu.memory_space<vmem>>, vector<16xf32>,
      %get3A_175 = arith.constant 16 : index
      %get3A_176 = tpu.vector_load %arg5[%get3A_175] {strides = array<i32>} : memref<512xf32, #tpu.memory_space<vmem>>, vector<16xf32>,
      %get3A_177 = arith.constant 16 : index
      %get3A_178 = tpu.vector_load %arg7[%get3A_177] {strides = array<i32>} : memref<512xi32, #tpu.memory_space<vmem>>, vector<16xi32>,
      %eq3A_179 = arith.constant 4 : i32
      %eq3A_180 = vector.broadcast %eq3A_179 : i32 to vector<16xi32>
      %eq3A_181 = arith.cmpi eq, %get3A_178, %eq3A_180 : vector<16xi32>
      %jit3A_182 = arith.constant 6.500000e-01 : f32
      %jit3A_183 = arith.constant 1.000000e+00 : f32
      %broadcast_in_dim3A_184 = vector.broadcast %jit3A_182 : f32 to vector<16xf32>
      %broadcast_in_dim3A_185 = vector.broadcast %jit3A_183 : f32 to vector<16xf32>
      %select_n3A_186 = arith.select %eq3A_181, %broadcast_in_dim3A_184, %broadcast_in_dim3A_185 : vector<16xi1>, vector<16xf32>
      %mul3A_187 = arith.mulf %get3A_176, %select_n3A_186 : vector<16xf32>
      %swap3A_188 = arith.constant 16 : index
      %swap3A_189 = tpu.vector_load %arg6[%swap3A_188] {strides = array<i32>} : memref<512xf32, #tpu.memory_space<vmem>>, vector<16xf32>,
      tpu.vector_store %arg6[%swap3A_188], %mul3A_187 {strides = array<i32>} : memref<512xf32, #tpu.memory_space<vmem>>, vector<16xf32>,
      %get3A_190 = arith.constant 32 : index
      %get3A_191 = tpu.vector_load %arg5[%get3A_190] {strides = array<i32>} : memref<512xf32, #tpu.memory_space<vmem>>, vector<16xf32>,
      %get3A_192 = arith.constant 32 : index
      %get3A_193 = tpu.vector_load %arg7[%get3A_192] {strides = array<i32>} : memref<512xi32, #tpu.memory_space<vmem>>, vector<16xi32>,
      %eq3A_194 = arith.constant 4 : i32
      %eq3A_195 = vector.broadcast %eq3A_194 : i32 to vector<16xi32>
      %eq3A_196 = arith.cmpi eq, %get3A_193, %eq3A_195 : vector<16xi32>
      %jit3A_197 = arith.constant 6.500000e-01 : f32
      %jit3A_198 = arith.constant 1.000000e+00 : f32
      %broadcast_in_dim3A_199 = vector.broadcast %jit3A_197 : f32 to vector<16xf32>
      %broadcast_in_dim3A_200 = vector.broadcast %jit3A_198 : f32 to vector<16xf32>
      %select_n3A_201 = arith.select %eq3A_196, %broadcast_in_dim3A_199, %broadcast_in_dim3A_200 : vector<16xi1>, vector<16xf32>
      %mul3A_202 = arith.mulf %get3A_191, %select_n3A_201 : vector<16xf32>
      %swap3A_203 = arith.constant 32 : index
      %swap3A_204 = tpu.vector_load %arg6[%swap3A_203] {strides = array<i32>} : memref<512xf32, #tpu.memory_space<vmem>>, vector<16xf32>,
      tpu.vector_store %arg6[%swap3A_203], %mul3A_202 {strides = array<i32>} : memref<512xf32, #tpu.memory_space<vmem>>, vector<16xf32>,
      %get3A_205 = arith.constant 48 : index
      %get3A_206 = tpu.vector_load %arg5[%get3A_205] {strides = array<i32>} : memref<512xf32, #tpu.memory_space<vmem>>, vector<16xf32>,
      %get3A_207 = arith.constant 48 : index
      %get3A_208 = tpu.vector_load %arg7[%get3A_207] {strides = array<i32>} : memref<512xi32, #tpu.memory_space<vmem>>, vector<16xi32>,
      %eq3A_209 = arith.constant 4 : i32
      %eq3A_210 = vector.broadcast %eq3A_209 : i32 to vector<16xi32>
      %eq3A_211 = arith.cmpi eq, %get3A_208, %eq3A_210 : vector<16xi32>
      %jit3A_212 = arith.constant 6.500000e-01 : f32
      %jit3A_213 = arith.constant 1.000000e+00 : f32
      %broadcast_in_dim3A_214 = vector.broadcast %jit3A_212 : f32 to vector<16xf32>
      %broadcast_in_dim3A_215 = vector.broadcast %jit3A_213 : f32 to vector<16xf32>
      %select_n3A_216 = arith.select %eq3A_211, %broadcast_in_dim3A_214, %broadcast_in_dim3A_215 : vector<16xi1>, vector<16xf32>
      %mul3A_217 = arith.mulf %get3A_206, %select_n3A_216 : vector<16xf32>
      %swap3A_218 = arith.constant 48 : index
      %swap3A_219 = tpu.vector_load %arg6[%swap3A_218] {strides = array<i32>} : memref<512xf32, #tpu.memory_space<vmem>>, vector<16xf32>,
      tpu.vector_store %arg6[%swap3A_218], %mul3A_217 {strides = array<i32>} : memref<512xf32, #tpu.memory_space<vmem>>, vector<16xf32>,
      %get3A_220 = arith.constant 64 : index
      %get3A_221 = tpu.vector_load %arg5[%get3A_220] {strides = array<i32>} : memref<512xf32, #tpu.memory_space<vmem>>, vector<16xf32>,
      %get3A_222 = arith.constant 64 : index
      %get3A_223 = tpu.vector_load %arg7[%get3A_222] {strides = array<i32>} : memref<512xi32, #tpu.memory_space<vmem>>, vector<16xi32>,
      %eq3A_224 = arith.constant 4 : i32
      %eq3A_225 = vector.broadcast %eq3A_224 : i32 to vector<16xi32>
      %eq3A_226 = arith.cmpi eq, %get3A_223, %eq3A_225 : vector<16xi32>
      %jit3A_227 = arith.constant 6.500000e-01 : f32
      %jit3A_228 = arith.constant 1.000000e+00 : f32
      %broadcast_in_dim3A_229 = vector.broadcast %jit3A_227 : f32 to vector<16xf32>
      %broadcast_in_dim3A_230 = vector.broadcast %jit3A_228 : f32 to vector<16xf32>
      %select_n3A_231 = arith.select %eq3A_226, %broadcast_in_dim3A_229, %broadcast_in_dim3A_230 : vector<16xi1>, vector<16xf32>
      %mul3A_232 = arith.mulf %get3A_221, %select_n3A_231 : vector<16xf32>
      %swap3A_233 = arith.constant 64 : index
      %swap3A_234 = tpu.vector_load %arg6[%swap3A_233] {strides = array<i32>} : memref<512xf32, #tpu.memory_space<vmem>>, vector<16xf32>,
      tpu.vector_store %arg6[%swap3A_233], %mul3A_232 {strides = array<i32>} : memref<512xf32, #tpu.memory_space<vmem>>, vector<16xf32>,
      %get3A_235 = arith.constant 80 : index
      %get3A_236 = tpu.vector_load %arg5[%get3A_235] {strides = array<i32>} : memref<512xf32, #tpu.memory_space<vmem>>, vector<16xf32>,
      %get3A_237 = arith.constant 80 : index
      %get3A_238 = tpu.vector_load %arg7[%get3A_237] {strides = array<i32>} : memref<512xi32, #tpu.memory_space<vmem>>, vector<16xi32>,
      %eq3A_239 = arith.constant 4 : i32
      %eq3A_240 = vector.broadcast %eq3A_239 : i32 to vector<16xi32>
      %eq3A_241 = arith.cmpi eq, %get3A_238, %eq3A_240 : vector<16xi32>
      %jit3A_242 = arith.constant 6.500000e-01 : f32
      %jit3A_243 = arith.constant 1.000000e+00 : f32
      %broadcast_in_dim3A_244 = vector.broadcast %jit3A_242 : f32 to vector<16xf32>
      %broadcast_in_dim3A_245 = vector.broadcast %jit3A_243 : f32 to vector<16xf32>
      %select_n3A_246 = arith.select %eq3A_241, %broadcast_in_dim3A_244, %broadcast_in_dim3A_245 : vector<16xi1>, vector<16xf32>
      %mul3A_247 = arith.mulf %get3A_236, %select_n3A_246 : vector<16xf32>
      %swap3A_248 = arith.constant 80 : index
      %swap3A_249 = tpu.vector_load %arg6[%swap3A_248] {strides = array<i32>} : memref<512xf32, #tpu.memory_space<vmem>>, vector<16xf32>,
      tpu.vector_store %arg6[%swap3A_248], %mul3A_247 {strides = array<i32>} : memref<512xf32, #tpu.memory_space<vmem>>, vector<16xf32>,
      %get3A_250 = arith.constant 96 : index
      %get3A_251 = tpu.vector_load %arg5[%get3A_250] {strides = array<i32>} : memref<512xf32, #tpu.memory_space<vmem>>, vector<16xf32>,
      %get3A_252 = arith.constant 96 : index
      %get3A_253 = tpu.vector_load %arg7[%get3A_252] {strides = array<i32>} : memref<512xi32, #tpu.memory_space<vmem>>, vector<16xi32>,
      %eq3A_254 = arith.constant 4 : i32
      %eq3A_255 = vector.broadcast %eq3A_254 : i32 to vector<16xi32>
      %eq3A_256 = arith.cmpi eq, %get3A_253, %eq3A_255 : vector<16xi32>
      %jit3A_257 = arith.constant 6.500000e-01 : f32
      %jit3A_258 = arith.constant 1.000000e+00 : f32
      %broadcast_in_dim3A_259 = vector.broadcast %jit3A_257 : f32 to vector<16xf32>
      %broadcast_in_dim3A_260 = vector.broadcast %jit3A_258 : f32 to vector<16xf32>
      %select_n3A_261 = arith.select %eq3A_256, %broadcast_in_dim3A_259, %broadcast_in_dim3A_260 : vector<16xi1>, vector<16xf32>
      %mul3A_262 = arith.mulf %get3A_251, %select_n3A_261 : vector<16xf32>
      %swap3A_263 = arith.constant 96 : index
      %swap3A_264 = tpu.vector_load %arg6[%swap3A_263] {strides = array<i32>} : memref<512xf32, #tpu.memory_space<vmem>>, vector<16xf32>,
      tpu.vector_store %arg6[%swap3A_263], %mul3A_262 {strides = array<i32>} : memref<512xf32, #tpu.memory_space<vmem>>, vector<16xf32>,
      %get3A_265 = arith.constant 112 : index
      %get3A_266 = tpu.vector_load %arg5[%get3A_265] {strides = array<i32>} : memref<512xf32, #tpu.memory_space<vmem>>, vector<16xf32>,
      %get3A_267 = arith.constant 112 : index
      %get3A_268 = tpu.vector_load %arg7[%get3A_267] {strides = array<i32>} : memref<512xi32, #tpu.memory_space<vmem>>, vector<16xi32>,
      %eq3A_269 = arith.constant 4 : i32
      %eq3A_270 = vector.broadcast %eq3A_269 : i32 to vector<16xi32>
      %eq3A_271 = arith.cmpi eq, %get3A_268, %eq3A_270 : vector<16xi32>
      %jit3A_272 = arith.constant 6.500000e-01 : f32
      %jit3A_273 = arith.constant 1.000000e+00 : f32
      %broadcast_in_dim3A_274 = vector.broadcast %jit3A_272 : f32 to vector<16xf32>
      %broadcast_in_dim3A_275 = vector.broadcast %jit3A_273 : f32 to vector<16xf32>
      %select_n3A_276 = arith.select %eq3A_271, %broadcast_in_dim3A_274, %broadcast_in_dim3A_275 : vector<16xi1>, vector<16xf32>
      %mul3A_277 = arith.mulf %get3A_266, %select_n3A_276 : vector<16xf32>
      %swap3A_278 = arith.constant 112 : index
      %swap3A_279 = tpu.vector_load %arg6[%swap3A_278] {strides = array<i32>} : memref<512xf32, #tpu.memory_space<vmem>>, vector<16xf32>,
      tpu.vector_store %arg6[%swap3A_278], %mul3A_277 {strides = array<i32>} : memref<512xf32, #tpu.memory_space<vmem>>, vector<16xf32>,
      %get3A_280 = arith.constant 128 : index
      %get3A_281 = tpu.vector_load %arg5[%get3A_280] {strides = array<i32>} : memref<512xf32, #tpu.memory_space<vmem>>, vector<16xf32>,
      %get3A_282 = arith.constant 128 : index
      %get3A_283 = tpu.vector_load %arg7[%get3A_282] {strides = array<i32>} : memref<512xi32, #tpu.memory_space<vmem>>, vector<16xi32>,
      %eq3A_284 = arith.constant 4 : i32
      %eq3A_285 = vector.broadcast %eq3A_284 : i32 to vector<16xi32>
      %eq3A_286 = arith.cmpi eq, %get3A_283, %eq3A_285 : vector<16xi32>
      %jit3A_287 = arith.constant 6.500000e-01 : f32
      %jit3A_288 = arith.constant 1.000000e+00 : f32
      %broadcast_in_dim3A_289 = vector.broadcast %jit3A_287 : f32 to vector<16xf32>
      %broadcast_in_dim3A_290 = vector.broadcast %jit3A_288 : f32 to vector<16xf32>
      %select_n3A_291 = arith.select %eq3A_286, %broadcast_in_dim3A_289, %broadcast_in_dim3A_290 : vector<16xi1>, vector<16xf32>
      %mul3A_292 = arith.mulf %get3A_281, %select_n3A_291 : vector<16xf32>
      %swap3A_293 = arith.constant 128 : index
      %swap3A_294 = tpu.vector_load %arg6[%swap3A_293] {strides = array<i32>} : memref<512xf32, #tpu.memory_space<vmem>>, vector<16xf32>,
      tpu.vector_store %arg6[%swap3A_293], %mul3A_292 {strides = array<i32>} : memref<512xf32, #tpu.memory_space<vmem>>, vector<16xf32>,
      %get3A_295 = arith.constant 144 : index
      %get3A_296 = tpu.vector_load %arg5[%get3A_295] {strides = array<i32>} : memref<512xf32, #tpu.memory_space<vmem>>, vector<16xf32>,
      %get3A_297 = arith.constant 144 : index
      %get3A_298 = tpu.vector_load %arg7[%get3A_297] {strides = array<i32>} : memref<512xi32, #tpu.memory_space<vmem>>, vector<16xi32>,
      %eq3A_299 = arith.constant 4 : i32
      %eq3A_300 = vector.broadcast %eq3A_299 : i32 to vector<16xi32>
      %eq3A_301 = arith.cmpi eq, %get3A_298, %eq3A_300 : vector<16xi32>
      %jit3A_302 = arith.constant 6.500000e-01 : f32
      %jit3A_303 = arith.constant 1.000000e+00 : f32
      %broadcast_in_dim3A_304 = vector.broadcast %jit3A_302 : f32 to vector<16xf32>
      %broadcast_in_dim3A_305 = vector.broadcast %jit3A_303 : f32 to vector<16xf32>
      %select_n3A_306 = arith.select %eq3A_301, %broadcast_in_dim3A_304, %broadcast_in_dim3A_305 : vector<16xi1>, vector<16xf32>
      %mul3A_307 = arith.mulf %get3A_296, %select_n3A_306 : vector<16xf32>
      %swap3A_308 = arith.constant 144 : index
      %swap3A_309 = tpu.vector_load %arg6[%swap3A_308] {strides = array<i32>} : memref<512xf32, #tpu.memory_space<vmem>>, vector<16xf32>,
      tpu.vector_store %arg6[%swap3A_308], %mul3A_307 {strides = array<i32>} : memref<512xf32, #tpu.memory_space<vmem>>, vector<16xf32>,
      %get3A_310 = arith.constant 160 : index
      %get3A_311 = tpu.vector_load %arg5[%get3A_310] {strides = array<i32>} : memref<512xf32, #tpu.memory_space<vmem>>, vector<16xf32>,
      %get3A_312 = arith.constant 160 : index
      %get3A_313 = tpu.vector_load %arg7[%get3A_312] {strides = array<i32>} : memref<512xi32, #tpu.memory_space<vmem>>, vector<16xi32>,
      %eq3A_314 = arith.constant 4 : i32
      %eq3A_315 = vector.broadcast %eq3A_314 : i32 to vector<16xi32>
      %eq3A_316 = arith.cmpi eq, %get3A_313, %eq3A_315 : vector<16xi32>
      %jit3A_317 = arith.constant 6.500000e-01 : f32
      %jit3A_318 = arith.constant 1.000000e+00 : f32
      %broadcast_in_dim3A_319 = vector.broadcast %jit3A_317 : f32 to vector<16xf32>
      %broadcast_in_dim3A_320 = vector.broadcast %jit3A_318 : f32 to vector<16xf32>
      %select_n3A_321 = arith.select %eq3A_316, %broadcast_in_dim3A_319, %broadcast_in_dim3A_320 : vector<16xi1>, vector<16xf32>
      %mul3A_322 = arith.mulf %get3A_311, %select_n3A_321 : vector<16xf32>
      %swap3A_323 = arith.constant 160 : index
      %swap3A_324 = tpu.vector_load %arg6[%swap3A_323] {strides = array<i32>} : memref<512xf32, #tpu.memory_space<vmem>>, vector<16xf32>,
      tpu.vector_store %arg6[%swap3A_323], %mul3A_322 {strides = array<i32>} : memref<512xf32, #tpu.memory_space<vmem>>, vector<16xf32>,
      %get3A_325 = arith.constant 176 : index
      %get3A_326 = tpu.vector_load %arg5[%get3A_325] {strides = array<i32>} : memref<512xf32, #tpu.memory_space<vmem>>, vector<16xf32>,
      %get3A_327 = arith.constant 176 : index
      %get3A_328 = tpu.vector_load %arg7[%get3A_327] {strides = array<i32>} : memref<512xi32, #tpu.memory_space<vmem>>, vector<16xi32>,
      %eq3A_329 = arith.constant 4 : i32
      %eq3A_330 = vector.broadcast %eq3A_329 : i32 to vector<16xi32>
      %eq3A_331 = arith.cmpi eq, %get3A_328, %eq3A_330 : vector<16xi32>
      %jit3A_332 = arith.constant 6.500000e-01 : f32
      %jit3A_333 = arith.constant 1.000000e+00 : f32
      %broadcast_in_dim3A_334 = vector.broadcast %jit3A_332 : f32 to vector<16xf32>
      %broadcast_in_dim3A_335 = vector.broadcast %jit3A_333 : f32 to vector<16xf32>
      %select_n3A_336 = arith.select %eq3A_331, %broadcast_in_dim3A_334, %broadcast_in_dim3A_335 : vector<16xi1>, vector<16xf32>
      %mul3A_337 = arith.mulf %get3A_326, %select_n3A_336 : vector<16xf32>
      %swap3A_338 = arith.constant 176 : index
      %swap3A_339 = tpu.vector_load %arg6[%swap3A_338] {strides = array<i32>} : memref<512xf32, #tpu.memory_space<vmem>>, vector<16xf32>,
      tpu.vector_store %arg6[%swap3A_338], %mul3A_337 {strides = array<i32>} : memref<512xf32, #tpu.memory_space<vmem>>, vector<16xf32>,
      %get3A_340 = arith.constant 192 : index
      %get3A_341 = tpu.vector_load %arg5[%get3A_340] {strides = array<i32>} : memref<512xf32, #tpu.memory_space<vmem>>, vector<16xf32>,
      %get3A_342 = arith.constant 192 : index
      %get3A_343 = tpu.vector_load %arg7[%get3A_342] {strides = array<i32>} : memref<512xi32, #tpu.memory_space<vmem>>, vector<16xi32>,
      %eq3A_344 = arith.constant 4 : i32
      %eq3A_345 = vector.broadcast %eq3A_344 : i32 to vector<16xi32>
      %eq3A_346 = arith.cmpi eq, %get3A_343, %eq3A_345 : vector<16xi32>
      %jit3A_347 = arith.constant 6.500000e-01 : f32
      %jit3A_348 = arith.constant 1.000000e+00 : f32
      %broadcast_in_dim3A_349 = vector.broadcast %jit3A_347 : f32 to vector<16xf32>
      %broadcast_in_dim3A_350 = vector.broadcast %jit3A_348 : f32 to vector<16xf32>
      %select_n3A_351 = arith.select %eq3A_346, %broadcast_in_dim3A_349, %broadcast_in_dim3A_350 : vector<16xi1>, vector<16xf32>
      %mul3A_352 = arith.mulf %get3A_341, %select_n3A_351 : vector<16xf32>
      %swap3A_353 = arith.constant 192 : index
      %swap3A_354 = tpu.vector_load %arg6[%swap3A_353] {strides = array<i32>} : memref<512xf32, #tpu.memory_space<vmem>>, vector<16xf32>,
      tpu.vector_store %arg6[%swap3A_353], %mul3A_352 {strides = array<i32>} : memref<512xf32, #tpu.memory_space<vmem>>, vector<16xf32>,
      %get3A_355 = arith.constant 208 : index
      %get3A_356 = tpu.vector_load %arg5[%get3A_355] {strides = array<i32>} : memref<512xf32, #tpu.memory_space<vmem>>, vector<16xf32>,
      %get3A_357 = arith.constant 208 : index
      %get3A_358 = tpu.vector_load %arg7[%get3A_357] {strides = array<i32>} : memref<512xi32, #tpu.memory_space<vmem>>, vector<16xi32>,
      %eq3A_359 = arith.constant 4 : i32
      %eq3A_360 = vector.broadcast %eq3A_359 : i32 to vector<16xi32>
      %eq3A_361 = arith.cmpi eq, %get3A_358, %eq3A_360 : vector<16xi32>
      %jit3A_362 = arith.constant 6.500000e-01 : f32
      %jit3A_363 = arith.constant 1.000000e+00 : f32
      %broadcast_in_dim3A_364 = vector.broadcast %jit3A_362 : f32 to vector<16xf32>
      %broadcast_in_dim3A_365 = vector.broadcast %jit3A_363 : f32 to vector<16xf32>
      %select_n3A_366 = arith.select %eq3A_361, %broadcast_in_dim3A_364, %broadcast_in_dim3A_365 : vector<16xi1>, vector<16xf32>
      %mul3A_367 = arith.mulf %get3A_356, %select_n3A_366 : vector<16xf32>
      %swap3A_368 = arith.constant 208 : index
      %swap3A_369 = tpu.vector_load %arg6[%swap3A_368] {strides = array<i32>} : memref<512xf32, #tpu.memory_space<vmem>>, vector<16xf32>,
      tpu.vector_store %arg6[%swap3A_368], %mul3A_367 {strides = array<i32>} : memref<512xf32, #tpu.memory_space<vmem>>, vector<16xf32>,
      %get3A_370 = arith.constant 224 : index
      %get3A_371 = tpu.vector_load %arg5[%get3A_370] {strides = array<i32>} : memref<512xf32, #tpu.memory_space<vmem>>, vector<16xf32>,
      %get3A_372 = arith.constant 224 : index
      %get3A_373 = tpu.vector_load %arg7[%get3A_372] {strides = array<i32>} : memref<512xi32, #tpu.memory_space<vmem>>, vector<16xi32>,
      %eq3A_374 = arith.constant 4 : i32
      %eq3A_375 = vector.broadcast %eq3A_374 : i32 to vector<16xi32>
      %eq3A_376 = arith.cmpi eq, %get3A_373, %eq3A_375 : vector<16xi32>
      %jit3A_377 = arith.constant 6.500000e-01 : f32
      %jit3A_378 = arith.constant 1.000000e+00 : f32
      %broadcast_in_dim3A_379 = vector.broadcast %jit3A_377 : f32 to vector<16xf32>
      %broadcast_in_dim3A_380 = vector.broadcast %jit3A_378 : f32 to vector<16xf32>
      %select_n3A_381 = arith.select %eq3A_376, %broadcast_in_dim3A_379, %broadcast_in_dim3A_380 : vector<16xi1>, vector<16xf32>
      %mul3A_382 = arith.mulf %get3A_371, %select_n3A_381 : vector<16xf32>
      %swap3A_383 = arith.constant 224 : index
      %swap3A_384 = tpu.vector_load %arg6[%swap3A_383] {strides = array<i32>} : memref<512xf32, #tpu.memory_space<vmem>>, vector<16xf32>,
      tpu.vector_store %arg6[%swap3A_383], %mul3A_382 {strides = array<i32>} : memref<512xf32, #tpu.memory_space<vmem>>, vector<16xf32>,
      %get3A_385 = arith.constant 240 : index
      %get3A_386 = tpu.vector_load %arg5[%get3A_385] {strides = array<i32>} : memref<512xf32, #tpu.memory_space<vmem>>, vector<16xf32>,
      %get3A_387 = arith.constant 240 : index
      %get3A_388 = tpu.vector_load %arg7[%get3A_387] {strides = array<i32>} : memref<512xi32, #tpu.memory_space<vmem>>, vector<16xi32>,
      %eq3A_389 = arith.constant 4 : i32
      %eq3A_390 = vector.broadcast %eq3A_389 : i32 to vector<16xi32>
      %eq3A_391 = arith.cmpi eq, %get3A_388, %eq3A_390 : vector<16xi32>
      %jit3A_392 = arith.constant 6.500000e-01 : f32
      %jit3A_393 = arith.constant 1.000000e+00 : f32
      %broadcast_in_dim3A_394 = vector.broadcast %jit3A_392 : f32 to vector<16xf32>
      %broadcast_in_dim3A_395 = vector.broadcast %jit3A_393 : f32 to vector<16xf32>
      %select_n3A_396 = arith.select %eq3A_391, %broadcast_in_dim3A_394, %broadcast_in_dim3A_395 : vector<16xi1>, vector<16xf32>
      %mul3A_397 = arith.mulf %get3A_386, %select_n3A_396 : vector<16xf32>
      %swap3A_398 = arith.constant 240 : index
      %swap3A_399 = tpu.vector_load %arg6[%swap3A_398] {strides = array<i32>} : memref<512xf32, #tpu.memory_space<vmem>>, vector<16xf32>,
      tpu.vector_store %arg6[%swap3A_398], %mul3A_397 {strides = array<i32>} : memref<512xf32, #tpu.memory_space<vmem>>, vector<16xf32>,
      %get3A_400 = arith.constant 256 : index
      %get3A_401 = tpu.vector_load %arg5[%get3A_400] {strides = array<i32>} : memref<512xf32, #tpu.memory_space<vmem>>, vector<16xf32>,
      %get3A_402 = arith.constant 256 : index
      %get3A_403 = tpu.vector_load %arg7[%get3A_402] {strides = array<i32>} : memref<512xi32, #tpu.memory_space<vmem>>, vector<16xi32>,
      %eq3A_404 = arith.constant 4 : i32
      %eq3A_405 = vector.broadcast %eq3A_404 : i32 to vector<16xi32>
      %eq3A_406 = arith.cmpi eq, %get3A_403, %eq3A_405 : vector<16xi32>
      %jit3A_407 = arith.constant 6.500000e-01 : f32
      %jit3A_408 = arith.constant 1.000000e+00 : f32
      %broadcast_in_dim3A_409 = vector.broadcast %jit3A_407 : f32 to vector<16xf32>
      %broadcast_in_dim3A_410 = vector.broadcast %jit3A_408 : f32 to vector<16xf32>
      %select_n3A_411 = arith.select %eq3A_406, %broadcast_in_dim3A_409, %broadcast_in_dim3A_410 : vector<16xi1>, vector<16xf32>
      %mul3A_412 = arith.mulf %get3A_401, %select_n3A_411 : vector<16xf32>
      %swap3A_413 = arith.constant 256 : index
      %swap3A_414 = tpu.vector_load %arg6[%swap3A_413] {strides = array<i32>} : memref<512xf32, #tpu.memory_space<vmem>>, vector<16xf32>,
      tpu.vector_store %arg6[%swap3A_413], %mul3A_412 {strides = array<i32>} : memref<512xf32, #tpu.memory_space<vmem>>, vector<16xf32>,
      %get3A_415 = arith.constant 272 : index
      %get3A_416 = tpu.vector_load %arg5[%get3A_415] {strides = array<i32>} : memref<512xf32, #tpu.memory_space<vmem>>, vector<16xf32>,
      %get3A_417 = arith.constant 272 : index
      %get3A_418 = tpu.vector_load %arg7[%get3A_417] {strides = array<i32>} : memref<512xi32, #tpu.memory_space<vmem>>, vector<16xi32>,
      %eq3A_419 = arith.constant 4 : i32
      %eq3A_420 = vector.broadcast %eq3A_419 : i32 to vector<16xi32>
      %eq3A_421 = arith.cmpi eq, %get3A_418, %eq3A_420 : vector<16xi32>
      %jit3A_422 = arith.constant 6.500000e-01 : f32
      %jit3A_423 = arith.constant 1.000000e+00 : f32
      %broadcast_in_dim3A_424 = vector.broadcast %jit3A_422 : f32 to vector<16xf32>
      %broadcast_in_dim3A_425 = vector.broadcast %jit3A_423 : f32 to vector<16xf32>
      %select_n3A_426 = arith.select %eq3A_421, %broadcast_in_dim3A_424, %broadcast_in_dim3A_425 : vector<16xi1>, vector<16xf32>
      %mul3A_427 = arith.mulf %get3A_416, %select_n3A_426 : vector<16xf32>
      %swap3A_428 = arith.constant 272 : index
      %swap3A_429 = tpu.vector_load %arg6[%swap3A_428] {strides = array<i32>} : memref<512xf32, #tpu.memory_space<vmem>>, vector<16xf32>,
      tpu.vector_store %arg6[%swap3A_428], %mul3A_427 {strides = array<i32>} : memref<512xf32, #tpu.memory_space<vmem>>, vector<16xf32>,
      %get3A_430 = arith.constant 288 : index
      %get3A_431 = tpu.vector_load %arg5[%get3A_430] {strides = array<i32>} : memref<512xf32, #tpu.memory_space<vmem>>, vector<16xf32>,
      %get3A_432 = arith.constant 288 : index
      %get3A_433 = tpu.vector_load %arg7[%get3A_432] {strides = array<i32>} : memref<512xi32, #tpu.memory_space<vmem>>, vector<16xi32>,
      %eq3A_434 = arith.constant 4 : i32
      %eq3A_435 = vector.broadcast %eq3A_434 : i32 to vector<16xi32>
      %eq3A_436 = arith.cmpi eq, %get3A_433, %eq3A_435 : vector<16xi32>
      %jit3A_437 = arith.constant 6.500000e-01 : f32
      %jit3A_438 = arith.constant 1.000000e+00 : f32
      %broadcast_in_dim3A_439 = vector.broadcast %jit3A_437 : f32 to vector<16xf32>
      %broadcast_in_dim3A_440 = vector.broadcast %jit3A_438 : f32 to vector<16xf32>
      %select_n3A_441 = arith.select %eq3A_436, %broadcast_in_dim3A_439, %broadcast_in_dim3A_440 : vector<16xi1>, vector<16xf32>
      %mul3A_442 = arith.mulf %get3A_431, %select_n3A_441 : vector<16xf32>
      %swap3A_443 = arith.constant 288 : index
      %swap3A_444 = tpu.vector_load %arg6[%swap3A_443] {strides = array<i32>} : memref<512xf32, #tpu.memory_space<vmem>>, vector<16xf32>,
      tpu.vector_store %arg6[%swap3A_443], %mul3A_442 {strides = array<i32>} : memref<512xf32, #tpu.memory_space<vmem>>, vector<16xf32>,
      %get3A_445 = arith.constant 304 : index
      %get3A_446 = tpu.vector_load %arg5[%get3A_445] {strides = array<i32>} : memref<512xf32, #tpu.memory_space<vmem>>, vector<16xf32>,
      %get3A_447 = arith.constant 304 : index
      %get3A_448 = tpu.vector_load %arg7[%get3A_447] {strides = array<i32>} : memref<512xi32, #tpu.memory_space<vmem>>, vector<16xi32>,
      %eq3A_449 = arith.constant 4 : i32
      %eq3A_450 = vector.broadcast %eq3A_449 : i32 to vector<16xi32>
      %eq3A_451 = arith.cmpi eq, %get3A_448, %eq3A_450 : vector<16xi32>
      %jit3A_452 = arith.constant 6.500000e-01 : f32
      %jit3A_453 = arith.constant 1.000000e+00 : f32
      %broadcast_in_dim3A_454 = vector.broadcast %jit3A_452 : f32 to vector<16xf32>
      %broadcast_in_dim3A_455 = vector.broadcast %jit3A_453 : f32 to vector<16xf32>
      %select_n3A_456 = arith.select %eq3A_451, %broadcast_in_dim3A_454, %broadcast_in_dim3A_455 : vector<16xi1>, vector<16xf32>
      %mul3A_457 = arith.mulf %get3A_446, %select_n3A_456 : vector<16xf32>
      %swap3A_458 = arith.constant 304 : index
      %swap3A_459 = tpu.vector_load %arg6[%swap3A_458] {strides = array<i32>} : memref<512xf32, #tpu.memory_space<vmem>>, vector<16xf32>,
      tpu.vector_store %arg6[%swap3A_458], %mul3A_457 {strides = array<i32>} : memref<512xf32, #tpu.memory_space<vmem>>, vector<16xf32>,
      %get3A_460 = arith.constant 320 : index
      %get3A_461 = tpu.vector_load %arg5[%get3A_460] {strides = array<i32>} : memref<512xf32, #tpu.memory_space<vmem>>, vector<16xf32>,
      %get3A_462 = arith.constant 320 : index
      %get3A_463 = tpu.vector_load %arg7[%get3A_462] {strides = array<i32>} : memref<512xi32, #tpu.memory_space<vmem>>, vector<16xi32>,
      %eq3A_464 = arith.constant 4 : i32
      %eq3A_465 = vector.broadcast %eq3A_464 : i32 to vector<16xi32>
      %eq3A_466 = arith.cmpi eq, %get3A_463, %eq3A_465 : vector<16xi32>
      %jit3A_467 = arith.constant 6.500000e-01 : f32
      %jit3A_468 = arith.constant 1.000000e+00 : f32
      %broadcast_in_dim3A_469 = vector.broadcast %jit3A_467 : f32 to vector<16xf32>
      %broadcast_in_dim3A_470 = vector.broadcast %jit3A_468 : f32 to vector<16xf32>
      %select_n3A_471 = arith.select %eq3A_466, %broadcast_in_dim3A_469, %broadcast_in_dim3A_470 : vector<16xi1>, vector<16xf32>
      %mul3A_472 = arith.mulf %get3A_461, %select_n3A_471 : vector<16xf32>
      %swap3A_473 = arith.constant 320 : index
      %swap3A_474 = tpu.vector_load %arg6[%swap3A_473] {strides = array<i32>} : memref<512xf32, #tpu.memory_space<vmem>>, vector<16xf32>,
      tpu.vector_store %arg6[%swap3A_473], %mul3A_472 {strides = array<i32>} : memref<512xf32, #tpu.memory_space<vmem>>, vector<16xf32>,
      %get3A_475 = arith.constant 336 : index
      %get3A_476 = tpu.vector_load %arg5[%get3A_475] {strides = array<i32>} : memref<512xf32, #tpu.memory_space<vmem>>, vector<16xf32>,
      %get3A_477 = arith.constant 336 : index
      %get3A_478 = tpu.vector_load %arg7[%get3A_477] {strides = array<i32>} : memref<512xi32, #tpu.memory_space<vmem>>, vector<16xi32>,
      %eq3A_479 = arith.constant 4 : i32
      %eq3A_480 = vector.broadcast %eq3A_479 : i32 to vector<16xi32>
      %eq3A_481 = arith.cmpi eq, %get3A_478, %eq3A_480 : vector<16xi32>
      %jit3A_482 = arith.constant 6.500000e-01 : f32
      %jit3A_483 = arith.constant 1.000000e+00 : f32
      %broadcast_in_dim3A_484 = vector.broadcast %jit3A_482 : f32 to vector<16xf32>
      %broadcast_in_dim3A_485 = vector.broadcast %jit3A_483 : f32 to vector<16xf32>
      %select_n3A_486 = arith.select %eq3A_481, %broadcast_in_dim3A_484, %broadcast_in_dim3A_485 : vector<16xi1>, vector<16xf32>
      %mul3A_487 = arith.mulf %get3A_476, %select_n3A_486 : vector<16xf32>
      %swap3A_488 = arith.constant 336 : index
      %swap3A_489 = tpu.vector_load %arg6[%swap3A_488] {strides = array<i32>} : memref<512xf32, #tpu.memory_space<vmem>>, vector<16xf32>,
      tpu.vector_store %arg6[%swap3A_488], %mul3A_487 {strides = array<i32>} : memref<512xf32, #tpu.memory_space<vmem>>, vector<16xf32>,
      %get3A_490 = arith.constant 352 : index
      %get3A_491 = tpu.vector_load %arg5[%get3A_490] {strides = array<i32>} : memref<512xf32, #tpu.memory_space<vmem>>, vector<16xf32>,
      %get3A_492 = arith.constant 352 : index
      %get3A_493 = tpu.vector_load %arg7[%get3A_492] {strides = array<i32>} : memref<512xi32, #tpu.memory_space<vmem>>, vector<16xi32>,
      %eq3A_494 = arith.constant 4 : i32
      %eq3A_495 = vector.broadcast %eq3A_494 : i32 to vector<16xi32>
      %eq3A_496 = arith.cmpi eq, %get3A_493, %eq3A_495 : vector<16xi32>
      %jit3A_497 = arith.constant 6.500000e-01 : f32
      %jit3A_498 = arith.constant 1.000000e+00 : f32
      %broadcast_in_dim3A_499 = vector.broadcast %jit3A_497 : f32 to vector<16xf32>
      %broadcast_in_dim3A_500 = vector.broadcast %jit3A_498 : f32 to vector<16xf32>
      %select_n3A_501 = arith.select %eq3A_496, %broadcast_in_dim3A_499, %broadcast_in_dim3A_500 : vector<16xi1>, vector<16xf32>
      %mul3A_502 = arith.mulf %get3A_491, %select_n3A_501 : vector<16xf32>
      %swap3A_503 = arith.constant 352 : index
      %swap3A_504 = tpu.vector_load %arg6[%swap3A_503] {strides = array<i32>} : memref<512xf32, #tpu.memory_space<vmem>>, vector<16xf32>,
      tpu.vector_store %arg6[%swap3A_503], %mul3A_502 {strides = array<i32>} : memref<512xf32, #tpu.memory_space<vmem>>, vector<16xf32>,
      %get3A_505 = arith.constant 368 : index
      %get3A_506 = tpu.vector_load %arg5[%get3A_505] {strides = array<i32>} : memref<512xf32, #tpu.memory_space<vmem>>, vector<16xf32>,
      %get3A_507 = arith.constant 368 : index
      %get3A_508 = tpu.vector_load %arg7[%get3A_507] {strides = array<i32>} : memref<512xi32, #tpu.memory_space<vmem>>, vector<16xi32>,
      %eq3A_509 = arith.constant 4 : i32
      %eq3A_510 = vector.broadcast %eq3A_509 : i32 to vector<16xi32>
      %eq3A_511 = arith.cmpi eq, %get3A_508, %eq3A_510 : vector<16xi32>
      %jit3A_512 = arith.constant 6.500000e-01 : f32
      %jit3A_513 = arith.constant 1.000000e+00 : f32
      %broadcast_in_dim3A_514 = vector.broadcast %jit3A_512 : f32 to vector<16xf32>
      %broadcast_in_dim3A_515 = vector.broadcast %jit3A_513 : f32 to vector<16xf32>
      %select_n3A_516 = arith.select %eq3A_511, %broadcast_in_dim3A_514, %broadcast_in_dim3A_515 : vector<16xi1>, vector<16xf32>
      %mul3A_517 = arith.mulf %get3A_506, %select_n3A_516 : vector<16xf32>
      %swap3A_518 = arith.constant 368 : index
      %swap3A_519 = tpu.vector_load %arg6[%swap3A_518] {strides = array<i32>} : memref<512xf32, #tpu.memory_space<vmem>>, vector<16xf32>,
      tpu.vector_store %arg6[%swap3A_518], %mul3A_517 {strides = array<i32>} : memref<512xf32, #tpu.memory_space<vmem>>, vector<16xf32>,
      %get3A_520 = arith.constant 384 : index
      %get3A_521 = tpu.vector_load %arg5[%get3A_520] {strides = array<i32>} : memref<512xf32, #tpu.memory_space<vmem>>, vector<16xf32>,
      %get3A_522 = arith.constant 384 : index
      %get3A_523 = tpu.vector_load %arg7[%get3A_522] {strides = array<i32>} : memref<512xi32, #tpu.memory_space<vmem>>, vector<16xi32>,
      %eq3A_524 = arith.constant 4 : i32
      %eq3A_525 = vector.broadcast %eq3A_524 : i32 to vector<16xi32>
      %eq3A_526 = arith.cmpi eq, %get3A_523, %eq3A_525 : vector<16xi32>
      %jit3A_527 = arith.constant 6.500000e-01 : f32
      %jit3A_528 = arith.constant 1.000000e+00 : f32
      %broadcast_in_dim3A_529 = vector.broadcast %jit3A_527 : f32 to vector<16xf32>
      %broadcast_in_dim3A_530 = vector.broadcast %jit3A_528 : f32 to vector<16xf32>
      %select_n3A_531 = arith.select %eq3A_526, %broadcast_in_dim3A_529, %broadcast_in_dim3A_530 : vector<16xi1>, vector<16xf32>
      %mul3A_532 = arith.mulf %get3A_521, %select_n3A_531 : vector<16xf32>
      %swap3A_533 = arith.constant 384 : index
      %swap3A_534 = tpu.vector_load %arg6[%swap3A_533] {strides = array<i32>} : memref<512xf32, #tpu.memory_space<vmem>>, vector<16xf32>,
      tpu.vector_store %arg6[%swap3A_533], %mul3A_532 {strides = array<i32>} : memref<512xf32, #tpu.memory_space<vmem>>, vector<16xf32>,
      %get3A_535 = arith.constant 400 : index
      %get3A_536 = tpu.vector_load %arg5[%get3A_535] {strides = array<i32>} : memref<512xf32, #tpu.memory_space<vmem>>, vector<16xf32>,
      %get3A_537 = arith.constant 400 : index
      %get3A_538 = tpu.vector_load %arg7[%get3A_537] {strides = array<i32>} : memref<512xi32, #tpu.memory_space<vmem>>, vector<16xi32>,
      %eq3A_539 = arith.constant 4 : i32
      %eq3A_540 = vector.broadcast %eq3A_539 : i32 to vector<16xi32>
      %eq3A_541 = arith.cmpi eq, %get3A_538, %eq3A_540 : vector<16xi32>
      %jit3A_542 = arith.constant 6.500000e-01 : f32
      %jit3A_543 = arith.constant 1.000000e+00 : f32
      %broadcast_in_dim3A_544 = vector.broadcast %jit3A_542 : f32 to vector<16xf32>
      %broadcast_in_dim3A_545 = vector.broadcast %jit3A_543 : f32 to vector<16xf32>
      %select_n3A_546 = arith.select %eq3A_541, %broadcast_in_dim3A_544, %broadcast_in_dim3A_545 : vector<16xi1>, vector<16xf32>
      %mul3A_547 = arith.mulf %get3A_536, %select_n3A_546 : vector<16xf32>
      %swap3A_548 = arith.constant 400 : index
      %swap3A_549 = tpu.vector_load %arg6[%swap3A_548] {strides = array<i32>} : memref<512xf32, #tpu.memory_space<vmem>>, vector<16xf32>,
      tpu.vector_store %arg6[%swap3A_548], %mul3A_547 {strides = array<i32>} : memref<512xf32, #tpu.memory_space<vmem>>, vector<16xf32>,
      %get3A_550 = arith.constant 416 : index
      %get3A_551 = tpu.vector_load %arg5[%get3A_550] {strides = array<i32>} : memref<512xf32, #tpu.memory_space<vmem>>, vector<16xf32>,
      %get3A_552 = arith.constant 416 : index
      %get3A_553 = tpu.vector_load %arg7[%get3A_552] {strides = array<i32>} : memref<512xi32, #tpu.memory_space<vmem>>, vector<16xi32>,
      %eq3A_554 = arith.constant 4 : i32
      %eq3A_555 = vector.broadcast %eq3A_554 : i32 to vector<16xi32>
      %eq3A_556 = arith.cmpi eq, %get3A_553, %eq3A_555 : vector<16xi32>
      %jit3A_557 = arith.constant 6.500000e-01 : f32
      %jit3A_558 = arith.constant 1.000000e+00 : f32
      %broadcast_in_dim3A_559 = vector.broadcast %jit3A_557 : f32 to vector<16xf32>
      %broadcast_in_dim3A_560 = vector.broadcast %jit3A_558 : f32 to vector<16xf32>
      %select_n3A_561 = arith.select %eq3A_556, %broadcast_in_dim3A_559, %broadcast_in_dim3A_560 : vector<16xi1>, vector<16xf32>
      %mul3A_562 = arith.mulf %get3A_551, %select_n3A_561 : vector<16xf32>
      %swap3A_563 = arith.constant 416 : index
      %swap3A_564 = tpu.vector_load %arg6[%swap3A_563] {strides = array<i32>} : memref<512xf32, #tpu.memory_space<vmem>>, vector<16xf32>,
      tpu.vector_store %arg6[%swap3A_563], %mul3A_562 {strides = array<i32>} : memref<512xf32, #tpu.memory_space<vmem>>, vector<16xf32>,
      %get3A_565 = arith.constant 432 : index
      %get3A_566 = tpu.vector_load %arg5[%get3A_565] {strides = array<i32>} : memref<512xf32, #tpu.memory_space<vmem>>, vector<16xf32>,
      %get3A_567 = arith.constant 432 : index
      %get3A_568 = tpu.vector_load %arg7[%get3A_567] {strides = array<i32>} : memref<512xi32, #tpu.memory_space<vmem>>, vector<16xi32>,
      %eq3A_569 = arith.constant 4 : i32
      %eq3A_570 = vector.broadcast %eq3A_569 : i32 to vector<16xi32>
      %eq3A_571 = arith.cmpi eq, %get3A_568, %eq3A_570 : vector<16xi32>
      %jit3A_572 = arith.constant 6.500000e-01 : f32
      %jit3A_573 = arith.constant 1.000000e+00 : f32
      %broadcast_in_dim3A_574 = vector.broadcast %jit3A_572 : f32 to vector<16xf32>
      %broadcast_in_dim3A_575 = vector.broadcast %jit3A_573 : f32 to vector<16xf32>
      %select_n3A_576 = arith.select %eq3A_571, %broadcast_in_dim3A_574, %broadcast_in_dim3A_575 : vector<16xi1>, vector<16xf32>
      %mul3A_577 = arith.mulf %get3A_566, %select_n3A_576 : vector<16xf32>
      %swap3A_578 = arith.constant 432 : index
      %swap3A_579 = tpu.vector_load %arg6[%swap3A_578] {strides = array<i32>} : memref<512xf32, #tpu.memory_space<vmem>>, vector<16xf32>,
      tpu.vector_store %arg6[%swap3A_578], %mul3A_577 {strides = array<i32>} : memref<512xf32, #tpu.memory_space<vmem>>, vector<16xf32>,
      %get3A_580 = arith.constant 448 : index
      %get3A_581 = tpu.vector_load %arg5[%get3A_580] {strides = array<i32>} : memref<512xf32, #tpu.memory_space<vmem>>, vector<16xf32>,
      %get3A_582 = arith.constant 448 : index
      %get3A_583 = tpu.vector_load %arg7[%get3A_582] {strides = array<i32>} : memref<512xi32, #tpu.memory_space<vmem>>, vector<16xi32>,
      %eq3A_584 = arith.constant 4 : i32
      %eq3A_585 = vector.broadcast %eq3A_584 : i32 to vector<16xi32>
      %eq3A_586 = arith.cmpi eq, %get3A_583, %eq3A_585 : vector<16xi32>
      %jit3A_587 = arith.constant 6.500000e-01 : f32
      %jit3A_588 = arith.constant 1.000000e+00 : f32
      %broadcast_in_dim3A_589 = vector.broadcast %jit3A_587 : f32 to vector<16xf32>
      %broadcast_in_dim3A_590 = vector.broadcast %jit3A_588 : f32 to vector<16xf32>
      %select_n3A_591 = arith.select %eq3A_586, %broadcast_in_dim3A_589, %broadcast_in_dim3A_590 : vector<16xi1>, vector<16xf32>
      %mul3A_592 = arith.mulf %get3A_581, %select_n3A_591 : vector<16xf32>
      %swap3A_593 = arith.constant 448 : index
      %swap3A_594 = tpu.vector_load %arg6[%swap3A_593] {strides = array<i32>} : memref<512xf32, #tpu.memory_space<vmem>>, vector<16xf32>,
      tpu.vector_store %arg6[%swap3A_593], %mul3A_592 {strides = array<i32>} : memref<512xf32, #tpu.memory_space<vmem>>, vector<16xf32>,
      %get3A_595 = arith.constant 464 : index
      %get3A_596 = tpu.vector_load %arg5[%get3A_595] {strides = array<i32>} : memref<512xf32, #tpu.memory_space<vmem>>, vector<16xf32>,
      %get3A_597 = arith.constant 464 : index
      %get3A_598 = tpu.vector_load %arg7[%get3A_597] {strides = array<i32>} : memref<512xi32, #tpu.memory_space<vmem>>, vector<16xi32>,
      %eq3A_599 = arith.constant 4 : i32
      %eq3A_600 = vector.broadcast %eq3A_599 : i32 to vector<16xi32>
      %eq3A_601 = arith.cmpi eq, %get3A_598, %eq3A_600 : vector<16xi32>
      %jit3A_602 = arith.constant 6.500000e-01 : f32
      %jit3A_603 = arith.constant 1.000000e+00 : f32
      %broadcast_in_dim3A_604 = vector.broadcast %jit3A_602 : f32 to vector<16xf32>
      %broadcast_in_dim3A_605 = vector.broadcast %jit3A_603 : f32 to vector<16xf32>
      %select_n3A_606 = arith.select %eq3A_601, %broadcast_in_dim3A_604, %broadcast_in_dim3A_605 : vector<16xi1>, vector<16xf32>
      %mul3A_607 = arith.mulf %get3A_596, %select_n3A_606 : vector<16xf32>
      %swap3A_608 = arith.constant 464 : index
      %swap3A_609 = tpu.vector_load %arg6[%swap3A_608] {strides = array<i32>} : memref<512xf32, #tpu.memory_space<vmem>>, vector<16xf32>,
      tpu.vector_store %arg6[%swap3A_608], %mul3A_607 {strides = array<i32>} : memref<512xf32, #tpu.memory_space<vmem>>, vector<16xf32>,
      %get3A_610 = arith.constant 480 : index
      %get3A_611 = tpu.vector_load %arg5[%get3A_610] {strides = array<i32>} : memref<512xf32, #tpu.memory_space<vmem>>, vector<16xf32>,
      %get3A_612 = arith.constant 480 : index
      %get3A_613 = tpu.vector_load %arg7[%get3A_612] {strides = array<i32>} : memref<512xi32, #tpu.memory_space<vmem>>, vector<16xi32>,
      %eq3A_614 = arith.constant 4 : i32
      %eq3A_615 = vector.broadcast %eq3A_614 : i32 to vector<16xi32>
      %eq3A_616 = arith.cmpi eq, %get3A_613, %eq3A_615 : vector<16xi32>
      %jit3A_617 = arith.constant 6.500000e-01 : f32
      %jit3A_618 = arith.constant 1.000000e+00 : f32
      %broadcast_in_dim3A_619 = vector.broadcast %jit3A_617 : f32 to vector<16xf32>
      %broadcast_in_dim3A_620 = vector.broadcast %jit3A_618 : f32 to vector<16xf32>
      %select_n3A_621 = arith.select %eq3A_616, %broadcast_in_dim3A_619, %broadcast_in_dim3A_620 : vector<16xi1>, vector<16xf32>
      %mul3A_622 = arith.mulf %get3A_611, %select_n3A_621 : vector<16xf32>
      %swap3A_623 = arith.constant 480 : index
      %swap3A_624 = tpu.vector_load %arg6[%swap3A_623] {strides = array<i32>} : memref<512xf32, #tpu.memory_space<vmem>>, vector<16xf32>,
      tpu.vector_store %arg6[%swap3A_623], %mul3A_622 {strides = array<i32>} : memref<512xf32, #tpu.memory_space<vmem>>, vector<16xf32>,
      %get3A_625 = arith.constant 496 : index
      %get3A_626 = tpu.vector_load %arg5[%get3A_625] {strides = array<i32>} : memref<512xf32, #tpu.memory_space<vmem>>, vector<16xf32>,
      %get3A_627 = arith.constant 496 : index
      %get3A_628 = tpu.vector_load %arg7[%get3A_627] {strides = array<i32>} : memref<512xi32, #tpu.memory_space<vmem>>, vector<16xi32>,
      %eq3A_629 = arith.constant 4 : i32
      %eq3A_630 = vector.broadcast %eq3A_629 : i32 to vector<16xi32>
      %eq3A_631 = arith.cmpi eq, %get3A_628, %eq3A_630 : vector<16xi32>
      %jit3A_632 = arith.constant 6.500000e-01 : f32
      %jit3A_633 = arith.constant 1.000000e+00 : f32
      %broadcast_in_dim3A_634 = vector.broadcast %jit3A_632 : f32 to vector<16xf32>
      %broadcast_in_dim3A_635 = vector.broadcast %jit3A_633 : f32 to vector<16xf32>
      %select_n3A_636 = arith.select %eq3A_631, %broadcast_in_dim3A_634, %broadcast_in_dim3A_635 : vector<16xi1>, vector<16xf32>
      %mul3A_637 = arith.mulf %get3A_626, %select_n3A_636 : vector<16xf32>
      %swap3A_638 = arith.constant 496 : index
      %swap3A_639 = tpu.vector_load %arg6[%swap3A_638] {strides = array<i32>} : memref<512xf32, #tpu.memory_space<vmem>>, vector<16xf32>,
      tpu.vector_store %arg6[%swap3A_638], %mul3A_637 {strides = array<i32>} : memref<512xf32, #tpu.memory_space<vmem>>, vector<16xf32>,
      "tpu.region"() ({
        %run_scoped3A = tpu.sem_alloc : memref<!tpu.dma_semaphore, #tpu.memory_space<semaphore_mem>>
        tpu.enqueue_dma source(%arg6 : memref<512xf32, #tpu.memory_space<vmem>>) target(%arg4 : memref<512xf32, #tpu.memory_space<hbm>>) target_semaphore(%run_scoped3A : memref<!tpu.dma_semaphore, #tpu.memory_space<semaphore_mem>>)
        tpu.wait_dma2 semaphore(%run_scoped3A : memref<!tpu.dma_semaphore, #tpu.memory_space<semaphore_mem>>) src(%arg6 : memref<512xf32, #tpu.memory_space<vmem>>) dst(%arg4 : memref<512xf32, #tpu.memory_space<hbm>>)
        tpu.yield
      }) : () -> ()
    } else {
    }
    return
  }
}

module attributes {stable_mosaic.version = 14 : i64} {
  func.func @_risk_kernel(%arg0: i32, %arg1: memref<14xf32, #tpu.memory_space<smem>>, %arg2: memref<1x1x512xf32, #tpu.memory_space<vmem>>, %arg3: memref<1x1x512xf32, #tpu.memory_space<vmem>>, %arg4: memref<1x1x512xf32, #tpu.memory_space<vmem>>, %arg5: memref<1x1x512xf32, #tpu.memory_space<vmem>>, %arg6: memref<1x1x512xf32, #tpu.memory_space<vmem>>, %arg7: memref<1x512x512xf32, #tpu.memory_space<vmem>>) attributes {dimension_semantics = [#tpu.dimension_semantics<arbitrary>], iteration_bounds = array<i64: 19>, scalar_prefetch = 0 : i64, scratch_operands = 0 : i64, tpu.core_type = #tpu.core_type<tc>, window_params = [{transform_indices = @transform_0, window_bounds = array<i64: 14>}, {transform_indices = @transform_1, window_bounds = array<i64: 1, 1, 512>}, {transform_indices = @transform_2, window_bounds = array<i64: 1, 1, 512>}, {transform_indices = @transform_3, window_bounds = array<i64: 1, 1, 512>}, {transform_indices = @transform_4, window_bounds = array<i64: 1, 1, 512>}, {pipeline_mode = #tpu.pipeline_mode<synchronous>, transform_indices = @transform_5, window_bounds = array<i64: 1, 1, 512>}, {transform_indices = @transform_6, window_bounds = array<i64: 1, 512, 512>}]} {
    %get3A = arith.constant 0 : index
    %get3A_0 = arith.constant 0 : index
    %get3A_1 = arith.constant 0 : index
    %get3A_2 = vector.load %arg2[%get3A, %get3A_0, %get3A_1] : memref<1x1x512xf32, #tpu.memory_space<vmem>>, vector<1x1x512xf32>
    %get3A_3 = vector.shape_cast %get3A_2 : vector<1x1x512xf32> to vector<1x512xf32>
    %get3A_4 = arith.constant 0 : index
    %get3A_5 = arith.constant 0 : index
    %get3A_6 = arith.constant 0 : index
    %get3A_7 = vector.load %arg3[%get3A_4, %get3A_5, %get3A_6] : memref<1x1x512xf32, #tpu.memory_space<vmem>>, vector<1x1x512xf32>
    %get3A_8 = vector.shape_cast %get3A_7 : vector<1x1x512xf32> to vector<1x512xf32>
    %get3A_9 = arith.constant 0 : index
    %get3A_10 = arith.constant 0 : index
    %get3A_11 = arith.constant 0 : index
    %get3A_12 = vector.load %arg4[%get3A_9, %get3A_10, %get3A_11] : memref<1x1x512xf32, #tpu.memory_space<vmem>>, vector<1x1x512xf32>
    %get3A_13 = vector.shape_cast %get3A_12 : vector<1x1x512xf32> to vector<1x512xf32>
    %get3A_14 = arith.constant 0 : index
    %get3A_15 = arith.constant 0 : index
    %get3A_16 = arith.constant 0 : index
    %get3A_17 = vector.load %arg5[%get3A_14, %get3A_15, %get3A_16] : memref<1x1x512xf32, #tpu.memory_space<vmem>>, vector<1x1x512xf32>
    %get3A_18 = vector.shape_cast %get3A_17 : vector<1x1x512xf32> to vector<1x512xf32>
    %sub3A = arith.subf %get3A_3, %get3A_8 : vector<1x512xf32>
    %sub3A_19 = arith.subf %get3A_13, %get3A_18 : vector<1x512xf32>
    %mul3A = arith.mulf %sub3A, %sub3A : vector<1x512xf32>
    %mul3A_20 = arith.mulf %sub3A_19, %sub3A_19 : vector<1x512xf32>
    %add3A = arith.addf %mul3A, %mul3A_20 : vector<1x512xf32>
    %add3A_21 = arith.constant 9.99999996E-13 : f32
    %add3A_22 = vector.broadcast %add3A_21 : f32 to vector<1x512xf32>
    %add3A_23 = arith.addf %add3A, %add3A_22 : vector<1x512xf32>
    %sqrt3A = math.sqrt %add3A_23 : vector<1x512xf32>
    %div3A = arith.constant 5.000000e-01 : f32
    %div3A_24 = vector.broadcast %div3A : f32 to vector<1x512xf32>
    %div3A_25 = arith.divf %sqrt3A, %div3A_24 : vector<1x512xf32>
    %gt3A = arith.constant 0.000000e+00 : f32
    %gt3A_26 = vector.broadcast %gt3A : f32 to vector<1x512xf32>
    %gt3A_27 = arith.cmpf ogt, %add3A, %gt3A_26 : vector<1x512xf32>
    %jit3A = arith.constant 1.000000e+00 : f32
    %broadcast_in_dim3A = vector.broadcast %jit3A : f32 to vector<1x512xf32>
    %select_n3A = arith.select %gt3A_27, %add3A, %broadcast_in_dim3A : vector<1x512xi1>, vector<1x512xf32>
    %rsqrt3A = math.rsqrt %select_n3A : vector<1x512xf32>
    %mul3A_28 = arith.constant 5.000000e-01 : f32
    %mul3A_29 = vector.broadcast %mul3A_28 : f32 to vector<1x512xf32>
    %mul3A_30 = arith.mulf %mul3A_29, %select_n3A : vector<1x512xf32>
    %mul3A_31 = arith.mulf %mul3A_30, %rsqrt3A : vector<1x512xf32>
    %mul3A_32 = arith.mulf %mul3A_31, %rsqrt3A : vector<1x512xf32>
    %sub3A_33 = arith.constant 1.500000e+00 : f32
    %sub3A_34 = vector.broadcast %sub3A_33 : f32 to vector<1x512xf32>
    %sub3A_35 = arith.subf %sub3A_34, %mul3A_32 : vector<1x512xf32>
    %mul3A_36 = arith.mulf %rsqrt3A, %sub3A_35 : vector<1x512xf32>
    %mul3A_37 = arith.mulf %sub3A, %mul3A_36 : vector<1x512xf32>
    %jit3A_38 = arith.constant 1.000000e+00 : f32
    %broadcast_in_dim3A_39 = vector.broadcast %jit3A_38 : f32 to vector<1x512xf32>
    %select_n3A_40 = arith.select %gt3A_27, %mul3A_37, %broadcast_in_dim3A_39 : vector<1x512xi1>, vector<1x512xf32>
    %mul3A_41 = arith.mulf %sub3A_19, %mul3A_36 : vector<1x512xf32>
    %jit3A_42 = arith.constant 0.000000e+00 : f32
    %broadcast_in_dim3A_43 = vector.broadcast %jit3A_42 : f32 to vector<1x512xf32>
    %select_n3A_44 = arith.select %gt3A_27, %mul3A_41, %broadcast_in_dim3A_43 : vector<1x512xi1>, vector<1x512xf32>
    %mul3A_45 = arith.mulf %div3A_25, %select_n3A_40 : vector<1x512xf32>
    %mul3A_46 = arith.mulf %div3A_25, %select_n3A_44 : vector<1x512xf32>
    %atan23A = math.atan2 %sub3A_19, %sub3A : vector<1x512xf32>
    %get3A_47 = arith.constant 8 : index
    %get3A_48 = memref.load %arg1[%get3A_47] : memref<14xf32, #tpu.memory_space<smem>>
    %get3A_49 = arith.constant 0 : index
    %get3A_50 = memref.load %arg1[%get3A_49] : memref<14xf32, #tpu.memory_space<smem>>
    %mul3A_51 = arith.mulf %get3A_48, %get3A_50 : f32
    %get3A_52 = arith.constant 9 : index
    %get3A_53 = memref.load %arg1[%get3A_52] : memref<14xf32, #tpu.memory_space<smem>>
    %get3A_54 = arith.constant 2 : index
    %get3A_55 = memref.load %arg1[%get3A_54] : memref<14xf32, #tpu.memory_space<smem>>
    %mul3A_56 = arith.mulf %get3A_53, %get3A_55 : f32
    %get3A_57 = arith.constant 10 : index
    %get3A_58 = memref.load %arg1[%get3A_57] : memref<14xf32, #tpu.memory_space<smem>>
    %get3A_59 = arith.constant 4 : index
    %get3A_60 = memref.load %arg1[%get3A_59] : memref<14xf32, #tpu.memory_space<smem>>
    %mul3A_61 = arith.mulf %get3A_58, %get3A_60 : f32
    %get3A_62 = arith.constant 11 : index
    %get3A_63 = memref.load %arg1[%get3A_62] : memref<14xf32, #tpu.memory_space<smem>>
    %get3A_64 = arith.constant 6 : index
    %get3A_65 = memref.load %arg1[%get3A_64] : memref<14xf32, #tpu.memory_space<smem>>
    %mul3A_66 = arith.mulf %get3A_63, %get3A_65 : f32
    %get3A_67 = arith.constant 8 : index
    %get3A_68 = memref.load %arg1[%get3A_67] : memref<14xf32, #tpu.memory_space<smem>>
    %get3A_69 = arith.constant 1 : index
    %get3A_70 = memref.load %arg1[%get3A_69] : memref<14xf32, #tpu.memory_space<smem>>
    %mul3A_71 = arith.mulf %get3A_68, %get3A_70 : f32
    %get3A_72 = arith.constant 9 : index
    %get3A_73 = memref.load %arg1[%get3A_72] : memref<14xf32, #tpu.memory_space<smem>>
    %get3A_74 = arith.constant 3 : index
    %get3A_75 = memref.load %arg1[%get3A_74] : memref<14xf32, #tpu.memory_space<smem>>
    %mul3A_76 = arith.mulf %get3A_73, %get3A_75 : f32
    %get3A_77 = arith.constant 10 : index
    %get3A_78 = memref.load %arg1[%get3A_77] : memref<14xf32, #tpu.memory_space<smem>>
    %get3A_79 = arith.constant 5 : index
    %get3A_80 = memref.load %arg1[%get3A_79] : memref<14xf32, #tpu.memory_space<smem>>
    %mul3A_81 = arith.mulf %get3A_78, %get3A_80 : f32
    %get3A_82 = arith.constant 11 : index
    %get3A_83 = memref.load %arg1[%get3A_82] : memref<14xf32, #tpu.memory_space<smem>>
    %get3A_84 = arith.constant 7 : index
    %get3A_85 = memref.load %arg1[%get3A_84] : memref<14xf32, #tpu.memory_space<smem>>
    %mul3A_86 = arith.mulf %get3A_83, %get3A_85 : f32
    %slice3A = vector.extract_strided_slice %get3A_3 {offsets = [0, 511], sizes = [1, 1], strides = [1, 1]} : vector<1x512xf32> to vector<1x1xf32>
    %slice3A_87 = vector.extract_strided_slice %get3A_13 {offsets = [0, 511], sizes = [1, 1], strides = [1, 1]} : vector<1x512xf32> to vector<1x1xf32>
    %slice3A_88 = vector.extract_strided_slice %div3A_25 {offsets = [0, 511], sizes = [1, 1], strides = [1, 1]} : vector<1x512xf32> to vector<1x1xf32>
    %slice3A_89 = vector.extract_strided_slice %atan23A {offsets = [0, 511], sizes = [1, 1], strides = [1, 1]} : vector<1x512xf32> to vector<1x1xf32>
    %sub3A_90 = vector.broadcast %slice3A : vector<1x1xf32> to vector<1x512xf32>
    %sub3A_91 = arith.subf %get3A_3, %sub3A_90 : vector<1x512xf32>
    %integer_pow3A = arith.mulf %sub3A_91, %sub3A_91 : vector<1x512xf32>
    %sub3A_92 = vector.broadcast %slice3A_87 : vector<1x1xf32> to vector<1x512xf32>
    %sub3A_93 = arith.subf %get3A_13, %sub3A_92 : vector<1x512xf32>
    %integer_pow3A_94 = arith.mulf %sub3A_93, %sub3A_93 : vector<1x512xf32>
    %add3A_95 = arith.addf %integer_pow3A, %integer_pow3A_94 : vector<1x512xf32>
    %add3A_96 = arith.constant 9.99999996E-13 : f32
    %add3A_97 = vector.broadcast %add3A_96 : f32 to vector<1x512xf32>
    %add3A_98 = arith.addf %add3A_95, %add3A_97 : vector<1x512xf32>
    %le3A = arith.constant 1.440000e+02 : f32
    %le3A_99 = vector.broadcast %le3A : f32 to vector<1x512xf32>
    %le3A_100 = arith.cmpf ole, %add3A_98, %le3A_99 : vector<1x512xf32>
    %jit3A_101 = arith.constant 1.000000e+00 : f32
    %jit3A_102 = arith.constant 0.000000e+00 : f32
    %broadcast_in_dim3A_103 = vector.broadcast %jit3A_101 : f32 to vector<1x512xf32>
    %broadcast_in_dim3A_104 = vector.broadcast %jit3A_102 : f32 to vector<1x512xf32>
    %select_n3A_105 = arith.select %le3A_100, %broadcast_in_dim3A_103, %broadcast_in_dim3A_104 : vector<1x512xi1>, vector<1x512xf32>
    %mul3A_106 = vector.broadcast %mul3A_71 : f32 to vector<1x1xf32>
    %mul3A_107 = arith.mulf %slice3A, %mul3A_106 : vector<1x1xf32>
    %mul3A_108 = vector.broadcast %mul3A_76 : f32 to vector<1x1xf32>
    %mul3A_109 = arith.mulf %slice3A_87, %mul3A_108 : vector<1x1xf32>
    %add3A_110 = arith.addf %mul3A_107, %mul3A_109 : vector<1x1xf32>
    %mul3A_111 = vector.broadcast %mul3A_81 : f32 to vector<1x1xf32>
    %mul3A_112 = arith.mulf %slice3A_88, %mul3A_111 : vector<1x1xf32>
    %add3A_113 = arith.addf %add3A_110, %mul3A_112 : vector<1x1xf32>
    %mul3A_114 = vector.broadcast %mul3A_86 : f32 to vector<1x1xf32>
    %mul3A_115 = arith.mulf %slice3A_89, %mul3A_114 : vector<1x1xf32>
    %add3A_116 = arith.addf %add3A_113, %mul3A_115 : vector<1x1xf32>
    %mul3A_117 = vector.broadcast %mul3A_51 : f32 to vector<1x512xf32>
    %mul3A_118 = arith.mulf %get3A_3, %mul3A_117 : vector<1x512xf32>
    %mul3A_119 = vector.broadcast %mul3A_56 : f32 to vector<1x512xf32>
    %mul3A_120 = arith.mulf %get3A_13, %mul3A_119 : vector<1x512xf32>
    %add3A_121 = arith.addf %mul3A_118, %mul3A_120 : vector<1x512xf32>
    %mul3A_122 = vector.broadcast %mul3A_61 : f32 to vector<1x512xf32>
    %mul3A_123 = arith.mulf %div3A_25, %mul3A_122 : vector<1x512xf32>
    %add3A_124 = arith.addf %add3A_121, %mul3A_123 : vector<1x512xf32>
    %mul3A_125 = vector.broadcast %mul3A_66 : f32 to vector<1x512xf32>
    %mul3A_126 = arith.mulf %atan23A, %mul3A_125 : vector<1x512xf32>
    %add3A_127 = arith.addf %add3A_124, %mul3A_126 : vector<1x512xf32>
    %mul3A_128 = vector.broadcast %add3A_116 : vector<1x1xf32> to vector<1x512xf32>
    %mul3A_129 = arith.mulf %select_n3A_105, %mul3A_128 : vector<1x512xf32>
    %add3A_130 = arith.addf %add3A_127, %mul3A_129 : vector<1x512xf32>
    %get3A_131 = arith.constant 0 : index
    %get3A_132 = arith.constant 0 : index
    %get3A_133 = arith.constant 0 : index
    %get3A_134 = vector.load %arg6[%get3A_131, %get3A_132, %get3A_133] : memref<1x1x512xf32, #tpu.memory_space<vmem>>, vector<1x1x512xf32>
    %get3A_135 = vector.shape_cast %get3A_134 : vector<1x1x512xf32> to vector<1x512xf32>
    %get3A_136 = arith.constant 12 : index
    %get3A_137 = memref.load %arg1[%get3A_136] : memref<14xf32, #tpu.memory_space<smem>>
    %mul3A_138 = vector.broadcast %get3A_137 : f32 to vector<1x512xf32>
    %mul3A_139 = arith.mulf %add3A_130, %mul3A_138 : vector<1x512xf32>
    %mul3A_140 = arith.mulf %mul3A_139, %get3A_135 : vector<1x512xf32>
    %get3A_141 = arith.constant 13 : index
    %get3A_142 = memref.load %arg1[%get3A_141] : memref<14xf32, #tpu.memory_space<smem>>
    %mul3A_143 = vector.broadcast %get3A_142 : f32 to vector<1x512xf32>
    %mul3A_144 = arith.mulf %get3A_135, %mul3A_143 : vector<1x512xf32>
    %concatenate3A = tpu.concatenate %get3A_3, %get3A_13, %mul3A_45, %mul3A_46, %select_n3A_40, %select_n3A_44, %mul3A_140, %mul3A_144 in 0 : vector<1x512xf32>, vector<1x512xf32>, vector<1x512xf32>, vector<1x512xf32>, vector<1x512xf32>, vector<1x512xf32>, vector<1x512xf32>, vector<1x512xf32> -> vector<8x512xf32>
    %transpose3A = tpu.transpose %concatenate3A, [1, 0] : vector<8x512xf32> -> vector<512x8xf32>
    %slice3A_145 = vector.extract_strided_slice %transpose3A {offsets = [0, 0], sizes = [8, 1], strides = [1, 1]} : vector<512x8xf32> to vector<8x1xf32>
    %slice3A_146 = vector.extract_strided_slice %transpose3A {offsets = [0, 1], sizes = [8, 1], strides = [1, 1]} : vector<512x8xf32> to vector<8x1xf32>
    %slice3A_147 = vector.extract_strided_slice %transpose3A {offsets = [0, 2], sizes = [8, 1], strides = [1, 1]} : vector<512x8xf32> to vector<8x1xf32>
    %slice3A_148 = vector.extract_strided_slice %transpose3A {offsets = [0, 3], sizes = [8, 1], strides = [1, 1]} : vector<512x8xf32> to vector<8x1xf32>
    %slice3A_149 = vector.extract_strided_slice %transpose3A {offsets = [0, 4], sizes = [8, 1], strides = [1, 1]} : vector<512x8xf32> to vector<8x1xf32>
    %slice3A_150 = vector.extract_strided_slice %transpose3A {offsets = [0, 5], sizes = [8, 1], strides = [1, 1]} : vector<512x8xf32> to vector<8x1xf32>
    %slice3A_151 = vector.extract_strided_slice %transpose3A {offsets = [0, 6], sizes = [8, 1], strides = [1, 1]} : vector<512x8xf32> to vector<8x1xf32>
    %slice3A_152 = vector.extract_strided_slice %transpose3A {offsets = [0, 7], sizes = [8, 1], strides = [1, 1]} : vector<512x8xf32> to vector<8x1xf32>
    %sub3A_153 = vector.broadcast %get3A_3 : vector<1x512xf32> to vector<8x512xf32>
    %sub3A_154 = vector.broadcast %slice3A_145 : vector<8x1xf32> to vector<8x512xf32>
    %sub3A_155 = arith.subf %sub3A_153, %sub3A_154 : vector<8x512xf32>
    %sub3A_156 = vector.broadcast %get3A_13 : vector<1x512xf32> to vector<8x512xf32>
    %sub3A_157 = vector.broadcast %slice3A_146 : vector<8x1xf32> to vector<8x512xf32>
    %sub3A_158 = arith.subf %sub3A_156, %sub3A_157 : vector<8x512xf32>
    %mul3A_159 = arith.mulf %sub3A_155, %sub3A_155 : vector<8x512xf32>
    %mul3A_160 = arith.mulf %sub3A_158, %sub3A_158 : vector<8x512xf32>
    %add3A_161 = arith.addf %mul3A_159, %mul3A_160 : vector<8x512xf32>
    %sub3A_162 = vector.broadcast %slice3A_147 : vector<8x1xf32> to vector<8x512xf32>
    %sub3A_163 = vector.broadcast %mul3A_45 : vector<1x512xf32> to vector<8x512xf32>
    %sub3A_164 = arith.subf %sub3A_162, %sub3A_163 : vector<8x512xf32>
    %mul3A_165 = arith.mulf %sub3A_164, %sub3A_155 : vector<8x512xf32>
    %sub3A_166 = vector.broadcast %slice3A_148 : vector<8x1xf32> to vector<8x512xf32>
    %sub3A_167 = vector.broadcast %mul3A_46 : vector<1x512xf32> to vector<8x512xf32>
    %sub3A_168 = arith.subf %sub3A_166, %sub3A_167 : vector<8x512xf32>
    %mul3A_169 = arith.mulf %sub3A_168, %sub3A_158 : vector<8x512xf32>
    %add3A_170 = arith.addf %mul3A_165, %mul3A_169 : vector<8x512xf32>
    %abs3A = math.absf %add3A_170 : vector<8x512xf32>
    %div3A_171 = arith.divf %abs3A, %add3A_161 : vector<8x512xf32>
    %mul3A_172 = vector.broadcast %slice3A_149 : vector<8x1xf32> to vector<8x512xf32>
    %mul3A_173 = arith.mulf %sub3A_155, %mul3A_172 : vector<8x512xf32>
    %mul3A_174 = vector.broadcast %slice3A_150 : vector<8x1xf32> to vector<8x512xf32>
    %mul3A_175 = arith.mulf %sub3A_158, %mul3A_174 : vector<8x512xf32>
    %add3A_176 = arith.addf %mul3A_173, %mul3A_175 : vector<8x512xf32>
    %bitcast_convert_type3A = tpu.bitcast %sub3A_155 : vector<8x512xf32> -> vector<8x512xi32>
    %bitcast_convert_type3A_177 = tpu.bitcast %slice3A_149 : vector<8x1xf32> -> vector<8x1xi32>
    %and3A = vector.broadcast %bitcast_convert_type3A_177 : vector<8x1xi32> to vector<8x512xi32>
    %and3A_178 = arith.andi %bitcast_convert_type3A, %and3A : vector<8x512xi32>
    %bitcast_convert_type3A_179 = tpu.bitcast %sub3A_158 : vector<8x512xf32> -> vector<8x512xi32>
    %bitcast_convert_type3A_180 = tpu.bitcast %slice3A_150 : vector<8x1xf32> -> vector<8x1xi32>
    %xor3A = vector.broadcast %bitcast_convert_type3A_180 : vector<8x1xi32> to vector<8x512xi32>
    %xor3A_181 = arith.xori %bitcast_convert_type3A_179, %xor3A : vector<8x512xi32>
    %and3A_182 = arith.andi %and3A_178, %xor3A_181 : vector<8x512xi32>
    %and3A_183 = arith.constant -2147483648 : i32
    %and3A_184 = vector.broadcast %and3A_183 : i32 to vector<8x512xi32>
    %and3A_185 = arith.andi %and3A_182, %and3A_184 : vector<8x512xi32>
    %bitcast_convert_type3A_186 = tpu.bitcast %add3A_176 : vector<8x512xf32> -> vector<8x512xi32>
    %or3A = arith.ori %bitcast_convert_type3A_186, %and3A_185 : vector<8x512xi32>
    %bitcast_convert_type3A_187 = tpu.bitcast %or3A : vector<8x512xi32> -> vector<8x512xf32>
    %mul3A_188 = vector.broadcast %add3A_130 : vector<1x512xf32> to vector<8x512xf32>
    %mul3A_189 = vector.broadcast %slice3A_152 : vector<8x1xf32> to vector<8x512xf32>
    %mul3A_190 = arith.mulf %mul3A_188, %mul3A_189 : vector<8x512xf32>
    %add3A_191 = vector.broadcast %slice3A_151 : vector<8x1xf32> to vector<8x512xf32>
    %add3A_192 = arith.addf %mul3A_190, %add3A_191 : vector<8x512xf32>
    %gt3A_193 = arith.constant 0.000000e+00 : f32
    %gt3A_194 = vector.broadcast %gt3A_193 : f32 to vector<8x512xf32>
    %gt3A_195 = arith.cmpf ogt, %bitcast_convert_type3A_187, %gt3A_194 : vector<8x512xf32>
    %mul3A_196 = arith.mulf %div3A_171, %add3A_192 : vector<8x512xf32>
    %jit3A_197 = arith.constant 0.000000e+00 : f32
    %broadcast_in_dim3A_198 = vector.broadcast %jit3A_197 : f32 to vector<8x512xf32>
    %select_n3A_199 = arith.select %gt3A_195, %mul3A_196, %broadcast_in_dim3A_198 : vector<8x512xi1>, vector<8x512xf32>
    %swap3A = arith.constant 0 : index
    %swap3A_200 = arith.constant 0 : index
    %swap3A_201 = arith.constant 0 : index
    %swap3A_202 = vector.load %arg7[%swap3A, %swap3A_200, %swap3A_201] : memref<1x512x512xf32, #tpu.memory_space<vmem>>, vector<1x8x512xf32>
    %swap3A_203 = vector.shape_cast %swap3A_202 : vector<1x8x512xf32> to vector<8x512xf32>
    %swap3A_204 = vector.shape_cast %select_n3A_199 : vector<8x512xf32> to vector<1x8x512xf32>
    tpu.vector_store %arg7[%swap3A, %swap3A_200, %swap3A_201], %swap3A_204 {strides = array<i32>} : memref<1x512x512xf32, #tpu.memory_space<vmem>>, vector<1x8x512xf32>,
    %slice3A_205 = vector.extract_strided_slice %transpose3A {offsets = [8, 0], sizes = [8, 1], strides = [1, 1]} : vector<512x8xf32> to vector<8x1xf32>
    %slice3A_206 = vector.extract_strided_slice %transpose3A {offsets = [8, 1], sizes = [8, 1], strides = [1, 1]} : vector<512x8xf32> to vector<8x1xf32>
    %slice3A_207 = vector.extract_strided_slice %transpose3A {offsets = [8, 2], sizes = [8, 1], strides = [1, 1]} : vector<512x8xf32> to vector<8x1xf32>
    %slice3A_208 = vector.extract_strided_slice %transpose3A {offsets = [8, 3], sizes = [8, 1], strides = [1, 1]} : vector<512x8xf32> to vector<8x1xf32>
    %slice3A_209 = vector.extract_strided_slice %transpose3A {offsets = [8, 4], sizes = [8, 1], strides = [1, 1]} : vector<512x8xf32> to vector<8x1xf32>
    %slice3A_210 = vector.extract_strided_slice %transpose3A {offsets = [8, 5], sizes = [8, 1], strides = [1, 1]} : vector<512x8xf32> to vector<8x1xf32>
    %slice3A_211 = vector.extract_strided_slice %transpose3A {offsets = [8, 6], sizes = [8, 1], strides = [1, 1]} : vector<512x8xf32> to vector<8x1xf32>
    %slice3A_212 = vector.extract_strided_slice %transpose3A {offsets = [8, 7], sizes = [8, 1], strides = [1, 1]} : vector<512x8xf32> to vector<8x1xf32>
    %sub3A_213 = vector.broadcast %get3A_3 : vector<1x512xf32> to vector<8x512xf32>
    %sub3A_214 = vector.broadcast %slice3A_205 : vector<8x1xf32> to vector<8x512xf32>
    %sub3A_215 = arith.subf %sub3A_213, %sub3A_214 : vector<8x512xf32>
    %sub3A_216 = vector.broadcast %get3A_13 : vector<1x512xf32> to vector<8x512xf32>
    %sub3A_217 = vector.broadcast %slice3A_206 : vector<8x1xf32> to vector<8x512xf32>
    %sub3A_218 = arith.subf %sub3A_216, %sub3A_217 : vector<8x512xf32>
    %mul3A_219 = arith.mulf %sub3A_215, %sub3A_215 : vector<8x512xf32>
    %mul3A_220 = arith.mulf %sub3A_218, %sub3A_218 : vector<8x512xf32>
    %add3A_221 = arith.addf %mul3A_219, %mul3A_220 : vector<8x512xf32>
    %sub3A_222 = vector.broadcast %slice3A_207 : vector<8x1xf32> to vector<8x512xf32>
    %sub3A_223 = vector.broadcast %mul3A_45 : vector<1x512xf32> to vector<8x512xf32>
    %sub3A_224 = arith.subf %sub3A_222, %sub3A_223 : vector<8x512xf32>
    %mul3A_225 = arith.mulf %sub3A_224, %sub3A_215 : vector<8x512xf32>
    %sub3A_226 = vector.broadcast %slice3A_208 : vector<8x1xf32> to vector<8x512xf32>
    %sub3A_227 = vector.broadcast %mul3A_46 : vector<1x512xf32> to vector<8x512xf32>
    %sub3A_228 = arith.subf %sub3A_226, %sub3A_227 : vector<8x512xf32>
    %mul3A_229 = arith.mulf %sub3A_228, %sub3A_218 : vector<8x512xf32>
    %add3A_230 = arith.addf %mul3A_225, %mul3A_229 : vector<8x512xf32>
    %abs3A_231 = math.absf %add3A_230 : vector<8x512xf32>
    %div3A_232 = arith.divf %abs3A_231, %add3A_221 : vector<8x512xf32>
    %mul3A_233 = vector.broadcast %slice3A_209 : vector<8x1xf32> to vector<8x512xf32>
    %mul3A_234 = arith.mulf %sub3A_215, %mul3A_233 : vector<8x512xf32>
    %mul3A_235 = vector.broadcast %slice3A_210 : vector<8x1xf32> to vector<8x512xf32>
    %mul3A_236 = arith.mulf %sub3A_218, %mul3A_235 : vector<8x512xf32>
    %add3A_237 = arith.addf %mul3A_234, %mul3A_236 : vector<8x512xf32>
    %bitcast_convert_type3A_238 = tpu.bitcast %sub3A_215 : vector<8x512xf32> -> vector<8x512xi32>
    %bitcast_convert_type3A_239 = tpu.bitcast %slice3A_209 : vector<8x1xf32> -> vector<8x1xi32>
    %and3A_240 = vector.broadcast %bitcast_convert_type3A_239 : vector<8x1xi32> to vector<8x512xi32>
    %and3A_241 = arith.andi %bitcast_convert_type3A_238, %and3A_240 : vector<8x512xi32>
    %bitcast_convert_type3A_242 = tpu.bitcast %sub3A_218 : vector<8x512xf32> -> vector<8x512xi32>
    %bitcast_convert_type3A_243 = tpu.bitcast %slice3A_210 : vector<8x1xf32> -> vector<8x1xi32>
    %xor3A_244 = vector.broadcast %bitcast_convert_type3A_243 : vector<8x1xi32> to vector<8x512xi32>
    %xor3A_245 = arith.xori %bitcast_convert_type3A_242, %xor3A_244 : vector<8x512xi32>
    %and3A_246 = arith.andi %and3A_241, %xor3A_245 : vector<8x512xi32>
    %and3A_247 = arith.constant -2147483648 : i32
    %and3A_248 = vector.broadcast %and3A_247 : i32 to vector<8x512xi32>
    %and3A_249 = arith.andi %and3A_246, %and3A_248 : vector<8x512xi32>
    %bitcast_convert_type3A_250 = tpu.bitcast %add3A_237 : vector<8x512xf32> -> vector<8x512xi32>
    %or3A_251 = arith.ori %bitcast_convert_type3A_250, %and3A_249 : vector<8x512xi32>
    %bitcast_convert_type3A_252 = tpu.bitcast %or3A_251 : vector<8x512xi32> -> vector<8x512xf32>
    %mul3A_253 = vector.broadcast %add3A_130 : vector<1x512xf32> to vector<8x512xf32>
    %mul3A_254 = vector.broadcast %slice3A_212 : vector<8x1xf32> to vector<8x512xf32>
    %mul3A_255 = arith.mulf %mul3A_253, %mul3A_254 : vector<8x512xf32>
    %add3A_256 = vector.broadcast %slice3A_211 : vector<8x1xf32> to vector<8x512xf32>
    %add3A_257 = arith.addf %mul3A_255, %add3A_256 : vector<8x512xf32>
    %gt3A_258 = arith.constant 0.000000e+00 : f32
    %gt3A_259 = vector.broadcast %gt3A_258 : f32 to vector<8x512xf32>
    %gt3A_260 = arith.cmpf ogt, %bitcast_convert_type3A_252, %gt3A_259 : vector<8x512xf32>
    %mul3A_261 = arith.mulf %div3A_232, %add3A_257 : vector<8x512xf32>
    %jit3A_262 = arith.constant 0.000000e+00 : f32
    %broadcast_in_dim3A_263 = vector.broadcast %jit3A_262 : f32 to vector<8x512xf32>
    %select_n3A_264 = arith.select %gt3A_260, %mul3A_261, %broadcast_in_dim3A_263 : vector<8x512xi1>, vector<8x512xf32>
    %swap3A_265 = arith.constant 0 : index
    %swap3A_266 = arith.constant 8 : index
    %swap3A_267 = arith.constant 0 : index
    %swap3A_268 = vector.load %arg7[%swap3A_265, %swap3A_266, %swap3A_267] : memref<1x512x512xf32, #tpu.memory_space<vmem>>, vector<1x8x512xf32>
    %swap3A_269 = vector.shape_cast %swap3A_268 : vector<1x8x512xf32> to vector<8x512xf32>
    %swap3A_270 = vector.shape_cast %select_n3A_264 : vector<8x512xf32> to vector<1x8x512xf32>
    tpu.vector_store %arg7[%swap3A_265, %swap3A_266, %swap3A_267], %swap3A_270 {strides = array<i32>} : memref<1x512x512xf32, #tpu.memory_space<vmem>>, vector<1x8x512xf32>,
    %slice3A_271 = vector.extract_strided_slice %transpose3A {offsets = [16, 0], sizes = [8, 1], strides = [1, 1]} : vector<512x8xf32> to vector<8x1xf32>
    %slice3A_272 = vector.extract_strided_slice %transpose3A {offsets = [16, 1], sizes = [8, 1], strides = [1, 1]} : vector<512x8xf32> to vector<8x1xf32>
    %slice3A_273 = vector.extract_strided_slice %transpose3A {offsets = [16, 2], sizes = [8, 1], strides = [1, 1]} : vector<512x8xf32> to vector<8x1xf32>
    %slice3A_274 = vector.extract_strided_slice %transpose3A {offsets = [16, 3], sizes = [8, 1], strides = [1, 1]} : vector<512x8xf32> to vector<8x1xf32>
    %slice3A_275 = vector.extract_strided_slice %transpose3A {offsets = [16, 4], sizes = [8, 1], strides = [1, 1]} : vector<512x8xf32> to vector<8x1xf32>
    %slice3A_276 = vector.extract_strided_slice %transpose3A {offsets = [16, 5], sizes = [8, 1], strides = [1, 1]} : vector<512x8xf32> to vector<8x1xf32>
    %slice3A_277 = vector.extract_strided_slice %transpose3A {offsets = [16, 6], sizes = [8, 1], strides = [1, 1]} : vector<512x8xf32> to vector<8x1xf32>
    %slice3A_278 = vector.extract_strided_slice %transpose3A {offsets = [16, 7], sizes = [8, 1], strides = [1, 1]} : vector<512x8xf32> to vector<8x1xf32>
    %sub3A_279 = vector.broadcast %get3A_3 : vector<1x512xf32> to vector<8x512xf32>
    %sub3A_280 = vector.broadcast %slice3A_271 : vector<8x1xf32> to vector<8x512xf32>
    %sub3A_281 = arith.subf %sub3A_279, %sub3A_280 : vector<8x512xf32>
    %sub3A_282 = vector.broadcast %get3A_13 : vector<1x512xf32> to vector<8x512xf32>
    %sub3A_283 = vector.broadcast %slice3A_272 : vector<8x1xf32> to vector<8x512xf32>
    %sub3A_284 = arith.subf %sub3A_282, %sub3A_283 : vector<8x512xf32>
    %mul3A_285 = arith.mulf %sub3A_281, %sub3A_281 : vector<8x512xf32>
    %mul3A_286 = arith.mulf %sub3A_284, %sub3A_284 : vector<8x512xf32>
    %add3A_287 = arith.addf %mul3A_285, %mul3A_286 : vector<8x512xf32>
    %sub3A_288 = vector.broadcast %slice3A_273 : vector<8x1xf32> to vector<8x512xf32>
    %sub3A_289 = vector.broadcast %mul3A_45 : vector<1x512xf32> to vector<8x512xf32>
    %sub3A_290 = arith.subf %sub3A_288, %sub3A_289 : vector<8x512xf32>
    %mul3A_291 = arith.mulf %sub3A_290, %sub3A_281 : vector<8x512xf32>
    %sub3A_292 = vector.broadcast %slice3A_274 : vector<8x1xf32> to vector<8x512xf32>
    %sub3A_293 = vector.broadcast %mul3A_46 : vector<1x512xf32> to vector<8x512xf32>
    %sub3A_294 = arith.subf %sub3A_292, %sub3A_293 : vector<8x512xf32>
    %mul3A_295 = arith.mulf %sub3A_294, %sub3A_284 : vector<8x512xf32>
    %add3A_296 = arith.addf %mul3A_291, %mul3A_295 : vector<8x512xf32>
    %abs3A_297 = math.absf %add3A_296 : vector<8x512xf32>
    %div3A_298 = arith.divf %abs3A_297, %add3A_287 : vector<8x512xf32>
    %mul3A_299 = vector.broadcast %slice3A_275 : vector<8x1xf32> to vector<8x512xf32>
    %mul3A_300 = arith.mulf %sub3A_281, %mul3A_299 : vector<8x512xf32>
    %mul3A_301 = vector.broadcast %slice3A_276 : vector<8x1xf32> to vector<8x512xf32>
    %mul3A_302 = arith.mulf %sub3A_284, %mul3A_301 : vector<8x512xf32>
    %add3A_303 = arith.addf %mul3A_300, %mul3A_302 : vector<8x512xf32>
    %bitcast_convert_type3A_304 = tpu.bitcast %sub3A_281 : vector<8x512xf32> -> vector<8x512xi32>
    %bitcast_convert_type3A_305 = tpu.bitcast %slice3A_275 : vector<8x1xf32> -> vector<8x1xi32>
    %and3A_306 = vector.broadcast %bitcast_convert_type3A_305 : vector<8x1xi32> to vector<8x512xi32>
    %and3A_307 = arith.andi %bitcast_convert_type3A_304, %and3A_306 : vector<8x512xi32>
    %bitcast_convert_type3A_308 = tpu.bitcast %sub3A_284 : vector<8x512xf32> -> vector<8x512xi32>
    %bitcast_convert_type3A_309 = tpu.bitcast %slice3A_276 : vector<8x1xf32> -> vector<8x1xi32>
    %xor3A_310 = vector.broadcast %bitcast_convert_type3A_309 : vector<8x1xi32> to vector<8x512xi32>
    %xor3A_311 = arith.xori %bitcast_convert_type3A_308, %xor3A_310 : vector<8x512xi32>
    %and3A_312 = arith.andi %and3A_307, %xor3A_311 : vector<8x512xi32>
    %and3A_313 = arith.constant -2147483648 : i32
    %and3A_314 = vector.broadcast %and3A_313 : i32 to vector<8x512xi32>
    %and3A_315 = arith.andi %and3A_312, %and3A_314 : vector<8x512xi32>
    %bitcast_convert_type3A_316 = tpu.bitcast %add3A_303 : vector<8x512xf32> -> vector<8x512xi32>
    %or3A_317 = arith.ori %bitcast_convert_type3A_316, %and3A_315 : vector<8x512xi32>
    %bitcast_convert_type3A_318 = tpu.bitcast %or3A_317 : vector<8x512xi32> -> vector<8x512xf32>
    %mul3A_319 = vector.broadcast %add3A_130 : vector<1x512xf32> to vector<8x512xf32>
    %mul3A_320 = vector.broadcast %slice3A_278 : vector<8x1xf32> to vector<8x512xf32>
    %mul3A_321 = arith.mulf %mul3A_319, %mul3A_320 : vector<8x512xf32>
    %add3A_322 = vector.broadcast %slice3A_277 : vector<8x1xf32> to vector<8x512xf32>
    %add3A_323 = arith.addf %mul3A_321, %add3A_322 : vector<8x512xf32>
    %gt3A_324 = arith.constant 0.000000e+00 : f32
    %gt3A_325 = vector.broadcast %gt3A_324 : f32 to vector<8x512xf32>
    %gt3A_326 = arith.cmpf ogt, %bitcast_convert_type3A_318, %gt3A_325 : vector<8x512xf32>
    %mul3A_327 = arith.mulf %div3A_298, %add3A_323 : vector<8x512xf32>
    %jit3A_328 = arith.constant 0.000000e+00 : f32
    %broadcast_in_dim3A_329 = vector.broadcast %jit3A_328 : f32 to vector<8x512xf32>
    %select_n3A_330 = arith.select %gt3A_326, %mul3A_327, %broadcast_in_dim3A_329 : vector<8x512xi1>, vector<8x512xf32>
    %swap3A_331 = arith.constant 0 : index
    %swap3A_332 = arith.constant 16 : index
    %swap3A_333 = arith.constant 0 : index
    %swap3A_334 = vector.load %arg7[%swap3A_331, %swap3A_332, %swap3A_333] : memref<1x512x512xf32, #tpu.memory_space<vmem>>, vector<1x8x512xf32>
    %swap3A_335 = vector.shape_cast %swap3A_334 : vector<1x8x512xf32> to vector<8x512xf32>
    %swap3A_336 = vector.shape_cast %select_n3A_330 : vector<8x512xf32> to vector<1x8x512xf32>
    tpu.vector_store %arg7[%swap3A_331, %swap3A_332, %swap3A_333], %swap3A_336 {strides = array<i32>} : memref<1x512x512xf32, #tpu.memory_space<vmem>>, vector<1x8x512xf32>,
    %slice3A_337 = vector.extract_strided_slice %transpose3A {offsets = [24, 0], sizes = [8, 1], strides = [1, 1]} : vector<512x8xf32> to vector<8x1xf32>
    %slice3A_338 = vector.extract_strided_slice %transpose3A {offsets = [24, 1], sizes = [8, 1], strides = [1, 1]} : vector<512x8xf32> to vector<8x1xf32>
    %slice3A_339 = vector.extract_strided_slice %transpose3A {offsets = [24, 2], sizes = [8, 1], strides = [1, 1]} : vector<512x8xf32> to vector<8x1xf32>
    %slice3A_340 = vector.extract_strided_slice %transpose3A {offsets = [24, 3], sizes = [8, 1], strides = [1, 1]} : vector<512x8xf32> to vector<8x1xf32>
    %slice3A_341 = vector.extract_strided_slice %transpose3A {offsets = [24, 4], sizes = [8, 1], strides = [1, 1]} : vector<512x8xf32> to vector<8x1xf32>
    %slice3A_342 = vector.extract_strided_slice %transpose3A {offsets = [24, 5], sizes = [8, 1], strides = [1, 1]} : vector<512x8xf32> to vector<8x1xf32>
    %slice3A_343 = vector.extract_strided_slice %transpose3A {offsets = [24, 6], sizes = [8, 1], strides = [1, 1]} : vector<512x8xf32> to vector<8x1xf32>
    %slice3A_344 = vector.extract_strided_slice %transpose3A {offsets = [24, 7], sizes = [8, 1], strides = [1, 1]} : vector<512x8xf32> to vector<8x1xf32>
    %sub3A_345 = vector.broadcast %get3A_3 : vector<1x512xf32> to vector<8x512xf32>
    %sub3A_346 = vector.broadcast %slice3A_337 : vector<8x1xf32> to vector<8x512xf32>
    %sub3A_347 = arith.subf %sub3A_345, %sub3A_346 : vector<8x512xf32>
    %sub3A_348 = vector.broadcast %get3A_13 : vector<1x512xf32> to vector<8x512xf32>
    %sub3A_349 = vector.broadcast %slice3A_338 : vector<8x1xf32> to vector<8x512xf32>
    %sub3A_350 = arith.subf %sub3A_348, %sub3A_349 : vector<8x512xf32>
    %mul3A_351 = arith.mulf %sub3A_347, %sub3A_347 : vector<8x512xf32>
    %mul3A_352 = arith.mulf %sub3A_350, %sub3A_350 : vector<8x512xf32>
    %add3A_353 = arith.addf %mul3A_351, %mul3A_352 : vector<8x512xf32>
    %sub3A_354 = vector.broadcast %slice3A_339 : vector<8x1xf32> to vector<8x512xf32>
    %sub3A_355 = vector.broadcast %mul3A_45 : vector<1x512xf32> to vector<8x512xf32>
    %sub3A_356 = arith.subf %sub3A_354, %sub3A_355 : vector<8x512xf32>
    %mul3A_357 = arith.mulf %sub3A_356, %sub3A_347 : vector<8x512xf32>
    %sub3A_358 = vector.broadcast %slice3A_340 : vector<8x1xf32> to vector<8x512xf32>
    %sub3A_359 = vector.broadcast %mul3A_46 : vector<1x512xf32> to vector<8x512xf32>
    %sub3A_360 = arith.subf %sub3A_358, %sub3A_359 : vector<8x512xf32>
    %mul3A_361 = arith.mulf %sub3A_360, %sub3A_350 : vector<8x512xf32>
    %add3A_362 = arith.addf %mul3A_357, %mul3A_361 : vector<8x512xf32>
    %abs3A_363 = math.absf %add3A_362 : vector<8x512xf32>
    %div3A_364 = arith.divf %abs3A_363, %add3A_353 : vector<8x512xf32>
    %mul3A_365 = vector.broadcast %slice3A_341 : vector<8x1xf32> to vector<8x512xf32>
    %mul3A_366 = arith.mulf %sub3A_347, %mul3A_365 : vector<8x512xf32>
    %mul3A_367 = vector.broadcast %slice3A_342 : vector<8x1xf32> to vector<8x512xf32>
    %mul3A_368 = arith.mulf %sub3A_350, %mul3A_367 : vector<8x512xf32>
    %add3A_369 = arith.addf %mul3A_366, %mul3A_368 : vector<8x512xf32>
    %bitcast_convert_type3A_370 = tpu.bitcast %sub3A_347 : vector<8x512xf32> -> vector<8x512xi32>
    %bitcast_convert_type3A_371 = tpu.bitcast %slice3A_341 : vector<8x1xf32> -> vector<8x1xi32>
    %and3A_372 = vector.broadcast %bitcast_convert_type3A_371 : vector<8x1xi32> to vector<8x512xi32>
    %and3A_373 = arith.andi %bitcast_convert_type3A_370, %and3A_372 : vector<8x512xi32>
    %bitcast_convert_type3A_374 = tpu.bitcast %sub3A_350 : vector<8x512xf32> -> vector<8x512xi32>
    %bitcast_convert_type3A_375 = tpu.bitcast %slice3A_342 : vector<8x1xf32> -> vector<8x1xi32>
    %xor3A_376 = vector.broadcast %bitcast_convert_type3A_375 : vector<8x1xi32> to vector<8x512xi32>
    %xor3A_377 = arith.xori %bitcast_convert_type3A_374, %xor3A_376 : vector<8x512xi32>
    %and3A_378 = arith.andi %and3A_373, %xor3A_377 : vector<8x512xi32>
    %and3A_379 = arith.constant -2147483648 : i32
    %and3A_380 = vector.broadcast %and3A_379 : i32 to vector<8x512xi32>
    %and3A_381 = arith.andi %and3A_378, %and3A_380 : vector<8x512xi32>
    %bitcast_convert_type3A_382 = tpu.bitcast %add3A_369 : vector<8x512xf32> -> vector<8x512xi32>
    %or3A_383 = arith.ori %bitcast_convert_type3A_382, %and3A_381 : vector<8x512xi32>
    %bitcast_convert_type3A_384 = tpu.bitcast %or3A_383 : vector<8x512xi32> -> vector<8x512xf32>
    %mul3A_385 = vector.broadcast %add3A_130 : vector<1x512xf32> to vector<8x512xf32>
    %mul3A_386 = vector.broadcast %slice3A_344 : vector<8x1xf32> to vector<8x512xf32>
    %mul3A_387 = arith.mulf %mul3A_385, %mul3A_386 : vector<8x512xf32>
    %add3A_388 = vector.broadcast %slice3A_343 : vector<8x1xf32> to vector<8x512xf32>
    %add3A_389 = arith.addf %mul3A_387, %add3A_388 : vector<8x512xf32>
    %gt3A_390 = arith.constant 0.000000e+00 : f32
    %gt3A_391 = vector.broadcast %gt3A_390 : f32 to vector<8x512xf32>
    %gt3A_392 = arith.cmpf ogt, %bitcast_convert_type3A_384, %gt3A_391 : vector<8x512xf32>
    %mul3A_393 = arith.mulf %div3A_364, %add3A_389 : vector<8x512xf32>
    %jit3A_394 = arith.constant 0.000000e+00 : f32
    %broadcast_in_dim3A_395 = vector.broadcast %jit3A_394 : f32 to vector<8x512xf32>
    %select_n3A_396 = arith.select %gt3A_392, %mul3A_393, %broadcast_in_dim3A_395 : vector<8x512xi1>, vector<8x512xf32>
    %swap3A_397 = arith.constant 0 : index
    %swap3A_398 = arith.constant 24 : index
    %swap3A_399 = arith.constant 0 : index
    %swap3A_400 = vector.load %arg7[%swap3A_397, %swap3A_398, %swap3A_399] : memref<1x512x512xf32, #tpu.memory_space<vmem>>, vector<1x8x512xf32>
    %swap3A_401 = vector.shape_cast %swap3A_400 : vector<1x8x512xf32> to vector<8x512xf32>
    %swap3A_402 = vector.shape_cast %select_n3A_396 : vector<8x512xf32> to vector<1x8x512xf32>
    tpu.vector_store %arg7[%swap3A_397, %swap3A_398, %swap3A_399], %swap3A_402 {strides = array<i32>} : memref<1x512x512xf32, #tpu.memory_space<vmem>>, vector<1x8x512xf32>,
    %slice3A_403 = vector.extract_strided_slice %transpose3A {offsets = [32, 0], sizes = [8, 1], strides = [1, 1]} : vector<512x8xf32> to vector<8x1xf32>
    %slice3A_404 = vector.extract_strided_slice %transpose3A {offsets = [32, 1], sizes = [8, 1], strides = [1, 1]} : vector<512x8xf32> to vector<8x1xf32>
    %slice3A_405 = vector.extract_strided_slice %transpose3A {offsets = [32, 2], sizes = [8, 1], strides = [1, 1]} : vector<512x8xf32> to vector<8x1xf32>
    %slice3A_406 = vector.extract_strided_slice %transpose3A {offsets = [32, 3], sizes = [8, 1], strides = [1, 1]} : vector<512x8xf32> to vector<8x1xf32>
    %slice3A_407 = vector.extract_strided_slice %transpose3A {offsets = [32, 4], sizes = [8, 1], strides = [1, 1]} : vector<512x8xf32> to vector<8x1xf32>
    %slice3A_408 = vector.extract_strided_slice %transpose3A {offsets = [32, 5], sizes = [8, 1], strides = [1, 1]} : vector<512x8xf32> to vector<8x1xf32>
    %slice3A_409 = vector.extract_strided_slice %transpose3A {offsets = [32, 6], sizes = [8, 1], strides = [1, 1]} : vector<512x8xf32> to vector<8x1xf32>
    %slice3A_410 = vector.extract_strided_slice %transpose3A {offsets = [32, 7], sizes = [8, 1], strides = [1, 1]} : vector<512x8xf32> to vector<8x1xf32>
    %sub3A_411 = vector.broadcast %get3A_3 : vector<1x512xf32> to vector<8x512xf32>
    %sub3A_412 = vector.broadcast %slice3A_403 : vector<8x1xf32> to vector<8x512xf32>
    %sub3A_413 = arith.subf %sub3A_411, %sub3A_412 : vector<8x512xf32>
    %sub3A_414 = vector.broadcast %get3A_13 : vector<1x512xf32> to vector<8x512xf32>
    %sub3A_415 = vector.broadcast %slice3A_404 : vector<8x1xf32> to vector<8x512xf32>
    %sub3A_416 = arith.subf %sub3A_414, %sub3A_415 : vector<8x512xf32>
    %mul3A_417 = arith.mulf %sub3A_413, %sub3A_413 : vector<8x512xf32>
    %mul3A_418 = arith.mulf %sub3A_416, %sub3A_416 : vector<8x512xf32>
    %add3A_419 = arith.addf %mul3A_417, %mul3A_418 : vector<8x512xf32>
    %sub3A_420 = vector.broadcast %slice3A_405 : vector<8x1xf32> to vector<8x512xf32>
    %sub3A_421 = vector.broadcast %mul3A_45 : vector<1x512xf32> to vector<8x512xf32>
    %sub3A_422 = arith.subf %sub3A_420, %sub3A_421 : vector<8x512xf32>
    %mul3A_423 = arith.mulf %sub3A_422, %sub3A_413 : vector<8x512xf32>
    %sub3A_424 = vector.broadcast %slice3A_406 : vector<8x1xf32> to vector<8x512xf32>
    %sub3A_425 = vector.broadcast %mul3A_46 : vector<1x512xf32> to vector<8x512xf32>
    %sub3A_426 = arith.subf %sub3A_424, %sub3A_425 : vector<8x512xf32>
    %mul3A_427 = arith.mulf %sub3A_426, %sub3A_416 : vector<8x512xf32>
    %add3A_428 = arith.addf %mul3A_423, %mul3A_427 : vector<8x512xf32>
    %abs3A_429 = math.absf %add3A_428 : vector<8x512xf32>
    %div3A_430 = arith.divf %abs3A_429, %add3A_419 : vector<8x512xf32>
    %mul3A_431 = vector.broadcast %slice3A_407 : vector<8x1xf32> to vector<8x512xf32>
    %mul3A_432 = arith.mulf %sub3A_413, %mul3A_431 : vector<8x512xf32>
    %mul3A_433 = vector.broadcast %slice3A_408 : vector<8x1xf32> to vector<8x512xf32>
    %mul3A_434 = arith.mulf %sub3A_416, %mul3A_433 : vector<8x512xf32>
    %add3A_435 = arith.addf %mul3A_432, %mul3A_434 : vector<8x512xf32>
    %bitcast_convert_type3A_436 = tpu.bitcast %sub3A_413 : vector<8x512xf32> -> vector<8x512xi32>
    %bitcast_convert_type3A_437 = tpu.bitcast %slice3A_407 : vector<8x1xf32> -> vector<8x1xi32>
    %and3A_438 = vector.broadcast %bitcast_convert_type3A_437 : vector<8x1xi32> to vector<8x512xi32>
    %and3A_439 = arith.andi %bitcast_convert_type3A_436, %and3A_438 : vector<8x512xi32>
    %bitcast_convert_type3A_440 = tpu.bitcast %sub3A_416 : vector<8x512xf32> -> vector<8x512xi32>
    %bitcast_convert_type3A_441 = tpu.bitcast %slice3A_408 : vector<8x1xf32> -> vector<8x1xi32>
    %xor3A_442 = vector.broadcast %bitcast_convert_type3A_441 : vector<8x1xi32> to vector<8x512xi32>
    %xor3A_443 = arith.xori %bitcast_convert_type3A_440, %xor3A_442 : vector<8x512xi32>
    %and3A_444 = arith.andi %and3A_439, %xor3A_443 : vector<8x512xi32>
    %and3A_445 = arith.constant -2147483648 : i32
    %and3A_446 = vector.broadcast %and3A_445 : i32 to vector<8x512xi32>
    %and3A_447 = arith.andi %and3A_444, %and3A_446 : vector<8x512xi32>
    %bitcast_convert_type3A_448 = tpu.bitcast %add3A_435 : vector<8x512xf32> -> vector<8x512xi32>
    %or3A_449 = arith.ori %bitcast_convert_type3A_448, %and3A_447 : vector<8x512xi32>
    %bitcast_convert_type3A_450 = tpu.bitcast %or3A_449 : vector<8x512xi32> -> vector<8x512xf32>
    %mul3A_451 = vector.broadcast %add3A_130 : vector<1x512xf32> to vector<8x512xf32>
    %mul3A_452 = vector.broadcast %slice3A_410 : vector<8x1xf32> to vector<8x512xf32>
    %mul3A_453 = arith.mulf %mul3A_451, %mul3A_452 : vector<8x512xf32>
    %add3A_454 = vector.broadcast %slice3A_409 : vector<8x1xf32> to vector<8x512xf32>
    %add3A_455 = arith.addf %mul3A_453, %add3A_454 : vector<8x512xf32>
    %gt3A_456 = arith.constant 0.000000e+00 : f32
    %gt3A_457 = vector.broadcast %gt3A_456 : f32 to vector<8x512xf32>
    %gt3A_458 = arith.cmpf ogt, %bitcast_convert_type3A_450, %gt3A_457 : vector<8x512xf32>
    %mul3A_459 = arith.mulf %div3A_430, %add3A_455 : vector<8x512xf32>
    %jit3A_460 = arith.constant 0.000000e+00 : f32
    %broadcast_in_dim3A_461 = vector.broadcast %jit3A_460 : f32 to vector<8x512xf32>
    %select_n3A_462 = arith.select %gt3A_458, %mul3A_459, %broadcast_in_dim3A_461 : vector<8x512xi1>, vector<8x512xf32>
    %swap3A_463 = arith.constant 0 : index
    %swap3A_464 = arith.constant 32 : index
    %swap3A_465 = arith.constant 0 : index
    %swap3A_466 = vector.load %arg7[%swap3A_463, %swap3A_464, %swap3A_465] : memref<1x512x512xf32, #tpu.memory_space<vmem>>, vector<1x8x512xf32>
    %swap3A_467 = vector.shape_cast %swap3A_466 : vector<1x8x512xf32> to vector<8x512xf32>
    %swap3A_468 = vector.shape_cast %select_n3A_462 : vector<8x512xf32> to vector<1x8x512xf32>
    tpu.vector_store %arg7[%swap3A_463, %swap3A_464, %swap3A_465], %swap3A_468 {strides = array<i32>} : memref<1x512x512xf32, #tpu.memory_space<vmem>>, vector<1x8x512xf32>,
    %slice3A_469 = vector.extract_strided_slice %transpose3A {offsets = [40, 0], sizes = [8, 1], strides = [1, 1]} : vector<512x8xf32> to vector<8x1xf32>
    %slice3A_470 = vector.extract_strided_slice %transpose3A {offsets = [40, 1], sizes = [8, 1], strides = [1, 1]} : vector<512x8xf32> to vector<8x1xf32>
    %slice3A_471 = vector.extract_strided_slice %transpose3A {offsets = [40, 2], sizes = [8, 1], strides = [1, 1]} : vector<512x8xf32> to vector<8x1xf32>
    %slice3A_472 = vector.extract_strided_slice %transpose3A {offsets = [40, 3], sizes = [8, 1], strides = [1, 1]} : vector<512x8xf32> to vector<8x1xf32>
    %slice3A_473 = vector.extract_strided_slice %transpose3A {offsets = [40, 4], sizes = [8, 1], strides = [1, 1]} : vector<512x8xf32> to vector<8x1xf32>
    %slice3A_474 = vector.extract_strided_slice %transpose3A {offsets = [40, 5], sizes = [8, 1], strides = [1, 1]} : vector<512x8xf32> to vector<8x1xf32>
    %slice3A_475 = vector.extract_strided_slice %transpose3A {offsets = [40, 6], sizes = [8, 1], strides = [1, 1]} : vector<512x8xf32> to vector<8x1xf32>
    %slice3A_476 = vector.extract_strided_slice %transpose3A {offsets = [40, 7], sizes = [8, 1], strides = [1, 1]} : vector<512x8xf32> to vector<8x1xf32>
    %sub3A_477 = vector.broadcast %get3A_3 : vector<1x512xf32> to vector<8x512xf32>
    %sub3A_478 = vector.broadcast %slice3A_469 : vector<8x1xf32> to vector<8x512xf32>
    %sub3A_479 = arith.subf %sub3A_477, %sub3A_478 : vector<8x512xf32>
    %sub3A_480 = vector.broadcast %get3A_13 : vector<1x512xf32> to vector<8x512xf32>
    %sub3A_481 = vector.broadcast %slice3A_470 : vector<8x1xf32> to vector<8x512xf32>
    %sub3A_482 = arith.subf %sub3A_480, %sub3A_481 : vector<8x512xf32>
    %mul3A_483 = arith.mulf %sub3A_479, %sub3A_479 : vector<8x512xf32>
    %mul3A_484 = arith.mulf %sub3A_482, %sub3A_482 : vector<8x512xf32>
    %add3A_485 = arith.addf %mul3A_483, %mul3A_484 : vector<8x512xf32>
    %sub3A_486 = vector.broadcast %slice3A_471 : vector<8x1xf32> to vector<8x512xf32>
    %sub3A_487 = vector.broadcast %mul3A_45 : vector<1x512xf32> to vector<8x512xf32>
    %sub3A_488 = arith.subf %sub3A_486, %sub3A_487 : vector<8x512xf32>
    %mul3A_489 = arith.mulf %sub3A_488, %sub3A_479 : vector<8x512xf32>
    %sub3A_490 = vector.broadcast %slice3A_472 : vector<8x1xf32> to vector<8x512xf32>
    %sub3A_491 = vector.broadcast %mul3A_46 : vector<1x512xf32> to vector<8x512xf32>
    %sub3A_492 = arith.subf %sub3A_490, %sub3A_491 : vector<8x512xf32>
    %mul3A_493 = arith.mulf %sub3A_492, %sub3A_482 : vector<8x512xf32>
    %add3A_494 = arith.addf %mul3A_489, %mul3A_493 : vector<8x512xf32>
    %abs3A_495 = math.absf %add3A_494 : vector<8x512xf32>
    %div3A_496 = arith.divf %abs3A_495, %add3A_485 : vector<8x512xf32>
    %mul3A_497 = vector.broadcast %slice3A_473 : vector<8x1xf32> to vector<8x512xf32>
    %mul3A_498 = arith.mulf %sub3A_479, %mul3A_497 : vector<8x512xf32>
    %mul3A_499 = vector.broadcast %slice3A_474 : vector<8x1xf32> to vector<8x512xf32>
    %mul3A_500 = arith.mulf %sub3A_482, %mul3A_499 : vector<8x512xf32>
    %add3A_501 = arith.addf %mul3A_498, %mul3A_500 : vector<8x512xf32>
    %bitcast_convert_type3A_502 = tpu.bitcast %sub3A_479 : vector<8x512xf32> -> vector<8x512xi32>
    %bitcast_convert_type3A_503 = tpu.bitcast %slice3A_473 : vector<8x1xf32> -> vector<8x1xi32>
    %and3A_504 = vector.broadcast %bitcast_convert_type3A_503 : vector<8x1xi32> to vector<8x512xi32>
    %and3A_505 = arith.andi %bitcast_convert_type3A_502, %and3A_504 : vector<8x512xi32>
    %bitcast_convert_type3A_506 = tpu.bitcast %sub3A_482 : vector<8x512xf32> -> vector<8x512xi32>
    %bitcast_convert_type3A_507 = tpu.bitcast %slice3A_474 : vector<8x1xf32> -> vector<8x1xi32>
    %xor3A_508 = vector.broadcast %bitcast_convert_type3A_507 : vector<8x1xi32> to vector<8x512xi32>
    %xor3A_509 = arith.xori %bitcast_convert_type3A_506, %xor3A_508 : vector<8x512xi32>
    %and3A_510 = arith.andi %and3A_505, %xor3A_509 : vector<8x512xi32>
    %and3A_511 = arith.constant -2147483648 : i32
    %and3A_512 = vector.broadcast %and3A_511 : i32 to vector<8x512xi32>
    %and3A_513 = arith.andi %and3A_510, %and3A_512 : vector<8x512xi32>
    %bitcast_convert_type3A_514 = tpu.bitcast %add3A_501 : vector<8x512xf32> -> vector<8x512xi32>
    %or3A_515 = arith.ori %bitcast_convert_type3A_514, %and3A_513 : vector<8x512xi32>
    %bitcast_convert_type3A_516 = tpu.bitcast %or3A_515 : vector<8x512xi32> -> vector<8x512xf32>
    %mul3A_517 = vector.broadcast %add3A_130 : vector<1x512xf32> to vector<8x512xf32>
    %mul3A_518 = vector.broadcast %slice3A_476 : vector<8x1xf32> to vector<8x512xf32>
    %mul3A_519 = arith.mulf %mul3A_517, %mul3A_518 : vector<8x512xf32>
    %add3A_520 = vector.broadcast %slice3A_475 : vector<8x1xf32> to vector<8x512xf32>
    %add3A_521 = arith.addf %mul3A_519, %add3A_520 : vector<8x512xf32>
    %gt3A_522 = arith.constant 0.000000e+00 : f32
    %gt3A_523 = vector.broadcast %gt3A_522 : f32 to vector<8x512xf32>
    %gt3A_524 = arith.cmpf ogt, %bitcast_convert_type3A_516, %gt3A_523 : vector<8x512xf32>
    %mul3A_525 = arith.mulf %div3A_496, %add3A_521 : vector<8x512xf32>
    %jit3A_526 = arith.constant 0.000000e+00 : f32
    %broadcast_in_dim3A_527 = vector.broadcast %jit3A_526 : f32 to vector<8x512xf32>
    %select_n3A_528 = arith.select %gt3A_524, %mul3A_525, %broadcast_in_dim3A_527 : vector<8x512xi1>, vector<8x512xf32>
    %swap3A_529 = arith.constant 0 : index
    %swap3A_530 = arith.constant 40 : index
    %swap3A_531 = arith.constant 0 : index
    %swap3A_532 = vector.load %arg7[%swap3A_529, %swap3A_530, %swap3A_531] : memref<1x512x512xf32, #tpu.memory_space<vmem>>, vector<1x8x512xf32>
    %swap3A_533 = vector.shape_cast %swap3A_532 : vector<1x8x512xf32> to vector<8x512xf32>
    %swap3A_534 = vector.shape_cast %select_n3A_528 : vector<8x512xf32> to vector<1x8x512xf32>
    tpu.vector_store %arg7[%swap3A_529, %swap3A_530, %swap3A_531], %swap3A_534 {strides = array<i32>} : memref<1x512x512xf32, #tpu.memory_space<vmem>>, vector<1x8x512xf32>,
    %slice3A_535 = vector.extract_strided_slice %transpose3A {offsets = [48, 0], sizes = [8, 1], strides = [1, 1]} : vector<512x8xf32> to vector<8x1xf32>
    %slice3A_536 = vector.extract_strided_slice %transpose3A {offsets = [48, 1], sizes = [8, 1], strides = [1, 1]} : vector<512x8xf32> to vector<8x1xf32>
    %slice3A_537 = vector.extract_strided_slice %transpose3A {offsets = [48, 2], sizes = [8, 1], strides = [1, 1]} : vector<512x8xf32> to vector<8x1xf32>
    %slice3A_538 = vector.extract_strided_slice %transpose3A {offsets = [48, 3], sizes = [8, 1], strides = [1, 1]} : vector<512x8xf32> to vector<8x1xf32>
    %slice3A_539 = vector.extract_strided_slice %transpose3A {offsets = [48, 4], sizes = [8, 1], strides = [1, 1]} : vector<512x8xf32> to vector<8x1xf32>
    %slice3A_540 = vector.extract_strided_slice %transpose3A {offsets = [48, 5], sizes = [8, 1], strides = [1, 1]} : vector<512x8xf32> to vector<8x1xf32>
    %slice3A_541 = vector.extract_strided_slice %transpose3A {offsets = [48, 6], sizes = [8, 1], strides = [1, 1]} : vector<512x8xf32> to vector<8x1xf32>
    %slice3A_542 = vector.extract_strided_slice %transpose3A {offsets = [48, 7], sizes = [8, 1], strides = [1, 1]} : vector<512x8xf32> to vector<8x1xf32>
    %sub3A_543 = vector.broadcast %get3A_3 : vector<1x512xf32> to vector<8x512xf32>
    %sub3A_544 = vector.broadcast %slice3A_535 : vector<8x1xf32> to vector<8x512xf32>
    %sub3A_545 = arith.subf %sub3A_543, %sub3A_544 : vector<8x512xf32>
    %sub3A_546 = vector.broadcast %get3A_13 : vector<1x512xf32> to vector<8x512xf32>
    %sub3A_547 = vector.broadcast %slice3A_536 : vector<8x1xf32> to vector<8x512xf32>
    %sub3A_548 = arith.subf %sub3A_546, %sub3A_547 : vector<8x512xf32>
    %mul3A_549 = arith.mulf %sub3A_545, %sub3A_545 : vector<8x512xf32>
    %mul3A_550 = arith.mulf %sub3A_548, %sub3A_548 : vector<8x512xf32>
    %add3A_551 = arith.addf %mul3A_549, %mul3A_550 : vector<8x512xf32>
    %sub3A_552 = vector.broadcast %slice3A_537 : vector<8x1xf32> to vector<8x512xf32>
    %sub3A_553 = vector.broadcast %mul3A_45 : vector<1x512xf32> to vector<8x512xf32>
    %sub3A_554 = arith.subf %sub3A_552, %sub3A_553 : vector<8x512xf32>
    %mul3A_555 = arith.mulf %sub3A_554, %sub3A_545 : vector<8x512xf32>
    %sub3A_556 = vector.broadcast %slice3A_538 : vector<8x1xf32> to vector<8x512xf32>
    %sub3A_557 = vector.broadcast %mul3A_46 : vector<1x512xf32> to vector<8x512xf32>
    %sub3A_558 = arith.subf %sub3A_556, %sub3A_557 : vector<8x512xf32>
    %mul3A_559 = arith.mulf %sub3A_558, %sub3A_548 : vector<8x512xf32>
    %add3A_560 = arith.addf %mul3A_555, %mul3A_559 : vector<8x512xf32>
    %abs3A_561 = math.absf %add3A_560 : vector<8x512xf32>
    %div3A_562 = arith.divf %abs3A_561, %add3A_551 : vector<8x512xf32>
    %mul3A_563 = vector.broadcast %slice3A_539 : vector<8x1xf32> to vector<8x512xf32>
    %mul3A_564 = arith.mulf %sub3A_545, %mul3A_563 : vector<8x512xf32>
    %mul3A_565 = vector.broadcast %slice3A_540 : vector<8x1xf32> to vector<8x512xf32>
    %mul3A_566 = arith.mulf %sub3A_548, %mul3A_565 : vector<8x512xf32>
    %add3A_567 = arith.addf %mul3A_564, %mul3A_566 : vector<8x512xf32>
    %bitcast_convert_type3A_568 = tpu.bitcast %sub3A_545 : vector<8x512xf32> -> vector<8x512xi32>
    %bitcast_convert_type3A_569 = tpu.bitcast %slice3A_539 : vector<8x1xf32> -> vector<8x1xi32>
    %and3A_570 = vector.broadcast %bitcast_convert_type3A_569 : vector<8x1xi32> to vector<8x512xi32>
    %and3A_571 = arith.andi %bitcast_convert_type3A_568, %and3A_570 : vector<8x512xi32>
    %bitcast_convert_type3A_572 = tpu.bitcast %sub3A_548 : vector<8x512xf32> -> vector<8x512xi32>
    %bitcast_convert_type3A_573 = tpu.bitcast %slice3A_540 : vector<8x1xf32> -> vector<8x1xi32>
    %xor3A_574 = vector.broadcast %bitcast_convert_type3A_573 : vector<8x1xi32> to vector<8x512xi32>
    %xor3A_575 = arith.xori %bitcast_convert_type3A_572, %xor3A_574 : vector<8x512xi32>
    %and3A_576 = arith.andi %and3A_571, %xor3A_575 : vector<8x512xi32>
    %and3A_577 = arith.constant -2147483648 : i32
    %and3A_578 = vector.broadcast %and3A_577 : i32 to vector<8x512xi32>
    %and3A_579 = arith.andi %and3A_576, %and3A_578 : vector<8x512xi32>
    %bitcast_convert_type3A_580 = tpu.bitcast %add3A_567 : vector<8x512xf32> -> vector<8x512xi32>
    %or3A_581 = arith.ori %bitcast_convert_type3A_580, %and3A_579 : vector<8x512xi32>
    %bitcast_convert_type3A_582 = tpu.bitcast %or3A_581 : vector<8x512xi32> -> vector<8x512xf32>
    %mul3A_583 = vector.broadcast %add3A_130 : vector<1x512xf32> to vector<8x512xf32>
    %mul3A_584 = vector.broadcast %slice3A_542 : vector<8x1xf32> to vector<8x512xf32>
    %mul3A_585 = arith.mulf %mul3A_583, %mul3A_584 : vector<8x512xf32>
    %add3A_586 = vector.broadcast %slice3A_541 : vector<8x1xf32> to vector<8x512xf32>
    %add3A_587 = arith.addf %mul3A_585, %add3A_586 : vector<8x512xf32>
    %gt3A_588 = arith.constant 0.000000e+00 : f32
    %gt3A_589 = vector.broadcast %gt3A_588 : f32 to vector<8x512xf32>
    %gt3A_590 = arith.cmpf ogt, %bitcast_convert_type3A_582, %gt3A_589 : vector<8x512xf32>
    %mul3A_591 = arith.mulf %div3A_562, %add3A_587 : vector<8x512xf32>
    %jit3A_592 = arith.constant 0.000000e+00 : f32
    %broadcast_in_dim3A_593 = vector.broadcast %jit3A_592 : f32 to vector<8x512xf32>
    %select_n3A_594 = arith.select %gt3A_590, %mul3A_591, %broadcast_in_dim3A_593 : vector<8x512xi1>, vector<8x512xf32>
    %swap3A_595 = arith.constant 0 : index
    %swap3A_596 = arith.constant 48 : index
    %swap3A_597 = arith.constant 0 : index
    %swap3A_598 = vector.load %arg7[%swap3A_595, %swap3A_596, %swap3A_597] : memref<1x512x512xf32, #tpu.memory_space<vmem>>, vector<1x8x512xf32>
    %swap3A_599 = vector.shape_cast %swap3A_598 : vector<1x8x512xf32> to vector<8x512xf32>
    %swap3A_600 = vector.shape_cast %select_n3A_594 : vector<8x512xf32> to vector<1x8x512xf32>
    tpu.vector_store %arg7[%swap3A_595, %swap3A_596, %swap3A_597], %swap3A_600 {strides = array<i32>} : memref<1x512x512xf32, #tpu.memory_space<vmem>>, vector<1x8x512xf32>,
    %slice3A_601 = vector.extract_strided_slice %transpose3A {offsets = [56, 0], sizes = [8, 1], strides = [1, 1]} : vector<512x8xf32> to vector<8x1xf32>
    %slice3A_602 = vector.extract_strided_slice %transpose3A {offsets = [56, 1], sizes = [8, 1], strides = [1, 1]} : vector<512x8xf32> to vector<8x1xf32>
    %slice3A_603 = vector.extract_strided_slice %transpose3A {offsets = [56, 2], sizes = [8, 1], strides = [1, 1]} : vector<512x8xf32> to vector<8x1xf32>
    %slice3A_604 = vector.extract_strided_slice %transpose3A {offsets = [56, 3], sizes = [8, 1], strides = [1, 1]} : vector<512x8xf32> to vector<8x1xf32>
    %slice3A_605 = vector.extract_strided_slice %transpose3A {offsets = [56, 4], sizes = [8, 1], strides = [1, 1]} : vector<512x8xf32> to vector<8x1xf32>
    %slice3A_606 = vector.extract_strided_slice %transpose3A {offsets = [56, 5], sizes = [8, 1], strides = [1, 1]} : vector<512x8xf32> to vector<8x1xf32>
    %slice3A_607 = vector.extract_strided_slice %transpose3A {offsets = [56, 6], sizes = [8, 1], strides = [1, 1]} : vector<512x8xf32> to vector<8x1xf32>
    %slice3A_608 = vector.extract_strided_slice %transpose3A {offsets = [56, 7], sizes = [8, 1], strides = [1, 1]} : vector<512x8xf32> to vector<8x1xf32>
    %sub3A_609 = vector.broadcast %get3A_3 : vector<1x512xf32> to vector<8x512xf32>
    %sub3A_610 = vector.broadcast %slice3A_601 : vector<8x1xf32> to vector<8x512xf32>
    %sub3A_611 = arith.subf %sub3A_609, %sub3A_610 : vector<8x512xf32>
    %sub3A_612 = vector.broadcast %get3A_13 : vector<1x512xf32> to vector<8x512xf32>
    %sub3A_613 = vector.broadcast %slice3A_602 : vector<8x1xf32> to vector<8x512xf32>
    %sub3A_614 = arith.subf %sub3A_612, %sub3A_613 : vector<8x512xf32>
    %mul3A_615 = arith.mulf %sub3A_611, %sub3A_611 : vector<8x512xf32>
    %mul3A_616 = arith.mulf %sub3A_614, %sub3A_614 : vector<8x512xf32>
    %add3A_617 = arith.addf %mul3A_615, %mul3A_616 : vector<8x512xf32>
    %sub3A_618 = vector.broadcast %slice3A_603 : vector<8x1xf32> to vector<8x512xf32>
    %sub3A_619 = vector.broadcast %mul3A_45 : vector<1x512xf32> to vector<8x512xf32>
    %sub3A_620 = arith.subf %sub3A_618, %sub3A_619 : vector<8x512xf32>
    %mul3A_621 = arith.mulf %sub3A_620, %sub3A_611 : vector<8x512xf32>
    %sub3A_622 = vector.broadcast %slice3A_604 : vector<8x1xf32> to vector<8x512xf32>
    %sub3A_623 = vector.broadcast %mul3A_46 : vector<1x512xf32> to vector<8x512xf32>
    %sub3A_624 = arith.subf %sub3A_622, %sub3A_623 : vector<8x512xf32>
    %mul3A_625 = arith.mulf %sub3A_624, %sub3A_614 : vector<8x512xf32>
    %add3A_626 = arith.addf %mul3A_621, %mul3A_625 : vector<8x512xf32>
    %abs3A_627 = math.absf %add3A_626 : vector<8x512xf32>
    %div3A_628 = arith.divf %abs3A_627, %add3A_617 : vector<8x512xf32>
    %mul3A_629 = vector.broadcast %slice3A_605 : vector<8x1xf32> to vector<8x512xf32>
    %mul3A_630 = arith.mulf %sub3A_611, %mul3A_629 : vector<8x512xf32>
    %mul3A_631 = vector.broadcast %slice3A_606 : vector<8x1xf32> to vector<8x512xf32>
    %mul3A_632 = arith.mulf %sub3A_614, %mul3A_631 : vector<8x512xf32>
    %add3A_633 = arith.addf %mul3A_630, %mul3A_632 : vector<8x512xf32>
    %bitcast_convert_type3A_634 = tpu.bitcast %sub3A_611 : vector<8x512xf32> -> vector<8x512xi32>
    %bitcast_convert_type3A_635 = tpu.bitcast %slice3A_605 : vector<8x1xf32> -> vector<8x1xi32>
    %and3A_636 = vector.broadcast %bitcast_convert_type3A_635 : vector<8x1xi32> to vector<8x512xi32>
    %and3A_637 = arith.andi %bitcast_convert_type3A_634, %and3A_636 : vector<8x512xi32>
    %bitcast_convert_type3A_638 = tpu.bitcast %sub3A_614 : vector<8x512xf32> -> vector<8x512xi32>
    %bitcast_convert_type3A_639 = tpu.bitcast %slice3A_606 : vector<8x1xf32> -> vector<8x1xi32>
    %xor3A_640 = vector.broadcast %bitcast_convert_type3A_639 : vector<8x1xi32> to vector<8x512xi32>
    %xor3A_641 = arith.xori %bitcast_convert_type3A_638, %xor3A_640 : vector<8x512xi32>
    %and3A_642 = arith.andi %and3A_637, %xor3A_641 : vector<8x512xi32>
    %and3A_643 = arith.constant -2147483648 : i32
    %and3A_644 = vector.broadcast %and3A_643 : i32 to vector<8x512xi32>
    %and3A_645 = arith.andi %and3A_642, %and3A_644 : vector<8x512xi32>
    %bitcast_convert_type3A_646 = tpu.bitcast %add3A_633 : vector<8x512xf32> -> vector<8x512xi32>
    %or3A_647 = arith.ori %bitcast_convert_type3A_646, %and3A_645 : vector<8x512xi32>
    %bitcast_convert_type3A_648 = tpu.bitcast %or3A_647 : vector<8x512xi32> -> vector<8x512xf32>
    %mul3A_649 = vector.broadcast %add3A_130 : vector<1x512xf32> to vector<8x512xf32>
    %mul3A_650 = vector.broadcast %slice3A_608 : vector<8x1xf32> to vector<8x512xf32>
    %mul3A_651 = arith.mulf %mul3A_649, %mul3A_650 : vector<8x512xf32>
    %add3A_652 = vector.broadcast %slice3A_607 : vector<8x1xf32> to vector<8x512xf32>
    %add3A_653 = arith.addf %mul3A_651, %add3A_652 : vector<8x512xf32>
    %gt3A_654 = arith.constant 0.000000e+00 : f32
    %gt3A_655 = vector.broadcast %gt3A_654 : f32 to vector<8x512xf32>
    %gt3A_656 = arith.cmpf ogt, %bitcast_convert_type3A_648, %gt3A_655 : vector<8x512xf32>
    %mul3A_657 = arith.mulf %div3A_628, %add3A_653 : vector<8x512xf32>
    %jit3A_658 = arith.constant 0.000000e+00 : f32
    %broadcast_in_dim3A_659 = vector.broadcast %jit3A_658 : f32 to vector<8x512xf32>
    %select_n3A_660 = arith.select %gt3A_656, %mul3A_657, %broadcast_in_dim3A_659 : vector<8x512xi1>, vector<8x512xf32>
    %swap3A_661 = arith.constant 0 : index
    %swap3A_662 = arith.constant 56 : index
    %swap3A_663 = arith.constant 0 : index
    %swap3A_664 = vector.load %arg7[%swap3A_661, %swap3A_662, %swap3A_663] : memref<1x512x512xf32, #tpu.memory_space<vmem>>, vector<1x8x512xf32>
    %swap3A_665 = vector.shape_cast %swap3A_664 : vector<1x8x512xf32> to vector<8x512xf32>
    %swap3A_666 = vector.shape_cast %select_n3A_660 : vector<8x512xf32> to vector<1x8x512xf32>
    tpu.vector_store %arg7[%swap3A_661, %swap3A_662, %swap3A_663], %swap3A_666 {strides = array<i32>} : memref<1x512x512xf32, #tpu.memory_space<vmem>>, vector<1x8x512xf32>,
    %slice3A_667 = vector.extract_strided_slice %transpose3A {offsets = [64, 0], sizes = [8, 1], strides = [1, 1]} : vector<512x8xf32> to vector<8x1xf32>
    %slice3A_668 = vector.extract_strided_slice %transpose3A {offsets = [64, 1], sizes = [8, 1], strides = [1, 1]} : vector<512x8xf32> to vector<8x1xf32>
    %slice3A_669 = vector.extract_strided_slice %transpose3A {offsets = [64, 2], sizes = [8, 1], strides = [1, 1]} : vector<512x8xf32> to vector<8x1xf32>
    %slice3A_670 = vector.extract_strided_slice %transpose3A {offsets = [64, 3], sizes = [8, 1], strides = [1, 1]} : vector<512x8xf32> to vector<8x1xf32>
    %slice3A_671 = vector.extract_strided_slice %transpose3A {offsets = [64, 4], sizes = [8, 1], strides = [1, 1]} : vector<512x8xf32> to vector<8x1xf32>
    %slice3A_672 = vector.extract_strided_slice %transpose3A {offsets = [64, 5], sizes = [8, 1], strides = [1, 1]} : vector<512x8xf32> to vector<8x1xf32>
    %slice3A_673 = vector.extract_strided_slice %transpose3A {offsets = [64, 6], sizes = [8, 1], strides = [1, 1]} : vector<512x8xf32> to vector<8x1xf32>
    %slice3A_674 = vector.extract_strided_slice %transpose3A {offsets = [64, 7], sizes = [8, 1], strides = [1, 1]} : vector<512x8xf32> to vector<8x1xf32>
    %sub3A_675 = vector.broadcast %get3A_3 : vector<1x512xf32> to vector<8x512xf32>
    %sub3A_676 = vector.broadcast %slice3A_667 : vector<8x1xf32> to vector<8x512xf32>
    %sub3A_677 = arith.subf %sub3A_675, %sub3A_676 : vector<8x512xf32>
    %sub3A_678 = vector.broadcast %get3A_13 : vector<1x512xf32> to vector<8x512xf32>
    %sub3A_679 = vector.broadcast %slice3A_668 : vector<8x1xf32> to vector<8x512xf32>
    %sub3A_680 = arith.subf %sub3A_678, %sub3A_679 : vector<8x512xf32>
    %mul3A_681 = arith.mulf %sub3A_677, %sub3A_677 : vector<8x512xf32>
    %mul3A_682 = arith.mulf %sub3A_680, %sub3A_680 : vector<8x512xf32>
    %add3A_683 = arith.addf %mul3A_681, %mul3A_682 : vector<8x512xf32>
    %sub3A_684 = vector.broadcast %slice3A_669 : vector<8x1xf32> to vector<8x512xf32>
    %sub3A_685 = vector.broadcast %mul3A_45 : vector<1x512xf32> to vector<8x512xf32>
    %sub3A_686 = arith.subf %sub3A_684, %sub3A_685 : vector<8x512xf32>
    %mul3A_687 = arith.mulf %sub3A_686, %sub3A_677 : vector<8x512xf32>
    %sub3A_688 = vector.broadcast %slice3A_670 : vector<8x1xf32> to vector<8x512xf32>
    %sub3A_689 = vector.broadcast %mul3A_46 : vector<1x512xf32> to vector<8x512xf32>
    %sub3A_690 = arith.subf %sub3A_688, %sub3A_689 : vector<8x512xf32>
    %mul3A_691 = arith.mulf %sub3A_690, %sub3A_680 : vector<8x512xf32>
    %add3A_692 = arith.addf %mul3A_687, %mul3A_691 : vector<8x512xf32>
    %abs3A_693 = math.absf %add3A_692 : vector<8x512xf32>
    %div3A_694 = arith.divf %abs3A_693, %add3A_683 : vector<8x512xf32>
    %mul3A_695 = vector.broadcast %slice3A_671 : vector<8x1xf32> to vector<8x512xf32>
    %mul3A_696 = arith.mulf %sub3A_677, %mul3A_695 : vector<8x512xf32>
    %mul3A_697 = vector.broadcast %slice3A_672 : vector<8x1xf32> to vector<8x512xf32>
    %mul3A_698 = arith.mulf %sub3A_680, %mul3A_697 : vector<8x512xf32>
    %add3A_699 = arith.addf %mul3A_696, %mul3A_698 : vector<8x512xf32>
    %bitcast_convert_type3A_700 = tpu.bitcast %sub3A_677 : vector<8x512xf32> -> vector<8x512xi32>
    %bitcast_convert_type3A_701 = tpu.bitcast %slice3A_671 : vector<8x1xf32> -> vector<8x1xi32>
    %and3A_702 = vector.broadcast %bitcast_convert_type3A_701 : vector<8x1xi32> to vector<8x512xi32>
    %and3A_703 = arith.andi %bitcast_convert_type3A_700, %and3A_702 : vector<8x512xi32>
    %bitcast_convert_type3A_704 = tpu.bitcast %sub3A_680 : vector<8x512xf32> -> vector<8x512xi32>
    %bitcast_convert_type3A_705 = tpu.bitcast %slice3A_672 : vector<8x1xf32> -> vector<8x1xi32>
    %xor3A_706 = vector.broadcast %bitcast_convert_type3A_705 : vector<8x1xi32> to vector<8x512xi32>
    %xor3A_707 = arith.xori %bitcast_convert_type3A_704, %xor3A_706 : vector<8x512xi32>
    %and3A_708 = arith.andi %and3A_703, %xor3A_707 : vector<8x512xi32>
    %and3A_709 = arith.constant -2147483648 : i32
    %and3A_710 = vector.broadcast %and3A_709 : i32 to vector<8x512xi32>
    %and3A_711 = arith.andi %and3A_708, %and3A_710 : vector<8x512xi32>
    %bitcast_convert_type3A_712 = tpu.bitcast %add3A_699 : vector<8x512xf32> -> vector<8x512xi32>
    %or3A_713 = arith.ori %bitcast_convert_type3A_712, %and3A_711 : vector<8x512xi32>
    %bitcast_convert_type3A_714 = tpu.bitcast %or3A_713 : vector<8x512xi32> -> vector<8x512xf32>
    %mul3A_715 = vector.broadcast %add3A_130 : vector<1x512xf32> to vector<8x512xf32>
    %mul3A_716 = vector.broadcast %slice3A_674 : vector<8x1xf32> to vector<8x512xf32>
    %mul3A_717 = arith.mulf %mul3A_715, %mul3A_716 : vector<8x512xf32>
    %add3A_718 = vector.broadcast %slice3A_673 : vector<8x1xf32> to vector<8x512xf32>
    %add3A_719 = arith.addf %mul3A_717, %add3A_718 : vector<8x512xf32>
    %gt3A_720 = arith.constant 0.000000e+00 : f32
    %gt3A_721 = vector.broadcast %gt3A_720 : f32 to vector<8x512xf32>
    %gt3A_722 = arith.cmpf ogt, %bitcast_convert_type3A_714, %gt3A_721 : vector<8x512xf32>
    %mul3A_723 = arith.mulf %div3A_694, %add3A_719 : vector<8x512xf32>
    %jit3A_724 = arith.constant 0.000000e+00 : f32
    %broadcast_in_dim3A_725 = vector.broadcast %jit3A_724 : f32 to vector<8x512xf32>
    %select_n3A_726 = arith.select %gt3A_722, %mul3A_723, %broadcast_in_dim3A_725 : vector<8x512xi1>, vector<8x512xf32>
    %swap3A_727 = arith.constant 0 : index
    %swap3A_728 = arith.constant 64 : index
    %swap3A_729 = arith.constant 0 : index
    %swap3A_730 = vector.load %arg7[%swap3A_727, %swap3A_728, %swap3A_729] : memref<1x512x512xf32, #tpu.memory_space<vmem>>, vector<1x8x512xf32>
    %swap3A_731 = vector.shape_cast %swap3A_730 : vector<1x8x512xf32> to vector<8x512xf32>
    %swap3A_732 = vector.shape_cast %select_n3A_726 : vector<8x512xf32> to vector<1x8x512xf32>
    tpu.vector_store %arg7[%swap3A_727, %swap3A_728, %swap3A_729], %swap3A_732 {strides = array<i32>} : memref<1x512x512xf32, #tpu.memory_space<vmem>>, vector<1x8x512xf32>,
    %slice3A_733 = vector.extract_strided_slice %transpose3A {offsets = [72, 0], sizes = [8, 1], strides = [1, 1]} : vector<512x8xf32> to vector<8x1xf32>
    %slice3A_734 = vector.extract_strided_slice %transpose3A {offsets = [72, 1], sizes = [8, 1], strides = [1, 1]} : vector<512x8xf32> to vector<8x1xf32>
    %slice3A_735 = vector.extract_strided_slice %transpose3A {offsets = [72, 2], sizes = [8, 1], strides = [1, 1]} : vector<512x8xf32> to vector<8x1xf32>
    %slice3A_736 = vector.extract_strided_slice %transpose3A {offsets = [72, 3], sizes = [8, 1], strides = [1, 1]} : vector<512x8xf32> to vector<8x1xf32>
    %slice3A_737 = vector.extract_strided_slice %transpose3A {offsets = [72, 4], sizes = [8, 1], strides = [1, 1]} : vector<512x8xf32> to vector<8x1xf32>
    %slice3A_738 = vector.extract_strided_slice %transpose3A {offsets = [72, 5], sizes = [8, 1], strides = [1, 1]} : vector<512x8xf32> to vector<8x1xf32>
    %slice3A_739 = vector.extract_strided_slice %transpose3A {offsets = [72, 6], sizes = [8, 1], strides = [1, 1]} : vector<512x8xf32> to vector<8x1xf32>
    %slice3A_740 = vector.extract_strided_slice %transpose3A {offsets = [72, 7], sizes = [8, 1], strides = [1, 1]} : vector<512x8xf32> to vector<8x1xf32>
    %sub3A_741 = vector.broadcast %get3A_3 : vector<1x512xf32> to vector<8x512xf32>
    %sub3A_742 = vector.broadcast %slice3A_733 : vector<8x1xf32> to vector<8x512xf32>
    %sub3A_743 = arith.subf %sub3A_741, %sub3A_742 : vector<8x512xf32>
    %sub3A_744 = vector.broadcast %get3A_13 : vector<1x512xf32> to vector<8x512xf32>
    %sub3A_745 = vector.broadcast %slice3A_734 : vector<8x1xf32> to vector<8x512xf32>
    %sub3A_746 = arith.subf %sub3A_744, %sub3A_745 : vector<8x512xf32>
    %mul3A_747 = arith.mulf %sub3A_743, %sub3A_743 : vector<8x512xf32>
    %mul3A_748 = arith.mulf %sub3A_746, %sub3A_746 : vector<8x512xf32>
    %add3A_749 = arith.addf %mul3A_747, %mul3A_748 : vector<8x512xf32>
    %sub3A_750 = vector.broadcast %slice3A_735 : vector<8x1xf32> to vector<8x512xf32>
    %sub3A_751 = vector.broadcast %mul3A_45 : vector<1x512xf32> to vector<8x512xf32>
    %sub3A_752 = arith.subf %sub3A_750, %sub3A_751 : vector<8x512xf32>
    %mul3A_753 = arith.mulf %sub3A_752, %sub3A_743 : vector<8x512xf32>
    %sub3A_754 = vector.broadcast %slice3A_736 : vector<8x1xf32> to vector<8x512xf32>
    %sub3A_755 = vector.broadcast %mul3A_46 : vector<1x512xf32> to vector<8x512xf32>
    %sub3A_756 = arith.subf %sub3A_754, %sub3A_755 : vector<8x512xf32>
    %mul3A_757 = arith.mulf %sub3A_756, %sub3A_746 : vector<8x512xf32>
    %add3A_758 = arith.addf %mul3A_753, %mul3A_757 : vector<8x512xf32>
    %abs3A_759 = math.absf %add3A_758 : vector<8x512xf32>
    %div3A_760 = arith.divf %abs3A_759, %add3A_749 : vector<8x512xf32>
    %mul3A_761 = vector.broadcast %slice3A_737 : vector<8x1xf32> to vector<8x512xf32>
    %mul3A_762 = arith.mulf %sub3A_743, %mul3A_761 : vector<8x512xf32>
    %mul3A_763 = vector.broadcast %slice3A_738 : vector<8x1xf32> to vector<8x512xf32>
    %mul3A_764 = arith.mulf %sub3A_746, %mul3A_763 : vector<8x512xf32>
    %add3A_765 = arith.addf %mul3A_762, %mul3A_764 : vector<8x512xf32>
    %bitcast_convert_type3A_766 = tpu.bitcast %sub3A_743 : vector<8x512xf32> -> vector<8x512xi32>
    %bitcast_convert_type3A_767 = tpu.bitcast %slice3A_737 : vector<8x1xf32> -> vector<8x1xi32>
    %and3A_768 = vector.broadcast %bitcast_convert_type3A_767 : vector<8x1xi32> to vector<8x512xi32>
    %and3A_769 = arith.andi %bitcast_convert_type3A_766, %and3A_768 : vector<8x512xi32>
    %bitcast_convert_type3A_770 = tpu.bitcast %sub3A_746 : vector<8x512xf32> -> vector<8x512xi32>
    %bitcast_convert_type3A_771 = tpu.bitcast %slice3A_738 : vector<8x1xf32> -> vector<8x1xi32>
    %xor3A_772 = vector.broadcast %bitcast_convert_type3A_771 : vector<8x1xi32> to vector<8x512xi32>
    %xor3A_773 = arith.xori %bitcast_convert_type3A_770, %xor3A_772 : vector<8x512xi32>
    %and3A_774 = arith.andi %and3A_769, %xor3A_773 : vector<8x512xi32>
    %and3A_775 = arith.constant -2147483648 : i32
    %and3A_776 = vector.broadcast %and3A_775 : i32 to vector<8x512xi32>
    %and3A_777 = arith.andi %and3A_774, %and3A_776 : vector<8x512xi32>
    %bitcast_convert_type3A_778 = tpu.bitcast %add3A_765 : vector<8x512xf32> -> vector<8x512xi32>
    %or3A_779 = arith.ori %bitcast_convert_type3A_778, %and3A_777 : vector<8x512xi32>
    %bitcast_convert_type3A_780 = tpu.bitcast %or3A_779 : vector<8x512xi32> -> vector<8x512xf32>
    %mul3A_781 = vector.broadcast %add3A_130 : vector<1x512xf32> to vector<8x512xf32>
    %mul3A_782 = vector.broadcast %slice3A_740 : vector<8x1xf32> to vector<8x512xf32>
    %mul3A_783 = arith.mulf %mul3A_781, %mul3A_782 : vector<8x512xf32>
    %add3A_784 = vector.broadcast %slice3A_739 : vector<8x1xf32> to vector<8x512xf32>
    %add3A_785 = arith.addf %mul3A_783, %add3A_784 : vector<8x512xf32>
    %gt3A_786 = arith.constant 0.000000e+00 : f32
    %gt3A_787 = vector.broadcast %gt3A_786 : f32 to vector<8x512xf32>
    %gt3A_788 = arith.cmpf ogt, %bitcast_convert_type3A_780, %gt3A_787 : vector<8x512xf32>
    %mul3A_789 = arith.mulf %div3A_760, %add3A_785 : vector<8x512xf32>
    %jit3A_790 = arith.constant 0.000000e+00 : f32
    %broadcast_in_dim3A_791 = vector.broadcast %jit3A_790 : f32 to vector<8x512xf32>
    %select_n3A_792 = arith.select %gt3A_788, %mul3A_789, %broadcast_in_dim3A_791 : vector<8x512xi1>, vector<8x512xf32>
    %swap3A_793 = arith.constant 0 : index
    %swap3A_794 = arith.constant 72 : index
    %swap3A_795 = arith.constant 0 : index
    %swap3A_796 = vector.load %arg7[%swap3A_793, %swap3A_794, %swap3A_795] : memref<1x512x512xf32, #tpu.memory_space<vmem>>, vector<1x8x512xf32>
    %swap3A_797 = vector.shape_cast %swap3A_796 : vector<1x8x512xf32> to vector<8x512xf32>
    %swap3A_798 = vector.shape_cast %select_n3A_792 : vector<8x512xf32> to vector<1x8x512xf32>
    tpu.vector_store %arg7[%swap3A_793, %swap3A_794, %swap3A_795], %swap3A_798 {strides = array<i32>} : memref<1x512x512xf32, #tpu.memory_space<vmem>>, vector<1x8x512xf32>,
    %slice3A_799 = vector.extract_strided_slice %transpose3A {offsets = [80, 0], sizes = [8, 1], strides = [1, 1]} : vector<512x8xf32> to vector<8x1xf32>
    %slice3A_800 = vector.extract_strided_slice %transpose3A {offsets = [80, 1], sizes = [8, 1], strides = [1, 1]} : vector<512x8xf32> to vector<8x1xf32>
    %slice3A_801 = vector.extract_strided_slice %transpose3A {offsets = [80, 2], sizes = [8, 1], strides = [1, 1]} : vector<512x8xf32> to vector<8x1xf32>
    %slice3A_802 = vector.extract_strided_slice %transpose3A {offsets = [80, 3], sizes = [8, 1], strides = [1, 1]} : vector<512x8xf32> to vector<8x1xf32>
    %slice3A_803 = vector.extract_strided_slice %transpose3A {offsets = [80, 4], sizes = [8, 1], strides = [1, 1]} : vector<512x8xf32> to vector<8x1xf32>
    %slice3A_804 = vector.extract_strided_slice %transpose3A {offsets = [80, 5], sizes = [8, 1], strides = [1, 1]} : vector<512x8xf32> to vector<8x1xf32>
    %slice3A_805 = vector.extract_strided_slice %transpose3A {offsets = [80, 6], sizes = [8, 1], strides = [1, 1]} : vector<512x8xf32> to vector<8x1xf32>
    %slice3A_806 = vector.extract_strided_slice %transpose3A {offsets = [80, 7], sizes = [8, 1], strides = [1, 1]} : vector<512x8xf32> to vector<8x1xf32>
    %sub3A_807 = vector.broadcast %get3A_3 : vector<1x512xf32> to vector<8x512xf32>
    %sub3A_808 = vector.broadcast %slice3A_799 : vector<8x1xf32> to vector<8x512xf32>
    %sub3A_809 = arith.subf %sub3A_807, %sub3A_808 : vector<8x512xf32>
    %sub3A_810 = vector.broadcast %get3A_13 : vector<1x512xf32> to vector<8x512xf32>
    %sub3A_811 = vector.broadcast %slice3A_800 : vector<8x1xf32> to vector<8x512xf32>
    %sub3A_812 = arith.subf %sub3A_810, %sub3A_811 : vector<8x512xf32>
    %mul3A_813 = arith.mulf %sub3A_809, %sub3A_809 : vector<8x512xf32>
    %mul3A_814 = arith.mulf %sub3A_812, %sub3A_812 : vector<8x512xf32>
    %add3A_815 = arith.addf %mul3A_813, %mul3A_814 : vector<8x512xf32>
    %sub3A_816 = vector.broadcast %slice3A_801 : vector<8x1xf32> to vector<8x512xf32>
    %sub3A_817 = vector.broadcast %mul3A_45 : vector<1x512xf32> to vector<8x512xf32>
    %sub3A_818 = arith.subf %sub3A_816, %sub3A_817 : vector<8x512xf32>
    %mul3A_819 = arith.mulf %sub3A_818, %sub3A_809 : vector<8x512xf32>
    %sub3A_820 = vector.broadcast %slice3A_802 : vector<8x1xf32> to vector<8x512xf32>
    %sub3A_821 = vector.broadcast %mul3A_46 : vector<1x512xf32> to vector<8x512xf32>
    %sub3A_822 = arith.subf %sub3A_820, %sub3A_821 : vector<8x512xf32>
    %mul3A_823 = arith.mulf %sub3A_822, %sub3A_812 : vector<8x512xf32>
    %add3A_824 = arith.addf %mul3A_819, %mul3A_823 : vector<8x512xf32>
    %abs3A_825 = math.absf %add3A_824 : vector<8x512xf32>
    %div3A_826 = arith.divf %abs3A_825, %add3A_815 : vector<8x512xf32>
    %mul3A_827 = vector.broadcast %slice3A_803 : vector<8x1xf32> to vector<8x512xf32>
    %mul3A_828 = arith.mulf %sub3A_809, %mul3A_827 : vector<8x512xf32>
    %mul3A_829 = vector.broadcast %slice3A_804 : vector<8x1xf32> to vector<8x512xf32>
    %mul3A_830 = arith.mulf %sub3A_812, %mul3A_829 : vector<8x512xf32>
    %add3A_831 = arith.addf %mul3A_828, %mul3A_830 : vector<8x512xf32>
    %bitcast_convert_type3A_832 = tpu.bitcast %sub3A_809 : vector<8x512xf32> -> vector<8x512xi32>
    %bitcast_convert_type3A_833 = tpu.bitcast %slice3A_803 : vector<8x1xf32> -> vector<8x1xi32>
    %and3A_834 = vector.broadcast %bitcast_convert_type3A_833 : vector<8x1xi32> to vector<8x512xi32>
    %and3A_835 = arith.andi %bitcast_convert_type3A_832, %and3A_834 : vector<8x512xi32>
    %bitcast_convert_type3A_836 = tpu.bitcast %sub3A_812 : vector<8x512xf32> -> vector<8x512xi32>
    %bitcast_convert_type3A_837 = tpu.bitcast %slice3A_804 : vector<8x1xf32> -> vector<8x1xi32>
    %xor3A_838 = vector.broadcast %bitcast_convert_type3A_837 : vector<8x1xi32> to vector<8x512xi32>
    %xor3A_839 = arith.xori %bitcast_convert_type3A_836, %xor3A_838 : vector<8x512xi32>
    %and3A_840 = arith.andi %and3A_835, %xor3A_839 : vector<8x512xi32>
    %and3A_841 = arith.constant -2147483648 : i32
    %and3A_842 = vector.broadcast %and3A_841 : i32 to vector<8x512xi32>
    %and3A_843 = arith.andi %and3A_840, %and3A_842 : vector<8x512xi32>
    %bitcast_convert_type3A_844 = tpu.bitcast %add3A_831 : vector<8x512xf32> -> vector<8x512xi32>
    %or3A_845 = arith.ori %bitcast_convert_type3A_844, %and3A_843 : vector<8x512xi32>
    %bitcast_convert_type3A_846 = tpu.bitcast %or3A_845 : vector<8x512xi32> -> vector<8x512xf32>
    %mul3A_847 = vector.broadcast %add3A_130 : vector<1x512xf32> to vector<8x512xf32>
    %mul3A_848 = vector.broadcast %slice3A_806 : vector<8x1xf32> to vector<8x512xf32>
    %mul3A_849 = arith.mulf %mul3A_847, %mul3A_848 : vector<8x512xf32>
    %add3A_850 = vector.broadcast %slice3A_805 : vector<8x1xf32> to vector<8x512xf32>
    %add3A_851 = arith.addf %mul3A_849, %add3A_850 : vector<8x512xf32>
    %gt3A_852 = arith.constant 0.000000e+00 : f32
    %gt3A_853 = vector.broadcast %gt3A_852 : f32 to vector<8x512xf32>
    %gt3A_854 = arith.cmpf ogt, %bitcast_convert_type3A_846, %gt3A_853 : vector<8x512xf32>
    %mul3A_855 = arith.mulf %div3A_826, %add3A_851 : vector<8x512xf32>
    %jit3A_856 = arith.constant 0.000000e+00 : f32
    %broadcast_in_dim3A_857 = vector.broadcast %jit3A_856 : f32 to vector<8x512xf32>
    %select_n3A_858 = arith.select %gt3A_854, %mul3A_855, %broadcast_in_dim3A_857 : vector<8x512xi1>, vector<8x512xf32>
    %swap3A_859 = arith.constant 0 : index
    %swap3A_860 = arith.constant 80 : index
    %swap3A_861 = arith.constant 0 : index
    %swap3A_862 = vector.load %arg7[%swap3A_859, %swap3A_860, %swap3A_861] : memref<1x512x512xf32, #tpu.memory_space<vmem>>, vector<1x8x512xf32>
    %swap3A_863 = vector.shape_cast %swap3A_862 : vector<1x8x512xf32> to vector<8x512xf32>
    %swap3A_864 = vector.shape_cast %select_n3A_858 : vector<8x512xf32> to vector<1x8x512xf32>
    tpu.vector_store %arg7[%swap3A_859, %swap3A_860, %swap3A_861], %swap3A_864 {strides = array<i32>} : memref<1x512x512xf32, #tpu.memory_space<vmem>>, vector<1x8x512xf32>,
    %slice3A_865 = vector.extract_strided_slice %transpose3A {offsets = [88, 0], sizes = [8, 1], strides = [1, 1]} : vector<512x8xf32> to vector<8x1xf32>
    %slice3A_866 = vector.extract_strided_slice %transpose3A {offsets = [88, 1], sizes = [8, 1], strides = [1, 1]} : vector<512x8xf32> to vector<8x1xf32>
    %slice3A_867 = vector.extract_strided_slice %transpose3A {offsets = [88, 2], sizes = [8, 1], strides = [1, 1]} : vector<512x8xf32> to vector<8x1xf32>
    %slice3A_868 = vector.extract_strided_slice %transpose3A {offsets = [88, 3], sizes = [8, 1], strides = [1, 1]} : vector<512x8xf32> to vector<8x1xf32>
    %slice3A_869 = vector.extract_strided_slice %transpose3A {offsets = [88, 4], sizes = [8, 1], strides = [1, 1]} : vector<512x8xf32> to vector<8x1xf32>
    %slice3A_870 = vector.extract_strided_slice %transpose3A {offsets = [88, 5], sizes = [8, 1], strides = [1, 1]} : vector<512x8xf32> to vector<8x1xf32>
    %slice3A_871 = vector.extract_strided_slice %transpose3A {offsets = [88, 6], sizes = [8, 1], strides = [1, 1]} : vector<512x8xf32> to vector<8x1xf32>
    %slice3A_872 = vector.extract_strided_slice %transpose3A {offsets = [88, 7], sizes = [8, 1], strides = [1, 1]} : vector<512x8xf32> to vector<8x1xf32>
    %sub3A_873 = vector.broadcast %get3A_3 : vector<1x512xf32> to vector<8x512xf32>
    %sub3A_874 = vector.broadcast %slice3A_865 : vector<8x1xf32> to vector<8x512xf32>
    %sub3A_875 = arith.subf %sub3A_873, %sub3A_874 : vector<8x512xf32>
    %sub3A_876 = vector.broadcast %get3A_13 : vector<1x512xf32> to vector<8x512xf32>
    %sub3A_877 = vector.broadcast %slice3A_866 : vector<8x1xf32> to vector<8x512xf32>
    %sub3A_878 = arith.subf %sub3A_876, %sub3A_877 : vector<8x512xf32>
    %mul3A_879 = arith.mulf %sub3A_875, %sub3A_875 : vector<8x512xf32>
    %mul3A_880 = arith.mulf %sub3A_878, %sub3A_878 : vector<8x512xf32>
    %add3A_881 = arith.addf %mul3A_879, %mul3A_880 : vector<8x512xf32>
    %sub3A_882 = vector.broadcast %slice3A_867 : vector<8x1xf32> to vector<8x512xf32>
    %sub3A_883 = vector.broadcast %mul3A_45 : vector<1x512xf32> to vector<8x512xf32>
    %sub3A_884 = arith.subf %sub3A_882, %sub3A_883 : vector<8x512xf32>
    %mul3A_885 = arith.mulf %sub3A_884, %sub3A_875 : vector<8x512xf32>
    %sub3A_886 = vector.broadcast %slice3A_868 : vector<8x1xf32> to vector<8x512xf32>
    %sub3A_887 = vector.broadcast %mul3A_46 : vector<1x512xf32> to vector<8x512xf32>
    %sub3A_888 = arith.subf %sub3A_886, %sub3A_887 : vector<8x512xf32>
    %mul3A_889 = arith.mulf %sub3A_888, %sub3A_878 : vector<8x512xf32>
    %add3A_890 = arith.addf %mul3A_885, %mul3A_889 : vector<8x512xf32>
    %abs3A_891 = math.absf %add3A_890 : vector<8x512xf32>
    %div3A_892 = arith.divf %abs3A_891, %add3A_881 : vector<8x512xf32>
    %mul3A_893 = vector.broadcast %slice3A_869 : vector<8x1xf32> to vector<8x512xf32>
    %mul3A_894 = arith.mulf %sub3A_875, %mul3A_893 : vector<8x512xf32>
    %mul3A_895 = vector.broadcast %slice3A_870 : vector<8x1xf32> to vector<8x512xf32>
    %mul3A_896 = arith.mulf %sub3A_878, %mul3A_895 : vector<8x512xf32>
    %add3A_897 = arith.addf %mul3A_894, %mul3A_896 : vector<8x512xf32>
    %bitcast_convert_type3A_898 = tpu.bitcast %sub3A_875 : vector<8x512xf32> -> vector<8x512xi32>
    %bitcast_convert_type3A_899 = tpu.bitcast %slice3A_869 : vector<8x1xf32> -> vector<8x1xi32>
    %and3A_900 = vector.broadcast %bitcast_convert_type3A_899 : vector<8x1xi32> to vector<8x512xi32>
    %and3A_901 = arith.andi %bitcast_convert_type3A_898, %and3A_900 : vector<8x512xi32>
    %bitcast_convert_type3A_902 = tpu.bitcast %sub3A_878 : vector<8x512xf32> -> vector<8x512xi32>
    %bitcast_convert_type3A_903 = tpu.bitcast %slice3A_870 : vector<8x1xf32> -> vector<8x1xi32>
    %xor3A_904 = vector.broadcast %bitcast_convert_type3A_903 : vector<8x1xi32> to vector<8x512xi32>
    %xor3A_905 = arith.xori %bitcast_convert_type3A_902, %xor3A_904 : vector<8x512xi32>
    %and3A_906 = arith.andi %and3A_901, %xor3A_905 : vector<8x512xi32>
    %and3A_907 = arith.constant -2147483648 : i32
    %and3A_908 = vector.broadcast %and3A_907 : i32 to vector<8x512xi32>
    %and3A_909 = arith.andi %and3A_906, %and3A_908 : vector<8x512xi32>
    %bitcast_convert_type3A_910 = tpu.bitcast %add3A_897 : vector<8x512xf32> -> vector<8x512xi32>
    %or3A_911 = arith.ori %bitcast_convert_type3A_910, %and3A_909 : vector<8x512xi32>
    %bitcast_convert_type3A_912 = tpu.bitcast %or3A_911 : vector<8x512xi32> -> vector<8x512xf32>
    %mul3A_913 = vector.broadcast %add3A_130 : vector<1x512xf32> to vector<8x512xf32>
    %mul3A_914 = vector.broadcast %slice3A_872 : vector<8x1xf32> to vector<8x512xf32>
    %mul3A_915 = arith.mulf %mul3A_913, %mul3A_914 : vector<8x512xf32>
    %add3A_916 = vector.broadcast %slice3A_871 : vector<8x1xf32> to vector<8x512xf32>
    %add3A_917 = arith.addf %mul3A_915, %add3A_916 : vector<8x512xf32>
    %gt3A_918 = arith.constant 0.000000e+00 : f32
    %gt3A_919 = vector.broadcast %gt3A_918 : f32 to vector<8x512xf32>
    %gt3A_920 = arith.cmpf ogt, %bitcast_convert_type3A_912, %gt3A_919 : vector<8x512xf32>
    %mul3A_921 = arith.mulf %div3A_892, %add3A_917 : vector<8x512xf32>
    %jit3A_922 = arith.constant 0.000000e+00 : f32
    %broadcast_in_dim3A_923 = vector.broadcast %jit3A_922 : f32 to vector<8x512xf32>
    %select_n3A_924 = arith.select %gt3A_920, %mul3A_921, %broadcast_in_dim3A_923 : vector<8x512xi1>, vector<8x512xf32>
    %swap3A_925 = arith.constant 0 : index
    %swap3A_926 = arith.constant 88 : index
    %swap3A_927 = arith.constant 0 : index
    %swap3A_928 = vector.load %arg7[%swap3A_925, %swap3A_926, %swap3A_927] : memref<1x512x512xf32, #tpu.memory_space<vmem>>, vector<1x8x512xf32>
    %swap3A_929 = vector.shape_cast %swap3A_928 : vector<1x8x512xf32> to vector<8x512xf32>
    %swap3A_930 = vector.shape_cast %select_n3A_924 : vector<8x512xf32> to vector<1x8x512xf32>
    tpu.vector_store %arg7[%swap3A_925, %swap3A_926, %swap3A_927], %swap3A_930 {strides = array<i32>} : memref<1x512x512xf32, #tpu.memory_space<vmem>>, vector<1x8x512xf32>,
    %slice3A_931 = vector.extract_strided_slice %transpose3A {offsets = [96, 0], sizes = [8, 1], strides = [1, 1]} : vector<512x8xf32> to vector<8x1xf32>
    %slice3A_932 = vector.extract_strided_slice %transpose3A {offsets = [96, 1], sizes = [8, 1], strides = [1, 1]} : vector<512x8xf32> to vector<8x1xf32>
    %slice3A_933 = vector.extract_strided_slice %transpose3A {offsets = [96, 2], sizes = [8, 1], strides = [1, 1]} : vector<512x8xf32> to vector<8x1xf32>
    %slice3A_934 = vector.extract_strided_slice %transpose3A {offsets = [96, 3], sizes = [8, 1], strides = [1, 1]} : vector<512x8xf32> to vector<8x1xf32>
    %slice3A_935 = vector.extract_strided_slice %transpose3A {offsets = [96, 4], sizes = [8, 1], strides = [1, 1]} : vector<512x8xf32> to vector<8x1xf32>
    %slice3A_936 = vector.extract_strided_slice %transpose3A {offsets = [96, 5], sizes = [8, 1], strides = [1, 1]} : vector<512x8xf32> to vector<8x1xf32>
    %slice3A_937 = vector.extract_strided_slice %transpose3A {offsets = [96, 6], sizes = [8, 1], strides = [1, 1]} : vector<512x8xf32> to vector<8x1xf32>
    %slice3A_938 = vector.extract_strided_slice %transpose3A {offsets = [96, 7], sizes = [8, 1], strides = [1, 1]} : vector<512x8xf32> to vector<8x1xf32>
    %sub3A_939 = vector.broadcast %get3A_3 : vector<1x512xf32> to vector<8x512xf32>
    %sub3A_940 = vector.broadcast %slice3A_931 : vector<8x1xf32> to vector<8x512xf32>
    %sub3A_941 = arith.subf %sub3A_939, %sub3A_940 : vector<8x512xf32>
    %sub3A_942 = vector.broadcast %get3A_13 : vector<1x512xf32> to vector<8x512xf32>
    %sub3A_943 = vector.broadcast %slice3A_932 : vector<8x1xf32> to vector<8x512xf32>
    %sub3A_944 = arith.subf %sub3A_942, %sub3A_943 : vector<8x512xf32>
    %mul3A_945 = arith.mulf %sub3A_941, %sub3A_941 : vector<8x512xf32>
    %mul3A_946 = arith.mulf %sub3A_944, %sub3A_944 : vector<8x512xf32>
    %add3A_947 = arith.addf %mul3A_945, %mul3A_946 : vector<8x512xf32>
    %sub3A_948 = vector.broadcast %slice3A_933 : vector<8x1xf32> to vector<8x512xf32>
    %sub3A_949 = vector.broadcast %mul3A_45 : vector<1x512xf32> to vector<8x512xf32>
    %sub3A_950 = arith.subf %sub3A_948, %sub3A_949 : vector<8x512xf32>
    %mul3A_951 = arith.mulf %sub3A_950, %sub3A_941 : vector<8x512xf32>
    %sub3A_952 = vector.broadcast %slice3A_934 : vector<8x1xf32> to vector<8x512xf32>
    %sub3A_953 = vector.broadcast %mul3A_46 : vector<1x512xf32> to vector<8x512xf32>
    %sub3A_954 = arith.subf %sub3A_952, %sub3A_953 : vector<8x512xf32>
    %mul3A_955 = arith.mulf %sub3A_954, %sub3A_944 : vector<8x512xf32>
    %add3A_956 = arith.addf %mul3A_951, %mul3A_955 : vector<8x512xf32>
    %abs3A_957 = math.absf %add3A_956 : vector<8x512xf32>
    %div3A_958 = arith.divf %abs3A_957, %add3A_947 : vector<8x512xf32>
    %mul3A_959 = vector.broadcast %slice3A_935 : vector<8x1xf32> to vector<8x512xf32>
    %mul3A_960 = arith.mulf %sub3A_941, %mul3A_959 : vector<8x512xf32>
    %mul3A_961 = vector.broadcast %slice3A_936 : vector<8x1xf32> to vector<8x512xf32>
    %mul3A_962 = arith.mulf %sub3A_944, %mul3A_961 : vector<8x512xf32>
    %add3A_963 = arith.addf %mul3A_960, %mul3A_962 : vector<8x512xf32>
    %bitcast_convert_type3A_964 = tpu.bitcast %sub3A_941 : vector<8x512xf32> -> vector<8x512xi32>
    %bitcast_convert_type3A_965 = tpu.bitcast %slice3A_935 : vector<8x1xf32> -> vector<8x1xi32>
    %and3A_966 = vector.broadcast %bitcast_convert_type3A_965 : vector<8x1xi32> to vector<8x512xi32>
    %and3A_967 = arith.andi %bitcast_convert_type3A_964, %and3A_966 : vector<8x512xi32>
    %bitcast_convert_type3A_968 = tpu.bitcast %sub3A_944 : vector<8x512xf32> -> vector<8x512xi32>
    %bitcast_convert_type3A_969 = tpu.bitcast %slice3A_936 : vector<8x1xf32> -> vector<8x1xi32>
    %xor3A_970 = vector.broadcast %bitcast_convert_type3A_969 : vector<8x1xi32> to vector<8x512xi32>
    %xor3A_971 = arith.xori %bitcast_convert_type3A_968, %xor3A_970 : vector<8x512xi32>
    %and3A_972 = arith.andi %and3A_967, %xor3A_971 : vector<8x512xi32>
    %and3A_973 = arith.constant -2147483648 : i32
    %and3A_974 = vector.broadcast %and3A_973 : i32 to vector<8x512xi32>
    %and3A_975 = arith.andi %and3A_972, %and3A_974 : vector<8x512xi32>
    %bitcast_convert_type3A_976 = tpu.bitcast %add3A_963 : vector<8x512xf32> -> vector<8x512xi32>
    %or3A_977 = arith.ori %bitcast_convert_type3A_976, %and3A_975 : vector<8x512xi32>
    %bitcast_convert_type3A_978 = tpu.bitcast %or3A_977 : vector<8x512xi32> -> vector<8x512xf32>
    %mul3A_979 = vector.broadcast %add3A_130 : vector<1x512xf32> to vector<8x512xf32>
    %mul3A_980 = vector.broadcast %slice3A_938 : vector<8x1xf32> to vector<8x512xf32>
    %mul3A_981 = arith.mulf %mul3A_979, %mul3A_980 : vector<8x512xf32>
    %add3A_982 = vector.broadcast %slice3A_937 : vector<8x1xf32> to vector<8x512xf32>
    %add3A_983 = arith.addf %mul3A_981, %add3A_982 : vector<8x512xf32>
    %gt3A_984 = arith.constant 0.000000e+00 : f32
    %gt3A_985 = vector.broadcast %gt3A_984 : f32 to vector<8x512xf32>
    %gt3A_986 = arith.cmpf ogt, %bitcast_convert_type3A_978, %gt3A_985 : vector<8x512xf32>
    %mul3A_987 = arith.mulf %div3A_958, %add3A_983 : vector<8x512xf32>
    %jit3A_988 = arith.constant 0.000000e+00 : f32
    %broadcast_in_dim3A_989 = vector.broadcast %jit3A_988 : f32 to vector<8x512xf32>
    %select_n3A_990 = arith.select %gt3A_986, %mul3A_987, %broadcast_in_dim3A_989 : vector<8x512xi1>, vector<8x512xf32>
    %swap3A_991 = arith.constant 0 : index
    %swap3A_992 = arith.constant 96 : index
    %swap3A_993 = arith.constant 0 : index
    %swap3A_994 = vector.load %arg7[%swap3A_991, %swap3A_992, %swap3A_993] : memref<1x512x512xf32, #tpu.memory_space<vmem>>, vector<1x8x512xf32>
    %swap3A_995 = vector.shape_cast %swap3A_994 : vector<1x8x512xf32> to vector<8x512xf32>
    %swap3A_996 = vector.shape_cast %select_n3A_990 : vector<8x512xf32> to vector<1x8x512xf32>
    tpu.vector_store %arg7[%swap3A_991, %swap3A_992, %swap3A_993], %swap3A_996 {strides = array<i32>} : memref<1x512x512xf32, #tpu.memory_space<vmem>>, vector<1x8x512xf32>,
    %slice3A_997 = vector.extract_strided_slice %transpose3A {offsets = [104, 0], sizes = [8, 1], strides = [1, 1]} : vector<512x8xf32> to vector<8x1xf32>
    %slice3A_998 = vector.extract_strided_slice %transpose3A {offsets = [104, 1], sizes = [8, 1], strides = [1, 1]} : vector<512x8xf32> to vector<8x1xf32>
    %slice3A_999 = vector.extract_strided_slice %transpose3A {offsets = [104, 2], sizes = [8, 1], strides = [1, 1]} : vector<512x8xf32> to vector<8x1xf32>
    %slice3A_1000 = vector.extract_strided_slice %transpose3A {offsets = [104, 3], sizes = [8, 1], strides = [1, 1]} : vector<512x8xf32> to vector<8x1xf32>
    %slice3A_1001 = vector.extract_strided_slice %transpose3A {offsets = [104, 4], sizes = [8, 1], strides = [1, 1]} : vector<512x8xf32> to vector<8x1xf32>
    %slice3A_1002 = vector.extract_strided_slice %transpose3A {offsets = [104, 5], sizes = [8, 1], strides = [1, 1]} : vector<512x8xf32> to vector<8x1xf32>
    %slice3A_1003 = vector.extract_strided_slice %transpose3A {offsets = [104, 6], sizes = [8, 1], strides = [1, 1]} : vector<512x8xf32> to vector<8x1xf32>
    %slice3A_1004 = vector.extract_strided_slice %transpose3A {offsets = [104, 7], sizes = [8, 1], strides = [1, 1]} : vector<512x8xf32> to vector<8x1xf32>
    %sub3A_1005 = vector.broadcast %get3A_3 : vector<1x512xf32> to vector<8x512xf32>
    %sub3A_1006 = vector.broadcast %slice3A_997 : vector<8x1xf32> to vector<8x512xf32>
    %sub3A_1007 = arith.subf %sub3A_1005, %sub3A_1006 : vector<8x512xf32>
    %sub3A_1008 = vector.broadcast %get3A_13 : vector<1x512xf32> to vector<8x512xf32>
    %sub3A_1009 = vector.broadcast %slice3A_998 : vector<8x1xf32> to vector<8x512xf32>
    %sub3A_1010 = arith.subf %sub3A_1008, %sub3A_1009 : vector<8x512xf32>
    %mul3A_1011 = arith.mulf %sub3A_1007, %sub3A_1007 : vector<8x512xf32>
    %mul3A_1012 = arith.mulf %sub3A_1010, %sub3A_1010 : vector<8x512xf32>
    %add3A_1013 = arith.addf %mul3A_1011, %mul3A_1012 : vector<8x512xf32>
    %sub3A_1014 = vector.broadcast %slice3A_999 : vector<8x1xf32> to vector<8x512xf32>
    %sub3A_1015 = vector.broadcast %mul3A_45 : vector<1x512xf32> to vector<8x512xf32>
    %sub3A_1016 = arith.subf %sub3A_1014, %sub3A_1015 : vector<8x512xf32>
    %mul3A_1017 = arith.mulf %sub3A_1016, %sub3A_1007 : vector<8x512xf32>
    %sub3A_1018 = vector.broadcast %slice3A_1000 : vector<8x1xf32> to vector<8x512xf32>
    %sub3A_1019 = vector.broadcast %mul3A_46 : vector<1x512xf32> to vector<8x512xf32>
    %sub3A_1020 = arith.subf %sub3A_1018, %sub3A_1019 : vector<8x512xf32>
    %mul3A_1021 = arith.mulf %sub3A_1020, %sub3A_1010 : vector<8x512xf32>
    %add3A_1022 = arith.addf %mul3A_1017, %mul3A_1021 : vector<8x512xf32>
    %abs3A_1023 = math.absf %add3A_1022 : vector<8x512xf32>
    %div3A_1024 = arith.divf %abs3A_1023, %add3A_1013 : vector<8x512xf32>
    %mul3A_1025 = vector.broadcast %slice3A_1001 : vector<8x1xf32> to vector<8x512xf32>
    %mul3A_1026 = arith.mulf %sub3A_1007, %mul3A_1025 : vector<8x512xf32>
    %mul3A_1027 = vector.broadcast %slice3A_1002 : vector<8x1xf32> to vector<8x512xf32>
    %mul3A_1028 = arith.mulf %sub3A_1010, %mul3A_1027 : vector<8x512xf32>
    %add3A_1029 = arith.addf %mul3A_1026, %mul3A_1028 : vector<8x512xf32>
    %bitcast_convert_type3A_1030 = tpu.bitcast %sub3A_1007 : vector<8x512xf32> -> vector<8x512xi32>
    %bitcast_convert_type3A_1031 = tpu.bitcast %slice3A_1001 : vector<8x1xf32> -> vector<8x1xi32>
    %and3A_1032 = vector.broadcast %bitcast_convert_type3A_1031 : vector<8x1xi32> to vector<8x512xi32>
    %and3A_1033 = arith.andi %bitcast_convert_type3A_1030, %and3A_1032 : vector<8x512xi32>
    %bitcast_convert_type3A_1034 = tpu.bitcast %sub3A_1010 : vector<8x512xf32> -> vector<8x512xi32>
    %bitcast_convert_type3A_1035 = tpu.bitcast %slice3A_1002 : vector<8x1xf32> -> vector<8x1xi32>
    %xor3A_1036 = vector.broadcast %bitcast_convert_type3A_1035 : vector<8x1xi32> to vector<8x512xi32>
    %xor3A_1037 = arith.xori %bitcast_convert_type3A_1034, %xor3A_1036 : vector<8x512xi32>
    %and3A_1038 = arith.andi %and3A_1033, %xor3A_1037 : vector<8x512xi32>
    %and3A_1039 = arith.constant -2147483648 : i32
    %and3A_1040 = vector.broadcast %and3A_1039 : i32 to vector<8x512xi32>
    %and3A_1041 = arith.andi %and3A_1038, %and3A_1040 : vector<8x512xi32>
    %bitcast_convert_type3A_1042 = tpu.bitcast %add3A_1029 : vector<8x512xf32> -> vector<8x512xi32>
    %or3A_1043 = arith.ori %bitcast_convert_type3A_1042, %and3A_1041 : vector<8x512xi32>
    %bitcast_convert_type3A_1044 = tpu.bitcast %or3A_1043 : vector<8x512xi32> -> vector<8x512xf32>
    %mul3A_1045 = vector.broadcast %add3A_130 : vector<1x512xf32> to vector<8x512xf32>
    %mul3A_1046 = vector.broadcast %slice3A_1004 : vector<8x1xf32> to vector<8x512xf32>
    %mul3A_1047 = arith.mulf %mul3A_1045, %mul3A_1046 : vector<8x512xf32>
    %add3A_1048 = vector.broadcast %slice3A_1003 : vector<8x1xf32> to vector<8x512xf32>
    %add3A_1049 = arith.addf %mul3A_1047, %add3A_1048 : vector<8x512xf32>
    %gt3A_1050 = arith.constant 0.000000e+00 : f32
    %gt3A_1051 = vector.broadcast %gt3A_1050 : f32 to vector<8x512xf32>
    %gt3A_1052 = arith.cmpf ogt, %bitcast_convert_type3A_1044, %gt3A_1051 : vector<8x512xf32>
    %mul3A_1053 = arith.mulf %div3A_1024, %add3A_1049 : vector<8x512xf32>
    %jit3A_1054 = arith.constant 0.000000e+00 : f32
    %broadcast_in_dim3A_1055 = vector.broadcast %jit3A_1054 : f32 to vector<8x512xf32>
    %select_n3A_1056 = arith.select %gt3A_1052, %mul3A_1053, %broadcast_in_dim3A_1055 : vector<8x512xi1>, vector<8x512xf32>
    %swap3A_1057 = arith.constant 0 : index
    %swap3A_1058 = arith.constant 104 : index
    %swap3A_1059 = arith.constant 0 : index
    %swap3A_1060 = vector.load %arg7[%swap3A_1057, %swap3A_1058, %swap3A_1059] : memref<1x512x512xf32, #tpu.memory_space<vmem>>, vector<1x8x512xf32>
    %swap3A_1061 = vector.shape_cast %swap3A_1060 : vector<1x8x512xf32> to vector<8x512xf32>
    %swap3A_1062 = vector.shape_cast %select_n3A_1056 : vector<8x512xf32> to vector<1x8x512xf32>
    tpu.vector_store %arg7[%swap3A_1057, %swap3A_1058, %swap3A_1059], %swap3A_1062 {strides = array<i32>} : memref<1x512x512xf32, #tpu.memory_space<vmem>>, vector<1x8x512xf32>,
    %slice3A_1063 = vector.extract_strided_slice %transpose3A {offsets = [112, 0], sizes = [8, 1], strides = [1, 1]} : vector<512x8xf32> to vector<8x1xf32>
    %slice3A_1064 = vector.extract_strided_slice %transpose3A {offsets = [112, 1], sizes = [8, 1], strides = [1, 1]} : vector<512x8xf32> to vector<8x1xf32>
    %slice3A_1065 = vector.extract_strided_slice %transpose3A {offsets = [112, 2], sizes = [8, 1], strides = [1, 1]} : vector<512x8xf32> to vector<8x1xf32>
    %slice3A_1066 = vector.extract_strided_slice %transpose3A {offsets = [112, 3], sizes = [8, 1], strides = [1, 1]} : vector<512x8xf32> to vector<8x1xf32>
    %slice3A_1067 = vector.extract_strided_slice %transpose3A {offsets = [112, 4], sizes = [8, 1], strides = [1, 1]} : vector<512x8xf32> to vector<8x1xf32>
    %slice3A_1068 = vector.extract_strided_slice %transpose3A {offsets = [112, 5], sizes = [8, 1], strides = [1, 1]} : vector<512x8xf32> to vector<8x1xf32>
    %slice3A_1069 = vector.extract_strided_slice %transpose3A {offsets = [112, 6], sizes = [8, 1], strides = [1, 1]} : vector<512x8xf32> to vector<8x1xf32>
    %slice3A_1070 = vector.extract_strided_slice %transpose3A {offsets = [112, 7], sizes = [8, 1], strides = [1, 1]} : vector<512x8xf32> to vector<8x1xf32>
    %sub3A_1071 = vector.broadcast %get3A_3 : vector<1x512xf32> to vector<8x512xf32>
    %sub3A_1072 = vector.broadcast %slice3A_1063 : vector<8x1xf32> to vector<8x512xf32>
    %sub3A_1073 = arith.subf %sub3A_1071, %sub3A_1072 : vector<8x512xf32>
    %sub3A_1074 = vector.broadcast %get3A_13 : vector<1x512xf32> to vector<8x512xf32>
    %sub3A_1075 = vector.broadcast %slice3A_1064 : vector<8x1xf32> to vector<8x512xf32>
    %sub3A_1076 = arith.subf %sub3A_1074, %sub3A_1075 : vector<8x512xf32>
    %mul3A_1077 = arith.mulf %sub3A_1073, %sub3A_1073 : vector<8x512xf32>
    %mul3A_1078 = arith.mulf %sub3A_1076, %sub3A_1076 : vector<8x512xf32>
    %add3A_1079 = arith.addf %mul3A_1077, %mul3A_1078 : vector<8x512xf32>
    %sub3A_1080 = vector.broadcast %slice3A_1065 : vector<8x1xf32> to vector<8x512xf32>
    %sub3A_1081 = vector.broadcast %mul3A_45 : vector<1x512xf32> to vector<8x512xf32>
    %sub3A_1082 = arith.subf %sub3A_1080, %sub3A_1081 : vector<8x512xf32>
    %mul3A_1083 = arith.mulf %sub3A_1082, %sub3A_1073 : vector<8x512xf32>
    %sub3A_1084 = vector.broadcast %slice3A_1066 : vector<8x1xf32> to vector<8x512xf32>
    %sub3A_1085 = vector.broadcast %mul3A_46 : vector<1x512xf32> to vector<8x512xf32>
    %sub3A_1086 = arith.subf %sub3A_1084, %sub3A_1085 : vector<8x512xf32>
    %mul3A_1087 = arith.mulf %sub3A_1086, %sub3A_1076 : vector<8x512xf32>
    %add3A_1088 = arith.addf %mul3A_1083, %mul3A_1087 : vector<8x512xf32>
    %abs3A_1089 = math.absf %add3A_1088 : vector<8x512xf32>
    %div3A_1090 = arith.divf %abs3A_1089, %add3A_1079 : vector<8x512xf32>
    %mul3A_1091 = vector.broadcast %slice3A_1067 : vector<8x1xf32> to vector<8x512xf32>
    %mul3A_1092 = arith.mulf %sub3A_1073, %mul3A_1091 : vector<8x512xf32>
    %mul3A_1093 = vector.broadcast %slice3A_1068 : vector<8x1xf32> to vector<8x512xf32>
    %mul3A_1094 = arith.mulf %sub3A_1076, %mul3A_1093 : vector<8x512xf32>
    %add3A_1095 = arith.addf %mul3A_1092, %mul3A_1094 : vector<8x512xf32>
    %bitcast_convert_type3A_1096 = tpu.bitcast %sub3A_1073 : vector<8x512xf32> -> vector<8x512xi32>
    %bitcast_convert_type3A_1097 = tpu.bitcast %slice3A_1067 : vector<8x1xf32> -> vector<8x1xi32>
    %and3A_1098 = vector.broadcast %bitcast_convert_type3A_1097 : vector<8x1xi32> to vector<8x512xi32>
    %and3A_1099 = arith.andi %bitcast_convert_type3A_1096, %and3A_1098 : vector<8x512xi32>
    %bitcast_convert_type3A_1100 = tpu.bitcast %sub3A_1076 : vector<8x512xf32> -> vector<8x512xi32>
    %bitcast_convert_type3A_1101 = tpu.bitcast %slice3A_1068 : vector<8x1xf32> -> vector<8x1xi32>
    %xor3A_1102 = vector.broadcast %bitcast_convert_type3A_1101 : vector<8x1xi32> to vector<8x512xi32>
    %xor3A_1103 = arith.xori %bitcast_convert_type3A_1100, %xor3A_1102 : vector<8x512xi32>
    %and3A_1104 = arith.andi %and3A_1099, %xor3A_1103 : vector<8x512xi32>
    %and3A_1105 = arith.constant -2147483648 : i32
    %and3A_1106 = vector.broadcast %and3A_1105 : i32 to vector<8x512xi32>
    %and3A_1107 = arith.andi %and3A_1104, %and3A_1106 : vector<8x512xi32>
    %bitcast_convert_type3A_1108 = tpu.bitcast %add3A_1095 : vector<8x512xf32> -> vector<8x512xi32>
    %or3A_1109 = arith.ori %bitcast_convert_type3A_1108, %and3A_1107 : vector<8x512xi32>
    %bitcast_convert_type3A_1110 = tpu.bitcast %or3A_1109 : vector<8x512xi32> -> vector<8x512xf32>
    %mul3A_1111 = vector.broadcast %add3A_130 : vector<1x512xf32> to vector<8x512xf32>
    %mul3A_1112 = vector.broadcast %slice3A_1070 : vector<8x1xf32> to vector<8x512xf32>
    %mul3A_1113 = arith.mulf %mul3A_1111, %mul3A_1112 : vector<8x512xf32>
    %add3A_1114 = vector.broadcast %slice3A_1069 : vector<8x1xf32> to vector<8x512xf32>
    %add3A_1115 = arith.addf %mul3A_1113, %add3A_1114 : vector<8x512xf32>
    %gt3A_1116 = arith.constant 0.000000e+00 : f32
    %gt3A_1117 = vector.broadcast %gt3A_1116 : f32 to vector<8x512xf32>
    %gt3A_1118 = arith.cmpf ogt, %bitcast_convert_type3A_1110, %gt3A_1117 : vector<8x512xf32>
    %mul3A_1119 = arith.mulf %div3A_1090, %add3A_1115 : vector<8x512xf32>
    %jit3A_1120 = arith.constant 0.000000e+00 : f32
    %broadcast_in_dim3A_1121 = vector.broadcast %jit3A_1120 : f32 to vector<8x512xf32>
    %select_n3A_1122 = arith.select %gt3A_1118, %mul3A_1119, %broadcast_in_dim3A_1121 : vector<8x512xi1>, vector<8x512xf32>
    %swap3A_1123 = arith.constant 0 : index
    %swap3A_1124 = arith.constant 112 : index
    %swap3A_1125 = arith.constant 0 : index
    %swap3A_1126 = vector.load %arg7[%swap3A_1123, %swap3A_1124, %swap3A_1125] : memref<1x512x512xf32, #tpu.memory_space<vmem>>, vector<1x8x512xf32>
    %swap3A_1127 = vector.shape_cast %swap3A_1126 : vector<1x8x512xf32> to vector<8x512xf32>
    %swap3A_1128 = vector.shape_cast %select_n3A_1122 : vector<8x512xf32> to vector<1x8x512xf32>
    tpu.vector_store %arg7[%swap3A_1123, %swap3A_1124, %swap3A_1125], %swap3A_1128 {strides = array<i32>} : memref<1x512x512xf32, #tpu.memory_space<vmem>>, vector<1x8x512xf32>,
    %slice3A_1129 = vector.extract_strided_slice %transpose3A {offsets = [120, 0], sizes = [8, 1], strides = [1, 1]} : vector<512x8xf32> to vector<8x1xf32>
    %slice3A_1130 = vector.extract_strided_slice %transpose3A {offsets = [120, 1], sizes = [8, 1], strides = [1, 1]} : vector<512x8xf32> to vector<8x1xf32>
    %slice3A_1131 = vector.extract_strided_slice %transpose3A {offsets = [120, 2], sizes = [8, 1], strides = [1, 1]} : vector<512x8xf32> to vector<8x1xf32>
    %slice3A_1132 = vector.extract_strided_slice %transpose3A {offsets = [120, 3], sizes = [8, 1], strides = [1, 1]} : vector<512x8xf32> to vector<8x1xf32>
    %slice3A_1133 = vector.extract_strided_slice %transpose3A {offsets = [120, 4], sizes = [8, 1], strides = [1, 1]} : vector<512x8xf32> to vector<8x1xf32>
    %slice3A_1134 = vector.extract_strided_slice %transpose3A {offsets = [120, 5], sizes = [8, 1], strides = [1, 1]} : vector<512x8xf32> to vector<8x1xf32>
    %slice3A_1135 = vector.extract_strided_slice %transpose3A {offsets = [120, 6], sizes = [8, 1], strides = [1, 1]} : vector<512x8xf32> to vector<8x1xf32>
    %slice3A_1136 = vector.extract_strided_slice %transpose3A {offsets = [120, 7], sizes = [8, 1], strides = [1, 1]} : vector<512x8xf32> to vector<8x1xf32>
    %sub3A_1137 = vector.broadcast %get3A_3 : vector<1x512xf32> to vector<8x512xf32>
    %sub3A_1138 = vector.broadcast %slice3A_1129 : vector<8x1xf32> to vector<8x512xf32>
    %sub3A_1139 = arith.subf %sub3A_1137, %sub3A_1138 : vector<8x512xf32>
    %sub3A_1140 = vector.broadcast %get3A_13 : vector<1x512xf32> to vector<8x512xf32>
    %sub3A_1141 = vector.broadcast %slice3A_1130 : vector<8x1xf32> to vector<8x512xf32>
    %sub3A_1142 = arith.subf %sub3A_1140, %sub3A_1141 : vector<8x512xf32>
    %mul3A_1143 = arith.mulf %sub3A_1139, %sub3A_1139 : vector<8x512xf32>
    %mul3A_1144 = arith.mulf %sub3A_1142, %sub3A_1142 : vector<8x512xf32>
    %add3A_1145 = arith.addf %mul3A_1143, %mul3A_1144 : vector<8x512xf32>
    %sub3A_1146 = vector.broadcast %slice3A_1131 : vector<8x1xf32> to vector<8x512xf32>
    %sub3A_1147 = vector.broadcast %mul3A_45 : vector<1x512xf32> to vector<8x512xf32>
    %sub3A_1148 = arith.subf %sub3A_1146, %sub3A_1147 : vector<8x512xf32>
    %mul3A_1149 = arith.mulf %sub3A_1148, %sub3A_1139 : vector<8x512xf32>
    %sub3A_1150 = vector.broadcast %slice3A_1132 : vector<8x1xf32> to vector<8x512xf32>
    %sub3A_1151 = vector.broadcast %mul3A_46 : vector<1x512xf32> to vector<8x512xf32>
    %sub3A_1152 = arith.subf %sub3A_1150, %sub3A_1151 : vector<8x512xf32>
    %mul3A_1153 = arith.mulf %sub3A_1152, %sub3A_1142 : vector<8x512xf32>
    %add3A_1154 = arith.addf %mul3A_1149, %mul3A_1153 : vector<8x512xf32>
    %abs3A_1155 = math.absf %add3A_1154 : vector<8x512xf32>
    %div3A_1156 = arith.divf %abs3A_1155, %add3A_1145 : vector<8x512xf32>
    %mul3A_1157 = vector.broadcast %slice3A_1133 : vector<8x1xf32> to vector<8x512xf32>
    %mul3A_1158 = arith.mulf %sub3A_1139, %mul3A_1157 : vector<8x512xf32>
    %mul3A_1159 = vector.broadcast %slice3A_1134 : vector<8x1xf32> to vector<8x512xf32>
    %mul3A_1160 = arith.mulf %sub3A_1142, %mul3A_1159 : vector<8x512xf32>
    %add3A_1161 = arith.addf %mul3A_1158, %mul3A_1160 : vector<8x512xf32>
    %bitcast_convert_type3A_1162 = tpu.bitcast %sub3A_1139 : vector<8x512xf32> -> vector<8x512xi32>
    %bitcast_convert_type3A_1163 = tpu.bitcast %slice3A_1133 : vector<8x1xf32> -> vector<8x1xi32>
    %and3A_1164 = vector.broadcast %bitcast_convert_type3A_1163 : vector<8x1xi32> to vector<8x512xi32>
    %and3A_1165 = arith.andi %bitcast_convert_type3A_1162, %and3A_1164 : vector<8x512xi32>
    %bitcast_convert_type3A_1166 = tpu.bitcast %sub3A_1142 : vector<8x512xf32> -> vector<8x512xi32>
    %bitcast_convert_type3A_1167 = tpu.bitcast %slice3A_1134 : vector<8x1xf32> -> vector<8x1xi32>
    %xor3A_1168 = vector.broadcast %bitcast_convert_type3A_1167 : vector<8x1xi32> to vector<8x512xi32>
    %xor3A_1169 = arith.xori %bitcast_convert_type3A_1166, %xor3A_1168 : vector<8x512xi32>
    %and3A_1170 = arith.andi %and3A_1165, %xor3A_1169 : vector<8x512xi32>
    %and3A_1171 = arith.constant -2147483648 : i32
    %and3A_1172 = vector.broadcast %and3A_1171 : i32 to vector<8x512xi32>
    %and3A_1173 = arith.andi %and3A_1170, %and3A_1172 : vector<8x512xi32>
    %bitcast_convert_type3A_1174 = tpu.bitcast %add3A_1161 : vector<8x512xf32> -> vector<8x512xi32>
    %or3A_1175 = arith.ori %bitcast_convert_type3A_1174, %and3A_1173 : vector<8x512xi32>
    %bitcast_convert_type3A_1176 = tpu.bitcast %or3A_1175 : vector<8x512xi32> -> vector<8x512xf32>
    %mul3A_1177 = vector.broadcast %add3A_130 : vector<1x512xf32> to vector<8x512xf32>
    %mul3A_1178 = vector.broadcast %slice3A_1136 : vector<8x1xf32> to vector<8x512xf32>
    %mul3A_1179 = arith.mulf %mul3A_1177, %mul3A_1178 : vector<8x512xf32>
    %add3A_1180 = vector.broadcast %slice3A_1135 : vector<8x1xf32> to vector<8x512xf32>
    %add3A_1181 = arith.addf %mul3A_1179, %add3A_1180 : vector<8x512xf32>
    %gt3A_1182 = arith.constant 0.000000e+00 : f32
    %gt3A_1183 = vector.broadcast %gt3A_1182 : f32 to vector<8x512xf32>
    %gt3A_1184 = arith.cmpf ogt, %bitcast_convert_type3A_1176, %gt3A_1183 : vector<8x512xf32>
    %mul3A_1185 = arith.mulf %div3A_1156, %add3A_1181 : vector<8x512xf32>
    %jit3A_1186 = arith.constant 0.000000e+00 : f32
    %broadcast_in_dim3A_1187 = vector.broadcast %jit3A_1186 : f32 to vector<8x512xf32>
    %select_n3A_1188 = arith.select %gt3A_1184, %mul3A_1185, %broadcast_in_dim3A_1187 : vector<8x512xi1>, vector<8x512xf32>
    %swap3A_1189 = arith.constant 0 : index
    %swap3A_1190 = arith.constant 120 : index
    %swap3A_1191 = arith.constant 0 : index
    %swap3A_1192 = vector.load %arg7[%swap3A_1189, %swap3A_1190, %swap3A_1191] : memref<1x512x512xf32, #tpu.memory_space<vmem>>, vector<1x8x512xf32>
    %swap3A_1193 = vector.shape_cast %swap3A_1192 : vector<1x8x512xf32> to vector<8x512xf32>
    %swap3A_1194 = vector.shape_cast %select_n3A_1188 : vector<8x512xf32> to vector<1x8x512xf32>
    tpu.vector_store %arg7[%swap3A_1189, %swap3A_1190, %swap3A_1191], %swap3A_1194 {strides = array<i32>} : memref<1x512x512xf32, #tpu.memory_space<vmem>>, vector<1x8x512xf32>,
    %slice3A_1195 = vector.extract_strided_slice %transpose3A {offsets = [128, 0], sizes = [8, 1], strides = [1, 1]} : vector<512x8xf32> to vector<8x1xf32>
    %slice3A_1196 = vector.extract_strided_slice %transpose3A {offsets = [128, 1], sizes = [8, 1], strides = [1, 1]} : vector<512x8xf32> to vector<8x1xf32>
    %slice3A_1197 = vector.extract_strided_slice %transpose3A {offsets = [128, 2], sizes = [8, 1], strides = [1, 1]} : vector<512x8xf32> to vector<8x1xf32>
    %slice3A_1198 = vector.extract_strided_slice %transpose3A {offsets = [128, 3], sizes = [8, 1], strides = [1, 1]} : vector<512x8xf32> to vector<8x1xf32>
    %slice3A_1199 = vector.extract_strided_slice %transpose3A {offsets = [128, 4], sizes = [8, 1], strides = [1, 1]} : vector<512x8xf32> to vector<8x1xf32>
    %slice3A_1200 = vector.extract_strided_slice %transpose3A {offsets = [128, 5], sizes = [8, 1], strides = [1, 1]} : vector<512x8xf32> to vector<8x1xf32>
    %slice3A_1201 = vector.extract_strided_slice %transpose3A {offsets = [128, 6], sizes = [8, 1], strides = [1, 1]} : vector<512x8xf32> to vector<8x1xf32>
    %slice3A_1202 = vector.extract_strided_slice %transpose3A {offsets = [128, 7], sizes = [8, 1], strides = [1, 1]} : vector<512x8xf32> to vector<8x1xf32>
    %sub3A_1203 = vector.broadcast %get3A_3 : vector<1x512xf32> to vector<8x512xf32>
    %sub3A_1204 = vector.broadcast %slice3A_1195 : vector<8x1xf32> to vector<8x512xf32>
    %sub3A_1205 = arith.subf %sub3A_1203, %sub3A_1204 : vector<8x512xf32>
    %sub3A_1206 = vector.broadcast %get3A_13 : vector<1x512xf32> to vector<8x512xf32>
    %sub3A_1207 = vector.broadcast %slice3A_1196 : vector<8x1xf32> to vector<8x512xf32>
    %sub3A_1208 = arith.subf %sub3A_1206, %sub3A_1207 : vector<8x512xf32>
    %mul3A_1209 = arith.mulf %sub3A_1205, %sub3A_1205 : vector<8x512xf32>
    %mul3A_1210 = arith.mulf %sub3A_1208, %sub3A_1208 : vector<8x512xf32>
    %add3A_1211 = arith.addf %mul3A_1209, %mul3A_1210 : vector<8x512xf32>
    %sub3A_1212 = vector.broadcast %slice3A_1197 : vector<8x1xf32> to vector<8x512xf32>
    %sub3A_1213 = vector.broadcast %mul3A_45 : vector<1x512xf32> to vector<8x512xf32>
    %sub3A_1214 = arith.subf %sub3A_1212, %sub3A_1213 : vector<8x512xf32>
    %mul3A_1215 = arith.mulf %sub3A_1214, %sub3A_1205 : vector<8x512xf32>
    %sub3A_1216 = vector.broadcast %slice3A_1198 : vector<8x1xf32> to vector<8x512xf32>
    %sub3A_1217 = vector.broadcast %mul3A_46 : vector<1x512xf32> to vector<8x512xf32>
    %sub3A_1218 = arith.subf %sub3A_1216, %sub3A_1217 : vector<8x512xf32>
    %mul3A_1219 = arith.mulf %sub3A_1218, %sub3A_1208 : vector<8x512xf32>
    %add3A_1220 = arith.addf %mul3A_1215, %mul3A_1219 : vector<8x512xf32>
    %abs3A_1221 = math.absf %add3A_1220 : vector<8x512xf32>
    %div3A_1222 = arith.divf %abs3A_1221, %add3A_1211 : vector<8x512xf32>
    %mul3A_1223 = vector.broadcast %slice3A_1199 : vector<8x1xf32> to vector<8x512xf32>
    %mul3A_1224 = arith.mulf %sub3A_1205, %mul3A_1223 : vector<8x512xf32>
    %mul3A_1225 = vector.broadcast %slice3A_1200 : vector<8x1xf32> to vector<8x512xf32>
    %mul3A_1226 = arith.mulf %sub3A_1208, %mul3A_1225 : vector<8x512xf32>
    %add3A_1227 = arith.addf %mul3A_1224, %mul3A_1226 : vector<8x512xf32>
    %bitcast_convert_type3A_1228 = tpu.bitcast %sub3A_1205 : vector<8x512xf32> -> vector<8x512xi32>
    %bitcast_convert_type3A_1229 = tpu.bitcast %slice3A_1199 : vector<8x1xf32> -> vector<8x1xi32>
    %and3A_1230 = vector.broadcast %bitcast_convert_type3A_1229 : vector<8x1xi32> to vector<8x512xi32>
    %and3A_1231 = arith.andi %bitcast_convert_type3A_1228, %and3A_1230 : vector<8x512xi32>
    %bitcast_convert_type3A_1232 = tpu.bitcast %sub3A_1208 : vector<8x512xf32> -> vector<8x512xi32>
    %bitcast_convert_type3A_1233 = tpu.bitcast %slice3A_1200 : vector<8x1xf32> -> vector<8x1xi32>
    %xor3A_1234 = vector.broadcast %bitcast_convert_type3A_1233 : vector<8x1xi32> to vector<8x512xi32>
    %xor3A_1235 = arith.xori %bitcast_convert_type3A_1232, %xor3A_1234 : vector<8x512xi32>
    %and3A_1236 = arith.andi %and3A_1231, %xor3A_1235 : vector<8x512xi32>
    %and3A_1237 = arith.constant -2147483648 : i32
    %and3A_1238 = vector.broadcast %and3A_1237 : i32 to vector<8x512xi32>
    %and3A_1239 = arith.andi %and3A_1236, %and3A_1238 : vector<8x512xi32>
    %bitcast_convert_type3A_1240 = tpu.bitcast %add3A_1227 : vector<8x512xf32> -> vector<8x512xi32>
    %or3A_1241 = arith.ori %bitcast_convert_type3A_1240, %and3A_1239 : vector<8x512xi32>
    %bitcast_convert_type3A_1242 = tpu.bitcast %or3A_1241 : vector<8x512xi32> -> vector<8x512xf32>
    %mul3A_1243 = vector.broadcast %add3A_130 : vector<1x512xf32> to vector<8x512xf32>
    %mul3A_1244 = vector.broadcast %slice3A_1202 : vector<8x1xf32> to vector<8x512xf32>
    %mul3A_1245 = arith.mulf %mul3A_1243, %mul3A_1244 : vector<8x512xf32>
    %add3A_1246 = vector.broadcast %slice3A_1201 : vector<8x1xf32> to vector<8x512xf32>
    %add3A_1247 = arith.addf %mul3A_1245, %add3A_1246 : vector<8x512xf32>
    %gt3A_1248 = arith.constant 0.000000e+00 : f32
    %gt3A_1249 = vector.broadcast %gt3A_1248 : f32 to vector<8x512xf32>
    %gt3A_1250 = arith.cmpf ogt, %bitcast_convert_type3A_1242, %gt3A_1249 : vector<8x512xf32>
    %mul3A_1251 = arith.mulf %div3A_1222, %add3A_1247 : vector<8x512xf32>
    %jit3A_1252 = arith.constant 0.000000e+00 : f32
    %broadcast_in_dim3A_1253 = vector.broadcast %jit3A_1252 : f32 to vector<8x512xf32>
    %select_n3A_1254 = arith.select %gt3A_1250, %mul3A_1251, %broadcast_in_dim3A_1253 : vector<8x512xi1>, vector<8x512xf32>
    %swap3A_1255 = arith.constant 0 : index
    %swap3A_1256 = arith.constant 128 : index
    %swap3A_1257 = arith.constant 0 : index
    %swap3A_1258 = vector.load %arg7[%swap3A_1255, %swap3A_1256, %swap3A_1257] : memref<1x512x512xf32, #tpu.memory_space<vmem>>, vector<1x8x512xf32>
    %swap3A_1259 = vector.shape_cast %swap3A_1258 : vector<1x8x512xf32> to vector<8x512xf32>
    %swap3A_1260 = vector.shape_cast %select_n3A_1254 : vector<8x512xf32> to vector<1x8x512xf32>
    tpu.vector_store %arg7[%swap3A_1255, %swap3A_1256, %swap3A_1257], %swap3A_1260 {strides = array<i32>} : memref<1x512x512xf32, #tpu.memory_space<vmem>>, vector<1x8x512xf32>,
    %slice3A_1261 = vector.extract_strided_slice %transpose3A {offsets = [136, 0], sizes = [8, 1], strides = [1, 1]} : vector<512x8xf32> to vector<8x1xf32>
    %slice3A_1262 = vector.extract_strided_slice %transpose3A {offsets = [136, 1], sizes = [8, 1], strides = [1, 1]} : vector<512x8xf32> to vector<8x1xf32>
    %slice3A_1263 = vector.extract_strided_slice %transpose3A {offsets = [136, 2], sizes = [8, 1], strides = [1, 1]} : vector<512x8xf32> to vector<8x1xf32>
    %slice3A_1264 = vector.extract_strided_slice %transpose3A {offsets = [136, 3], sizes = [8, 1], strides = [1, 1]} : vector<512x8xf32> to vector<8x1xf32>
    %slice3A_1265 = vector.extract_strided_slice %transpose3A {offsets = [136, 4], sizes = [8, 1], strides = [1, 1]} : vector<512x8xf32> to vector<8x1xf32>
    %slice3A_1266 = vector.extract_strided_slice %transpose3A {offsets = [136, 5], sizes = [8, 1], strides = [1, 1]} : vector<512x8xf32> to vector<8x1xf32>
    %slice3A_1267 = vector.extract_strided_slice %transpose3A {offsets = [136, 6], sizes = [8, 1], strides = [1, 1]} : vector<512x8xf32> to vector<8x1xf32>
    %slice3A_1268 = vector.extract_strided_slice %transpose3A {offsets = [136, 7], sizes = [8, 1], strides = [1, 1]} : vector<512x8xf32> to vector<8x1xf32>
    %sub3A_1269 = vector.broadcast %get3A_3 : vector<1x512xf32> to vector<8x512xf32>
    %sub3A_1270 = vector.broadcast %slice3A_1261 : vector<8x1xf32> to vector<8x512xf32>
    %sub3A_1271 = arith.subf %sub3A_1269, %sub3A_1270 : vector<8x512xf32>
    %sub3A_1272 = vector.broadcast %get3A_13 : vector<1x512xf32> to vector<8x512xf32>
    %sub3A_1273 = vector.broadcast %slice3A_1262 : vector<8x1xf32> to vector<8x512xf32>
    %sub3A_1274 = arith.subf %sub3A_1272, %sub3A_1273 : vector<8x512xf32>
    %mul3A_1275 = arith.mulf %sub3A_1271, %sub3A_1271 : vector<8x512xf32>
    %mul3A_1276 = arith.mulf %sub3A_1274, %sub3A_1274 : vector<8x512xf32>
    %add3A_1277 = arith.addf %mul3A_1275, %mul3A_1276 : vector<8x512xf32>
    %sub3A_1278 = vector.broadcast %slice3A_1263 : vector<8x1xf32> to vector<8x512xf32>
    %sub3A_1279 = vector.broadcast %mul3A_45 : vector<1x512xf32> to vector<8x512xf32>
    %sub3A_1280 = arith.subf %sub3A_1278, %sub3A_1279 : vector<8x512xf32>
    %mul3A_1281 = arith.mulf %sub3A_1280, %sub3A_1271 : vector<8x512xf32>
    %sub3A_1282 = vector.broadcast %slice3A_1264 : vector<8x1xf32> to vector<8x512xf32>
    %sub3A_1283 = vector.broadcast %mul3A_46 : vector<1x512xf32> to vector<8x512xf32>
    %sub3A_1284 = arith.subf %sub3A_1282, %sub3A_1283 : vector<8x512xf32>
    %mul3A_1285 = arith.mulf %sub3A_1284, %sub3A_1274 : vector<8x512xf32>
    %add3A_1286 = arith.addf %mul3A_1281, %mul3A_1285 : vector<8x512xf32>
    %abs3A_1287 = math.absf %add3A_1286 : vector<8x512xf32>
    %div3A_1288 = arith.divf %abs3A_1287, %add3A_1277 : vector<8x512xf32>
    %mul3A_1289 = vector.broadcast %slice3A_1265 : vector<8x1xf32> to vector<8x512xf32>
    %mul3A_1290 = arith.mulf %sub3A_1271, %mul3A_1289 : vector<8x512xf32>
    %mul3A_1291 = vector.broadcast %slice3A_1266 : vector<8x1xf32> to vector<8x512xf32>
    %mul3A_1292 = arith.mulf %sub3A_1274, %mul3A_1291 : vector<8x512xf32>
    %add3A_1293 = arith.addf %mul3A_1290, %mul3A_1292 : vector<8x512xf32>
    %bitcast_convert_type3A_1294 = tpu.bitcast %sub3A_1271 : vector<8x512xf32> -> vector<8x512xi32>
    %bitcast_convert_type3A_1295 = tpu.bitcast %slice3A_1265 : vector<8x1xf32> -> vector<8x1xi32>
    %and3A_1296 = vector.broadcast %bitcast_convert_type3A_1295 : vector<8x1xi32> to vector<8x512xi32>
    %and3A_1297 = arith.andi %bitcast_convert_type3A_1294, %and3A_1296 : vector<8x512xi32>
    %bitcast_convert_type3A_1298 = tpu.bitcast %sub3A_1274 : vector<8x512xf32> -> vector<8x512xi32>
    %bitcast_convert_type3A_1299 = tpu.bitcast %slice3A_1266 : vector<8x1xf32> -> vector<8x1xi32>
    %xor3A_1300 = vector.broadcast %bitcast_convert_type3A_1299 : vector<8x1xi32> to vector<8x512xi32>
    %xor3A_1301 = arith.xori %bitcast_convert_type3A_1298, %xor3A_1300 : vector<8x512xi32>
    %and3A_1302 = arith.andi %and3A_1297, %xor3A_1301 : vector<8x512xi32>
    %and3A_1303 = arith.constant -2147483648 : i32
    %and3A_1304 = vector.broadcast %and3A_1303 : i32 to vector<8x512xi32>
    %and3A_1305 = arith.andi %and3A_1302, %and3A_1304 : vector<8x512xi32>
    %bitcast_convert_type3A_1306 = tpu.bitcast %add3A_1293 : vector<8x512xf32> -> vector<8x512xi32>
    %or3A_1307 = arith.ori %bitcast_convert_type3A_1306, %and3A_1305 : vector<8x512xi32>
    %bitcast_convert_type3A_1308 = tpu.bitcast %or3A_1307 : vector<8x512xi32> -> vector<8x512xf32>
    %mul3A_1309 = vector.broadcast %add3A_130 : vector<1x512xf32> to vector<8x512xf32>
    %mul3A_1310 = vector.broadcast %slice3A_1268 : vector<8x1xf32> to vector<8x512xf32>
    %mul3A_1311 = arith.mulf %mul3A_1309, %mul3A_1310 : vector<8x512xf32>
    %add3A_1312 = vector.broadcast %slice3A_1267 : vector<8x1xf32> to vector<8x512xf32>
    %add3A_1313 = arith.addf %mul3A_1311, %add3A_1312 : vector<8x512xf32>
    %gt3A_1314 = arith.constant 0.000000e+00 : f32
    %gt3A_1315 = vector.broadcast %gt3A_1314 : f32 to vector<8x512xf32>
    %gt3A_1316 = arith.cmpf ogt, %bitcast_convert_type3A_1308, %gt3A_1315 : vector<8x512xf32>
    %mul3A_1317 = arith.mulf %div3A_1288, %add3A_1313 : vector<8x512xf32>
    %jit3A_1318 = arith.constant 0.000000e+00 : f32
    %broadcast_in_dim3A_1319 = vector.broadcast %jit3A_1318 : f32 to vector<8x512xf32>
    %select_n3A_1320 = arith.select %gt3A_1316, %mul3A_1317, %broadcast_in_dim3A_1319 : vector<8x512xi1>, vector<8x512xf32>
    %swap3A_1321 = arith.constant 0 : index
    %swap3A_1322 = arith.constant 136 : index
    %swap3A_1323 = arith.constant 0 : index
    %swap3A_1324 = vector.load %arg7[%swap3A_1321, %swap3A_1322, %swap3A_1323] : memref<1x512x512xf32, #tpu.memory_space<vmem>>, vector<1x8x512xf32>
    %swap3A_1325 = vector.shape_cast %swap3A_1324 : vector<1x8x512xf32> to vector<8x512xf32>
    %swap3A_1326 = vector.shape_cast %select_n3A_1320 : vector<8x512xf32> to vector<1x8x512xf32>
    tpu.vector_store %arg7[%swap3A_1321, %swap3A_1322, %swap3A_1323], %swap3A_1326 {strides = array<i32>} : memref<1x512x512xf32, #tpu.memory_space<vmem>>, vector<1x8x512xf32>,
    %slice3A_1327 = vector.extract_strided_slice %transpose3A {offsets = [144, 0], sizes = [8, 1], strides = [1, 1]} : vector<512x8xf32> to vector<8x1xf32>
    %slice3A_1328 = vector.extract_strided_slice %transpose3A {offsets = [144, 1], sizes = [8, 1], strides = [1, 1]} : vector<512x8xf32> to vector<8x1xf32>
    %slice3A_1329 = vector.extract_strided_slice %transpose3A {offsets = [144, 2], sizes = [8, 1], strides = [1, 1]} : vector<512x8xf32> to vector<8x1xf32>
    %slice3A_1330 = vector.extract_strided_slice %transpose3A {offsets = [144, 3], sizes = [8, 1], strides = [1, 1]} : vector<512x8xf32> to vector<8x1xf32>
    %slice3A_1331 = vector.extract_strided_slice %transpose3A {offsets = [144, 4], sizes = [8, 1], strides = [1, 1]} : vector<512x8xf32> to vector<8x1xf32>
    %slice3A_1332 = vector.extract_strided_slice %transpose3A {offsets = [144, 5], sizes = [8, 1], strides = [1, 1]} : vector<512x8xf32> to vector<8x1xf32>
    %slice3A_1333 = vector.extract_strided_slice %transpose3A {offsets = [144, 6], sizes = [8, 1], strides = [1, 1]} : vector<512x8xf32> to vector<8x1xf32>
    %slice3A_1334 = vector.extract_strided_slice %transpose3A {offsets = [144, 7], sizes = [8, 1], strides = [1, 1]} : vector<512x8xf32> to vector<8x1xf32>
    %sub3A_1335 = vector.broadcast %get3A_3 : vector<1x512xf32> to vector<8x512xf32>
    %sub3A_1336 = vector.broadcast %slice3A_1327 : vector<8x1xf32> to vector<8x512xf32>
    %sub3A_1337 = arith.subf %sub3A_1335, %sub3A_1336 : vector<8x512xf32>
    %sub3A_1338 = vector.broadcast %get3A_13 : vector<1x512xf32> to vector<8x512xf32>
    %sub3A_1339 = vector.broadcast %slice3A_1328 : vector<8x1xf32> to vector<8x512xf32>
    %sub3A_1340 = arith.subf %sub3A_1338, %sub3A_1339 : vector<8x512xf32>
    %mul3A_1341 = arith.mulf %sub3A_1337, %sub3A_1337 : vector<8x512xf32>
    %mul3A_1342 = arith.mulf %sub3A_1340, %sub3A_1340 : vector<8x512xf32>
    %add3A_1343 = arith.addf %mul3A_1341, %mul3A_1342 : vector<8x512xf32>
    %sub3A_1344 = vector.broadcast %slice3A_1329 : vector<8x1xf32> to vector<8x512xf32>
    %sub3A_1345 = vector.broadcast %mul3A_45 : vector<1x512xf32> to vector<8x512xf32>
    %sub3A_1346 = arith.subf %sub3A_1344, %sub3A_1345 : vector<8x512xf32>
    %mul3A_1347 = arith.mulf %sub3A_1346, %sub3A_1337 : vector<8x512xf32>
    %sub3A_1348 = vector.broadcast %slice3A_1330 : vector<8x1xf32> to vector<8x512xf32>
    %sub3A_1349 = vector.broadcast %mul3A_46 : vector<1x512xf32> to vector<8x512xf32>
    %sub3A_1350 = arith.subf %sub3A_1348, %sub3A_1349 : vector<8x512xf32>
    %mul3A_1351 = arith.mulf %sub3A_1350, %sub3A_1340 : vector<8x512xf32>
    %add3A_1352 = arith.addf %mul3A_1347, %mul3A_1351 : vector<8x512xf32>
    %abs3A_1353 = math.absf %add3A_1352 : vector<8x512xf32>
    %div3A_1354 = arith.divf %abs3A_1353, %add3A_1343 : vector<8x512xf32>
    %mul3A_1355 = vector.broadcast %slice3A_1331 : vector<8x1xf32> to vector<8x512xf32>
    %mul3A_1356 = arith.mulf %sub3A_1337, %mul3A_1355 : vector<8x512xf32>
    %mul3A_1357 = vector.broadcast %slice3A_1332 : vector<8x1xf32> to vector<8x512xf32>
    %mul3A_1358 = arith.mulf %sub3A_1340, %mul3A_1357 : vector<8x512xf32>
    %add3A_1359 = arith.addf %mul3A_1356, %mul3A_1358 : vector<8x512xf32>
    %bitcast_convert_type3A_1360 = tpu.bitcast %sub3A_1337 : vector<8x512xf32> -> vector<8x512xi32>
    %bitcast_convert_type3A_1361 = tpu.bitcast %slice3A_1331 : vector<8x1xf32> -> vector<8x1xi32>
    %and3A_1362 = vector.broadcast %bitcast_convert_type3A_1361 : vector<8x1xi32> to vector<8x512xi32>
    %and3A_1363 = arith.andi %bitcast_convert_type3A_1360, %and3A_1362 : vector<8x512xi32>
    %bitcast_convert_type3A_1364 = tpu.bitcast %sub3A_1340 : vector<8x512xf32> -> vector<8x512xi32>
    %bitcast_convert_type3A_1365 = tpu.bitcast %slice3A_1332 : vector<8x1xf32> -> vector<8x1xi32>
    %xor3A_1366 = vector.broadcast %bitcast_convert_type3A_1365 : vector<8x1xi32> to vector<8x512xi32>
    %xor3A_1367 = arith.xori %bitcast_convert_type3A_1364, %xor3A_1366 : vector<8x512xi32>
    %and3A_1368 = arith.andi %and3A_1363, %xor3A_1367 : vector<8x512xi32>
    %and3A_1369 = arith.constant -2147483648 : i32
    %and3A_1370 = vector.broadcast %and3A_1369 : i32 to vector<8x512xi32>
    %and3A_1371 = arith.andi %and3A_1368, %and3A_1370 : vector<8x512xi32>
    %bitcast_convert_type3A_1372 = tpu.bitcast %add3A_1359 : vector<8x512xf32> -> vector<8x512xi32>
    %or3A_1373 = arith.ori %bitcast_convert_type3A_1372, %and3A_1371 : vector<8x512xi32>
    %bitcast_convert_type3A_1374 = tpu.bitcast %or3A_1373 : vector<8x512xi32> -> vector<8x512xf32>
    %mul3A_1375 = vector.broadcast %add3A_130 : vector<1x512xf32> to vector<8x512xf32>
    %mul3A_1376 = vector.broadcast %slice3A_1334 : vector<8x1xf32> to vector<8x512xf32>
    %mul3A_1377 = arith.mulf %mul3A_1375, %mul3A_1376 : vector<8x512xf32>
    %add3A_1378 = vector.broadcast %slice3A_1333 : vector<8x1xf32> to vector<8x512xf32>
    %add3A_1379 = arith.addf %mul3A_1377, %add3A_1378 : vector<8x512xf32>
    %gt3A_1380 = arith.constant 0.000000e+00 : f32
    %gt3A_1381 = vector.broadcast %gt3A_1380 : f32 to vector<8x512xf32>
    %gt3A_1382 = arith.cmpf ogt, %bitcast_convert_type3A_1374, %gt3A_1381 : vector<8x512xf32>
    %mul3A_1383 = arith.mulf %div3A_1354, %add3A_1379 : vector<8x512xf32>
    %jit3A_1384 = arith.constant 0.000000e+00 : f32
    %broadcast_in_dim3A_1385 = vector.broadcast %jit3A_1384 : f32 to vector<8x512xf32>
    %select_n3A_1386 = arith.select %gt3A_1382, %mul3A_1383, %broadcast_in_dim3A_1385 : vector<8x512xi1>, vector<8x512xf32>
    %swap3A_1387 = arith.constant 0 : index
    %swap3A_1388 = arith.constant 144 : index
    %swap3A_1389 = arith.constant 0 : index
    %swap3A_1390 = vector.load %arg7[%swap3A_1387, %swap3A_1388, %swap3A_1389] : memref<1x512x512xf32, #tpu.memory_space<vmem>>, vector<1x8x512xf32>
    %swap3A_1391 = vector.shape_cast %swap3A_1390 : vector<1x8x512xf32> to vector<8x512xf32>
    %swap3A_1392 = vector.shape_cast %select_n3A_1386 : vector<8x512xf32> to vector<1x8x512xf32>
    tpu.vector_store %arg7[%swap3A_1387, %swap3A_1388, %swap3A_1389], %swap3A_1392 {strides = array<i32>} : memref<1x512x512xf32, #tpu.memory_space<vmem>>, vector<1x8x512xf32>,
    %slice3A_1393 = vector.extract_strided_slice %transpose3A {offsets = [152, 0], sizes = [8, 1], strides = [1, 1]} : vector<512x8xf32> to vector<8x1xf32>
    %slice3A_1394 = vector.extract_strided_slice %transpose3A {offsets = [152, 1], sizes = [8, 1], strides = [1, 1]} : vector<512x8xf32> to vector<8x1xf32>
    %slice3A_1395 = vector.extract_strided_slice %transpose3A {offsets = [152, 2], sizes = [8, 1], strides = [1, 1]} : vector<512x8xf32> to vector<8x1xf32>
    %slice3A_1396 = vector.extract_strided_slice %transpose3A {offsets = [152, 3], sizes = [8, 1], strides = [1, 1]} : vector<512x8xf32> to vector<8x1xf32>
    %slice3A_1397 = vector.extract_strided_slice %transpose3A {offsets = [152, 4], sizes = [8, 1], strides = [1, 1]} : vector<512x8xf32> to vector<8x1xf32>
    %slice3A_1398 = vector.extract_strided_slice %transpose3A {offsets = [152, 5], sizes = [8, 1], strides = [1, 1]} : vector<512x8xf32> to vector<8x1xf32>
    %slice3A_1399 = vector.extract_strided_slice %transpose3A {offsets = [152, 6], sizes = [8, 1], strides = [1, 1]} : vector<512x8xf32> to vector<8x1xf32>
    %slice3A_1400 = vector.extract_strided_slice %transpose3A {offsets = [152, 7], sizes = [8, 1], strides = [1, 1]} : vector<512x8xf32> to vector<8x1xf32>
    %sub3A_1401 = vector.broadcast %get3A_3 : vector<1x512xf32> to vector<8x512xf32>
    %sub3A_1402 = vector.broadcast %slice3A_1393 : vector<8x1xf32> to vector<8x512xf32>
    %sub3A_1403 = arith.subf %sub3A_1401, %sub3A_1402 : vector<8x512xf32>
    %sub3A_1404 = vector.broadcast %get3A_13 : vector<1x512xf32> to vector<8x512xf32>
    %sub3A_1405 = vector.broadcast %slice3A_1394 : vector<8x1xf32> to vector<8x512xf32>
    %sub3A_1406 = arith.subf %sub3A_1404, %sub3A_1405 : vector<8x512xf32>
    %mul3A_1407 = arith.mulf %sub3A_1403, %sub3A_1403 : vector<8x512xf32>
    %mul3A_1408 = arith.mulf %sub3A_1406, %sub3A_1406 : vector<8x512xf32>
    %add3A_1409 = arith.addf %mul3A_1407, %mul3A_1408 : vector<8x512xf32>
    %sub3A_1410 = vector.broadcast %slice3A_1395 : vector<8x1xf32> to vector<8x512xf32>
    %sub3A_1411 = vector.broadcast %mul3A_45 : vector<1x512xf32> to vector<8x512xf32>
    %sub3A_1412 = arith.subf %sub3A_1410, %sub3A_1411 : vector<8x512xf32>
    %mul3A_1413 = arith.mulf %sub3A_1412, %sub3A_1403 : vector<8x512xf32>
    %sub3A_1414 = vector.broadcast %slice3A_1396 : vector<8x1xf32> to vector<8x512xf32>
    %sub3A_1415 = vector.broadcast %mul3A_46 : vector<1x512xf32> to vector<8x512xf32>
    %sub3A_1416 = arith.subf %sub3A_1414, %sub3A_1415 : vector<8x512xf32>
    %mul3A_1417 = arith.mulf %sub3A_1416, %sub3A_1406 : vector<8x512xf32>
    %add3A_1418 = arith.addf %mul3A_1413, %mul3A_1417 : vector<8x512xf32>
    %abs3A_1419 = math.absf %add3A_1418 : vector<8x512xf32>
    %div3A_1420 = arith.divf %abs3A_1419, %add3A_1409 : vector<8x512xf32>
    %mul3A_1421 = vector.broadcast %slice3A_1397 : vector<8x1xf32> to vector<8x512xf32>
    %mul3A_1422 = arith.mulf %sub3A_1403, %mul3A_1421 : vector<8x512xf32>
    %mul3A_1423 = vector.broadcast %slice3A_1398 : vector<8x1xf32> to vector<8x512xf32>
    %mul3A_1424 = arith.mulf %sub3A_1406, %mul3A_1423 : vector<8x512xf32>
    %add3A_1425 = arith.addf %mul3A_1422, %mul3A_1424 : vector<8x512xf32>
    %bitcast_convert_type3A_1426 = tpu.bitcast %sub3A_1403 : vector<8x512xf32> -> vector<8x512xi32>
    %bitcast_convert_type3A_1427 = tpu.bitcast %slice3A_1397 : vector<8x1xf32> -> vector<8x1xi32>
    %and3A_1428 = vector.broadcast %bitcast_convert_type3A_1427 : vector<8x1xi32> to vector<8x512xi32>
    %and3A_1429 = arith.andi %bitcast_convert_type3A_1426, %and3A_1428 : vector<8x512xi32>
    %bitcast_convert_type3A_1430 = tpu.bitcast %sub3A_1406 : vector<8x512xf32> -> vector<8x512xi32>
    %bitcast_convert_type3A_1431 = tpu.bitcast %slice3A_1398 : vector<8x1xf32> -> vector<8x1xi32>
    %xor3A_1432 = vector.broadcast %bitcast_convert_type3A_1431 : vector<8x1xi32> to vector<8x512xi32>
    %xor3A_1433 = arith.xori %bitcast_convert_type3A_1430, %xor3A_1432 : vector<8x512xi32>
    %and3A_1434 = arith.andi %and3A_1429, %xor3A_1433 : vector<8x512xi32>
    %and3A_1435 = arith.constant -2147483648 : i32
    %and3A_1436 = vector.broadcast %and3A_1435 : i32 to vector<8x512xi32>
    %and3A_1437 = arith.andi %and3A_1434, %and3A_1436 : vector<8x512xi32>
    %bitcast_convert_type3A_1438 = tpu.bitcast %add3A_1425 : vector<8x512xf32> -> vector<8x512xi32>
    %or3A_1439 = arith.ori %bitcast_convert_type3A_1438, %and3A_1437 : vector<8x512xi32>
    %bitcast_convert_type3A_1440 = tpu.bitcast %or3A_1439 : vector<8x512xi32> -> vector<8x512xf32>
    %mul3A_1441 = vector.broadcast %add3A_130 : vector<1x512xf32> to vector<8x512xf32>
    %mul3A_1442 = vector.broadcast %slice3A_1400 : vector<8x1xf32> to vector<8x512xf32>
    %mul3A_1443 = arith.mulf %mul3A_1441, %mul3A_1442 : vector<8x512xf32>
    %add3A_1444 = vector.broadcast %slice3A_1399 : vector<8x1xf32> to vector<8x512xf32>
    %add3A_1445 = arith.addf %mul3A_1443, %add3A_1444 : vector<8x512xf32>
    %gt3A_1446 = arith.constant 0.000000e+00 : f32
    %gt3A_1447 = vector.broadcast %gt3A_1446 : f32 to vector<8x512xf32>
    %gt3A_1448 = arith.cmpf ogt, %bitcast_convert_type3A_1440, %gt3A_1447 : vector<8x512xf32>
    %mul3A_1449 = arith.mulf %div3A_1420, %add3A_1445 : vector<8x512xf32>
    %jit3A_1450 = arith.constant 0.000000e+00 : f32
    %broadcast_in_dim3A_1451 = vector.broadcast %jit3A_1450 : f32 to vector<8x512xf32>
    %select_n3A_1452 = arith.select %gt3A_1448, %mul3A_1449, %broadcast_in_dim3A_1451 : vector<8x512xi1>, vector<8x512xf32>
    %swap3A_1453 = arith.constant 0 : index
    %swap3A_1454 = arith.constant 152 : index
    %swap3A_1455 = arith.constant 0 : index
    %swap3A_1456 = vector.load %arg7[%swap3A_1453, %swap3A_1454, %swap3A_1455] : memref<1x512x512xf32, #tpu.memory_space<vmem>>, vector<1x8x512xf32>
    %swap3A_1457 = vector.shape_cast %swap3A_1456 : vector<1x8x512xf32> to vector<8x512xf32>
    %swap3A_1458 = vector.shape_cast %select_n3A_1452 : vector<8x512xf32> to vector<1x8x512xf32>
    tpu.vector_store %arg7[%swap3A_1453, %swap3A_1454, %swap3A_1455], %swap3A_1458 {strides = array<i32>} : memref<1x512x512xf32, #tpu.memory_space<vmem>>, vector<1x8x512xf32>,
    %slice3A_1459 = vector.extract_strided_slice %transpose3A {offsets = [160, 0], sizes = [8, 1], strides = [1, 1]} : vector<512x8xf32> to vector<8x1xf32>
    %slice3A_1460 = vector.extract_strided_slice %transpose3A {offsets = [160, 1], sizes = [8, 1], strides = [1, 1]} : vector<512x8xf32> to vector<8x1xf32>
    %slice3A_1461 = vector.extract_strided_slice %transpose3A {offsets = [160, 2], sizes = [8, 1], strides = [1, 1]} : vector<512x8xf32> to vector<8x1xf32>
    %slice3A_1462 = vector.extract_strided_slice %transpose3A {offsets = [160, 3], sizes = [8, 1], strides = [1, 1]} : vector<512x8xf32> to vector<8x1xf32>
    %slice3A_1463 = vector.extract_strided_slice %transpose3A {offsets = [160, 4], sizes = [8, 1], strides = [1, 1]} : vector<512x8xf32> to vector<8x1xf32>
    %slice3A_1464 = vector.extract_strided_slice %transpose3A {offsets = [160, 5], sizes = [8, 1], strides = [1, 1]} : vector<512x8xf32> to vector<8x1xf32>
    %slice3A_1465 = vector.extract_strided_slice %transpose3A {offsets = [160, 6], sizes = [8, 1], strides = [1, 1]} : vector<512x8xf32> to vector<8x1xf32>
    %slice3A_1466 = vector.extract_strided_slice %transpose3A {offsets = [160, 7], sizes = [8, 1], strides = [1, 1]} : vector<512x8xf32> to vector<8x1xf32>
    %sub3A_1467 = vector.broadcast %get3A_3 : vector<1x512xf32> to vector<8x512xf32>
    %sub3A_1468 = vector.broadcast %slice3A_1459 : vector<8x1xf32> to vector<8x512xf32>
    %sub3A_1469 = arith.subf %sub3A_1467, %sub3A_1468 : vector<8x512xf32>
    %sub3A_1470 = vector.broadcast %get3A_13 : vector<1x512xf32> to vector<8x512xf32>
    %sub3A_1471 = vector.broadcast %slice3A_1460 : vector<8x1xf32> to vector<8x512xf32>
    %sub3A_1472 = arith.subf %sub3A_1470, %sub3A_1471 : vector<8x512xf32>
    %mul3A_1473 = arith.mulf %sub3A_1469, %sub3A_1469 : vector<8x512xf32>
    %mul3A_1474 = arith.mulf %sub3A_1472, %sub3A_1472 : vector<8x512xf32>
    %add3A_1475 = arith.addf %mul3A_1473, %mul3A_1474 : vector<8x512xf32>
    %sub3A_1476 = vector.broadcast %slice3A_1461 : vector<8x1xf32> to vector<8x512xf32>
    %sub3A_1477 = vector.broadcast %mul3A_45 : vector<1x512xf32> to vector<8x512xf32>
    %sub3A_1478 = arith.subf %sub3A_1476, %sub3A_1477 : vector<8x512xf32>
    %mul3A_1479 = arith.mulf %sub3A_1478, %sub3A_1469 : vector<8x512xf32>
    %sub3A_1480 = vector.broadcast %slice3A_1462 : vector<8x1xf32> to vector<8x512xf32>
    %sub3A_1481 = vector.broadcast %mul3A_46 : vector<1x512xf32> to vector<8x512xf32>
    %sub3A_1482 = arith.subf %sub3A_1480, %sub3A_1481 : vector<8x512xf32>
    %mul3A_1483 = arith.mulf %sub3A_1482, %sub3A_1472 : vector<8x512xf32>
    %add3A_1484 = arith.addf %mul3A_1479, %mul3A_1483 : vector<8x512xf32>
    %abs3A_1485 = math.absf %add3A_1484 : vector<8x512xf32>
    %div3A_1486 = arith.divf %abs3A_1485, %add3A_1475 : vector<8x512xf32>
    %mul3A_1487 = vector.broadcast %slice3A_1463 : vector<8x1xf32> to vector<8x512xf32>
    %mul3A_1488 = arith.mulf %sub3A_1469, %mul3A_1487 : vector<8x512xf32>
    %mul3A_1489 = vector.broadcast %slice3A_1464 : vector<8x1xf32> to vector<8x512xf32>
    %mul3A_1490 = arith.mulf %sub3A_1472, %mul3A_1489 : vector<8x512xf32>
    %add3A_1491 = arith.addf %mul3A_1488, %mul3A_1490 : vector<8x512xf32>
    %bitcast_convert_type3A_1492 = tpu.bitcast %sub3A_1469 : vector<8x512xf32> -> vector<8x512xi32>
    %bitcast_convert_type3A_1493 = tpu.bitcast %slice3A_1463 : vector<8x1xf32> -> vector<8x1xi32>
    %and3A_1494 = vector.broadcast %bitcast_convert_type3A_1493 : vector<8x1xi32> to vector<8x512xi32>
    %and3A_1495 = arith.andi %bitcast_convert_type3A_1492, %and3A_1494 : vector<8x512xi32>
    %bitcast_convert_type3A_1496 = tpu.bitcast %sub3A_1472 : vector<8x512xf32> -> vector<8x512xi32>
    %bitcast_convert_type3A_1497 = tpu.bitcast %slice3A_1464 : vector<8x1xf32> -> vector<8x1xi32>
    %xor3A_1498 = vector.broadcast %bitcast_convert_type3A_1497 : vector<8x1xi32> to vector<8x512xi32>
    %xor3A_1499 = arith.xori %bitcast_convert_type3A_1496, %xor3A_1498 : vector<8x512xi32>
    %and3A_1500 = arith.andi %and3A_1495, %xor3A_1499 : vector<8x512xi32>
    %and3A_1501 = arith.constant -2147483648 : i32
    %and3A_1502 = vector.broadcast %and3A_1501 : i32 to vector<8x512xi32>
    %and3A_1503 = arith.andi %and3A_1500, %and3A_1502 : vector<8x512xi32>
    %bitcast_convert_type3A_1504 = tpu.bitcast %add3A_1491 : vector<8x512xf32> -> vector<8x512xi32>
    %or3A_1505 = arith.ori %bitcast_convert_type3A_1504, %and3A_1503 : vector<8x512xi32>
    %bitcast_convert_type3A_1506 = tpu.bitcast %or3A_1505 : vector<8x512xi32> -> vector<8x512xf32>
    %mul3A_1507 = vector.broadcast %add3A_130 : vector<1x512xf32> to vector<8x512xf32>
    %mul3A_1508 = vector.broadcast %slice3A_1466 : vector<8x1xf32> to vector<8x512xf32>
    %mul3A_1509 = arith.mulf %mul3A_1507, %mul3A_1508 : vector<8x512xf32>
    %add3A_1510 = vector.broadcast %slice3A_1465 : vector<8x1xf32> to vector<8x512xf32>
    %add3A_1511 = arith.addf %mul3A_1509, %add3A_1510 : vector<8x512xf32>
    %gt3A_1512 = arith.constant 0.000000e+00 : f32
    %gt3A_1513 = vector.broadcast %gt3A_1512 : f32 to vector<8x512xf32>
    %gt3A_1514 = arith.cmpf ogt, %bitcast_convert_type3A_1506, %gt3A_1513 : vector<8x512xf32>
    %mul3A_1515 = arith.mulf %div3A_1486, %add3A_1511 : vector<8x512xf32>
    %jit3A_1516 = arith.constant 0.000000e+00 : f32
    %broadcast_in_dim3A_1517 = vector.broadcast %jit3A_1516 : f32 to vector<8x512xf32>
    %select_n3A_1518 = arith.select %gt3A_1514, %mul3A_1515, %broadcast_in_dim3A_1517 : vector<8x512xi1>, vector<8x512xf32>
    %swap3A_1519 = arith.constant 0 : index
    %swap3A_1520 = arith.constant 160 : index
    %swap3A_1521 = arith.constant 0 : index
    %swap3A_1522 = vector.load %arg7[%swap3A_1519, %swap3A_1520, %swap3A_1521] : memref<1x512x512xf32, #tpu.memory_space<vmem>>, vector<1x8x512xf32>
    %swap3A_1523 = vector.shape_cast %swap3A_1522 : vector<1x8x512xf32> to vector<8x512xf32>
    %swap3A_1524 = vector.shape_cast %select_n3A_1518 : vector<8x512xf32> to vector<1x8x512xf32>
    tpu.vector_store %arg7[%swap3A_1519, %swap3A_1520, %swap3A_1521], %swap3A_1524 {strides = array<i32>} : memref<1x512x512xf32, #tpu.memory_space<vmem>>, vector<1x8x512xf32>,
    %slice3A_1525 = vector.extract_strided_slice %transpose3A {offsets = [168, 0], sizes = [8, 1], strides = [1, 1]} : vector<512x8xf32> to vector<8x1xf32>
    %slice3A_1526 = vector.extract_strided_slice %transpose3A {offsets = [168, 1], sizes = [8, 1], strides = [1, 1]} : vector<512x8xf32> to vector<8x1xf32>
    %slice3A_1527 = vector.extract_strided_slice %transpose3A {offsets = [168, 2], sizes = [8, 1], strides = [1, 1]} : vector<512x8xf32> to vector<8x1xf32>
    %slice3A_1528 = vector.extract_strided_slice %transpose3A {offsets = [168, 3], sizes = [8, 1], strides = [1, 1]} : vector<512x8xf32> to vector<8x1xf32>
    %slice3A_1529 = vector.extract_strided_slice %transpose3A {offsets = [168, 4], sizes = [8, 1], strides = [1, 1]} : vector<512x8xf32> to vector<8x1xf32>
    %slice3A_1530 = vector.extract_strided_slice %transpose3A {offsets = [168, 5], sizes = [8, 1], strides = [1, 1]} : vector<512x8xf32> to vector<8x1xf32>
    %slice3A_1531 = vector.extract_strided_slice %transpose3A {offsets = [168, 6], sizes = [8, 1], strides = [1, 1]} : vector<512x8xf32> to vector<8x1xf32>
    %slice3A_1532 = vector.extract_strided_slice %transpose3A {offsets = [168, 7], sizes = [8, 1], strides = [1, 1]} : vector<512x8xf32> to vector<8x1xf32>
    %sub3A_1533 = vector.broadcast %get3A_3 : vector<1x512xf32> to vector<8x512xf32>
    %sub3A_1534 = vector.broadcast %slice3A_1525 : vector<8x1xf32> to vector<8x512xf32>
    %sub3A_1535 = arith.subf %sub3A_1533, %sub3A_1534 : vector<8x512xf32>
    %sub3A_1536 = vector.broadcast %get3A_13 : vector<1x512xf32> to vector<8x512xf32>
    %sub3A_1537 = vector.broadcast %slice3A_1526 : vector<8x1xf32> to vector<8x512xf32>
    %sub3A_1538 = arith.subf %sub3A_1536, %sub3A_1537 : vector<8x512xf32>
    %mul3A_1539 = arith.mulf %sub3A_1535, %sub3A_1535 : vector<8x512xf32>
    %mul3A_1540 = arith.mulf %sub3A_1538, %sub3A_1538 : vector<8x512xf32>
    %add3A_1541 = arith.addf %mul3A_1539, %mul3A_1540 : vector<8x512xf32>
    %sub3A_1542 = vector.broadcast %slice3A_1527 : vector<8x1xf32> to vector<8x512xf32>
    %sub3A_1543 = vector.broadcast %mul3A_45 : vector<1x512xf32> to vector<8x512xf32>
    %sub3A_1544 = arith.subf %sub3A_1542, %sub3A_1543 : vector<8x512xf32>
    %mul3A_1545 = arith.mulf %sub3A_1544, %sub3A_1535 : vector<8x512xf32>
    %sub3A_1546 = vector.broadcast %slice3A_1528 : vector<8x1xf32> to vector<8x512xf32>
    %sub3A_1547 = vector.broadcast %mul3A_46 : vector<1x512xf32> to vector<8x512xf32>
    %sub3A_1548 = arith.subf %sub3A_1546, %sub3A_1547 : vector<8x512xf32>
    %mul3A_1549 = arith.mulf %sub3A_1548, %sub3A_1538 : vector<8x512xf32>
    %add3A_1550 = arith.addf %mul3A_1545, %mul3A_1549 : vector<8x512xf32>
    %abs3A_1551 = math.absf %add3A_1550 : vector<8x512xf32>
    %div3A_1552 = arith.divf %abs3A_1551, %add3A_1541 : vector<8x512xf32>
    %mul3A_1553 = vector.broadcast %slice3A_1529 : vector<8x1xf32> to vector<8x512xf32>
    %mul3A_1554 = arith.mulf %sub3A_1535, %mul3A_1553 : vector<8x512xf32>
    %mul3A_1555 = vector.broadcast %slice3A_1530 : vector<8x1xf32> to vector<8x512xf32>
    %mul3A_1556 = arith.mulf %sub3A_1538, %mul3A_1555 : vector<8x512xf32>
    %add3A_1557 = arith.addf %mul3A_1554, %mul3A_1556 : vector<8x512xf32>
    %bitcast_convert_type3A_1558 = tpu.bitcast %sub3A_1535 : vector<8x512xf32> -> vector<8x512xi32>
    %bitcast_convert_type3A_1559 = tpu.bitcast %slice3A_1529 : vector<8x1xf32> -> vector<8x1xi32>
    %and3A_1560 = vector.broadcast %bitcast_convert_type3A_1559 : vector<8x1xi32> to vector<8x512xi32>
    %and3A_1561 = arith.andi %bitcast_convert_type3A_1558, %and3A_1560 : vector<8x512xi32>
    %bitcast_convert_type3A_1562 = tpu.bitcast %sub3A_1538 : vector<8x512xf32> -> vector<8x512xi32>
    %bitcast_convert_type3A_1563 = tpu.bitcast %slice3A_1530 : vector<8x1xf32> -> vector<8x1xi32>
    %xor3A_1564 = vector.broadcast %bitcast_convert_type3A_1563 : vector<8x1xi32> to vector<8x512xi32>
    %xor3A_1565 = arith.xori %bitcast_convert_type3A_1562, %xor3A_1564 : vector<8x512xi32>
    %and3A_1566 = arith.andi %and3A_1561, %xor3A_1565 : vector<8x512xi32>
    %and3A_1567 = arith.constant -2147483648 : i32
    %and3A_1568 = vector.broadcast %and3A_1567 : i32 to vector<8x512xi32>
    %and3A_1569 = arith.andi %and3A_1566, %and3A_1568 : vector<8x512xi32>
    %bitcast_convert_type3A_1570 = tpu.bitcast %add3A_1557 : vector<8x512xf32> -> vector<8x512xi32>
    %or3A_1571 = arith.ori %bitcast_convert_type3A_1570, %and3A_1569 : vector<8x512xi32>
    %bitcast_convert_type3A_1572 = tpu.bitcast %or3A_1571 : vector<8x512xi32> -> vector<8x512xf32>
    %mul3A_1573 = vector.broadcast %add3A_130 : vector<1x512xf32> to vector<8x512xf32>
    %mul3A_1574 = vector.broadcast %slice3A_1532 : vector<8x1xf32> to vector<8x512xf32>
    %mul3A_1575 = arith.mulf %mul3A_1573, %mul3A_1574 : vector<8x512xf32>
    %add3A_1576 = vector.broadcast %slice3A_1531 : vector<8x1xf32> to vector<8x512xf32>
    %add3A_1577 = arith.addf %mul3A_1575, %add3A_1576 : vector<8x512xf32>
    %gt3A_1578 = arith.constant 0.000000e+00 : f32
    %gt3A_1579 = vector.broadcast %gt3A_1578 : f32 to vector<8x512xf32>
    %gt3A_1580 = arith.cmpf ogt, %bitcast_convert_type3A_1572, %gt3A_1579 : vector<8x512xf32>
    %mul3A_1581 = arith.mulf %div3A_1552, %add3A_1577 : vector<8x512xf32>
    %jit3A_1582 = arith.constant 0.000000e+00 : f32
    %broadcast_in_dim3A_1583 = vector.broadcast %jit3A_1582 : f32 to vector<8x512xf32>
    %select_n3A_1584 = arith.select %gt3A_1580, %mul3A_1581, %broadcast_in_dim3A_1583 : vector<8x512xi1>, vector<8x512xf32>
    %swap3A_1585 = arith.constant 0 : index
    %swap3A_1586 = arith.constant 168 : index
    %swap3A_1587 = arith.constant 0 : index
    %swap3A_1588 = vector.load %arg7[%swap3A_1585, %swap3A_1586, %swap3A_1587] : memref<1x512x512xf32, #tpu.memory_space<vmem>>, vector<1x8x512xf32>
    %swap3A_1589 = vector.shape_cast %swap3A_1588 : vector<1x8x512xf32> to vector<8x512xf32>
    %swap3A_1590 = vector.shape_cast %select_n3A_1584 : vector<8x512xf32> to vector<1x8x512xf32>
    tpu.vector_store %arg7[%swap3A_1585, %swap3A_1586, %swap3A_1587], %swap3A_1590 {strides = array<i32>} : memref<1x512x512xf32, #tpu.memory_space<vmem>>, vector<1x8x512xf32>,
    %slice3A_1591 = vector.extract_strided_slice %transpose3A {offsets = [176, 0], sizes = [8, 1], strides = [1, 1]} : vector<512x8xf32> to vector<8x1xf32>
    %slice3A_1592 = vector.extract_strided_slice %transpose3A {offsets = [176, 1], sizes = [8, 1], strides = [1, 1]} : vector<512x8xf32> to vector<8x1xf32>
    %slice3A_1593 = vector.extract_strided_slice %transpose3A {offsets = [176, 2], sizes = [8, 1], strides = [1, 1]} : vector<512x8xf32> to vector<8x1xf32>
    %slice3A_1594 = vector.extract_strided_slice %transpose3A {offsets = [176, 3], sizes = [8, 1], strides = [1, 1]} : vector<512x8xf32> to vector<8x1xf32>
    %slice3A_1595 = vector.extract_strided_slice %transpose3A {offsets = [176, 4], sizes = [8, 1], strides = [1, 1]} : vector<512x8xf32> to vector<8x1xf32>
    %slice3A_1596 = vector.extract_strided_slice %transpose3A {offsets = [176, 5], sizes = [8, 1], strides = [1, 1]} : vector<512x8xf32> to vector<8x1xf32>
    %slice3A_1597 = vector.extract_strided_slice %transpose3A {offsets = [176, 6], sizes = [8, 1], strides = [1, 1]} : vector<512x8xf32> to vector<8x1xf32>
    %slice3A_1598 = vector.extract_strided_slice %transpose3A {offsets = [176, 7], sizes = [8, 1], strides = [1, 1]} : vector<512x8xf32> to vector<8x1xf32>
    %sub3A_1599 = vector.broadcast %get3A_3 : vector<1x512xf32> to vector<8x512xf32>
    %sub3A_1600 = vector.broadcast %slice3A_1591 : vector<8x1xf32> to vector<8x512xf32>
    %sub3A_1601 = arith.subf %sub3A_1599, %sub3A_1600 : vector<8x512xf32>
    %sub3A_1602 = vector.broadcast %get3A_13 : vector<1x512xf32> to vector<8x512xf32>
    %sub3A_1603 = vector.broadcast %slice3A_1592 : vector<8x1xf32> to vector<8x512xf32>
    %sub3A_1604 = arith.subf %sub3A_1602, %sub3A_1603 : vector<8x512xf32>
    %mul3A_1605 = arith.mulf %sub3A_1601, %sub3A_1601 : vector<8x512xf32>
    %mul3A_1606 = arith.mulf %sub3A_1604, %sub3A_1604 : vector<8x512xf32>
    %add3A_1607 = arith.addf %mul3A_1605, %mul3A_1606 : vector<8x512xf32>
    %sub3A_1608 = vector.broadcast %slice3A_1593 : vector<8x1xf32> to vector<8x512xf32>
    %sub3A_1609 = vector.broadcast %mul3A_45 : vector<1x512xf32> to vector<8x512xf32>
    %sub3A_1610 = arith.subf %sub3A_1608, %sub3A_1609 : vector<8x512xf32>
    %mul3A_1611 = arith.mulf %sub3A_1610, %sub3A_1601 : vector<8x512xf32>
    %sub3A_1612 = vector.broadcast %slice3A_1594 : vector<8x1xf32> to vector<8x512xf32>
    %sub3A_1613 = vector.broadcast %mul3A_46 : vector<1x512xf32> to vector<8x512xf32>
    %sub3A_1614 = arith.subf %sub3A_1612, %sub3A_1613 : vector<8x512xf32>
    %mul3A_1615 = arith.mulf %sub3A_1614, %sub3A_1604 : vector<8x512xf32>
    %add3A_1616 = arith.addf %mul3A_1611, %mul3A_1615 : vector<8x512xf32>
    %abs3A_1617 = math.absf %add3A_1616 : vector<8x512xf32>
    %div3A_1618 = arith.divf %abs3A_1617, %add3A_1607 : vector<8x512xf32>
    %mul3A_1619 = vector.broadcast %slice3A_1595 : vector<8x1xf32> to vector<8x512xf32>
    %mul3A_1620 = arith.mulf %sub3A_1601, %mul3A_1619 : vector<8x512xf32>
    %mul3A_1621 = vector.broadcast %slice3A_1596 : vector<8x1xf32> to vector<8x512xf32>
    %mul3A_1622 = arith.mulf %sub3A_1604, %mul3A_1621 : vector<8x512xf32>
    %add3A_1623 = arith.addf %mul3A_1620, %mul3A_1622 : vector<8x512xf32>
    %bitcast_convert_type3A_1624 = tpu.bitcast %sub3A_1601 : vector<8x512xf32> -> vector<8x512xi32>
    %bitcast_convert_type3A_1625 = tpu.bitcast %slice3A_1595 : vector<8x1xf32> -> vector<8x1xi32>
    %and3A_1626 = vector.broadcast %bitcast_convert_type3A_1625 : vector<8x1xi32> to vector<8x512xi32>
    %and3A_1627 = arith.andi %bitcast_convert_type3A_1624, %and3A_1626 : vector<8x512xi32>
    %bitcast_convert_type3A_1628 = tpu.bitcast %sub3A_1604 : vector<8x512xf32> -> vector<8x512xi32>
    %bitcast_convert_type3A_1629 = tpu.bitcast %slice3A_1596 : vector<8x1xf32> -> vector<8x1xi32>
    %xor3A_1630 = vector.broadcast %bitcast_convert_type3A_1629 : vector<8x1xi32> to vector<8x512xi32>
    %xor3A_1631 = arith.xori %bitcast_convert_type3A_1628, %xor3A_1630 : vector<8x512xi32>
    %and3A_1632 = arith.andi %and3A_1627, %xor3A_1631 : vector<8x512xi32>
    %and3A_1633 = arith.constant -2147483648 : i32
    %and3A_1634 = vector.broadcast %and3A_1633 : i32 to vector<8x512xi32>
    %and3A_1635 = arith.andi %and3A_1632, %and3A_1634 : vector<8x512xi32>
    %bitcast_convert_type3A_1636 = tpu.bitcast %add3A_1623 : vector<8x512xf32> -> vector<8x512xi32>
    %or3A_1637 = arith.ori %bitcast_convert_type3A_1636, %and3A_1635 : vector<8x512xi32>
    %bitcast_convert_type3A_1638 = tpu.bitcast %or3A_1637 : vector<8x512xi32> -> vector<8x512xf32>
    %mul3A_1639 = vector.broadcast %add3A_130 : vector<1x512xf32> to vector<8x512xf32>
    %mul3A_1640 = vector.broadcast %slice3A_1598 : vector<8x1xf32> to vector<8x512xf32>
    %mul3A_1641 = arith.mulf %mul3A_1639, %mul3A_1640 : vector<8x512xf32>
    %add3A_1642 = vector.broadcast %slice3A_1597 : vector<8x1xf32> to vector<8x512xf32>
    %add3A_1643 = arith.addf %mul3A_1641, %add3A_1642 : vector<8x512xf32>
    %gt3A_1644 = arith.constant 0.000000e+00 : f32
    %gt3A_1645 = vector.broadcast %gt3A_1644 : f32 to vector<8x512xf32>
    %gt3A_1646 = arith.cmpf ogt, %bitcast_convert_type3A_1638, %gt3A_1645 : vector<8x512xf32>
    %mul3A_1647 = arith.mulf %div3A_1618, %add3A_1643 : vector<8x512xf32>
    %jit3A_1648 = arith.constant 0.000000e+00 : f32
    %broadcast_in_dim3A_1649 = vector.broadcast %jit3A_1648 : f32 to vector<8x512xf32>
    %select_n3A_1650 = arith.select %gt3A_1646, %mul3A_1647, %broadcast_in_dim3A_1649 : vector<8x512xi1>, vector<8x512xf32>
    %swap3A_1651 = arith.constant 0 : index
    %swap3A_1652 = arith.constant 176 : index
    %swap3A_1653 = arith.constant 0 : index
    %swap3A_1654 = vector.load %arg7[%swap3A_1651, %swap3A_1652, %swap3A_1653] : memref<1x512x512xf32, #tpu.memory_space<vmem>>, vector<1x8x512xf32>
    %swap3A_1655 = vector.shape_cast %swap3A_1654 : vector<1x8x512xf32> to vector<8x512xf32>
    %swap3A_1656 = vector.shape_cast %select_n3A_1650 : vector<8x512xf32> to vector<1x8x512xf32>
    tpu.vector_store %arg7[%swap3A_1651, %swap3A_1652, %swap3A_1653], %swap3A_1656 {strides = array<i32>} : memref<1x512x512xf32, #tpu.memory_space<vmem>>, vector<1x8x512xf32>,
    %slice3A_1657 = vector.extract_strided_slice %transpose3A {offsets = [184, 0], sizes = [8, 1], strides = [1, 1]} : vector<512x8xf32> to vector<8x1xf32>
    %slice3A_1658 = vector.extract_strided_slice %transpose3A {offsets = [184, 1], sizes = [8, 1], strides = [1, 1]} : vector<512x8xf32> to vector<8x1xf32>
    %slice3A_1659 = vector.extract_strided_slice %transpose3A {offsets = [184, 2], sizes = [8, 1], strides = [1, 1]} : vector<512x8xf32> to vector<8x1xf32>
    %slice3A_1660 = vector.extract_strided_slice %transpose3A {offsets = [184, 3], sizes = [8, 1], strides = [1, 1]} : vector<512x8xf32> to vector<8x1xf32>
    %slice3A_1661 = vector.extract_strided_slice %transpose3A {offsets = [184, 4], sizes = [8, 1], strides = [1, 1]} : vector<512x8xf32> to vector<8x1xf32>
    %slice3A_1662 = vector.extract_strided_slice %transpose3A {offsets = [184, 5], sizes = [8, 1], strides = [1, 1]} : vector<512x8xf32> to vector<8x1xf32>
    %slice3A_1663 = vector.extract_strided_slice %transpose3A {offsets = [184, 6], sizes = [8, 1], strides = [1, 1]} : vector<512x8xf32> to vector<8x1xf32>
    %slice3A_1664 = vector.extract_strided_slice %transpose3A {offsets = [184, 7], sizes = [8, 1], strides = [1, 1]} : vector<512x8xf32> to vector<8x1xf32>
    %sub3A_1665 = vector.broadcast %get3A_3 : vector<1x512xf32> to vector<8x512xf32>
    %sub3A_1666 = vector.broadcast %slice3A_1657 : vector<8x1xf32> to vector<8x512xf32>
    %sub3A_1667 = arith.subf %sub3A_1665, %sub3A_1666 : vector<8x512xf32>
    %sub3A_1668 = vector.broadcast %get3A_13 : vector<1x512xf32> to vector<8x512xf32>
    %sub3A_1669 = vector.broadcast %slice3A_1658 : vector<8x1xf32> to vector<8x512xf32>
    %sub3A_1670 = arith.subf %sub3A_1668, %sub3A_1669 : vector<8x512xf32>
    %mul3A_1671 = arith.mulf %sub3A_1667, %sub3A_1667 : vector<8x512xf32>
    %mul3A_1672 = arith.mulf %sub3A_1670, %sub3A_1670 : vector<8x512xf32>
    %add3A_1673 = arith.addf %mul3A_1671, %mul3A_1672 : vector<8x512xf32>
    %sub3A_1674 = vector.broadcast %slice3A_1659 : vector<8x1xf32> to vector<8x512xf32>
    %sub3A_1675 = vector.broadcast %mul3A_45 : vector<1x512xf32> to vector<8x512xf32>
    %sub3A_1676 = arith.subf %sub3A_1674, %sub3A_1675 : vector<8x512xf32>
    %mul3A_1677 = arith.mulf %sub3A_1676, %sub3A_1667 : vector<8x512xf32>
    %sub3A_1678 = vector.broadcast %slice3A_1660 : vector<8x1xf32> to vector<8x512xf32>
    %sub3A_1679 = vector.broadcast %mul3A_46 : vector<1x512xf32> to vector<8x512xf32>
    %sub3A_1680 = arith.subf %sub3A_1678, %sub3A_1679 : vector<8x512xf32>
    %mul3A_1681 = arith.mulf %sub3A_1680, %sub3A_1670 : vector<8x512xf32>
    %add3A_1682 = arith.addf %mul3A_1677, %mul3A_1681 : vector<8x512xf32>
    %abs3A_1683 = math.absf %add3A_1682 : vector<8x512xf32>
    %div3A_1684 = arith.divf %abs3A_1683, %add3A_1673 : vector<8x512xf32>
    %mul3A_1685 = vector.broadcast %slice3A_1661 : vector<8x1xf32> to vector<8x512xf32>
    %mul3A_1686 = arith.mulf %sub3A_1667, %mul3A_1685 : vector<8x512xf32>
    %mul3A_1687 = vector.broadcast %slice3A_1662 : vector<8x1xf32> to vector<8x512xf32>
    %mul3A_1688 = arith.mulf %sub3A_1670, %mul3A_1687 : vector<8x512xf32>
    %add3A_1689 = arith.addf %mul3A_1686, %mul3A_1688 : vector<8x512xf32>
    %bitcast_convert_type3A_1690 = tpu.bitcast %sub3A_1667 : vector<8x512xf32> -> vector<8x512xi32>
    %bitcast_convert_type3A_1691 = tpu.bitcast %slice3A_1661 : vector<8x1xf32> -> vector<8x1xi32>
    %and3A_1692 = vector.broadcast %bitcast_convert_type3A_1691 : vector<8x1xi32> to vector<8x512xi32>
    %and3A_1693 = arith.andi %bitcast_convert_type3A_1690, %and3A_1692 : vector<8x512xi32>
    %bitcast_convert_type3A_1694 = tpu.bitcast %sub3A_1670 : vector<8x512xf32> -> vector<8x512xi32>
    %bitcast_convert_type3A_1695 = tpu.bitcast %slice3A_1662 : vector<8x1xf32> -> vector<8x1xi32>
    %xor3A_1696 = vector.broadcast %bitcast_convert_type3A_1695 : vector<8x1xi32> to vector<8x512xi32>
    %xor3A_1697 = arith.xori %bitcast_convert_type3A_1694, %xor3A_1696 : vector<8x512xi32>
    %and3A_1698 = arith.andi %and3A_1693, %xor3A_1697 : vector<8x512xi32>
    %and3A_1699 = arith.constant -2147483648 : i32
    %and3A_1700 = vector.broadcast %and3A_1699 : i32 to vector<8x512xi32>
    %and3A_1701 = arith.andi %and3A_1698, %and3A_1700 : vector<8x512xi32>
    %bitcast_convert_type3A_1702 = tpu.bitcast %add3A_1689 : vector<8x512xf32> -> vector<8x512xi32>
    %or3A_1703 = arith.ori %bitcast_convert_type3A_1702, %and3A_1701 : vector<8x512xi32>
    %bitcast_convert_type3A_1704 = tpu.bitcast %or3A_1703 : vector<8x512xi32> -> vector<8x512xf32>
    %mul3A_1705 = vector.broadcast %add3A_130 : vector<1x512xf32> to vector<8x512xf32>
    %mul3A_1706 = vector.broadcast %slice3A_1664 : vector<8x1xf32> to vector<8x512xf32>
    %mul3A_1707 = arith.mulf %mul3A_1705, %mul3A_1706 : vector<8x512xf32>
    %add3A_1708 = vector.broadcast %slice3A_1663 : vector<8x1xf32> to vector<8x512xf32>
    %add3A_1709 = arith.addf %mul3A_1707, %add3A_1708 : vector<8x512xf32>
    %gt3A_1710 = arith.constant 0.000000e+00 : f32
    %gt3A_1711 = vector.broadcast %gt3A_1710 : f32 to vector<8x512xf32>
    %gt3A_1712 = arith.cmpf ogt, %bitcast_convert_type3A_1704, %gt3A_1711 : vector<8x512xf32>
    %mul3A_1713 = arith.mulf %div3A_1684, %add3A_1709 : vector<8x512xf32>
    %jit3A_1714 = arith.constant 0.000000e+00 : f32
    %broadcast_in_dim3A_1715 = vector.broadcast %jit3A_1714 : f32 to vector<8x512xf32>
    %select_n3A_1716 = arith.select %gt3A_1712, %mul3A_1713, %broadcast_in_dim3A_1715 : vector<8x512xi1>, vector<8x512xf32>
    %swap3A_1717 = arith.constant 0 : index
    %swap3A_1718 = arith.constant 184 : index
    %swap3A_1719 = arith.constant 0 : index
    %swap3A_1720 = vector.load %arg7[%swap3A_1717, %swap3A_1718, %swap3A_1719] : memref<1x512x512xf32, #tpu.memory_space<vmem>>, vector<1x8x512xf32>
    %swap3A_1721 = vector.shape_cast %swap3A_1720 : vector<1x8x512xf32> to vector<8x512xf32>
    %swap3A_1722 = vector.shape_cast %select_n3A_1716 : vector<8x512xf32> to vector<1x8x512xf32>
    tpu.vector_store %arg7[%swap3A_1717, %swap3A_1718, %swap3A_1719], %swap3A_1722 {strides = array<i32>} : memref<1x512x512xf32, #tpu.memory_space<vmem>>, vector<1x8x512xf32>,
    %slice3A_1723 = vector.extract_strided_slice %transpose3A {offsets = [192, 0], sizes = [8, 1], strides = [1, 1]} : vector<512x8xf32> to vector<8x1xf32>
    %slice3A_1724 = vector.extract_strided_slice %transpose3A {offsets = [192, 1], sizes = [8, 1], strides = [1, 1]} : vector<512x8xf32> to vector<8x1xf32>
    %slice3A_1725 = vector.extract_strided_slice %transpose3A {offsets = [192, 2], sizes = [8, 1], strides = [1, 1]} : vector<512x8xf32> to vector<8x1xf32>
    %slice3A_1726 = vector.extract_strided_slice %transpose3A {offsets = [192, 3], sizes = [8, 1], strides = [1, 1]} : vector<512x8xf32> to vector<8x1xf32>
    %slice3A_1727 = vector.extract_strided_slice %transpose3A {offsets = [192, 4], sizes = [8, 1], strides = [1, 1]} : vector<512x8xf32> to vector<8x1xf32>
    %slice3A_1728 = vector.extract_strided_slice %transpose3A {offsets = [192, 5], sizes = [8, 1], strides = [1, 1]} : vector<512x8xf32> to vector<8x1xf32>
    %slice3A_1729 = vector.extract_strided_slice %transpose3A {offsets = [192, 6], sizes = [8, 1], strides = [1, 1]} : vector<512x8xf32> to vector<8x1xf32>
    %slice3A_1730 = vector.extract_strided_slice %transpose3A {offsets = [192, 7], sizes = [8, 1], strides = [1, 1]} : vector<512x8xf32> to vector<8x1xf32>
    %sub3A_1731 = vector.broadcast %get3A_3 : vector<1x512xf32> to vector<8x512xf32>
    %sub3A_1732 = vector.broadcast %slice3A_1723 : vector<8x1xf32> to vector<8x512xf32>
    %sub3A_1733 = arith.subf %sub3A_1731, %sub3A_1732 : vector<8x512xf32>
    %sub3A_1734 = vector.broadcast %get3A_13 : vector<1x512xf32> to vector<8x512xf32>
    %sub3A_1735 = vector.broadcast %slice3A_1724 : vector<8x1xf32> to vector<8x512xf32>
    %sub3A_1736 = arith.subf %sub3A_1734, %sub3A_1735 : vector<8x512xf32>
    %mul3A_1737 = arith.mulf %sub3A_1733, %sub3A_1733 : vector<8x512xf32>
    %mul3A_1738 = arith.mulf %sub3A_1736, %sub3A_1736 : vector<8x512xf32>
    %add3A_1739 = arith.addf %mul3A_1737, %mul3A_1738 : vector<8x512xf32>
    %sub3A_1740 = vector.broadcast %slice3A_1725 : vector<8x1xf32> to vector<8x512xf32>
    %sub3A_1741 = vector.broadcast %mul3A_45 : vector<1x512xf32> to vector<8x512xf32>
    %sub3A_1742 = arith.subf %sub3A_1740, %sub3A_1741 : vector<8x512xf32>
    %mul3A_1743 = arith.mulf %sub3A_1742, %sub3A_1733 : vector<8x512xf32>
    %sub3A_1744 = vector.broadcast %slice3A_1726 : vector<8x1xf32> to vector<8x512xf32>
    %sub3A_1745 = vector.broadcast %mul3A_46 : vector<1x512xf32> to vector<8x512xf32>
    %sub3A_1746 = arith.subf %sub3A_1744, %sub3A_1745 : vector<8x512xf32>
    %mul3A_1747 = arith.mulf %sub3A_1746, %sub3A_1736 : vector<8x512xf32>
    %add3A_1748 = arith.addf %mul3A_1743, %mul3A_1747 : vector<8x512xf32>
    %abs3A_1749 = math.absf %add3A_1748 : vector<8x512xf32>
    %div3A_1750 = arith.divf %abs3A_1749, %add3A_1739 : vector<8x512xf32>
    %mul3A_1751 = vector.broadcast %slice3A_1727 : vector<8x1xf32> to vector<8x512xf32>
    %mul3A_1752 = arith.mulf %sub3A_1733, %mul3A_1751 : vector<8x512xf32>
    %mul3A_1753 = vector.broadcast %slice3A_1728 : vector<8x1xf32> to vector<8x512xf32>
    %mul3A_1754 = arith.mulf %sub3A_1736, %mul3A_1753 : vector<8x512xf32>
    %add3A_1755 = arith.addf %mul3A_1752, %mul3A_1754 : vector<8x512xf32>
    %bitcast_convert_type3A_1756 = tpu.bitcast %sub3A_1733 : vector<8x512xf32> -> vector<8x512xi32>
    %bitcast_convert_type3A_1757 = tpu.bitcast %slice3A_1727 : vector<8x1xf32> -> vector<8x1xi32>
    %and3A_1758 = vector.broadcast %bitcast_convert_type3A_1757 : vector<8x1xi32> to vector<8x512xi32>
    %and3A_1759 = arith.andi %bitcast_convert_type3A_1756, %and3A_1758 : vector<8x512xi32>
    %bitcast_convert_type3A_1760 = tpu.bitcast %sub3A_1736 : vector<8x512xf32> -> vector<8x512xi32>
    %bitcast_convert_type3A_1761 = tpu.bitcast %slice3A_1728 : vector<8x1xf32> -> vector<8x1xi32>
    %xor3A_1762 = vector.broadcast %bitcast_convert_type3A_1761 : vector<8x1xi32> to vector<8x512xi32>
    %xor3A_1763 = arith.xori %bitcast_convert_type3A_1760, %xor3A_1762 : vector<8x512xi32>
    %and3A_1764 = arith.andi %and3A_1759, %xor3A_1763 : vector<8x512xi32>
    %and3A_1765 = arith.constant -2147483648 : i32
    %and3A_1766 = vector.broadcast %and3A_1765 : i32 to vector<8x512xi32>
    %and3A_1767 = arith.andi %and3A_1764, %and3A_1766 : vector<8x512xi32>
    %bitcast_convert_type3A_1768 = tpu.bitcast %add3A_1755 : vector<8x512xf32> -> vector<8x512xi32>
    %or3A_1769 = arith.ori %bitcast_convert_type3A_1768, %and3A_1767 : vector<8x512xi32>
    %bitcast_convert_type3A_1770 = tpu.bitcast %or3A_1769 : vector<8x512xi32> -> vector<8x512xf32>
    %mul3A_1771 = vector.broadcast %add3A_130 : vector<1x512xf32> to vector<8x512xf32>
    %mul3A_1772 = vector.broadcast %slice3A_1730 : vector<8x1xf32> to vector<8x512xf32>
    %mul3A_1773 = arith.mulf %mul3A_1771, %mul3A_1772 : vector<8x512xf32>
    %add3A_1774 = vector.broadcast %slice3A_1729 : vector<8x1xf32> to vector<8x512xf32>
    %add3A_1775 = arith.addf %mul3A_1773, %add3A_1774 : vector<8x512xf32>
    %gt3A_1776 = arith.constant 0.000000e+00 : f32
    %gt3A_1777 = vector.broadcast %gt3A_1776 : f32 to vector<8x512xf32>
    %gt3A_1778 = arith.cmpf ogt, %bitcast_convert_type3A_1770, %gt3A_1777 : vector<8x512xf32>
    %mul3A_1779 = arith.mulf %div3A_1750, %add3A_1775 : vector<8x512xf32>
    %jit3A_1780 = arith.constant 0.000000e+00 : f32
    %broadcast_in_dim3A_1781 = vector.broadcast %jit3A_1780 : f32 to vector<8x512xf32>
    %select_n3A_1782 = arith.select %gt3A_1778, %mul3A_1779, %broadcast_in_dim3A_1781 : vector<8x512xi1>, vector<8x512xf32>
    %swap3A_1783 = arith.constant 0 : index
    %swap3A_1784 = arith.constant 192 : index
    %swap3A_1785 = arith.constant 0 : index
    %swap3A_1786 = vector.load %arg7[%swap3A_1783, %swap3A_1784, %swap3A_1785] : memref<1x512x512xf32, #tpu.memory_space<vmem>>, vector<1x8x512xf32>
    %swap3A_1787 = vector.shape_cast %swap3A_1786 : vector<1x8x512xf32> to vector<8x512xf32>
    %swap3A_1788 = vector.shape_cast %select_n3A_1782 : vector<8x512xf32> to vector<1x8x512xf32>
    tpu.vector_store %arg7[%swap3A_1783, %swap3A_1784, %swap3A_1785], %swap3A_1788 {strides = array<i32>} : memref<1x512x512xf32, #tpu.memory_space<vmem>>, vector<1x8x512xf32>,
    %slice3A_1789 = vector.extract_strided_slice %transpose3A {offsets = [200, 0], sizes = [8, 1], strides = [1, 1]} : vector<512x8xf32> to vector<8x1xf32>
    %slice3A_1790 = vector.extract_strided_slice %transpose3A {offsets = [200, 1], sizes = [8, 1], strides = [1, 1]} : vector<512x8xf32> to vector<8x1xf32>
    %slice3A_1791 = vector.extract_strided_slice %transpose3A {offsets = [200, 2], sizes = [8, 1], strides = [1, 1]} : vector<512x8xf32> to vector<8x1xf32>
    %slice3A_1792 = vector.extract_strided_slice %transpose3A {offsets = [200, 3], sizes = [8, 1], strides = [1, 1]} : vector<512x8xf32> to vector<8x1xf32>
    %slice3A_1793 = vector.extract_strided_slice %transpose3A {offsets = [200, 4], sizes = [8, 1], strides = [1, 1]} : vector<512x8xf32> to vector<8x1xf32>
    %slice3A_1794 = vector.extract_strided_slice %transpose3A {offsets = [200, 5], sizes = [8, 1], strides = [1, 1]} : vector<512x8xf32> to vector<8x1xf32>
    %slice3A_1795 = vector.extract_strided_slice %transpose3A {offsets = [200, 6], sizes = [8, 1], strides = [1, 1]} : vector<512x8xf32> to vector<8x1xf32>
    %slice3A_1796 = vector.extract_strided_slice %transpose3A {offsets = [200, 7], sizes = [8, 1], strides = [1, 1]} : vector<512x8xf32> to vector<8x1xf32>
    %sub3A_1797 = vector.broadcast %get3A_3 : vector<1x512xf32> to vector<8x512xf32>
    %sub3A_1798 = vector.broadcast %slice3A_1789 : vector<8x1xf32> to vector<8x512xf32>
    %sub3A_1799 = arith.subf %sub3A_1797, %sub3A_1798 : vector<8x512xf32>
    %sub3A_1800 = vector.broadcast %get3A_13 : vector<1x512xf32> to vector<8x512xf32>
    %sub3A_1801 = vector.broadcast %slice3A_1790 : vector<8x1xf32> to vector<8x512xf32>
    %sub3A_1802 = arith.subf %sub3A_1800, %sub3A_1801 : vector<8x512xf32>
    %mul3A_1803 = arith.mulf %sub3A_1799, %sub3A_1799 : vector<8x512xf32>
    %mul3A_1804 = arith.mulf %sub3A_1802, %sub3A_1802 : vector<8x512xf32>
    %add3A_1805 = arith.addf %mul3A_1803, %mul3A_1804 : vector<8x512xf32>
    %sub3A_1806 = vector.broadcast %slice3A_1791 : vector<8x1xf32> to vector<8x512xf32>
    %sub3A_1807 = vector.broadcast %mul3A_45 : vector<1x512xf32> to vector<8x512xf32>
    %sub3A_1808 = arith.subf %sub3A_1806, %sub3A_1807 : vector<8x512xf32>
    %mul3A_1809 = arith.mulf %sub3A_1808, %sub3A_1799 : vector<8x512xf32>
    %sub3A_1810 = vector.broadcast %slice3A_1792 : vector<8x1xf32> to vector<8x512xf32>
    %sub3A_1811 = vector.broadcast %mul3A_46 : vector<1x512xf32> to vector<8x512xf32>
    %sub3A_1812 = arith.subf %sub3A_1810, %sub3A_1811 : vector<8x512xf32>
    %mul3A_1813 = arith.mulf %sub3A_1812, %sub3A_1802 : vector<8x512xf32>
    %add3A_1814 = arith.addf %mul3A_1809, %mul3A_1813 : vector<8x512xf32>
    %abs3A_1815 = math.absf %add3A_1814 : vector<8x512xf32>
    %div3A_1816 = arith.divf %abs3A_1815, %add3A_1805 : vector<8x512xf32>
    %mul3A_1817 = vector.broadcast %slice3A_1793 : vector<8x1xf32> to vector<8x512xf32>
    %mul3A_1818 = arith.mulf %sub3A_1799, %mul3A_1817 : vector<8x512xf32>
    %mul3A_1819 = vector.broadcast %slice3A_1794 : vector<8x1xf32> to vector<8x512xf32>
    %mul3A_1820 = arith.mulf %sub3A_1802, %mul3A_1819 : vector<8x512xf32>
    %add3A_1821 = arith.addf %mul3A_1818, %mul3A_1820 : vector<8x512xf32>
    %bitcast_convert_type3A_1822 = tpu.bitcast %sub3A_1799 : vector<8x512xf32> -> vector<8x512xi32>
    %bitcast_convert_type3A_1823 = tpu.bitcast %slice3A_1793 : vector<8x1xf32> -> vector<8x1xi32>
    %and3A_1824 = vector.broadcast %bitcast_convert_type3A_1823 : vector<8x1xi32> to vector<8x512xi32>
    %and3A_1825 = arith.andi %bitcast_convert_type3A_1822, %and3A_1824 : vector<8x512xi32>
    %bitcast_convert_type3A_1826 = tpu.bitcast %sub3A_1802 : vector<8x512xf32> -> vector<8x512xi32>
    %bitcast_convert_type3A_1827 = tpu.bitcast %slice3A_1794 : vector<8x1xf32> -> vector<8x1xi32>
    %xor3A_1828 = vector.broadcast %bitcast_convert_type3A_1827 : vector<8x1xi32> to vector<8x512xi32>
    %xor3A_1829 = arith.xori %bitcast_convert_type3A_1826, %xor3A_1828 : vector<8x512xi32>
    %and3A_1830 = arith.andi %and3A_1825, %xor3A_1829 : vector<8x512xi32>
    %and3A_1831 = arith.constant -2147483648 : i32
    %and3A_1832 = vector.broadcast %and3A_1831 : i32 to vector<8x512xi32>
    %and3A_1833 = arith.andi %and3A_1830, %and3A_1832 : vector<8x512xi32>
    %bitcast_convert_type3A_1834 = tpu.bitcast %add3A_1821 : vector<8x512xf32> -> vector<8x512xi32>
    %or3A_1835 = arith.ori %bitcast_convert_type3A_1834, %and3A_1833 : vector<8x512xi32>
    %bitcast_convert_type3A_1836 = tpu.bitcast %or3A_1835 : vector<8x512xi32> -> vector<8x512xf32>
    %mul3A_1837 = vector.broadcast %add3A_130 : vector<1x512xf32> to vector<8x512xf32>
    %mul3A_1838 = vector.broadcast %slice3A_1796 : vector<8x1xf32> to vector<8x512xf32>
    %mul3A_1839 = arith.mulf %mul3A_1837, %mul3A_1838 : vector<8x512xf32>
    %add3A_1840 = vector.broadcast %slice3A_1795 : vector<8x1xf32> to vector<8x512xf32>
    %add3A_1841 = arith.addf %mul3A_1839, %add3A_1840 : vector<8x512xf32>
    %gt3A_1842 = arith.constant 0.000000e+00 : f32
    %gt3A_1843 = vector.broadcast %gt3A_1842 : f32 to vector<8x512xf32>
    %gt3A_1844 = arith.cmpf ogt, %bitcast_convert_type3A_1836, %gt3A_1843 : vector<8x512xf32>
    %mul3A_1845 = arith.mulf %div3A_1816, %add3A_1841 : vector<8x512xf32>
    %jit3A_1846 = arith.constant 0.000000e+00 : f32
    %broadcast_in_dim3A_1847 = vector.broadcast %jit3A_1846 : f32 to vector<8x512xf32>
    %select_n3A_1848 = arith.select %gt3A_1844, %mul3A_1845, %broadcast_in_dim3A_1847 : vector<8x512xi1>, vector<8x512xf32>
    %swap3A_1849 = arith.constant 0 : index
    %swap3A_1850 = arith.constant 200 : index
    %swap3A_1851 = arith.constant 0 : index
    %swap3A_1852 = vector.load %arg7[%swap3A_1849, %swap3A_1850, %swap3A_1851] : memref<1x512x512xf32, #tpu.memory_space<vmem>>, vector<1x8x512xf32>
    %swap3A_1853 = vector.shape_cast %swap3A_1852 : vector<1x8x512xf32> to vector<8x512xf32>
    %swap3A_1854 = vector.shape_cast %select_n3A_1848 : vector<8x512xf32> to vector<1x8x512xf32>
    tpu.vector_store %arg7[%swap3A_1849, %swap3A_1850, %swap3A_1851], %swap3A_1854 {strides = array<i32>} : memref<1x512x512xf32, #tpu.memory_space<vmem>>, vector<1x8x512xf32>,
    %slice3A_1855 = vector.extract_strided_slice %transpose3A {offsets = [208, 0], sizes = [8, 1], strides = [1, 1]} : vector<512x8xf32> to vector<8x1xf32>
    %slice3A_1856 = vector.extract_strided_slice %transpose3A {offsets = [208, 1], sizes = [8, 1], strides = [1, 1]} : vector<512x8xf32> to vector<8x1xf32>
    %slice3A_1857 = vector.extract_strided_slice %transpose3A {offsets = [208, 2], sizes = [8, 1], strides = [1, 1]} : vector<512x8xf32> to vector<8x1xf32>
    %slice3A_1858 = vector.extract_strided_slice %transpose3A {offsets = [208, 3], sizes = [8, 1], strides = [1, 1]} : vector<512x8xf32> to vector<8x1xf32>
    %slice3A_1859 = vector.extract_strided_slice %transpose3A {offsets = [208, 4], sizes = [8, 1], strides = [1, 1]} : vector<512x8xf32> to vector<8x1xf32>
    %slice3A_1860 = vector.extract_strided_slice %transpose3A {offsets = [208, 5], sizes = [8, 1], strides = [1, 1]} : vector<512x8xf32> to vector<8x1xf32>
    %slice3A_1861 = vector.extract_strided_slice %transpose3A {offsets = [208, 6], sizes = [8, 1], strides = [1, 1]} : vector<512x8xf32> to vector<8x1xf32>
    %slice3A_1862 = vector.extract_strided_slice %transpose3A {offsets = [208, 7], sizes = [8, 1], strides = [1, 1]} : vector<512x8xf32> to vector<8x1xf32>
    %sub3A_1863 = vector.broadcast %get3A_3 : vector<1x512xf32> to vector<8x512xf32>
    %sub3A_1864 = vector.broadcast %slice3A_1855 : vector<8x1xf32> to vector<8x512xf32>
    %sub3A_1865 = arith.subf %sub3A_1863, %sub3A_1864 : vector<8x512xf32>
    %sub3A_1866 = vector.broadcast %get3A_13 : vector<1x512xf32> to vector<8x512xf32>
    %sub3A_1867 = vector.broadcast %slice3A_1856 : vector<8x1xf32> to vector<8x512xf32>
    %sub3A_1868 = arith.subf %sub3A_1866, %sub3A_1867 : vector<8x512xf32>
    %mul3A_1869 = arith.mulf %sub3A_1865, %sub3A_1865 : vector<8x512xf32>
    %mul3A_1870 = arith.mulf %sub3A_1868, %sub3A_1868 : vector<8x512xf32>
    %add3A_1871 = arith.addf %mul3A_1869, %mul3A_1870 : vector<8x512xf32>
    %sub3A_1872 = vector.broadcast %slice3A_1857 : vector<8x1xf32> to vector<8x512xf32>
    %sub3A_1873 = vector.broadcast %mul3A_45 : vector<1x512xf32> to vector<8x512xf32>
    %sub3A_1874 = arith.subf %sub3A_1872, %sub3A_1873 : vector<8x512xf32>
    %mul3A_1875 = arith.mulf %sub3A_1874, %sub3A_1865 : vector<8x512xf32>
    %sub3A_1876 = vector.broadcast %slice3A_1858 : vector<8x1xf32> to vector<8x512xf32>
    %sub3A_1877 = vector.broadcast %mul3A_46 : vector<1x512xf32> to vector<8x512xf32>
    %sub3A_1878 = arith.subf %sub3A_1876, %sub3A_1877 : vector<8x512xf32>
    %mul3A_1879 = arith.mulf %sub3A_1878, %sub3A_1868 : vector<8x512xf32>
    %add3A_1880 = arith.addf %mul3A_1875, %mul3A_1879 : vector<8x512xf32>
    %abs3A_1881 = math.absf %add3A_1880 : vector<8x512xf32>
    %div3A_1882 = arith.divf %abs3A_1881, %add3A_1871 : vector<8x512xf32>
    %mul3A_1883 = vector.broadcast %slice3A_1859 : vector<8x1xf32> to vector<8x512xf32>
    %mul3A_1884 = arith.mulf %sub3A_1865, %mul3A_1883 : vector<8x512xf32>
    %mul3A_1885 = vector.broadcast %slice3A_1860 : vector<8x1xf32> to vector<8x512xf32>
    %mul3A_1886 = arith.mulf %sub3A_1868, %mul3A_1885 : vector<8x512xf32>
    %add3A_1887 = arith.addf %mul3A_1884, %mul3A_1886 : vector<8x512xf32>
    %bitcast_convert_type3A_1888 = tpu.bitcast %sub3A_1865 : vector<8x512xf32> -> vector<8x512xi32>
    %bitcast_convert_type3A_1889 = tpu.bitcast %slice3A_1859 : vector<8x1xf32> -> vector<8x1xi32>
    %and3A_1890 = vector.broadcast %bitcast_convert_type3A_1889 : vector<8x1xi32> to vector<8x512xi32>
    %and3A_1891 = arith.andi %bitcast_convert_type3A_1888, %and3A_1890 : vector<8x512xi32>
    %bitcast_convert_type3A_1892 = tpu.bitcast %sub3A_1868 : vector<8x512xf32> -> vector<8x512xi32>
    %bitcast_convert_type3A_1893 = tpu.bitcast %slice3A_1860 : vector<8x1xf32> -> vector<8x1xi32>
    %xor3A_1894 = vector.broadcast %bitcast_convert_type3A_1893 : vector<8x1xi32> to vector<8x512xi32>
    %xor3A_1895 = arith.xori %bitcast_convert_type3A_1892, %xor3A_1894 : vector<8x512xi32>
    %and3A_1896 = arith.andi %and3A_1891, %xor3A_1895 : vector<8x512xi32>
    %and3A_1897 = arith.constant -2147483648 : i32
    %and3A_1898 = vector.broadcast %and3A_1897 : i32 to vector<8x512xi32>
    %and3A_1899 = arith.andi %and3A_1896, %and3A_1898 : vector<8x512xi32>
    %bitcast_convert_type3A_1900 = tpu.bitcast %add3A_1887 : vector<8x512xf32> -> vector<8x512xi32>
    %or3A_1901 = arith.ori %bitcast_convert_type3A_1900, %and3A_1899 : vector<8x512xi32>
    %bitcast_convert_type3A_1902 = tpu.bitcast %or3A_1901 : vector<8x512xi32> -> vector<8x512xf32>
    %mul3A_1903 = vector.broadcast %add3A_130 : vector<1x512xf32> to vector<8x512xf32>
    %mul3A_1904 = vector.broadcast %slice3A_1862 : vector<8x1xf32> to vector<8x512xf32>
    %mul3A_1905 = arith.mulf %mul3A_1903, %mul3A_1904 : vector<8x512xf32>
    %add3A_1906 = vector.broadcast %slice3A_1861 : vector<8x1xf32> to vector<8x512xf32>
    %add3A_1907 = arith.addf %mul3A_1905, %add3A_1906 : vector<8x512xf32>
    %gt3A_1908 = arith.constant 0.000000e+00 : f32
    %gt3A_1909 = vector.broadcast %gt3A_1908 : f32 to vector<8x512xf32>
    %gt3A_1910 = arith.cmpf ogt, %bitcast_convert_type3A_1902, %gt3A_1909 : vector<8x512xf32>
    %mul3A_1911 = arith.mulf %div3A_1882, %add3A_1907 : vector<8x512xf32>
    %jit3A_1912 = arith.constant 0.000000e+00 : f32
    %broadcast_in_dim3A_1913 = vector.broadcast %jit3A_1912 : f32 to vector<8x512xf32>
    %select_n3A_1914 = arith.select %gt3A_1910, %mul3A_1911, %broadcast_in_dim3A_1913 : vector<8x512xi1>, vector<8x512xf32>
    %swap3A_1915 = arith.constant 0 : index
    %swap3A_1916 = arith.constant 208 : index
    %swap3A_1917 = arith.constant 0 : index
    %swap3A_1918 = vector.load %arg7[%swap3A_1915, %swap3A_1916, %swap3A_1917] : memref<1x512x512xf32, #tpu.memory_space<vmem>>, vector<1x8x512xf32>
    %swap3A_1919 = vector.shape_cast %swap3A_1918 : vector<1x8x512xf32> to vector<8x512xf32>
    %swap3A_1920 = vector.shape_cast %select_n3A_1914 : vector<8x512xf32> to vector<1x8x512xf32>
    tpu.vector_store %arg7[%swap3A_1915, %swap3A_1916, %swap3A_1917], %swap3A_1920 {strides = array<i32>} : memref<1x512x512xf32, #tpu.memory_space<vmem>>, vector<1x8x512xf32>,
    %slice3A_1921 = vector.extract_strided_slice %transpose3A {offsets = [216, 0], sizes = [8, 1], strides = [1, 1]} : vector<512x8xf32> to vector<8x1xf32>
    %slice3A_1922 = vector.extract_strided_slice %transpose3A {offsets = [216, 1], sizes = [8, 1], strides = [1, 1]} : vector<512x8xf32> to vector<8x1xf32>
    %slice3A_1923 = vector.extract_strided_slice %transpose3A {offsets = [216, 2], sizes = [8, 1], strides = [1, 1]} : vector<512x8xf32> to vector<8x1xf32>
    %slice3A_1924 = vector.extract_strided_slice %transpose3A {offsets = [216, 3], sizes = [8, 1], strides = [1, 1]} : vector<512x8xf32> to vector<8x1xf32>
    %slice3A_1925 = vector.extract_strided_slice %transpose3A {offsets = [216, 4], sizes = [8, 1], strides = [1, 1]} : vector<512x8xf32> to vector<8x1xf32>
    %slice3A_1926 = vector.extract_strided_slice %transpose3A {offsets = [216, 5], sizes = [8, 1], strides = [1, 1]} : vector<512x8xf32> to vector<8x1xf32>
    %slice3A_1927 = vector.extract_strided_slice %transpose3A {offsets = [216, 6], sizes = [8, 1], strides = [1, 1]} : vector<512x8xf32> to vector<8x1xf32>
    %slice3A_1928 = vector.extract_strided_slice %transpose3A {offsets = [216, 7], sizes = [8, 1], strides = [1, 1]} : vector<512x8xf32> to vector<8x1xf32>
    %sub3A_1929 = vector.broadcast %get3A_3 : vector<1x512xf32> to vector<8x512xf32>
    %sub3A_1930 = vector.broadcast %slice3A_1921 : vector<8x1xf32> to vector<8x512xf32>
    %sub3A_1931 = arith.subf %sub3A_1929, %sub3A_1930 : vector<8x512xf32>
    %sub3A_1932 = vector.broadcast %get3A_13 : vector<1x512xf32> to vector<8x512xf32>
    %sub3A_1933 = vector.broadcast %slice3A_1922 : vector<8x1xf32> to vector<8x512xf32>
    %sub3A_1934 = arith.subf %sub3A_1932, %sub3A_1933 : vector<8x512xf32>
    %mul3A_1935 = arith.mulf %sub3A_1931, %sub3A_1931 : vector<8x512xf32>
    %mul3A_1936 = arith.mulf %sub3A_1934, %sub3A_1934 : vector<8x512xf32>
    %add3A_1937 = arith.addf %mul3A_1935, %mul3A_1936 : vector<8x512xf32>
    %sub3A_1938 = vector.broadcast %slice3A_1923 : vector<8x1xf32> to vector<8x512xf32>
    %sub3A_1939 = vector.broadcast %mul3A_45 : vector<1x512xf32> to vector<8x512xf32>
    %sub3A_1940 = arith.subf %sub3A_1938, %sub3A_1939 : vector<8x512xf32>
    %mul3A_1941 = arith.mulf %sub3A_1940, %sub3A_1931 : vector<8x512xf32>
    %sub3A_1942 = vector.broadcast %slice3A_1924 : vector<8x1xf32> to vector<8x512xf32>
    %sub3A_1943 = vector.broadcast %mul3A_46 : vector<1x512xf32> to vector<8x512xf32>
    %sub3A_1944 = arith.subf %sub3A_1942, %sub3A_1943 : vector<8x512xf32>
    %mul3A_1945 = arith.mulf %sub3A_1944, %sub3A_1934 : vector<8x512xf32>
    %add3A_1946 = arith.addf %mul3A_1941, %mul3A_1945 : vector<8x512xf32>
    %abs3A_1947 = math.absf %add3A_1946 : vector<8x512xf32>
    %div3A_1948 = arith.divf %abs3A_1947, %add3A_1937 : vector<8x512xf32>
    %mul3A_1949 = vector.broadcast %slice3A_1925 : vector<8x1xf32> to vector<8x512xf32>
    %mul3A_1950 = arith.mulf %sub3A_1931, %mul3A_1949 : vector<8x512xf32>
    %mul3A_1951 = vector.broadcast %slice3A_1926 : vector<8x1xf32> to vector<8x512xf32>
    %mul3A_1952 = arith.mulf %sub3A_1934, %mul3A_1951 : vector<8x512xf32>
    %add3A_1953 = arith.addf %mul3A_1950, %mul3A_1952 : vector<8x512xf32>
    %bitcast_convert_type3A_1954 = tpu.bitcast %sub3A_1931 : vector<8x512xf32> -> vector<8x512xi32>
    %bitcast_convert_type3A_1955 = tpu.bitcast %slice3A_1925 : vector<8x1xf32> -> vector<8x1xi32>
    %and3A_1956 = vector.broadcast %bitcast_convert_type3A_1955 : vector<8x1xi32> to vector<8x512xi32>
    %and3A_1957 = arith.andi %bitcast_convert_type3A_1954, %and3A_1956 : vector<8x512xi32>
    %bitcast_convert_type3A_1958 = tpu.bitcast %sub3A_1934 : vector<8x512xf32> -> vector<8x512xi32>
    %bitcast_convert_type3A_1959 = tpu.bitcast %slice3A_1926 : vector<8x1xf32> -> vector<8x1xi32>
    %xor3A_1960 = vector.broadcast %bitcast_convert_type3A_1959 : vector<8x1xi32> to vector<8x512xi32>
    %xor3A_1961 = arith.xori %bitcast_convert_type3A_1958, %xor3A_1960 : vector<8x512xi32>
    %and3A_1962 = arith.andi %and3A_1957, %xor3A_1961 : vector<8x512xi32>
    %and3A_1963 = arith.constant -2147483648 : i32
    %and3A_1964 = vector.broadcast %and3A_1963 : i32 to vector<8x512xi32>
    %and3A_1965 = arith.andi %and3A_1962, %and3A_1964 : vector<8x512xi32>
    %bitcast_convert_type3A_1966 = tpu.bitcast %add3A_1953 : vector<8x512xf32> -> vector<8x512xi32>
    %or3A_1967 = arith.ori %bitcast_convert_type3A_1966, %and3A_1965 : vector<8x512xi32>
    %bitcast_convert_type3A_1968 = tpu.bitcast %or3A_1967 : vector<8x512xi32> -> vector<8x512xf32>
    %mul3A_1969 = vector.broadcast %add3A_130 : vector<1x512xf32> to vector<8x512xf32>
    %mul3A_1970 = vector.broadcast %slice3A_1928 : vector<8x1xf32> to vector<8x512xf32>
    %mul3A_1971 = arith.mulf %mul3A_1969, %mul3A_1970 : vector<8x512xf32>
    %add3A_1972 = vector.broadcast %slice3A_1927 : vector<8x1xf32> to vector<8x512xf32>
    %add3A_1973 = arith.addf %mul3A_1971, %add3A_1972 : vector<8x512xf32>
    %gt3A_1974 = arith.constant 0.000000e+00 : f32
    %gt3A_1975 = vector.broadcast %gt3A_1974 : f32 to vector<8x512xf32>
    %gt3A_1976 = arith.cmpf ogt, %bitcast_convert_type3A_1968, %gt3A_1975 : vector<8x512xf32>
    %mul3A_1977 = arith.mulf %div3A_1948, %add3A_1973 : vector<8x512xf32>
    %jit3A_1978 = arith.constant 0.000000e+00 : f32
    %broadcast_in_dim3A_1979 = vector.broadcast %jit3A_1978 : f32 to vector<8x512xf32>
    %select_n3A_1980 = arith.select %gt3A_1976, %mul3A_1977, %broadcast_in_dim3A_1979 : vector<8x512xi1>, vector<8x512xf32>
    %swap3A_1981 = arith.constant 0 : index
    %swap3A_1982 = arith.constant 216 : index
    %swap3A_1983 = arith.constant 0 : index
    %swap3A_1984 = vector.load %arg7[%swap3A_1981, %swap3A_1982, %swap3A_1983] : memref<1x512x512xf32, #tpu.memory_space<vmem>>, vector<1x8x512xf32>
    %swap3A_1985 = vector.shape_cast %swap3A_1984 : vector<1x8x512xf32> to vector<8x512xf32>
    %swap3A_1986 = vector.shape_cast %select_n3A_1980 : vector<8x512xf32> to vector<1x8x512xf32>
    tpu.vector_store %arg7[%swap3A_1981, %swap3A_1982, %swap3A_1983], %swap3A_1986 {strides = array<i32>} : memref<1x512x512xf32, #tpu.memory_space<vmem>>, vector<1x8x512xf32>,
    %slice3A_1987 = vector.extract_strided_slice %transpose3A {offsets = [224, 0], sizes = [8, 1], strides = [1, 1]} : vector<512x8xf32> to vector<8x1xf32>
    %slice3A_1988 = vector.extract_strided_slice %transpose3A {offsets = [224, 1], sizes = [8, 1], strides = [1, 1]} : vector<512x8xf32> to vector<8x1xf32>
    %slice3A_1989 = vector.extract_strided_slice %transpose3A {offsets = [224, 2], sizes = [8, 1], strides = [1, 1]} : vector<512x8xf32> to vector<8x1xf32>
    %slice3A_1990 = vector.extract_strided_slice %transpose3A {offsets = [224, 3], sizes = [8, 1], strides = [1, 1]} : vector<512x8xf32> to vector<8x1xf32>
    %slice3A_1991 = vector.extract_strided_slice %transpose3A {offsets = [224, 4], sizes = [8, 1], strides = [1, 1]} : vector<512x8xf32> to vector<8x1xf32>
    %slice3A_1992 = vector.extract_strided_slice %transpose3A {offsets = [224, 5], sizes = [8, 1], strides = [1, 1]} : vector<512x8xf32> to vector<8x1xf32>
    %slice3A_1993 = vector.extract_strided_slice %transpose3A {offsets = [224, 6], sizes = [8, 1], strides = [1, 1]} : vector<512x8xf32> to vector<8x1xf32>
    %slice3A_1994 = vector.extract_strided_slice %transpose3A {offsets = [224, 7], sizes = [8, 1], strides = [1, 1]} : vector<512x8xf32> to vector<8x1xf32>
    %sub3A_1995 = vector.broadcast %get3A_3 : vector<1x512xf32> to vector<8x512xf32>
    %sub3A_1996 = vector.broadcast %slice3A_1987 : vector<8x1xf32> to vector<8x512xf32>
    %sub3A_1997 = arith.subf %sub3A_1995, %sub3A_1996 : vector<8x512xf32>
    %sub3A_1998 = vector.broadcast %get3A_13 : vector<1x512xf32> to vector<8x512xf32>
    %sub3A_1999 = vector.broadcast %slice3A_1988 : vector<8x1xf32> to vector<8x512xf32>
    %sub3A_2000 = arith.subf %sub3A_1998, %sub3A_1999 : vector<8x512xf32>
    %mul3A_2001 = arith.mulf %sub3A_1997, %sub3A_1997 : vector<8x512xf32>
    %mul3A_2002 = arith.mulf %sub3A_2000, %sub3A_2000 : vector<8x512xf32>
    %add3A_2003 = arith.addf %mul3A_2001, %mul3A_2002 : vector<8x512xf32>
    %sub3A_2004 = vector.broadcast %slice3A_1989 : vector<8x1xf32> to vector<8x512xf32>
    %sub3A_2005 = vector.broadcast %mul3A_45 : vector<1x512xf32> to vector<8x512xf32>
    %sub3A_2006 = arith.subf %sub3A_2004, %sub3A_2005 : vector<8x512xf32>
    %mul3A_2007 = arith.mulf %sub3A_2006, %sub3A_1997 : vector<8x512xf32>
    %sub3A_2008 = vector.broadcast %slice3A_1990 : vector<8x1xf32> to vector<8x512xf32>
    %sub3A_2009 = vector.broadcast %mul3A_46 : vector<1x512xf32> to vector<8x512xf32>
    %sub3A_2010 = arith.subf %sub3A_2008, %sub3A_2009 : vector<8x512xf32>
    %mul3A_2011 = arith.mulf %sub3A_2010, %sub3A_2000 : vector<8x512xf32>
    %add3A_2012 = arith.addf %mul3A_2007, %mul3A_2011 : vector<8x512xf32>
    %abs3A_2013 = math.absf %add3A_2012 : vector<8x512xf32>
    %div3A_2014 = arith.divf %abs3A_2013, %add3A_2003 : vector<8x512xf32>
    %mul3A_2015 = vector.broadcast %slice3A_1991 : vector<8x1xf32> to vector<8x512xf32>
    %mul3A_2016 = arith.mulf %sub3A_1997, %mul3A_2015 : vector<8x512xf32>
    %mul3A_2017 = vector.broadcast %slice3A_1992 : vector<8x1xf32> to vector<8x512xf32>
    %mul3A_2018 = arith.mulf %sub3A_2000, %mul3A_2017 : vector<8x512xf32>
    %add3A_2019 = arith.addf %mul3A_2016, %mul3A_2018 : vector<8x512xf32>
    %bitcast_convert_type3A_2020 = tpu.bitcast %sub3A_1997 : vector<8x512xf32> -> vector<8x512xi32>
    %bitcast_convert_type3A_2021 = tpu.bitcast %slice3A_1991 : vector<8x1xf32> -> vector<8x1xi32>
    %and3A_2022 = vector.broadcast %bitcast_convert_type3A_2021 : vector<8x1xi32> to vector<8x512xi32>
    %and3A_2023 = arith.andi %bitcast_convert_type3A_2020, %and3A_2022 : vector<8x512xi32>
    %bitcast_convert_type3A_2024 = tpu.bitcast %sub3A_2000 : vector<8x512xf32> -> vector<8x512xi32>
    %bitcast_convert_type3A_2025 = tpu.bitcast %slice3A_1992 : vector<8x1xf32> -> vector<8x1xi32>
    %xor3A_2026 = vector.broadcast %bitcast_convert_type3A_2025 : vector<8x1xi32> to vector<8x512xi32>
    %xor3A_2027 = arith.xori %bitcast_convert_type3A_2024, %xor3A_2026 : vector<8x512xi32>
    %and3A_2028 = arith.andi %and3A_2023, %xor3A_2027 : vector<8x512xi32>
    %and3A_2029 = arith.constant -2147483648 : i32
    %and3A_2030 = vector.broadcast %and3A_2029 : i32 to vector<8x512xi32>
    %and3A_2031 = arith.andi %and3A_2028, %and3A_2030 : vector<8x512xi32>
    %bitcast_convert_type3A_2032 = tpu.bitcast %add3A_2019 : vector<8x512xf32> -> vector<8x512xi32>
    %or3A_2033 = arith.ori %bitcast_convert_type3A_2032, %and3A_2031 : vector<8x512xi32>
    %bitcast_convert_type3A_2034 = tpu.bitcast %or3A_2033 : vector<8x512xi32> -> vector<8x512xf32>
    %mul3A_2035 = vector.broadcast %add3A_130 : vector<1x512xf32> to vector<8x512xf32>
    %mul3A_2036 = vector.broadcast %slice3A_1994 : vector<8x1xf32> to vector<8x512xf32>
    %mul3A_2037 = arith.mulf %mul3A_2035, %mul3A_2036 : vector<8x512xf32>
    %add3A_2038 = vector.broadcast %slice3A_1993 : vector<8x1xf32> to vector<8x512xf32>
    %add3A_2039 = arith.addf %mul3A_2037, %add3A_2038 : vector<8x512xf32>
    %gt3A_2040 = arith.constant 0.000000e+00 : f32
    %gt3A_2041 = vector.broadcast %gt3A_2040 : f32 to vector<8x512xf32>
    %gt3A_2042 = arith.cmpf ogt, %bitcast_convert_type3A_2034, %gt3A_2041 : vector<8x512xf32>
    %mul3A_2043 = arith.mulf %div3A_2014, %add3A_2039 : vector<8x512xf32>
    %jit3A_2044 = arith.constant 0.000000e+00 : f32
    %broadcast_in_dim3A_2045 = vector.broadcast %jit3A_2044 : f32 to vector<8x512xf32>
    %select_n3A_2046 = arith.select %gt3A_2042, %mul3A_2043, %broadcast_in_dim3A_2045 : vector<8x512xi1>, vector<8x512xf32>
    %swap3A_2047 = arith.constant 0 : index
    %swap3A_2048 = arith.constant 224 : index
    %swap3A_2049 = arith.constant 0 : index
    %swap3A_2050 = vector.load %arg7[%swap3A_2047, %swap3A_2048, %swap3A_2049] : memref<1x512x512xf32, #tpu.memory_space<vmem>>, vector<1x8x512xf32>
    %swap3A_2051 = vector.shape_cast %swap3A_2050 : vector<1x8x512xf32> to vector<8x512xf32>
    %swap3A_2052 = vector.shape_cast %select_n3A_2046 : vector<8x512xf32> to vector<1x8x512xf32>
    tpu.vector_store %arg7[%swap3A_2047, %swap3A_2048, %swap3A_2049], %swap3A_2052 {strides = array<i32>} : memref<1x512x512xf32, #tpu.memory_space<vmem>>, vector<1x8x512xf32>,
    %slice3A_2053 = vector.extract_strided_slice %transpose3A {offsets = [232, 0], sizes = [8, 1], strides = [1, 1]} : vector<512x8xf32> to vector<8x1xf32>
    %slice3A_2054 = vector.extract_strided_slice %transpose3A {offsets = [232, 1], sizes = [8, 1], strides = [1, 1]} : vector<512x8xf32> to vector<8x1xf32>
    %slice3A_2055 = vector.extract_strided_slice %transpose3A {offsets = [232, 2], sizes = [8, 1], strides = [1, 1]} : vector<512x8xf32> to vector<8x1xf32>
    %slice3A_2056 = vector.extract_strided_slice %transpose3A {offsets = [232, 3], sizes = [8, 1], strides = [1, 1]} : vector<512x8xf32> to vector<8x1xf32>
    %slice3A_2057 = vector.extract_strided_slice %transpose3A {offsets = [232, 4], sizes = [8, 1], strides = [1, 1]} : vector<512x8xf32> to vector<8x1xf32>
    %slice3A_2058 = vector.extract_strided_slice %transpose3A {offsets = [232, 5], sizes = [8, 1], strides = [1, 1]} : vector<512x8xf32> to vector<8x1xf32>
    %slice3A_2059 = vector.extract_strided_slice %transpose3A {offsets = [232, 6], sizes = [8, 1], strides = [1, 1]} : vector<512x8xf32> to vector<8x1xf32>
    %slice3A_2060 = vector.extract_strided_slice %transpose3A {offsets = [232, 7], sizes = [8, 1], strides = [1, 1]} : vector<512x8xf32> to vector<8x1xf32>
    %sub3A_2061 = vector.broadcast %get3A_3 : vector<1x512xf32> to vector<8x512xf32>
    %sub3A_2062 = vector.broadcast %slice3A_2053 : vector<8x1xf32> to vector<8x512xf32>
    %sub3A_2063 = arith.subf %sub3A_2061, %sub3A_2062 : vector<8x512xf32>
    %sub3A_2064 = vector.broadcast %get3A_13 : vector<1x512xf32> to vector<8x512xf32>
    %sub3A_2065 = vector.broadcast %slice3A_2054 : vector<8x1xf32> to vector<8x512xf32>
    %sub3A_2066 = arith.subf %sub3A_2064, %sub3A_2065 : vector<8x512xf32>
    %mul3A_2067 = arith.mulf %sub3A_2063, %sub3A_2063 : vector<8x512xf32>
    %mul3A_2068 = arith.mulf %sub3A_2066, %sub3A_2066 : vector<8x512xf32>
    %add3A_2069 = arith.addf %mul3A_2067, %mul3A_2068 : vector<8x512xf32>
    %sub3A_2070 = vector.broadcast %slice3A_2055 : vector<8x1xf32> to vector<8x512xf32>
    %sub3A_2071 = vector.broadcast %mul3A_45 : vector<1x512xf32> to vector<8x512xf32>
    %sub3A_2072 = arith.subf %sub3A_2070, %sub3A_2071 : vector<8x512xf32>
    %mul3A_2073 = arith.mulf %sub3A_2072, %sub3A_2063 : vector<8x512xf32>
    %sub3A_2074 = vector.broadcast %slice3A_2056 : vector<8x1xf32> to vector<8x512xf32>
    %sub3A_2075 = vector.broadcast %mul3A_46 : vector<1x512xf32> to vector<8x512xf32>
    %sub3A_2076 = arith.subf %sub3A_2074, %sub3A_2075 : vector<8x512xf32>
    %mul3A_2077 = arith.mulf %sub3A_2076, %sub3A_2066 : vector<8x512xf32>
    %add3A_2078 = arith.addf %mul3A_2073, %mul3A_2077 : vector<8x512xf32>
    %abs3A_2079 = math.absf %add3A_2078 : vector<8x512xf32>
    %div3A_2080 = arith.divf %abs3A_2079, %add3A_2069 : vector<8x512xf32>
    %mul3A_2081 = vector.broadcast %slice3A_2057 : vector<8x1xf32> to vector<8x512xf32>
    %mul3A_2082 = arith.mulf %sub3A_2063, %mul3A_2081 : vector<8x512xf32>
    %mul3A_2083 = vector.broadcast %slice3A_2058 : vector<8x1xf32> to vector<8x512xf32>
    %mul3A_2084 = arith.mulf %sub3A_2066, %mul3A_2083 : vector<8x512xf32>
    %add3A_2085 = arith.addf %mul3A_2082, %mul3A_2084 : vector<8x512xf32>
    %bitcast_convert_type3A_2086 = tpu.bitcast %sub3A_2063 : vector<8x512xf32> -> vector<8x512xi32>
    %bitcast_convert_type3A_2087 = tpu.bitcast %slice3A_2057 : vector<8x1xf32> -> vector<8x1xi32>
    %and3A_2088 = vector.broadcast %bitcast_convert_type3A_2087 : vector<8x1xi32> to vector<8x512xi32>
    %and3A_2089 = arith.andi %bitcast_convert_type3A_2086, %and3A_2088 : vector<8x512xi32>
    %bitcast_convert_type3A_2090 = tpu.bitcast %sub3A_2066 : vector<8x512xf32> -> vector<8x512xi32>
    %bitcast_convert_type3A_2091 = tpu.bitcast %slice3A_2058 : vector<8x1xf32> -> vector<8x1xi32>
    %xor3A_2092 = vector.broadcast %bitcast_convert_type3A_2091 : vector<8x1xi32> to vector<8x512xi32>
    %xor3A_2093 = arith.xori %bitcast_convert_type3A_2090, %xor3A_2092 : vector<8x512xi32>
    %and3A_2094 = arith.andi %and3A_2089, %xor3A_2093 : vector<8x512xi32>
    %and3A_2095 = arith.constant -2147483648 : i32
    %and3A_2096 = vector.broadcast %and3A_2095 : i32 to vector<8x512xi32>
    %and3A_2097 = arith.andi %and3A_2094, %and3A_2096 : vector<8x512xi32>
    %bitcast_convert_type3A_2098 = tpu.bitcast %add3A_2085 : vector<8x512xf32> -> vector<8x512xi32>
    %or3A_2099 = arith.ori %bitcast_convert_type3A_2098, %and3A_2097 : vector<8x512xi32>
    %bitcast_convert_type3A_2100 = tpu.bitcast %or3A_2099 : vector<8x512xi32> -> vector<8x512xf32>
    %mul3A_2101 = vector.broadcast %add3A_130 : vector<1x512xf32> to vector<8x512xf32>
    %mul3A_2102 = vector.broadcast %slice3A_2060 : vector<8x1xf32> to vector<8x512xf32>
    %mul3A_2103 = arith.mulf %mul3A_2101, %mul3A_2102 : vector<8x512xf32>
    %add3A_2104 = vector.broadcast %slice3A_2059 : vector<8x1xf32> to vector<8x512xf32>
    %add3A_2105 = arith.addf %mul3A_2103, %add3A_2104 : vector<8x512xf32>
    %gt3A_2106 = arith.constant 0.000000e+00 : f32
    %gt3A_2107 = vector.broadcast %gt3A_2106 : f32 to vector<8x512xf32>
    %gt3A_2108 = arith.cmpf ogt, %bitcast_convert_type3A_2100, %gt3A_2107 : vector<8x512xf32>
    %mul3A_2109 = arith.mulf %div3A_2080, %add3A_2105 : vector<8x512xf32>
    %jit3A_2110 = arith.constant 0.000000e+00 : f32
    %broadcast_in_dim3A_2111 = vector.broadcast %jit3A_2110 : f32 to vector<8x512xf32>
    %select_n3A_2112 = arith.select %gt3A_2108, %mul3A_2109, %broadcast_in_dim3A_2111 : vector<8x512xi1>, vector<8x512xf32>
    %swap3A_2113 = arith.constant 0 : index
    %swap3A_2114 = arith.constant 232 : index
    %swap3A_2115 = arith.constant 0 : index
    %swap3A_2116 = vector.load %arg7[%swap3A_2113, %swap3A_2114, %swap3A_2115] : memref<1x512x512xf32, #tpu.memory_space<vmem>>, vector<1x8x512xf32>
    %swap3A_2117 = vector.shape_cast %swap3A_2116 : vector<1x8x512xf32> to vector<8x512xf32>
    %swap3A_2118 = vector.shape_cast %select_n3A_2112 : vector<8x512xf32> to vector<1x8x512xf32>
    tpu.vector_store %arg7[%swap3A_2113, %swap3A_2114, %swap3A_2115], %swap3A_2118 {strides = array<i32>} : memref<1x512x512xf32, #tpu.memory_space<vmem>>, vector<1x8x512xf32>,
    %slice3A_2119 = vector.extract_strided_slice %transpose3A {offsets = [240, 0], sizes = [8, 1], strides = [1, 1]} : vector<512x8xf32> to vector<8x1xf32>
    %slice3A_2120 = vector.extract_strided_slice %transpose3A {offsets = [240, 1], sizes = [8, 1], strides = [1, 1]} : vector<512x8xf32> to vector<8x1xf32>
    %slice3A_2121 = vector.extract_strided_slice %transpose3A {offsets = [240, 2], sizes = [8, 1], strides = [1, 1]} : vector<512x8xf32> to vector<8x1xf32>
    %slice3A_2122 = vector.extract_strided_slice %transpose3A {offsets = [240, 3], sizes = [8, 1], strides = [1, 1]} : vector<512x8xf32> to vector<8x1xf32>
    %slice3A_2123 = vector.extract_strided_slice %transpose3A {offsets = [240, 4], sizes = [8, 1], strides = [1, 1]} : vector<512x8xf32> to vector<8x1xf32>
    %slice3A_2124 = vector.extract_strided_slice %transpose3A {offsets = [240, 5], sizes = [8, 1], strides = [1, 1]} : vector<512x8xf32> to vector<8x1xf32>
    %slice3A_2125 = vector.extract_strided_slice %transpose3A {offsets = [240, 6], sizes = [8, 1], strides = [1, 1]} : vector<512x8xf32> to vector<8x1xf32>
    %slice3A_2126 = vector.extract_strided_slice %transpose3A {offsets = [240, 7], sizes = [8, 1], strides = [1, 1]} : vector<512x8xf32> to vector<8x1xf32>
    %sub3A_2127 = vector.broadcast %get3A_3 : vector<1x512xf32> to vector<8x512xf32>
    %sub3A_2128 = vector.broadcast %slice3A_2119 : vector<8x1xf32> to vector<8x512xf32>
    %sub3A_2129 = arith.subf %sub3A_2127, %sub3A_2128 : vector<8x512xf32>
    %sub3A_2130 = vector.broadcast %get3A_13 : vector<1x512xf32> to vector<8x512xf32>
    %sub3A_2131 = vector.broadcast %slice3A_2120 : vector<8x1xf32> to vector<8x512xf32>
    %sub3A_2132 = arith.subf %sub3A_2130, %sub3A_2131 : vector<8x512xf32>
    %mul3A_2133 = arith.mulf %sub3A_2129, %sub3A_2129 : vector<8x512xf32>
    %mul3A_2134 = arith.mulf %sub3A_2132, %sub3A_2132 : vector<8x512xf32>
    %add3A_2135 = arith.addf %mul3A_2133, %mul3A_2134 : vector<8x512xf32>
    %sub3A_2136 = vector.broadcast %slice3A_2121 : vector<8x1xf32> to vector<8x512xf32>
    %sub3A_2137 = vector.broadcast %mul3A_45 : vector<1x512xf32> to vector<8x512xf32>
    %sub3A_2138 = arith.subf %sub3A_2136, %sub3A_2137 : vector<8x512xf32>
    %mul3A_2139 = arith.mulf %sub3A_2138, %sub3A_2129 : vector<8x512xf32>
    %sub3A_2140 = vector.broadcast %slice3A_2122 : vector<8x1xf32> to vector<8x512xf32>
    %sub3A_2141 = vector.broadcast %mul3A_46 : vector<1x512xf32> to vector<8x512xf32>
    %sub3A_2142 = arith.subf %sub3A_2140, %sub3A_2141 : vector<8x512xf32>
    %mul3A_2143 = arith.mulf %sub3A_2142, %sub3A_2132 : vector<8x512xf32>
    %add3A_2144 = arith.addf %mul3A_2139, %mul3A_2143 : vector<8x512xf32>
    %abs3A_2145 = math.absf %add3A_2144 : vector<8x512xf32>
    %div3A_2146 = arith.divf %abs3A_2145, %add3A_2135 : vector<8x512xf32>
    %mul3A_2147 = vector.broadcast %slice3A_2123 : vector<8x1xf32> to vector<8x512xf32>
    %mul3A_2148 = arith.mulf %sub3A_2129, %mul3A_2147 : vector<8x512xf32>
    %mul3A_2149 = vector.broadcast %slice3A_2124 : vector<8x1xf32> to vector<8x512xf32>
    %mul3A_2150 = arith.mulf %sub3A_2132, %mul3A_2149 : vector<8x512xf32>
    %add3A_2151 = arith.addf %mul3A_2148, %mul3A_2150 : vector<8x512xf32>
    %bitcast_convert_type3A_2152 = tpu.bitcast %sub3A_2129 : vector<8x512xf32> -> vector<8x512xi32>
    %bitcast_convert_type3A_2153 = tpu.bitcast %slice3A_2123 : vector<8x1xf32> -> vector<8x1xi32>
    %and3A_2154 = vector.broadcast %bitcast_convert_type3A_2153 : vector<8x1xi32> to vector<8x512xi32>
    %and3A_2155 = arith.andi %bitcast_convert_type3A_2152, %and3A_2154 : vector<8x512xi32>
    %bitcast_convert_type3A_2156 = tpu.bitcast %sub3A_2132 : vector<8x512xf32> -> vector<8x512xi32>
    %bitcast_convert_type3A_2157 = tpu.bitcast %slice3A_2124 : vector<8x1xf32> -> vector<8x1xi32>
    %xor3A_2158 = vector.broadcast %bitcast_convert_type3A_2157 : vector<8x1xi32> to vector<8x512xi32>
    %xor3A_2159 = arith.xori %bitcast_convert_type3A_2156, %xor3A_2158 : vector<8x512xi32>
    %and3A_2160 = arith.andi %and3A_2155, %xor3A_2159 : vector<8x512xi32>
    %and3A_2161 = arith.constant -2147483648 : i32
    %and3A_2162 = vector.broadcast %and3A_2161 : i32 to vector<8x512xi32>
    %and3A_2163 = arith.andi %and3A_2160, %and3A_2162 : vector<8x512xi32>
    %bitcast_convert_type3A_2164 = tpu.bitcast %add3A_2151 : vector<8x512xf32> -> vector<8x512xi32>
    %or3A_2165 = arith.ori %bitcast_convert_type3A_2164, %and3A_2163 : vector<8x512xi32>
    %bitcast_convert_type3A_2166 = tpu.bitcast %or3A_2165 : vector<8x512xi32> -> vector<8x512xf32>
    %mul3A_2167 = vector.broadcast %add3A_130 : vector<1x512xf32> to vector<8x512xf32>
    %mul3A_2168 = vector.broadcast %slice3A_2126 : vector<8x1xf32> to vector<8x512xf32>
    %mul3A_2169 = arith.mulf %mul3A_2167, %mul3A_2168 : vector<8x512xf32>
    %add3A_2170 = vector.broadcast %slice3A_2125 : vector<8x1xf32> to vector<8x512xf32>
    %add3A_2171 = arith.addf %mul3A_2169, %add3A_2170 : vector<8x512xf32>
    %gt3A_2172 = arith.constant 0.000000e+00 : f32
    %gt3A_2173 = vector.broadcast %gt3A_2172 : f32 to vector<8x512xf32>
    %gt3A_2174 = arith.cmpf ogt, %bitcast_convert_type3A_2166, %gt3A_2173 : vector<8x512xf32>
    %mul3A_2175 = arith.mulf %div3A_2146, %add3A_2171 : vector<8x512xf32>
    %jit3A_2176 = arith.constant 0.000000e+00 : f32
    %broadcast_in_dim3A_2177 = vector.broadcast %jit3A_2176 : f32 to vector<8x512xf32>
    %select_n3A_2178 = arith.select %gt3A_2174, %mul3A_2175, %broadcast_in_dim3A_2177 : vector<8x512xi1>, vector<8x512xf32>
    %swap3A_2179 = arith.constant 0 : index
    %swap3A_2180 = arith.constant 240 : index
    %swap3A_2181 = arith.constant 0 : index
    %swap3A_2182 = vector.load %arg7[%swap3A_2179, %swap3A_2180, %swap3A_2181] : memref<1x512x512xf32, #tpu.memory_space<vmem>>, vector<1x8x512xf32>
    %swap3A_2183 = vector.shape_cast %swap3A_2182 : vector<1x8x512xf32> to vector<8x512xf32>
    %swap3A_2184 = vector.shape_cast %select_n3A_2178 : vector<8x512xf32> to vector<1x8x512xf32>
    tpu.vector_store %arg7[%swap3A_2179, %swap3A_2180, %swap3A_2181], %swap3A_2184 {strides = array<i32>} : memref<1x512x512xf32, #tpu.memory_space<vmem>>, vector<1x8x512xf32>,
    %slice3A_2185 = vector.extract_strided_slice %transpose3A {offsets = [248, 0], sizes = [8, 1], strides = [1, 1]} : vector<512x8xf32> to vector<8x1xf32>
    %slice3A_2186 = vector.extract_strided_slice %transpose3A {offsets = [248, 1], sizes = [8, 1], strides = [1, 1]} : vector<512x8xf32> to vector<8x1xf32>
    %slice3A_2187 = vector.extract_strided_slice %transpose3A {offsets = [248, 2], sizes = [8, 1], strides = [1, 1]} : vector<512x8xf32> to vector<8x1xf32>
    %slice3A_2188 = vector.extract_strided_slice %transpose3A {offsets = [248, 3], sizes = [8, 1], strides = [1, 1]} : vector<512x8xf32> to vector<8x1xf32>
    %slice3A_2189 = vector.extract_strided_slice %transpose3A {offsets = [248, 4], sizes = [8, 1], strides = [1, 1]} : vector<512x8xf32> to vector<8x1xf32>
    %slice3A_2190 = vector.extract_strided_slice %transpose3A {offsets = [248, 5], sizes = [8, 1], strides = [1, 1]} : vector<512x8xf32> to vector<8x1xf32>
    %slice3A_2191 = vector.extract_strided_slice %transpose3A {offsets = [248, 6], sizes = [8, 1], strides = [1, 1]} : vector<512x8xf32> to vector<8x1xf32>
    %slice3A_2192 = vector.extract_strided_slice %transpose3A {offsets = [248, 7], sizes = [8, 1], strides = [1, 1]} : vector<512x8xf32> to vector<8x1xf32>
    %sub3A_2193 = vector.broadcast %get3A_3 : vector<1x512xf32> to vector<8x512xf32>
    %sub3A_2194 = vector.broadcast %slice3A_2185 : vector<8x1xf32> to vector<8x512xf32>
    %sub3A_2195 = arith.subf %sub3A_2193, %sub3A_2194 : vector<8x512xf32>
    %sub3A_2196 = vector.broadcast %get3A_13 : vector<1x512xf32> to vector<8x512xf32>
    %sub3A_2197 = vector.broadcast %slice3A_2186 : vector<8x1xf32> to vector<8x512xf32>
    %sub3A_2198 = arith.subf %sub3A_2196, %sub3A_2197 : vector<8x512xf32>
    %mul3A_2199 = arith.mulf %sub3A_2195, %sub3A_2195 : vector<8x512xf32>
    %mul3A_2200 = arith.mulf %sub3A_2198, %sub3A_2198 : vector<8x512xf32>
    %add3A_2201 = arith.addf %mul3A_2199, %mul3A_2200 : vector<8x512xf32>
    %sub3A_2202 = vector.broadcast %slice3A_2187 : vector<8x1xf32> to vector<8x512xf32>
    %sub3A_2203 = vector.broadcast %mul3A_45 : vector<1x512xf32> to vector<8x512xf32>
    %sub3A_2204 = arith.subf %sub3A_2202, %sub3A_2203 : vector<8x512xf32>
    %mul3A_2205 = arith.mulf %sub3A_2204, %sub3A_2195 : vector<8x512xf32>
    %sub3A_2206 = vector.broadcast %slice3A_2188 : vector<8x1xf32> to vector<8x512xf32>
    %sub3A_2207 = vector.broadcast %mul3A_46 : vector<1x512xf32> to vector<8x512xf32>
    %sub3A_2208 = arith.subf %sub3A_2206, %sub3A_2207 : vector<8x512xf32>
    %mul3A_2209 = arith.mulf %sub3A_2208, %sub3A_2198 : vector<8x512xf32>
    %add3A_2210 = arith.addf %mul3A_2205, %mul3A_2209 : vector<8x512xf32>
    %abs3A_2211 = math.absf %add3A_2210 : vector<8x512xf32>
    %div3A_2212 = arith.divf %abs3A_2211, %add3A_2201 : vector<8x512xf32>
    %mul3A_2213 = vector.broadcast %slice3A_2189 : vector<8x1xf32> to vector<8x512xf32>
    %mul3A_2214 = arith.mulf %sub3A_2195, %mul3A_2213 : vector<8x512xf32>
    %mul3A_2215 = vector.broadcast %slice3A_2190 : vector<8x1xf32> to vector<8x512xf32>
    %mul3A_2216 = arith.mulf %sub3A_2198, %mul3A_2215 : vector<8x512xf32>
    %add3A_2217 = arith.addf %mul3A_2214, %mul3A_2216 : vector<8x512xf32>
    %bitcast_convert_type3A_2218 = tpu.bitcast %sub3A_2195 : vector<8x512xf32> -> vector<8x512xi32>
    %bitcast_convert_type3A_2219 = tpu.bitcast %slice3A_2189 : vector<8x1xf32> -> vector<8x1xi32>
    %and3A_2220 = vector.broadcast %bitcast_convert_type3A_2219 : vector<8x1xi32> to vector<8x512xi32>
    %and3A_2221 = arith.andi %bitcast_convert_type3A_2218, %and3A_2220 : vector<8x512xi32>
    %bitcast_convert_type3A_2222 = tpu.bitcast %sub3A_2198 : vector<8x512xf32> -> vector<8x512xi32>
    %bitcast_convert_type3A_2223 = tpu.bitcast %slice3A_2190 : vector<8x1xf32> -> vector<8x1xi32>
    %xor3A_2224 = vector.broadcast %bitcast_convert_type3A_2223 : vector<8x1xi32> to vector<8x512xi32>
    %xor3A_2225 = arith.xori %bitcast_convert_type3A_2222, %xor3A_2224 : vector<8x512xi32>
    %and3A_2226 = arith.andi %and3A_2221, %xor3A_2225 : vector<8x512xi32>
    %and3A_2227 = arith.constant -2147483648 : i32
    %and3A_2228 = vector.broadcast %and3A_2227 : i32 to vector<8x512xi32>
    %and3A_2229 = arith.andi %and3A_2226, %and3A_2228 : vector<8x512xi32>
    %bitcast_convert_type3A_2230 = tpu.bitcast %add3A_2217 : vector<8x512xf32> -> vector<8x512xi32>
    %or3A_2231 = arith.ori %bitcast_convert_type3A_2230, %and3A_2229 : vector<8x512xi32>
    %bitcast_convert_type3A_2232 = tpu.bitcast %or3A_2231 : vector<8x512xi32> -> vector<8x512xf32>
    %mul3A_2233 = vector.broadcast %add3A_130 : vector<1x512xf32> to vector<8x512xf32>
    %mul3A_2234 = vector.broadcast %slice3A_2192 : vector<8x1xf32> to vector<8x512xf32>
    %mul3A_2235 = arith.mulf %mul3A_2233, %mul3A_2234 : vector<8x512xf32>
    %add3A_2236 = vector.broadcast %slice3A_2191 : vector<8x1xf32> to vector<8x512xf32>
    %add3A_2237 = arith.addf %mul3A_2235, %add3A_2236 : vector<8x512xf32>
    %gt3A_2238 = arith.constant 0.000000e+00 : f32
    %gt3A_2239 = vector.broadcast %gt3A_2238 : f32 to vector<8x512xf32>
    %gt3A_2240 = arith.cmpf ogt, %bitcast_convert_type3A_2232, %gt3A_2239 : vector<8x512xf32>
    %mul3A_2241 = arith.mulf %div3A_2212, %add3A_2237 : vector<8x512xf32>
    %jit3A_2242 = arith.constant 0.000000e+00 : f32
    %broadcast_in_dim3A_2243 = vector.broadcast %jit3A_2242 : f32 to vector<8x512xf32>
    %select_n3A_2244 = arith.select %gt3A_2240, %mul3A_2241, %broadcast_in_dim3A_2243 : vector<8x512xi1>, vector<8x512xf32>
    %swap3A_2245 = arith.constant 0 : index
    %swap3A_2246 = arith.constant 248 : index
    %swap3A_2247 = arith.constant 0 : index
    %swap3A_2248 = vector.load %arg7[%swap3A_2245, %swap3A_2246, %swap3A_2247] : memref<1x512x512xf32, #tpu.memory_space<vmem>>, vector<1x8x512xf32>
    %swap3A_2249 = vector.shape_cast %swap3A_2248 : vector<1x8x512xf32> to vector<8x512xf32>
    %swap3A_2250 = vector.shape_cast %select_n3A_2244 : vector<8x512xf32> to vector<1x8x512xf32>
    tpu.vector_store %arg7[%swap3A_2245, %swap3A_2246, %swap3A_2247], %swap3A_2250 {strides = array<i32>} : memref<1x512x512xf32, #tpu.memory_space<vmem>>, vector<1x8x512xf32>,
    %slice3A_2251 = vector.extract_strided_slice %transpose3A {offsets = [256, 0], sizes = [8, 1], strides = [1, 1]} : vector<512x8xf32> to vector<8x1xf32>
    %slice3A_2252 = vector.extract_strided_slice %transpose3A {offsets = [256, 1], sizes = [8, 1], strides = [1, 1]} : vector<512x8xf32> to vector<8x1xf32>
    %slice3A_2253 = vector.extract_strided_slice %transpose3A {offsets = [256, 2], sizes = [8, 1], strides = [1, 1]} : vector<512x8xf32> to vector<8x1xf32>
    %slice3A_2254 = vector.extract_strided_slice %transpose3A {offsets = [256, 3], sizes = [8, 1], strides = [1, 1]} : vector<512x8xf32> to vector<8x1xf32>
    %slice3A_2255 = vector.extract_strided_slice %transpose3A {offsets = [256, 4], sizes = [8, 1], strides = [1, 1]} : vector<512x8xf32> to vector<8x1xf32>
    %slice3A_2256 = vector.extract_strided_slice %transpose3A {offsets = [256, 5], sizes = [8, 1], strides = [1, 1]} : vector<512x8xf32> to vector<8x1xf32>
    %slice3A_2257 = vector.extract_strided_slice %transpose3A {offsets = [256, 6], sizes = [8, 1], strides = [1, 1]} : vector<512x8xf32> to vector<8x1xf32>
    %slice3A_2258 = vector.extract_strided_slice %transpose3A {offsets = [256, 7], sizes = [8, 1], strides = [1, 1]} : vector<512x8xf32> to vector<8x1xf32>
    %sub3A_2259 = vector.broadcast %get3A_3 : vector<1x512xf32> to vector<8x512xf32>
    %sub3A_2260 = vector.broadcast %slice3A_2251 : vector<8x1xf32> to vector<8x512xf32>
    %sub3A_2261 = arith.subf %sub3A_2259, %sub3A_2260 : vector<8x512xf32>
    %sub3A_2262 = vector.broadcast %get3A_13 : vector<1x512xf32> to vector<8x512xf32>
    %sub3A_2263 = vector.broadcast %slice3A_2252 : vector<8x1xf32> to vector<8x512xf32>
    %sub3A_2264 = arith.subf %sub3A_2262, %sub3A_2263 : vector<8x512xf32>
    %mul3A_2265 = arith.mulf %sub3A_2261, %sub3A_2261 : vector<8x512xf32>
    %mul3A_2266 = arith.mulf %sub3A_2264, %sub3A_2264 : vector<8x512xf32>
    %add3A_2267 = arith.addf %mul3A_2265, %mul3A_2266 : vector<8x512xf32>
    %sub3A_2268 = vector.broadcast %slice3A_2253 : vector<8x1xf32> to vector<8x512xf32>
    %sub3A_2269 = vector.broadcast %mul3A_45 : vector<1x512xf32> to vector<8x512xf32>
    %sub3A_2270 = arith.subf %sub3A_2268, %sub3A_2269 : vector<8x512xf32>
    %mul3A_2271 = arith.mulf %sub3A_2270, %sub3A_2261 : vector<8x512xf32>
    %sub3A_2272 = vector.broadcast %slice3A_2254 : vector<8x1xf32> to vector<8x512xf32>
    %sub3A_2273 = vector.broadcast %mul3A_46 : vector<1x512xf32> to vector<8x512xf32>
    %sub3A_2274 = arith.subf %sub3A_2272, %sub3A_2273 : vector<8x512xf32>
    %mul3A_2275 = arith.mulf %sub3A_2274, %sub3A_2264 : vector<8x512xf32>
    %add3A_2276 = arith.addf %mul3A_2271, %mul3A_2275 : vector<8x512xf32>
    %abs3A_2277 = math.absf %add3A_2276 : vector<8x512xf32>
    %div3A_2278 = arith.divf %abs3A_2277, %add3A_2267 : vector<8x512xf32>
    %mul3A_2279 = vector.broadcast %slice3A_2255 : vector<8x1xf32> to vector<8x512xf32>
    %mul3A_2280 = arith.mulf %sub3A_2261, %mul3A_2279 : vector<8x512xf32>
    %mul3A_2281 = vector.broadcast %slice3A_2256 : vector<8x1xf32> to vector<8x512xf32>
    %mul3A_2282 = arith.mulf %sub3A_2264, %mul3A_2281 : vector<8x512xf32>
    %add3A_2283 = arith.addf %mul3A_2280, %mul3A_2282 : vector<8x512xf32>
    %bitcast_convert_type3A_2284 = tpu.bitcast %sub3A_2261 : vector<8x512xf32> -> vector<8x512xi32>
    %bitcast_convert_type3A_2285 = tpu.bitcast %slice3A_2255 : vector<8x1xf32> -> vector<8x1xi32>
    %and3A_2286 = vector.broadcast %bitcast_convert_type3A_2285 : vector<8x1xi32> to vector<8x512xi32>
    %and3A_2287 = arith.andi %bitcast_convert_type3A_2284, %and3A_2286 : vector<8x512xi32>
    %bitcast_convert_type3A_2288 = tpu.bitcast %sub3A_2264 : vector<8x512xf32> -> vector<8x512xi32>
    %bitcast_convert_type3A_2289 = tpu.bitcast %slice3A_2256 : vector<8x1xf32> -> vector<8x1xi32>
    %xor3A_2290 = vector.broadcast %bitcast_convert_type3A_2289 : vector<8x1xi32> to vector<8x512xi32>
    %xor3A_2291 = arith.xori %bitcast_convert_type3A_2288, %xor3A_2290 : vector<8x512xi32>
    %and3A_2292 = arith.andi %and3A_2287, %xor3A_2291 : vector<8x512xi32>
    %and3A_2293 = arith.constant -2147483648 : i32
    %and3A_2294 = vector.broadcast %and3A_2293 : i32 to vector<8x512xi32>
    %and3A_2295 = arith.andi %and3A_2292, %and3A_2294 : vector<8x512xi32>
    %bitcast_convert_type3A_2296 = tpu.bitcast %add3A_2283 : vector<8x512xf32> -> vector<8x512xi32>
    %or3A_2297 = arith.ori %bitcast_convert_type3A_2296, %and3A_2295 : vector<8x512xi32>
    %bitcast_convert_type3A_2298 = tpu.bitcast %or3A_2297 : vector<8x512xi32> -> vector<8x512xf32>
    %mul3A_2299 = vector.broadcast %add3A_130 : vector<1x512xf32> to vector<8x512xf32>
    %mul3A_2300 = vector.broadcast %slice3A_2258 : vector<8x1xf32> to vector<8x512xf32>
    %mul3A_2301 = arith.mulf %mul3A_2299, %mul3A_2300 : vector<8x512xf32>
    %add3A_2302 = vector.broadcast %slice3A_2257 : vector<8x1xf32> to vector<8x512xf32>
    %add3A_2303 = arith.addf %mul3A_2301, %add3A_2302 : vector<8x512xf32>
    %gt3A_2304 = arith.constant 0.000000e+00 : f32
    %gt3A_2305 = vector.broadcast %gt3A_2304 : f32 to vector<8x512xf32>
    %gt3A_2306 = arith.cmpf ogt, %bitcast_convert_type3A_2298, %gt3A_2305 : vector<8x512xf32>
    %mul3A_2307 = arith.mulf %div3A_2278, %add3A_2303 : vector<8x512xf32>
    %jit3A_2308 = arith.constant 0.000000e+00 : f32
    %broadcast_in_dim3A_2309 = vector.broadcast %jit3A_2308 : f32 to vector<8x512xf32>
    %select_n3A_2310 = arith.select %gt3A_2306, %mul3A_2307, %broadcast_in_dim3A_2309 : vector<8x512xi1>, vector<8x512xf32>
    %swap3A_2311 = arith.constant 0 : index
    %swap3A_2312 = arith.constant 256 : index
    %swap3A_2313 = arith.constant 0 : index
    %swap3A_2314 = vector.load %arg7[%swap3A_2311, %swap3A_2312, %swap3A_2313] : memref<1x512x512xf32, #tpu.memory_space<vmem>>, vector<1x8x512xf32>
    %swap3A_2315 = vector.shape_cast %swap3A_2314 : vector<1x8x512xf32> to vector<8x512xf32>
    %swap3A_2316 = vector.shape_cast %select_n3A_2310 : vector<8x512xf32> to vector<1x8x512xf32>
    tpu.vector_store %arg7[%swap3A_2311, %swap3A_2312, %swap3A_2313], %swap3A_2316 {strides = array<i32>} : memref<1x512x512xf32, #tpu.memory_space<vmem>>, vector<1x8x512xf32>,
    %slice3A_2317 = vector.extract_strided_slice %transpose3A {offsets = [264, 0], sizes = [8, 1], strides = [1, 1]} : vector<512x8xf32> to vector<8x1xf32>
    %slice3A_2318 = vector.extract_strided_slice %transpose3A {offsets = [264, 1], sizes = [8, 1], strides = [1, 1]} : vector<512x8xf32> to vector<8x1xf32>
    %slice3A_2319 = vector.extract_strided_slice %transpose3A {offsets = [264, 2], sizes = [8, 1], strides = [1, 1]} : vector<512x8xf32> to vector<8x1xf32>
    %slice3A_2320 = vector.extract_strided_slice %transpose3A {offsets = [264, 3], sizes = [8, 1], strides = [1, 1]} : vector<512x8xf32> to vector<8x1xf32>
    %slice3A_2321 = vector.extract_strided_slice %transpose3A {offsets = [264, 4], sizes = [8, 1], strides = [1, 1]} : vector<512x8xf32> to vector<8x1xf32>
    %slice3A_2322 = vector.extract_strided_slice %transpose3A {offsets = [264, 5], sizes = [8, 1], strides = [1, 1]} : vector<512x8xf32> to vector<8x1xf32>
    %slice3A_2323 = vector.extract_strided_slice %transpose3A {offsets = [264, 6], sizes = [8, 1], strides = [1, 1]} : vector<512x8xf32> to vector<8x1xf32>
    %slice3A_2324 = vector.extract_strided_slice %transpose3A {offsets = [264, 7], sizes = [8, 1], strides = [1, 1]} : vector<512x8xf32> to vector<8x1xf32>
    %sub3A_2325 = vector.broadcast %get3A_3 : vector<1x512xf32> to vector<8x512xf32>
    %sub3A_2326 = vector.broadcast %slice3A_2317 : vector<8x1xf32> to vector<8x512xf32>
    %sub3A_2327 = arith.subf %sub3A_2325, %sub3A_2326 : vector<8x512xf32>
    %sub3A_2328 = vector.broadcast %get3A_13 : vector<1x512xf32> to vector<8x512xf32>
    %sub3A_2329 = vector.broadcast %slice3A_2318 : vector<8x1xf32> to vector<8x512xf32>
    %sub3A_2330 = arith.subf %sub3A_2328, %sub3A_2329 : vector<8x512xf32>
    %mul3A_2331 = arith.mulf %sub3A_2327, %sub3A_2327 : vector<8x512xf32>
    %mul3A_2332 = arith.mulf %sub3A_2330, %sub3A_2330 : vector<8x512xf32>
    %add3A_2333 = arith.addf %mul3A_2331, %mul3A_2332 : vector<8x512xf32>
    %sub3A_2334 = vector.broadcast %slice3A_2319 : vector<8x1xf32> to vector<8x512xf32>
    %sub3A_2335 = vector.broadcast %mul3A_45 : vector<1x512xf32> to vector<8x512xf32>
    %sub3A_2336 = arith.subf %sub3A_2334, %sub3A_2335 : vector<8x512xf32>
    %mul3A_2337 = arith.mulf %sub3A_2336, %sub3A_2327 : vector<8x512xf32>
    %sub3A_2338 = vector.broadcast %slice3A_2320 : vector<8x1xf32> to vector<8x512xf32>
    %sub3A_2339 = vector.broadcast %mul3A_46 : vector<1x512xf32> to vector<8x512xf32>
    %sub3A_2340 = arith.subf %sub3A_2338, %sub3A_2339 : vector<8x512xf32>
    %mul3A_2341 = arith.mulf %sub3A_2340, %sub3A_2330 : vector<8x512xf32>
    %add3A_2342 = arith.addf %mul3A_2337, %mul3A_2341 : vector<8x512xf32>
    %abs3A_2343 = math.absf %add3A_2342 : vector<8x512xf32>
    %div3A_2344 = arith.divf %abs3A_2343, %add3A_2333 : vector<8x512xf32>
    %mul3A_2345 = vector.broadcast %slice3A_2321 : vector<8x1xf32> to vector<8x512xf32>
    %mul3A_2346 = arith.mulf %sub3A_2327, %mul3A_2345 : vector<8x512xf32>
    %mul3A_2347 = vector.broadcast %slice3A_2322 : vector<8x1xf32> to vector<8x512xf32>
    %mul3A_2348 = arith.mulf %sub3A_2330, %mul3A_2347 : vector<8x512xf32>
    %add3A_2349 = arith.addf %mul3A_2346, %mul3A_2348 : vector<8x512xf32>
    %bitcast_convert_type3A_2350 = tpu.bitcast %sub3A_2327 : vector<8x512xf32> -> vector<8x512xi32>
    %bitcast_convert_type3A_2351 = tpu.bitcast %slice3A_2321 : vector<8x1xf32> -> vector<8x1xi32>
    %and3A_2352 = vector.broadcast %bitcast_convert_type3A_2351 : vector<8x1xi32> to vector<8x512xi32>
    %and3A_2353 = arith.andi %bitcast_convert_type3A_2350, %and3A_2352 : vector<8x512xi32>
    %bitcast_convert_type3A_2354 = tpu.bitcast %sub3A_2330 : vector<8x512xf32> -> vector<8x512xi32>
    %bitcast_convert_type3A_2355 = tpu.bitcast %slice3A_2322 : vector<8x1xf32> -> vector<8x1xi32>
    %xor3A_2356 = vector.broadcast %bitcast_convert_type3A_2355 : vector<8x1xi32> to vector<8x512xi32>
    %xor3A_2357 = arith.xori %bitcast_convert_type3A_2354, %xor3A_2356 : vector<8x512xi32>
    %and3A_2358 = arith.andi %and3A_2353, %xor3A_2357 : vector<8x512xi32>
    %and3A_2359 = arith.constant -2147483648 : i32
    %and3A_2360 = vector.broadcast %and3A_2359 : i32 to vector<8x512xi32>
    %and3A_2361 = arith.andi %and3A_2358, %and3A_2360 : vector<8x512xi32>
    %bitcast_convert_type3A_2362 = tpu.bitcast %add3A_2349 : vector<8x512xf32> -> vector<8x512xi32>
    %or3A_2363 = arith.ori %bitcast_convert_type3A_2362, %and3A_2361 : vector<8x512xi32>
    %bitcast_convert_type3A_2364 = tpu.bitcast %or3A_2363 : vector<8x512xi32> -> vector<8x512xf32>
    %mul3A_2365 = vector.broadcast %add3A_130 : vector<1x512xf32> to vector<8x512xf32>
    %mul3A_2366 = vector.broadcast %slice3A_2324 : vector<8x1xf32> to vector<8x512xf32>
    %mul3A_2367 = arith.mulf %mul3A_2365, %mul3A_2366 : vector<8x512xf32>
    %add3A_2368 = vector.broadcast %slice3A_2323 : vector<8x1xf32> to vector<8x512xf32>
    %add3A_2369 = arith.addf %mul3A_2367, %add3A_2368 : vector<8x512xf32>
    %gt3A_2370 = arith.constant 0.000000e+00 : f32
    %gt3A_2371 = vector.broadcast %gt3A_2370 : f32 to vector<8x512xf32>
    %gt3A_2372 = arith.cmpf ogt, %bitcast_convert_type3A_2364, %gt3A_2371 : vector<8x512xf32>
    %mul3A_2373 = arith.mulf %div3A_2344, %add3A_2369 : vector<8x512xf32>
    %jit3A_2374 = arith.constant 0.000000e+00 : f32
    %broadcast_in_dim3A_2375 = vector.broadcast %jit3A_2374 : f32 to vector<8x512xf32>
    %select_n3A_2376 = arith.select %gt3A_2372, %mul3A_2373, %broadcast_in_dim3A_2375 : vector<8x512xi1>, vector<8x512xf32>
    %swap3A_2377 = arith.constant 0 : index
    %swap3A_2378 = arith.constant 264 : index
    %swap3A_2379 = arith.constant 0 : index
    %swap3A_2380 = vector.load %arg7[%swap3A_2377, %swap3A_2378, %swap3A_2379] : memref<1x512x512xf32, #tpu.memory_space<vmem>>, vector<1x8x512xf32>
    %swap3A_2381 = vector.shape_cast %swap3A_2380 : vector<1x8x512xf32> to vector<8x512xf32>
    %swap3A_2382 = vector.shape_cast %select_n3A_2376 : vector<8x512xf32> to vector<1x8x512xf32>
    tpu.vector_store %arg7[%swap3A_2377, %swap3A_2378, %swap3A_2379], %swap3A_2382 {strides = array<i32>} : memref<1x512x512xf32, #tpu.memory_space<vmem>>, vector<1x8x512xf32>,
    %slice3A_2383 = vector.extract_strided_slice %transpose3A {offsets = [272, 0], sizes = [8, 1], strides = [1, 1]} : vector<512x8xf32> to vector<8x1xf32>
    %slice3A_2384 = vector.extract_strided_slice %transpose3A {offsets = [272, 1], sizes = [8, 1], strides = [1, 1]} : vector<512x8xf32> to vector<8x1xf32>
    %slice3A_2385 = vector.extract_strided_slice %transpose3A {offsets = [272, 2], sizes = [8, 1], strides = [1, 1]} : vector<512x8xf32> to vector<8x1xf32>
    %slice3A_2386 = vector.extract_strided_slice %transpose3A {offsets = [272, 3], sizes = [8, 1], strides = [1, 1]} : vector<512x8xf32> to vector<8x1xf32>
    %slice3A_2387 = vector.extract_strided_slice %transpose3A {offsets = [272, 4], sizes = [8, 1], strides = [1, 1]} : vector<512x8xf32> to vector<8x1xf32>
    %slice3A_2388 = vector.extract_strided_slice %transpose3A {offsets = [272, 5], sizes = [8, 1], strides = [1, 1]} : vector<512x8xf32> to vector<8x1xf32>
    %slice3A_2389 = vector.extract_strided_slice %transpose3A {offsets = [272, 6], sizes = [8, 1], strides = [1, 1]} : vector<512x8xf32> to vector<8x1xf32>
    %slice3A_2390 = vector.extract_strided_slice %transpose3A {offsets = [272, 7], sizes = [8, 1], strides = [1, 1]} : vector<512x8xf32> to vector<8x1xf32>
    %sub3A_2391 = vector.broadcast %get3A_3 : vector<1x512xf32> to vector<8x512xf32>
    %sub3A_2392 = vector.broadcast %slice3A_2383 : vector<8x1xf32> to vector<8x512xf32>
    %sub3A_2393 = arith.subf %sub3A_2391, %sub3A_2392 : vector<8x512xf32>
    %sub3A_2394 = vector.broadcast %get3A_13 : vector<1x512xf32> to vector<8x512xf32>
    %sub3A_2395 = vector.broadcast %slice3A_2384 : vector<8x1xf32> to vector<8x512xf32>
    %sub3A_2396 = arith.subf %sub3A_2394, %sub3A_2395 : vector<8x512xf32>
    %mul3A_2397 = arith.mulf %sub3A_2393, %sub3A_2393 : vector<8x512xf32>
    %mul3A_2398 = arith.mulf %sub3A_2396, %sub3A_2396 : vector<8x512xf32>
    %add3A_2399 = arith.addf %mul3A_2397, %mul3A_2398 : vector<8x512xf32>
    %sub3A_2400 = vector.broadcast %slice3A_2385 : vector<8x1xf32> to vector<8x512xf32>
    %sub3A_2401 = vector.broadcast %mul3A_45 : vector<1x512xf32> to vector<8x512xf32>
    %sub3A_2402 = arith.subf %sub3A_2400, %sub3A_2401 : vector<8x512xf32>
    %mul3A_2403 = arith.mulf %sub3A_2402, %sub3A_2393 : vector<8x512xf32>
    %sub3A_2404 = vector.broadcast %slice3A_2386 : vector<8x1xf32> to vector<8x512xf32>
    %sub3A_2405 = vector.broadcast %mul3A_46 : vector<1x512xf32> to vector<8x512xf32>
    %sub3A_2406 = arith.subf %sub3A_2404, %sub3A_2405 : vector<8x512xf32>
    %mul3A_2407 = arith.mulf %sub3A_2406, %sub3A_2396 : vector<8x512xf32>
    %add3A_2408 = arith.addf %mul3A_2403, %mul3A_2407 : vector<8x512xf32>
    %abs3A_2409 = math.absf %add3A_2408 : vector<8x512xf32>
    %div3A_2410 = arith.divf %abs3A_2409, %add3A_2399 : vector<8x512xf32>
    %mul3A_2411 = vector.broadcast %slice3A_2387 : vector<8x1xf32> to vector<8x512xf32>
    %mul3A_2412 = arith.mulf %sub3A_2393, %mul3A_2411 : vector<8x512xf32>
    %mul3A_2413 = vector.broadcast %slice3A_2388 : vector<8x1xf32> to vector<8x512xf32>
    %mul3A_2414 = arith.mulf %sub3A_2396, %mul3A_2413 : vector<8x512xf32>
    %add3A_2415 = arith.addf %mul3A_2412, %mul3A_2414 : vector<8x512xf32>
    %bitcast_convert_type3A_2416 = tpu.bitcast %sub3A_2393 : vector<8x512xf32> -> vector<8x512xi32>
    %bitcast_convert_type3A_2417 = tpu.bitcast %slice3A_2387 : vector<8x1xf32> -> vector<8x1xi32>
    %and3A_2418 = vector.broadcast %bitcast_convert_type3A_2417 : vector<8x1xi32> to vector<8x512xi32>
    %and3A_2419 = arith.andi %bitcast_convert_type3A_2416, %and3A_2418 : vector<8x512xi32>
    %bitcast_convert_type3A_2420 = tpu.bitcast %sub3A_2396 : vector<8x512xf32> -> vector<8x512xi32>
    %bitcast_convert_type3A_2421 = tpu.bitcast %slice3A_2388 : vector<8x1xf32> -> vector<8x1xi32>
    %xor3A_2422 = vector.broadcast %bitcast_convert_type3A_2421 : vector<8x1xi32> to vector<8x512xi32>
    %xor3A_2423 = arith.xori %bitcast_convert_type3A_2420, %xor3A_2422 : vector<8x512xi32>
    %and3A_2424 = arith.andi %and3A_2419, %xor3A_2423 : vector<8x512xi32>
    %and3A_2425 = arith.constant -2147483648 : i32
    %and3A_2426 = vector.broadcast %and3A_2425 : i32 to vector<8x512xi32>
    %and3A_2427 = arith.andi %and3A_2424, %and3A_2426 : vector<8x512xi32>
    %bitcast_convert_type3A_2428 = tpu.bitcast %add3A_2415 : vector<8x512xf32> -> vector<8x512xi32>
    %or3A_2429 = arith.ori %bitcast_convert_type3A_2428, %and3A_2427 : vector<8x512xi32>
    %bitcast_convert_type3A_2430 = tpu.bitcast %or3A_2429 : vector<8x512xi32> -> vector<8x512xf32>
    %mul3A_2431 = vector.broadcast %add3A_130 : vector<1x512xf32> to vector<8x512xf32>
    %mul3A_2432 = vector.broadcast %slice3A_2390 : vector<8x1xf32> to vector<8x512xf32>
    %mul3A_2433 = arith.mulf %mul3A_2431, %mul3A_2432 : vector<8x512xf32>
    %add3A_2434 = vector.broadcast %slice3A_2389 : vector<8x1xf32> to vector<8x512xf32>
    %add3A_2435 = arith.addf %mul3A_2433, %add3A_2434 : vector<8x512xf32>
    %gt3A_2436 = arith.constant 0.000000e+00 : f32
    %gt3A_2437 = vector.broadcast %gt3A_2436 : f32 to vector<8x512xf32>
    %gt3A_2438 = arith.cmpf ogt, %bitcast_convert_type3A_2430, %gt3A_2437 : vector<8x512xf32>
    %mul3A_2439 = arith.mulf %div3A_2410, %add3A_2435 : vector<8x512xf32>
    %jit3A_2440 = arith.constant 0.000000e+00 : f32
    %broadcast_in_dim3A_2441 = vector.broadcast %jit3A_2440 : f32 to vector<8x512xf32>
    %select_n3A_2442 = arith.select %gt3A_2438, %mul3A_2439, %broadcast_in_dim3A_2441 : vector<8x512xi1>, vector<8x512xf32>
    %swap3A_2443 = arith.constant 0 : index
    %swap3A_2444 = arith.constant 272 : index
    %swap3A_2445 = arith.constant 0 : index
    %swap3A_2446 = vector.load %arg7[%swap3A_2443, %swap3A_2444, %swap3A_2445] : memref<1x512x512xf32, #tpu.memory_space<vmem>>, vector<1x8x512xf32>
    %swap3A_2447 = vector.shape_cast %swap3A_2446 : vector<1x8x512xf32> to vector<8x512xf32>
    %swap3A_2448 = vector.shape_cast %select_n3A_2442 : vector<8x512xf32> to vector<1x8x512xf32>
    tpu.vector_store %arg7[%swap3A_2443, %swap3A_2444, %swap3A_2445], %swap3A_2448 {strides = array<i32>} : memref<1x512x512xf32, #tpu.memory_space<vmem>>, vector<1x8x512xf32>,
    %slice3A_2449 = vector.extract_strided_slice %transpose3A {offsets = [280, 0], sizes = [8, 1], strides = [1, 1]} : vector<512x8xf32> to vector<8x1xf32>
    %slice3A_2450 = vector.extract_strided_slice %transpose3A {offsets = [280, 1], sizes = [8, 1], strides = [1, 1]} : vector<512x8xf32> to vector<8x1xf32>
    %slice3A_2451 = vector.extract_strided_slice %transpose3A {offsets = [280, 2], sizes = [8, 1], strides = [1, 1]} : vector<512x8xf32> to vector<8x1xf32>
    %slice3A_2452 = vector.extract_strided_slice %transpose3A {offsets = [280, 3], sizes = [8, 1], strides = [1, 1]} : vector<512x8xf32> to vector<8x1xf32>
    %slice3A_2453 = vector.extract_strided_slice %transpose3A {offsets = [280, 4], sizes = [8, 1], strides = [1, 1]} : vector<512x8xf32> to vector<8x1xf32>
    %slice3A_2454 = vector.extract_strided_slice %transpose3A {offsets = [280, 5], sizes = [8, 1], strides = [1, 1]} : vector<512x8xf32> to vector<8x1xf32>
    %slice3A_2455 = vector.extract_strided_slice %transpose3A {offsets = [280, 6], sizes = [8, 1], strides = [1, 1]} : vector<512x8xf32> to vector<8x1xf32>
    %slice3A_2456 = vector.extract_strided_slice %transpose3A {offsets = [280, 7], sizes = [8, 1], strides = [1, 1]} : vector<512x8xf32> to vector<8x1xf32>
    %sub3A_2457 = vector.broadcast %get3A_3 : vector<1x512xf32> to vector<8x512xf32>
    %sub3A_2458 = vector.broadcast %slice3A_2449 : vector<8x1xf32> to vector<8x512xf32>
    %sub3A_2459 = arith.subf %sub3A_2457, %sub3A_2458 : vector<8x512xf32>
    %sub3A_2460 = vector.broadcast %get3A_13 : vector<1x512xf32> to vector<8x512xf32>
    %sub3A_2461 = vector.broadcast %slice3A_2450 : vector<8x1xf32> to vector<8x512xf32>
    %sub3A_2462 = arith.subf %sub3A_2460, %sub3A_2461 : vector<8x512xf32>
    %mul3A_2463 = arith.mulf %sub3A_2459, %sub3A_2459 : vector<8x512xf32>
    %mul3A_2464 = arith.mulf %sub3A_2462, %sub3A_2462 : vector<8x512xf32>
    %add3A_2465 = arith.addf %mul3A_2463, %mul3A_2464 : vector<8x512xf32>
    %sub3A_2466 = vector.broadcast %slice3A_2451 : vector<8x1xf32> to vector<8x512xf32>
    %sub3A_2467 = vector.broadcast %mul3A_45 : vector<1x512xf32> to vector<8x512xf32>
    %sub3A_2468 = arith.subf %sub3A_2466, %sub3A_2467 : vector<8x512xf32>
    %mul3A_2469 = arith.mulf %sub3A_2468, %sub3A_2459 : vector<8x512xf32>
    %sub3A_2470 = vector.broadcast %slice3A_2452 : vector<8x1xf32> to vector<8x512xf32>
    %sub3A_2471 = vector.broadcast %mul3A_46 : vector<1x512xf32> to vector<8x512xf32>
    %sub3A_2472 = arith.subf %sub3A_2470, %sub3A_2471 : vector<8x512xf32>
    %mul3A_2473 = arith.mulf %sub3A_2472, %sub3A_2462 : vector<8x512xf32>
    %add3A_2474 = arith.addf %mul3A_2469, %mul3A_2473 : vector<8x512xf32>
    %abs3A_2475 = math.absf %add3A_2474 : vector<8x512xf32>
    %div3A_2476 = arith.divf %abs3A_2475, %add3A_2465 : vector<8x512xf32>
    %mul3A_2477 = vector.broadcast %slice3A_2453 : vector<8x1xf32> to vector<8x512xf32>
    %mul3A_2478 = arith.mulf %sub3A_2459, %mul3A_2477 : vector<8x512xf32>
    %mul3A_2479 = vector.broadcast %slice3A_2454 : vector<8x1xf32> to vector<8x512xf32>
    %mul3A_2480 = arith.mulf %sub3A_2462, %mul3A_2479 : vector<8x512xf32>
    %add3A_2481 = arith.addf %mul3A_2478, %mul3A_2480 : vector<8x512xf32>
    %bitcast_convert_type3A_2482 = tpu.bitcast %sub3A_2459 : vector<8x512xf32> -> vector<8x512xi32>
    %bitcast_convert_type3A_2483 = tpu.bitcast %slice3A_2453 : vector<8x1xf32> -> vector<8x1xi32>
    %and3A_2484 = vector.broadcast %bitcast_convert_type3A_2483 : vector<8x1xi32> to vector<8x512xi32>
    %and3A_2485 = arith.andi %bitcast_convert_type3A_2482, %and3A_2484 : vector<8x512xi32>
    %bitcast_convert_type3A_2486 = tpu.bitcast %sub3A_2462 : vector<8x512xf32> -> vector<8x512xi32>
    %bitcast_convert_type3A_2487 = tpu.bitcast %slice3A_2454 : vector<8x1xf32> -> vector<8x1xi32>
    %xor3A_2488 = vector.broadcast %bitcast_convert_type3A_2487 : vector<8x1xi32> to vector<8x512xi32>
    %xor3A_2489 = arith.xori %bitcast_convert_type3A_2486, %xor3A_2488 : vector<8x512xi32>
    %and3A_2490 = arith.andi %and3A_2485, %xor3A_2489 : vector<8x512xi32>
    %and3A_2491 = arith.constant -2147483648 : i32
    %and3A_2492 = vector.broadcast %and3A_2491 : i32 to vector<8x512xi32>
    %and3A_2493 = arith.andi %and3A_2490, %and3A_2492 : vector<8x512xi32>
    %bitcast_convert_type3A_2494 = tpu.bitcast %add3A_2481 : vector<8x512xf32> -> vector<8x512xi32>
    %or3A_2495 = arith.ori %bitcast_convert_type3A_2494, %and3A_2493 : vector<8x512xi32>
    %bitcast_convert_type3A_2496 = tpu.bitcast %or3A_2495 : vector<8x512xi32> -> vector<8x512xf32>
    %mul3A_2497 = vector.broadcast %add3A_130 : vector<1x512xf32> to vector<8x512xf32>
    %mul3A_2498 = vector.broadcast %slice3A_2456 : vector<8x1xf32> to vector<8x512xf32>
    %mul3A_2499 = arith.mulf %mul3A_2497, %mul3A_2498 : vector<8x512xf32>
    %add3A_2500 = vector.broadcast %slice3A_2455 : vector<8x1xf32> to vector<8x512xf32>
    %add3A_2501 = arith.addf %mul3A_2499, %add3A_2500 : vector<8x512xf32>
    %gt3A_2502 = arith.constant 0.000000e+00 : f32
    %gt3A_2503 = vector.broadcast %gt3A_2502 : f32 to vector<8x512xf32>
    %gt3A_2504 = arith.cmpf ogt, %bitcast_convert_type3A_2496, %gt3A_2503 : vector<8x512xf32>
    %mul3A_2505 = arith.mulf %div3A_2476, %add3A_2501 : vector<8x512xf32>
    %jit3A_2506 = arith.constant 0.000000e+00 : f32
    %broadcast_in_dim3A_2507 = vector.broadcast %jit3A_2506 : f32 to vector<8x512xf32>
    %select_n3A_2508 = arith.select %gt3A_2504, %mul3A_2505, %broadcast_in_dim3A_2507 : vector<8x512xi1>, vector<8x512xf32>
    %swap3A_2509 = arith.constant 0 : index
    %swap3A_2510 = arith.constant 280 : index
    %swap3A_2511 = arith.constant 0 : index
    %swap3A_2512 = vector.load %arg7[%swap3A_2509, %swap3A_2510, %swap3A_2511] : memref<1x512x512xf32, #tpu.memory_space<vmem>>, vector<1x8x512xf32>
    %swap3A_2513 = vector.shape_cast %swap3A_2512 : vector<1x8x512xf32> to vector<8x512xf32>
    %swap3A_2514 = vector.shape_cast %select_n3A_2508 : vector<8x512xf32> to vector<1x8x512xf32>
    tpu.vector_store %arg7[%swap3A_2509, %swap3A_2510, %swap3A_2511], %swap3A_2514 {strides = array<i32>} : memref<1x512x512xf32, #tpu.memory_space<vmem>>, vector<1x8x512xf32>,
    %slice3A_2515 = vector.extract_strided_slice %transpose3A {offsets = [288, 0], sizes = [8, 1], strides = [1, 1]} : vector<512x8xf32> to vector<8x1xf32>
    %slice3A_2516 = vector.extract_strided_slice %transpose3A {offsets = [288, 1], sizes = [8, 1], strides = [1, 1]} : vector<512x8xf32> to vector<8x1xf32>
    %slice3A_2517 = vector.extract_strided_slice %transpose3A {offsets = [288, 2], sizes = [8, 1], strides = [1, 1]} : vector<512x8xf32> to vector<8x1xf32>
    %slice3A_2518 = vector.extract_strided_slice %transpose3A {offsets = [288, 3], sizes = [8, 1], strides = [1, 1]} : vector<512x8xf32> to vector<8x1xf32>
    %slice3A_2519 = vector.extract_strided_slice %transpose3A {offsets = [288, 4], sizes = [8, 1], strides = [1, 1]} : vector<512x8xf32> to vector<8x1xf32>
    %slice3A_2520 = vector.extract_strided_slice %transpose3A {offsets = [288, 5], sizes = [8, 1], strides = [1, 1]} : vector<512x8xf32> to vector<8x1xf32>
    %slice3A_2521 = vector.extract_strided_slice %transpose3A {offsets = [288, 6], sizes = [8, 1], strides = [1, 1]} : vector<512x8xf32> to vector<8x1xf32>
    %slice3A_2522 = vector.extract_strided_slice %transpose3A {offsets = [288, 7], sizes = [8, 1], strides = [1, 1]} : vector<512x8xf32> to vector<8x1xf32>
    %sub3A_2523 = vector.broadcast %get3A_3 : vector<1x512xf32> to vector<8x512xf32>
    %sub3A_2524 = vector.broadcast %slice3A_2515 : vector<8x1xf32> to vector<8x512xf32>
    %sub3A_2525 = arith.subf %sub3A_2523, %sub3A_2524 : vector<8x512xf32>
    %sub3A_2526 = vector.broadcast %get3A_13 : vector<1x512xf32> to vector<8x512xf32>
    %sub3A_2527 = vector.broadcast %slice3A_2516 : vector<8x1xf32> to vector<8x512xf32>
    %sub3A_2528 = arith.subf %sub3A_2526, %sub3A_2527 : vector<8x512xf32>
    %mul3A_2529 = arith.mulf %sub3A_2525, %sub3A_2525 : vector<8x512xf32>
    %mul3A_2530 = arith.mulf %sub3A_2528, %sub3A_2528 : vector<8x512xf32>
    %add3A_2531 = arith.addf %mul3A_2529, %mul3A_2530 : vector<8x512xf32>
    %sub3A_2532 = vector.broadcast %slice3A_2517 : vector<8x1xf32> to vector<8x512xf32>
    %sub3A_2533 = vector.broadcast %mul3A_45 : vector<1x512xf32> to vector<8x512xf32>
    %sub3A_2534 = arith.subf %sub3A_2532, %sub3A_2533 : vector<8x512xf32>
    %mul3A_2535 = arith.mulf %sub3A_2534, %sub3A_2525 : vector<8x512xf32>
    %sub3A_2536 = vector.broadcast %slice3A_2518 : vector<8x1xf32> to vector<8x512xf32>
    %sub3A_2537 = vector.broadcast %mul3A_46 : vector<1x512xf32> to vector<8x512xf32>
    %sub3A_2538 = arith.subf %sub3A_2536, %sub3A_2537 : vector<8x512xf32>
    %mul3A_2539 = arith.mulf %sub3A_2538, %sub3A_2528 : vector<8x512xf32>
    %add3A_2540 = arith.addf %mul3A_2535, %mul3A_2539 : vector<8x512xf32>
    %abs3A_2541 = math.absf %add3A_2540 : vector<8x512xf32>
    %div3A_2542 = arith.divf %abs3A_2541, %add3A_2531 : vector<8x512xf32>
    %mul3A_2543 = vector.broadcast %slice3A_2519 : vector<8x1xf32> to vector<8x512xf32>
    %mul3A_2544 = arith.mulf %sub3A_2525, %mul3A_2543 : vector<8x512xf32>
    %mul3A_2545 = vector.broadcast %slice3A_2520 : vector<8x1xf32> to vector<8x512xf32>
    %mul3A_2546 = arith.mulf %sub3A_2528, %mul3A_2545 : vector<8x512xf32>
    %add3A_2547 = arith.addf %mul3A_2544, %mul3A_2546 : vector<8x512xf32>
    %bitcast_convert_type3A_2548 = tpu.bitcast %sub3A_2525 : vector<8x512xf32> -> vector<8x512xi32>
    %bitcast_convert_type3A_2549 = tpu.bitcast %slice3A_2519 : vector<8x1xf32> -> vector<8x1xi32>
    %and3A_2550 = vector.broadcast %bitcast_convert_type3A_2549 : vector<8x1xi32> to vector<8x512xi32>
    %and3A_2551 = arith.andi %bitcast_convert_type3A_2548, %and3A_2550 : vector<8x512xi32>
    %bitcast_convert_type3A_2552 = tpu.bitcast %sub3A_2528 : vector<8x512xf32> -> vector<8x512xi32>
    %bitcast_convert_type3A_2553 = tpu.bitcast %slice3A_2520 : vector<8x1xf32> -> vector<8x1xi32>
    %xor3A_2554 = vector.broadcast %bitcast_convert_type3A_2553 : vector<8x1xi32> to vector<8x512xi32>
    %xor3A_2555 = arith.xori %bitcast_convert_type3A_2552, %xor3A_2554 : vector<8x512xi32>
    %and3A_2556 = arith.andi %and3A_2551, %xor3A_2555 : vector<8x512xi32>
    %and3A_2557 = arith.constant -2147483648 : i32
    %and3A_2558 = vector.broadcast %and3A_2557 : i32 to vector<8x512xi32>
    %and3A_2559 = arith.andi %and3A_2556, %and3A_2558 : vector<8x512xi32>
    %bitcast_convert_type3A_2560 = tpu.bitcast %add3A_2547 : vector<8x512xf32> -> vector<8x512xi32>
    %or3A_2561 = arith.ori %bitcast_convert_type3A_2560, %and3A_2559 : vector<8x512xi32>
    %bitcast_convert_type3A_2562 = tpu.bitcast %or3A_2561 : vector<8x512xi32> -> vector<8x512xf32>
    %mul3A_2563 = vector.broadcast %add3A_130 : vector<1x512xf32> to vector<8x512xf32>
    %mul3A_2564 = vector.broadcast %slice3A_2522 : vector<8x1xf32> to vector<8x512xf32>
    %mul3A_2565 = arith.mulf %mul3A_2563, %mul3A_2564 : vector<8x512xf32>
    %add3A_2566 = vector.broadcast %slice3A_2521 : vector<8x1xf32> to vector<8x512xf32>
    %add3A_2567 = arith.addf %mul3A_2565, %add3A_2566 : vector<8x512xf32>
    %gt3A_2568 = arith.constant 0.000000e+00 : f32
    %gt3A_2569 = vector.broadcast %gt3A_2568 : f32 to vector<8x512xf32>
    %gt3A_2570 = arith.cmpf ogt, %bitcast_convert_type3A_2562, %gt3A_2569 : vector<8x512xf32>
    %mul3A_2571 = arith.mulf %div3A_2542, %add3A_2567 : vector<8x512xf32>
    %jit3A_2572 = arith.constant 0.000000e+00 : f32
    %broadcast_in_dim3A_2573 = vector.broadcast %jit3A_2572 : f32 to vector<8x512xf32>
    %select_n3A_2574 = arith.select %gt3A_2570, %mul3A_2571, %broadcast_in_dim3A_2573 : vector<8x512xi1>, vector<8x512xf32>
    %swap3A_2575 = arith.constant 0 : index
    %swap3A_2576 = arith.constant 288 : index
    %swap3A_2577 = arith.constant 0 : index
    %swap3A_2578 = vector.load %arg7[%swap3A_2575, %swap3A_2576, %swap3A_2577] : memref<1x512x512xf32, #tpu.memory_space<vmem>>, vector<1x8x512xf32>
    %swap3A_2579 = vector.shape_cast %swap3A_2578 : vector<1x8x512xf32> to vector<8x512xf32>
    %swap3A_2580 = vector.shape_cast %select_n3A_2574 : vector<8x512xf32> to vector<1x8x512xf32>
    tpu.vector_store %arg7[%swap3A_2575, %swap3A_2576, %swap3A_2577], %swap3A_2580 {strides = array<i32>} : memref<1x512x512xf32, #tpu.memory_space<vmem>>, vector<1x8x512xf32>,
    %slice3A_2581 = vector.extract_strided_slice %transpose3A {offsets = [296, 0], sizes = [8, 1], strides = [1, 1]} : vector<512x8xf32> to vector<8x1xf32>
    %slice3A_2582 = vector.extract_strided_slice %transpose3A {offsets = [296, 1], sizes = [8, 1], strides = [1, 1]} : vector<512x8xf32> to vector<8x1xf32>
    %slice3A_2583 = vector.extract_strided_slice %transpose3A {offsets = [296, 2], sizes = [8, 1], strides = [1, 1]} : vector<512x8xf32> to vector<8x1xf32>
    %slice3A_2584 = vector.extract_strided_slice %transpose3A {offsets = [296, 3], sizes = [8, 1], strides = [1, 1]} : vector<512x8xf32> to vector<8x1xf32>
    %slice3A_2585 = vector.extract_strided_slice %transpose3A {offsets = [296, 4], sizes = [8, 1], strides = [1, 1]} : vector<512x8xf32> to vector<8x1xf32>
    %slice3A_2586 = vector.extract_strided_slice %transpose3A {offsets = [296, 5], sizes = [8, 1], strides = [1, 1]} : vector<512x8xf32> to vector<8x1xf32>
    %slice3A_2587 = vector.extract_strided_slice %transpose3A {offsets = [296, 6], sizes = [8, 1], strides = [1, 1]} : vector<512x8xf32> to vector<8x1xf32>
    %slice3A_2588 = vector.extract_strided_slice %transpose3A {offsets = [296, 7], sizes = [8, 1], strides = [1, 1]} : vector<512x8xf32> to vector<8x1xf32>
    %sub3A_2589 = vector.broadcast %get3A_3 : vector<1x512xf32> to vector<8x512xf32>
    %sub3A_2590 = vector.broadcast %slice3A_2581 : vector<8x1xf32> to vector<8x512xf32>
    %sub3A_2591 = arith.subf %sub3A_2589, %sub3A_2590 : vector<8x512xf32>
    %sub3A_2592 = vector.broadcast %get3A_13 : vector<1x512xf32> to vector<8x512xf32>
    %sub3A_2593 = vector.broadcast %slice3A_2582 : vector<8x1xf32> to vector<8x512xf32>
    %sub3A_2594 = arith.subf %sub3A_2592, %sub3A_2593 : vector<8x512xf32>
    %mul3A_2595 = arith.mulf %sub3A_2591, %sub3A_2591 : vector<8x512xf32>
    %mul3A_2596 = arith.mulf %sub3A_2594, %sub3A_2594 : vector<8x512xf32>
    %add3A_2597 = arith.addf %mul3A_2595, %mul3A_2596 : vector<8x512xf32>
    %sub3A_2598 = vector.broadcast %slice3A_2583 : vector<8x1xf32> to vector<8x512xf32>
    %sub3A_2599 = vector.broadcast %mul3A_45 : vector<1x512xf32> to vector<8x512xf32>
    %sub3A_2600 = arith.subf %sub3A_2598, %sub3A_2599 : vector<8x512xf32>
    %mul3A_2601 = arith.mulf %sub3A_2600, %sub3A_2591 : vector<8x512xf32>
    %sub3A_2602 = vector.broadcast %slice3A_2584 : vector<8x1xf32> to vector<8x512xf32>
    %sub3A_2603 = vector.broadcast %mul3A_46 : vector<1x512xf32> to vector<8x512xf32>
    %sub3A_2604 = arith.subf %sub3A_2602, %sub3A_2603 : vector<8x512xf32>
    %mul3A_2605 = arith.mulf %sub3A_2604, %sub3A_2594 : vector<8x512xf32>
    %add3A_2606 = arith.addf %mul3A_2601, %mul3A_2605 : vector<8x512xf32>
    %abs3A_2607 = math.absf %add3A_2606 : vector<8x512xf32>
    %div3A_2608 = arith.divf %abs3A_2607, %add3A_2597 : vector<8x512xf32>
    %mul3A_2609 = vector.broadcast %slice3A_2585 : vector<8x1xf32> to vector<8x512xf32>
    %mul3A_2610 = arith.mulf %sub3A_2591, %mul3A_2609 : vector<8x512xf32>
    %mul3A_2611 = vector.broadcast %slice3A_2586 : vector<8x1xf32> to vector<8x512xf32>
    %mul3A_2612 = arith.mulf %sub3A_2594, %mul3A_2611 : vector<8x512xf32>
    %add3A_2613 = arith.addf %mul3A_2610, %mul3A_2612 : vector<8x512xf32>
    %bitcast_convert_type3A_2614 = tpu.bitcast %sub3A_2591 : vector<8x512xf32> -> vector<8x512xi32>
    %bitcast_convert_type3A_2615 = tpu.bitcast %slice3A_2585 : vector<8x1xf32> -> vector<8x1xi32>
    %and3A_2616 = vector.broadcast %bitcast_convert_type3A_2615 : vector<8x1xi32> to vector<8x512xi32>
    %and3A_2617 = arith.andi %bitcast_convert_type3A_2614, %and3A_2616 : vector<8x512xi32>
    %bitcast_convert_type3A_2618 = tpu.bitcast %sub3A_2594 : vector<8x512xf32> -> vector<8x512xi32>
    %bitcast_convert_type3A_2619 = tpu.bitcast %slice3A_2586 : vector<8x1xf32> -> vector<8x1xi32>
    %xor3A_2620 = vector.broadcast %bitcast_convert_type3A_2619 : vector<8x1xi32> to vector<8x512xi32>
    %xor3A_2621 = arith.xori %bitcast_convert_type3A_2618, %xor3A_2620 : vector<8x512xi32>
    %and3A_2622 = arith.andi %and3A_2617, %xor3A_2621 : vector<8x512xi32>
    %and3A_2623 = arith.constant -2147483648 : i32
    %and3A_2624 = vector.broadcast %and3A_2623 : i32 to vector<8x512xi32>
    %and3A_2625 = arith.andi %and3A_2622, %and3A_2624 : vector<8x512xi32>
    %bitcast_convert_type3A_2626 = tpu.bitcast %add3A_2613 : vector<8x512xf32> -> vector<8x512xi32>
    %or3A_2627 = arith.ori %bitcast_convert_type3A_2626, %and3A_2625 : vector<8x512xi32>
    %bitcast_convert_type3A_2628 = tpu.bitcast %or3A_2627 : vector<8x512xi32> -> vector<8x512xf32>
    %mul3A_2629 = vector.broadcast %add3A_130 : vector<1x512xf32> to vector<8x512xf32>
    %mul3A_2630 = vector.broadcast %slice3A_2588 : vector<8x1xf32> to vector<8x512xf32>
    %mul3A_2631 = arith.mulf %mul3A_2629, %mul3A_2630 : vector<8x512xf32>
    %add3A_2632 = vector.broadcast %slice3A_2587 : vector<8x1xf32> to vector<8x512xf32>
    %add3A_2633 = arith.addf %mul3A_2631, %add3A_2632 : vector<8x512xf32>
    %gt3A_2634 = arith.constant 0.000000e+00 : f32
    %gt3A_2635 = vector.broadcast %gt3A_2634 : f32 to vector<8x512xf32>
    %gt3A_2636 = arith.cmpf ogt, %bitcast_convert_type3A_2628, %gt3A_2635 : vector<8x512xf32>
    %mul3A_2637 = arith.mulf %div3A_2608, %add3A_2633 : vector<8x512xf32>
    %jit3A_2638 = arith.constant 0.000000e+00 : f32
    %broadcast_in_dim3A_2639 = vector.broadcast %jit3A_2638 : f32 to vector<8x512xf32>
    %select_n3A_2640 = arith.select %gt3A_2636, %mul3A_2637, %broadcast_in_dim3A_2639 : vector<8x512xi1>, vector<8x512xf32>
    %swap3A_2641 = arith.constant 0 : index
    %swap3A_2642 = arith.constant 296 : index
    %swap3A_2643 = arith.constant 0 : index
    %swap3A_2644 = vector.load %arg7[%swap3A_2641, %swap3A_2642, %swap3A_2643] : memref<1x512x512xf32, #tpu.memory_space<vmem>>, vector<1x8x512xf32>
    %swap3A_2645 = vector.shape_cast %swap3A_2644 : vector<1x8x512xf32> to vector<8x512xf32>
    %swap3A_2646 = vector.shape_cast %select_n3A_2640 : vector<8x512xf32> to vector<1x8x512xf32>
    tpu.vector_store %arg7[%swap3A_2641, %swap3A_2642, %swap3A_2643], %swap3A_2646 {strides = array<i32>} : memref<1x512x512xf32, #tpu.memory_space<vmem>>, vector<1x8x512xf32>,
    %slice3A_2647 = vector.extract_strided_slice %transpose3A {offsets = [304, 0], sizes = [8, 1], strides = [1, 1]} : vector<512x8xf32> to vector<8x1xf32>
    %slice3A_2648 = vector.extract_strided_slice %transpose3A {offsets = [304, 1], sizes = [8, 1], strides = [1, 1]} : vector<512x8xf32> to vector<8x1xf32>
    %slice3A_2649 = vector.extract_strided_slice %transpose3A {offsets = [304, 2], sizes = [8, 1], strides = [1, 1]} : vector<512x8xf32> to vector<8x1xf32>
    %slice3A_2650 = vector.extract_strided_slice %transpose3A {offsets = [304, 3], sizes = [8, 1], strides = [1, 1]} : vector<512x8xf32> to vector<8x1xf32>
    %slice3A_2651 = vector.extract_strided_slice %transpose3A {offsets = [304, 4], sizes = [8, 1], strides = [1, 1]} : vector<512x8xf32> to vector<8x1xf32>
    %slice3A_2652 = vector.extract_strided_slice %transpose3A {offsets = [304, 5], sizes = [8, 1], strides = [1, 1]} : vector<512x8xf32> to vector<8x1xf32>
    %slice3A_2653 = vector.extract_strided_slice %transpose3A {offsets = [304, 6], sizes = [8, 1], strides = [1, 1]} : vector<512x8xf32> to vector<8x1xf32>
    %slice3A_2654 = vector.extract_strided_slice %transpose3A {offsets = [304, 7], sizes = [8, 1], strides = [1, 1]} : vector<512x8xf32> to vector<8x1xf32>
    %sub3A_2655 = vector.broadcast %get3A_3 : vector<1x512xf32> to vector<8x512xf32>
    %sub3A_2656 = vector.broadcast %slice3A_2647 : vector<8x1xf32> to vector<8x512xf32>
    %sub3A_2657 = arith.subf %sub3A_2655, %sub3A_2656 : vector<8x512xf32>
    %sub3A_2658 = vector.broadcast %get3A_13 : vector<1x512xf32> to vector<8x512xf32>
    %sub3A_2659 = vector.broadcast %slice3A_2648 : vector<8x1xf32> to vector<8x512xf32>
    %sub3A_2660 = arith.subf %sub3A_2658, %sub3A_2659 : vector<8x512xf32>
    %mul3A_2661 = arith.mulf %sub3A_2657, %sub3A_2657 : vector<8x512xf32>
    %mul3A_2662 = arith.mulf %sub3A_2660, %sub3A_2660 : vector<8x512xf32>
    %add3A_2663 = arith.addf %mul3A_2661, %mul3A_2662 : vector<8x512xf32>
    %sub3A_2664 = vector.broadcast %slice3A_2649 : vector<8x1xf32> to vector<8x512xf32>
    %sub3A_2665 = vector.broadcast %mul3A_45 : vector<1x512xf32> to vector<8x512xf32>
    %sub3A_2666 = arith.subf %sub3A_2664, %sub3A_2665 : vector<8x512xf32>
    %mul3A_2667 = arith.mulf %sub3A_2666, %sub3A_2657 : vector<8x512xf32>
    %sub3A_2668 = vector.broadcast %slice3A_2650 : vector<8x1xf32> to vector<8x512xf32>
    %sub3A_2669 = vector.broadcast %mul3A_46 : vector<1x512xf32> to vector<8x512xf32>
    %sub3A_2670 = arith.subf %sub3A_2668, %sub3A_2669 : vector<8x512xf32>
    %mul3A_2671 = arith.mulf %sub3A_2670, %sub3A_2660 : vector<8x512xf32>
    %add3A_2672 = arith.addf %mul3A_2667, %mul3A_2671 : vector<8x512xf32>
    %abs3A_2673 = math.absf %add3A_2672 : vector<8x512xf32>
    %div3A_2674 = arith.divf %abs3A_2673, %add3A_2663 : vector<8x512xf32>
    %mul3A_2675 = vector.broadcast %slice3A_2651 : vector<8x1xf32> to vector<8x512xf32>
    %mul3A_2676 = arith.mulf %sub3A_2657, %mul3A_2675 : vector<8x512xf32>
    %mul3A_2677 = vector.broadcast %slice3A_2652 : vector<8x1xf32> to vector<8x512xf32>
    %mul3A_2678 = arith.mulf %sub3A_2660, %mul3A_2677 : vector<8x512xf32>
    %add3A_2679 = arith.addf %mul3A_2676, %mul3A_2678 : vector<8x512xf32>
    %bitcast_convert_type3A_2680 = tpu.bitcast %sub3A_2657 : vector<8x512xf32> -> vector<8x512xi32>
    %bitcast_convert_type3A_2681 = tpu.bitcast %slice3A_2651 : vector<8x1xf32> -> vector<8x1xi32>
    %and3A_2682 = vector.broadcast %bitcast_convert_type3A_2681 : vector<8x1xi32> to vector<8x512xi32>
    %and3A_2683 = arith.andi %bitcast_convert_type3A_2680, %and3A_2682 : vector<8x512xi32>
    %bitcast_convert_type3A_2684 = tpu.bitcast %sub3A_2660 : vector<8x512xf32> -> vector<8x512xi32>
    %bitcast_convert_type3A_2685 = tpu.bitcast %slice3A_2652 : vector<8x1xf32> -> vector<8x1xi32>
    %xor3A_2686 = vector.broadcast %bitcast_convert_type3A_2685 : vector<8x1xi32> to vector<8x512xi32>
    %xor3A_2687 = arith.xori %bitcast_convert_type3A_2684, %xor3A_2686 : vector<8x512xi32>
    %and3A_2688 = arith.andi %and3A_2683, %xor3A_2687 : vector<8x512xi32>
    %and3A_2689 = arith.constant -2147483648 : i32
    %and3A_2690 = vector.broadcast %and3A_2689 : i32 to vector<8x512xi32>
    %and3A_2691 = arith.andi %and3A_2688, %and3A_2690 : vector<8x512xi32>
    %bitcast_convert_type3A_2692 = tpu.bitcast %add3A_2679 : vector<8x512xf32> -> vector<8x512xi32>
    %or3A_2693 = arith.ori %bitcast_convert_type3A_2692, %and3A_2691 : vector<8x512xi32>
    %bitcast_convert_type3A_2694 = tpu.bitcast %or3A_2693 : vector<8x512xi32> -> vector<8x512xf32>
    %mul3A_2695 = vector.broadcast %add3A_130 : vector<1x512xf32> to vector<8x512xf32>
    %mul3A_2696 = vector.broadcast %slice3A_2654 : vector<8x1xf32> to vector<8x512xf32>
    %mul3A_2697 = arith.mulf %mul3A_2695, %mul3A_2696 : vector<8x512xf32>
    %add3A_2698 = vector.broadcast %slice3A_2653 : vector<8x1xf32> to vector<8x512xf32>
    %add3A_2699 = arith.addf %mul3A_2697, %add3A_2698 : vector<8x512xf32>
    %gt3A_2700 = arith.constant 0.000000e+00 : f32
    %gt3A_2701 = vector.broadcast %gt3A_2700 : f32 to vector<8x512xf32>
    %gt3A_2702 = arith.cmpf ogt, %bitcast_convert_type3A_2694, %gt3A_2701 : vector<8x512xf32>
    %mul3A_2703 = arith.mulf %div3A_2674, %add3A_2699 : vector<8x512xf32>
    %jit3A_2704 = arith.constant 0.000000e+00 : f32
    %broadcast_in_dim3A_2705 = vector.broadcast %jit3A_2704 : f32 to vector<8x512xf32>
    %select_n3A_2706 = arith.select %gt3A_2702, %mul3A_2703, %broadcast_in_dim3A_2705 : vector<8x512xi1>, vector<8x512xf32>
    %swap3A_2707 = arith.constant 0 : index
    %swap3A_2708 = arith.constant 304 : index
    %swap3A_2709 = arith.constant 0 : index
    %swap3A_2710 = vector.load %arg7[%swap3A_2707, %swap3A_2708, %swap3A_2709] : memref<1x512x512xf32, #tpu.memory_space<vmem>>, vector<1x8x512xf32>
    %swap3A_2711 = vector.shape_cast %swap3A_2710 : vector<1x8x512xf32> to vector<8x512xf32>
    %swap3A_2712 = vector.shape_cast %select_n3A_2706 : vector<8x512xf32> to vector<1x8x512xf32>
    tpu.vector_store %arg7[%swap3A_2707, %swap3A_2708, %swap3A_2709], %swap3A_2712 {strides = array<i32>} : memref<1x512x512xf32, #tpu.memory_space<vmem>>, vector<1x8x512xf32>,
    %slice3A_2713 = vector.extract_strided_slice %transpose3A {offsets = [312, 0], sizes = [8, 1], strides = [1, 1]} : vector<512x8xf32> to vector<8x1xf32>
    %slice3A_2714 = vector.extract_strided_slice %transpose3A {offsets = [312, 1], sizes = [8, 1], strides = [1, 1]} : vector<512x8xf32> to vector<8x1xf32>
    %slice3A_2715 = vector.extract_strided_slice %transpose3A {offsets = [312, 2], sizes = [8, 1], strides = [1, 1]} : vector<512x8xf32> to vector<8x1xf32>
    %slice3A_2716 = vector.extract_strided_slice %transpose3A {offsets = [312, 3], sizes = [8, 1], strides = [1, 1]} : vector<512x8xf32> to vector<8x1xf32>
    %slice3A_2717 = vector.extract_strided_slice %transpose3A {offsets = [312, 4], sizes = [8, 1], strides = [1, 1]} : vector<512x8xf32> to vector<8x1xf32>
    %slice3A_2718 = vector.extract_strided_slice %transpose3A {offsets = [312, 5], sizes = [8, 1], strides = [1, 1]} : vector<512x8xf32> to vector<8x1xf32>
    %slice3A_2719 = vector.extract_strided_slice %transpose3A {offsets = [312, 6], sizes = [8, 1], strides = [1, 1]} : vector<512x8xf32> to vector<8x1xf32>
    %slice3A_2720 = vector.extract_strided_slice %transpose3A {offsets = [312, 7], sizes = [8, 1], strides = [1, 1]} : vector<512x8xf32> to vector<8x1xf32>
    %sub3A_2721 = vector.broadcast %get3A_3 : vector<1x512xf32> to vector<8x512xf32>
    %sub3A_2722 = vector.broadcast %slice3A_2713 : vector<8x1xf32> to vector<8x512xf32>
    %sub3A_2723 = arith.subf %sub3A_2721, %sub3A_2722 : vector<8x512xf32>
    %sub3A_2724 = vector.broadcast %get3A_13 : vector<1x512xf32> to vector<8x512xf32>
    %sub3A_2725 = vector.broadcast %slice3A_2714 : vector<8x1xf32> to vector<8x512xf32>
    %sub3A_2726 = arith.subf %sub3A_2724, %sub3A_2725 : vector<8x512xf32>
    %mul3A_2727 = arith.mulf %sub3A_2723, %sub3A_2723 : vector<8x512xf32>
    %mul3A_2728 = arith.mulf %sub3A_2726, %sub3A_2726 : vector<8x512xf32>
    %add3A_2729 = arith.addf %mul3A_2727, %mul3A_2728 : vector<8x512xf32>
    %sub3A_2730 = vector.broadcast %slice3A_2715 : vector<8x1xf32> to vector<8x512xf32>
    %sub3A_2731 = vector.broadcast %mul3A_45 : vector<1x512xf32> to vector<8x512xf32>
    %sub3A_2732 = arith.subf %sub3A_2730, %sub3A_2731 : vector<8x512xf32>
    %mul3A_2733 = arith.mulf %sub3A_2732, %sub3A_2723 : vector<8x512xf32>
    %sub3A_2734 = vector.broadcast %slice3A_2716 : vector<8x1xf32> to vector<8x512xf32>
    %sub3A_2735 = vector.broadcast %mul3A_46 : vector<1x512xf32> to vector<8x512xf32>
    %sub3A_2736 = arith.subf %sub3A_2734, %sub3A_2735 : vector<8x512xf32>
    %mul3A_2737 = arith.mulf %sub3A_2736, %sub3A_2726 : vector<8x512xf32>
    %add3A_2738 = arith.addf %mul3A_2733, %mul3A_2737 : vector<8x512xf32>
    %abs3A_2739 = math.absf %add3A_2738 : vector<8x512xf32>
    %div3A_2740 = arith.divf %abs3A_2739, %add3A_2729 : vector<8x512xf32>
    %mul3A_2741 = vector.broadcast %slice3A_2717 : vector<8x1xf32> to vector<8x512xf32>
    %mul3A_2742 = arith.mulf %sub3A_2723, %mul3A_2741 : vector<8x512xf32>
    %mul3A_2743 = vector.broadcast %slice3A_2718 : vector<8x1xf32> to vector<8x512xf32>
    %mul3A_2744 = arith.mulf %sub3A_2726, %mul3A_2743 : vector<8x512xf32>
    %add3A_2745 = arith.addf %mul3A_2742, %mul3A_2744 : vector<8x512xf32>
    %bitcast_convert_type3A_2746 = tpu.bitcast %sub3A_2723 : vector<8x512xf32> -> vector<8x512xi32>
    %bitcast_convert_type3A_2747 = tpu.bitcast %slice3A_2717 : vector<8x1xf32> -> vector<8x1xi32>
    %and3A_2748 = vector.broadcast %bitcast_convert_type3A_2747 : vector<8x1xi32> to vector<8x512xi32>
    %and3A_2749 = arith.andi %bitcast_convert_type3A_2746, %and3A_2748 : vector<8x512xi32>
    %bitcast_convert_type3A_2750 = tpu.bitcast %sub3A_2726 : vector<8x512xf32> -> vector<8x512xi32>
    %bitcast_convert_type3A_2751 = tpu.bitcast %slice3A_2718 : vector<8x1xf32> -> vector<8x1xi32>
    %xor3A_2752 = vector.broadcast %bitcast_convert_type3A_2751 : vector<8x1xi32> to vector<8x512xi32>
    %xor3A_2753 = arith.xori %bitcast_convert_type3A_2750, %xor3A_2752 : vector<8x512xi32>
    %and3A_2754 = arith.andi %and3A_2749, %xor3A_2753 : vector<8x512xi32>
    %and3A_2755 = arith.constant -2147483648 : i32
    %and3A_2756 = vector.broadcast %and3A_2755 : i32 to vector<8x512xi32>
    %and3A_2757 = arith.andi %and3A_2754, %and3A_2756 : vector<8x512xi32>
    %bitcast_convert_type3A_2758 = tpu.bitcast %add3A_2745 : vector<8x512xf32> -> vector<8x512xi32>
    %or3A_2759 = arith.ori %bitcast_convert_type3A_2758, %and3A_2757 : vector<8x512xi32>
    %bitcast_convert_type3A_2760 = tpu.bitcast %or3A_2759 : vector<8x512xi32> -> vector<8x512xf32>
    %mul3A_2761 = vector.broadcast %add3A_130 : vector<1x512xf32> to vector<8x512xf32>
    %mul3A_2762 = vector.broadcast %slice3A_2720 : vector<8x1xf32> to vector<8x512xf32>
    %mul3A_2763 = arith.mulf %mul3A_2761, %mul3A_2762 : vector<8x512xf32>
    %add3A_2764 = vector.broadcast %slice3A_2719 : vector<8x1xf32> to vector<8x512xf32>
    %add3A_2765 = arith.addf %mul3A_2763, %add3A_2764 : vector<8x512xf32>
    %gt3A_2766 = arith.constant 0.000000e+00 : f32
    %gt3A_2767 = vector.broadcast %gt3A_2766 : f32 to vector<8x512xf32>
    %gt3A_2768 = arith.cmpf ogt, %bitcast_convert_type3A_2760, %gt3A_2767 : vector<8x512xf32>
    %mul3A_2769 = arith.mulf %div3A_2740, %add3A_2765 : vector<8x512xf32>
    %jit3A_2770 = arith.constant 0.000000e+00 : f32
    %broadcast_in_dim3A_2771 = vector.broadcast %jit3A_2770 : f32 to vector<8x512xf32>
    %select_n3A_2772 = arith.select %gt3A_2768, %mul3A_2769, %broadcast_in_dim3A_2771 : vector<8x512xi1>, vector<8x512xf32>
    %swap3A_2773 = arith.constant 0 : index
    %swap3A_2774 = arith.constant 312 : index
    %swap3A_2775 = arith.constant 0 : index
    %swap3A_2776 = vector.load %arg7[%swap3A_2773, %swap3A_2774, %swap3A_2775] : memref<1x512x512xf32, #tpu.memory_space<vmem>>, vector<1x8x512xf32>
    %swap3A_2777 = vector.shape_cast %swap3A_2776 : vector<1x8x512xf32> to vector<8x512xf32>
    %swap3A_2778 = vector.shape_cast %select_n3A_2772 : vector<8x512xf32> to vector<1x8x512xf32>
    tpu.vector_store %arg7[%swap3A_2773, %swap3A_2774, %swap3A_2775], %swap3A_2778 {strides = array<i32>} : memref<1x512x512xf32, #tpu.memory_space<vmem>>, vector<1x8x512xf32>,
    %slice3A_2779 = vector.extract_strided_slice %transpose3A {offsets = [320, 0], sizes = [8, 1], strides = [1, 1]} : vector<512x8xf32> to vector<8x1xf32>
    %slice3A_2780 = vector.extract_strided_slice %transpose3A {offsets = [320, 1], sizes = [8, 1], strides = [1, 1]} : vector<512x8xf32> to vector<8x1xf32>
    %slice3A_2781 = vector.extract_strided_slice %transpose3A {offsets = [320, 2], sizes = [8, 1], strides = [1, 1]} : vector<512x8xf32> to vector<8x1xf32>
    %slice3A_2782 = vector.extract_strided_slice %transpose3A {offsets = [320, 3], sizes = [8, 1], strides = [1, 1]} : vector<512x8xf32> to vector<8x1xf32>
    %slice3A_2783 = vector.extract_strided_slice %transpose3A {offsets = [320, 4], sizes = [8, 1], strides = [1, 1]} : vector<512x8xf32> to vector<8x1xf32>
    %slice3A_2784 = vector.extract_strided_slice %transpose3A {offsets = [320, 5], sizes = [8, 1], strides = [1, 1]} : vector<512x8xf32> to vector<8x1xf32>
    %slice3A_2785 = vector.extract_strided_slice %transpose3A {offsets = [320, 6], sizes = [8, 1], strides = [1, 1]} : vector<512x8xf32> to vector<8x1xf32>
    %slice3A_2786 = vector.extract_strided_slice %transpose3A {offsets = [320, 7], sizes = [8, 1], strides = [1, 1]} : vector<512x8xf32> to vector<8x1xf32>
    %sub3A_2787 = vector.broadcast %get3A_3 : vector<1x512xf32> to vector<8x512xf32>
    %sub3A_2788 = vector.broadcast %slice3A_2779 : vector<8x1xf32> to vector<8x512xf32>
    %sub3A_2789 = arith.subf %sub3A_2787, %sub3A_2788 : vector<8x512xf32>
    %sub3A_2790 = vector.broadcast %get3A_13 : vector<1x512xf32> to vector<8x512xf32>
    %sub3A_2791 = vector.broadcast %slice3A_2780 : vector<8x1xf32> to vector<8x512xf32>
    %sub3A_2792 = arith.subf %sub3A_2790, %sub3A_2791 : vector<8x512xf32>
    %mul3A_2793 = arith.mulf %sub3A_2789, %sub3A_2789 : vector<8x512xf32>
    %mul3A_2794 = arith.mulf %sub3A_2792, %sub3A_2792 : vector<8x512xf32>
    %add3A_2795 = arith.addf %mul3A_2793, %mul3A_2794 : vector<8x512xf32>
    %sub3A_2796 = vector.broadcast %slice3A_2781 : vector<8x1xf32> to vector<8x512xf32>
    %sub3A_2797 = vector.broadcast %mul3A_45 : vector<1x512xf32> to vector<8x512xf32>
    %sub3A_2798 = arith.subf %sub3A_2796, %sub3A_2797 : vector<8x512xf32>
    %mul3A_2799 = arith.mulf %sub3A_2798, %sub3A_2789 : vector<8x512xf32>
    %sub3A_2800 = vector.broadcast %slice3A_2782 : vector<8x1xf32> to vector<8x512xf32>
    %sub3A_2801 = vector.broadcast %mul3A_46 : vector<1x512xf32> to vector<8x512xf32>
    %sub3A_2802 = arith.subf %sub3A_2800, %sub3A_2801 : vector<8x512xf32>
    %mul3A_2803 = arith.mulf %sub3A_2802, %sub3A_2792 : vector<8x512xf32>
    %add3A_2804 = arith.addf %mul3A_2799, %mul3A_2803 : vector<8x512xf32>
    %abs3A_2805 = math.absf %add3A_2804 : vector<8x512xf32>
    %div3A_2806 = arith.divf %abs3A_2805, %add3A_2795 : vector<8x512xf32>
    %mul3A_2807 = vector.broadcast %slice3A_2783 : vector<8x1xf32> to vector<8x512xf32>
    %mul3A_2808 = arith.mulf %sub3A_2789, %mul3A_2807 : vector<8x512xf32>
    %mul3A_2809 = vector.broadcast %slice3A_2784 : vector<8x1xf32> to vector<8x512xf32>
    %mul3A_2810 = arith.mulf %sub3A_2792, %mul3A_2809 : vector<8x512xf32>
    %add3A_2811 = arith.addf %mul3A_2808, %mul3A_2810 : vector<8x512xf32>
    %bitcast_convert_type3A_2812 = tpu.bitcast %sub3A_2789 : vector<8x512xf32> -> vector<8x512xi32>
    %bitcast_convert_type3A_2813 = tpu.bitcast %slice3A_2783 : vector<8x1xf32> -> vector<8x1xi32>
    %and3A_2814 = vector.broadcast %bitcast_convert_type3A_2813 : vector<8x1xi32> to vector<8x512xi32>
    %and3A_2815 = arith.andi %bitcast_convert_type3A_2812, %and3A_2814 : vector<8x512xi32>
    %bitcast_convert_type3A_2816 = tpu.bitcast %sub3A_2792 : vector<8x512xf32> -> vector<8x512xi32>
    %bitcast_convert_type3A_2817 = tpu.bitcast %slice3A_2784 : vector<8x1xf32> -> vector<8x1xi32>
    %xor3A_2818 = vector.broadcast %bitcast_convert_type3A_2817 : vector<8x1xi32> to vector<8x512xi32>
    %xor3A_2819 = arith.xori %bitcast_convert_type3A_2816, %xor3A_2818 : vector<8x512xi32>
    %and3A_2820 = arith.andi %and3A_2815, %xor3A_2819 : vector<8x512xi32>
    %and3A_2821 = arith.constant -2147483648 : i32
    %and3A_2822 = vector.broadcast %and3A_2821 : i32 to vector<8x512xi32>
    %and3A_2823 = arith.andi %and3A_2820, %and3A_2822 : vector<8x512xi32>
    %bitcast_convert_type3A_2824 = tpu.bitcast %add3A_2811 : vector<8x512xf32> -> vector<8x512xi32>
    %or3A_2825 = arith.ori %bitcast_convert_type3A_2824, %and3A_2823 : vector<8x512xi32>
    %bitcast_convert_type3A_2826 = tpu.bitcast %or3A_2825 : vector<8x512xi32> -> vector<8x512xf32>
    %mul3A_2827 = vector.broadcast %add3A_130 : vector<1x512xf32> to vector<8x512xf32>
    %mul3A_2828 = vector.broadcast %slice3A_2786 : vector<8x1xf32> to vector<8x512xf32>
    %mul3A_2829 = arith.mulf %mul3A_2827, %mul3A_2828 : vector<8x512xf32>
    %add3A_2830 = vector.broadcast %slice3A_2785 : vector<8x1xf32> to vector<8x512xf32>
    %add3A_2831 = arith.addf %mul3A_2829, %add3A_2830 : vector<8x512xf32>
    %gt3A_2832 = arith.constant 0.000000e+00 : f32
    %gt3A_2833 = vector.broadcast %gt3A_2832 : f32 to vector<8x512xf32>
    %gt3A_2834 = arith.cmpf ogt, %bitcast_convert_type3A_2826, %gt3A_2833 : vector<8x512xf32>
    %mul3A_2835 = arith.mulf %div3A_2806, %add3A_2831 : vector<8x512xf32>
    %jit3A_2836 = arith.constant 0.000000e+00 : f32
    %broadcast_in_dim3A_2837 = vector.broadcast %jit3A_2836 : f32 to vector<8x512xf32>
    %select_n3A_2838 = arith.select %gt3A_2834, %mul3A_2835, %broadcast_in_dim3A_2837 : vector<8x512xi1>, vector<8x512xf32>
    %swap3A_2839 = arith.constant 0 : index
    %swap3A_2840 = arith.constant 320 : index
    %swap3A_2841 = arith.constant 0 : index
    %swap3A_2842 = vector.load %arg7[%swap3A_2839, %swap3A_2840, %swap3A_2841] : memref<1x512x512xf32, #tpu.memory_space<vmem>>, vector<1x8x512xf32>
    %swap3A_2843 = vector.shape_cast %swap3A_2842 : vector<1x8x512xf32> to vector<8x512xf32>
    %swap3A_2844 = vector.shape_cast %select_n3A_2838 : vector<8x512xf32> to vector<1x8x512xf32>
    tpu.vector_store %arg7[%swap3A_2839, %swap3A_2840, %swap3A_2841], %swap3A_2844 {strides = array<i32>} : memref<1x512x512xf32, #tpu.memory_space<vmem>>, vector<1x8x512xf32>,
    %slice3A_2845 = vector.extract_strided_slice %transpose3A {offsets = [328, 0], sizes = [8, 1], strides = [1, 1]} : vector<512x8xf32> to vector<8x1xf32>
    %slice3A_2846 = vector.extract_strided_slice %transpose3A {offsets = [328, 1], sizes = [8, 1], strides = [1, 1]} : vector<512x8xf32> to vector<8x1xf32>
    %slice3A_2847 = vector.extract_strided_slice %transpose3A {offsets = [328, 2], sizes = [8, 1], strides = [1, 1]} : vector<512x8xf32> to vector<8x1xf32>
    %slice3A_2848 = vector.extract_strided_slice %transpose3A {offsets = [328, 3], sizes = [8, 1], strides = [1, 1]} : vector<512x8xf32> to vector<8x1xf32>
    %slice3A_2849 = vector.extract_strided_slice %transpose3A {offsets = [328, 4], sizes = [8, 1], strides = [1, 1]} : vector<512x8xf32> to vector<8x1xf32>
    %slice3A_2850 = vector.extract_strided_slice %transpose3A {offsets = [328, 5], sizes = [8, 1], strides = [1, 1]} : vector<512x8xf32> to vector<8x1xf32>
    %slice3A_2851 = vector.extract_strided_slice %transpose3A {offsets = [328, 6], sizes = [8, 1], strides = [1, 1]} : vector<512x8xf32> to vector<8x1xf32>
    %slice3A_2852 = vector.extract_strided_slice %transpose3A {offsets = [328, 7], sizes = [8, 1], strides = [1, 1]} : vector<512x8xf32> to vector<8x1xf32>
    %sub3A_2853 = vector.broadcast %get3A_3 : vector<1x512xf32> to vector<8x512xf32>
    %sub3A_2854 = vector.broadcast %slice3A_2845 : vector<8x1xf32> to vector<8x512xf32>
    %sub3A_2855 = arith.subf %sub3A_2853, %sub3A_2854 : vector<8x512xf32>
    %sub3A_2856 = vector.broadcast %get3A_13 : vector<1x512xf32> to vector<8x512xf32>
    %sub3A_2857 = vector.broadcast %slice3A_2846 : vector<8x1xf32> to vector<8x512xf32>
    %sub3A_2858 = arith.subf %sub3A_2856, %sub3A_2857 : vector<8x512xf32>
    %mul3A_2859 = arith.mulf %sub3A_2855, %sub3A_2855 : vector<8x512xf32>
    %mul3A_2860 = arith.mulf %sub3A_2858, %sub3A_2858 : vector<8x512xf32>
    %add3A_2861 = arith.addf %mul3A_2859, %mul3A_2860 : vector<8x512xf32>
    %sub3A_2862 = vector.broadcast %slice3A_2847 : vector<8x1xf32> to vector<8x512xf32>
    %sub3A_2863 = vector.broadcast %mul3A_45 : vector<1x512xf32> to vector<8x512xf32>
    %sub3A_2864 = arith.subf %sub3A_2862, %sub3A_2863 : vector<8x512xf32>
    %mul3A_2865 = arith.mulf %sub3A_2864, %sub3A_2855 : vector<8x512xf32>
    %sub3A_2866 = vector.broadcast %slice3A_2848 : vector<8x1xf32> to vector<8x512xf32>
    %sub3A_2867 = vector.broadcast %mul3A_46 : vector<1x512xf32> to vector<8x512xf32>
    %sub3A_2868 = arith.subf %sub3A_2866, %sub3A_2867 : vector<8x512xf32>
    %mul3A_2869 = arith.mulf %sub3A_2868, %sub3A_2858 : vector<8x512xf32>
    %add3A_2870 = arith.addf %mul3A_2865, %mul3A_2869 : vector<8x512xf32>
    %abs3A_2871 = math.absf %add3A_2870 : vector<8x512xf32>
    %div3A_2872 = arith.divf %abs3A_2871, %add3A_2861 : vector<8x512xf32>
    %mul3A_2873 = vector.broadcast %slice3A_2849 : vector<8x1xf32> to vector<8x512xf32>
    %mul3A_2874 = arith.mulf %sub3A_2855, %mul3A_2873 : vector<8x512xf32>
    %mul3A_2875 = vector.broadcast %slice3A_2850 : vector<8x1xf32> to vector<8x512xf32>
    %mul3A_2876 = arith.mulf %sub3A_2858, %mul3A_2875 : vector<8x512xf32>
    %add3A_2877 = arith.addf %mul3A_2874, %mul3A_2876 : vector<8x512xf32>
    %bitcast_convert_type3A_2878 = tpu.bitcast %sub3A_2855 : vector<8x512xf32> -> vector<8x512xi32>
    %bitcast_convert_type3A_2879 = tpu.bitcast %slice3A_2849 : vector<8x1xf32> -> vector<8x1xi32>
    %and3A_2880 = vector.broadcast %bitcast_convert_type3A_2879 : vector<8x1xi32> to vector<8x512xi32>
    %and3A_2881 = arith.andi %bitcast_convert_type3A_2878, %and3A_2880 : vector<8x512xi32>
    %bitcast_convert_type3A_2882 = tpu.bitcast %sub3A_2858 : vector<8x512xf32> -> vector<8x512xi32>
    %bitcast_convert_type3A_2883 = tpu.bitcast %slice3A_2850 : vector<8x1xf32> -> vector<8x1xi32>
    %xor3A_2884 = vector.broadcast %bitcast_convert_type3A_2883 : vector<8x1xi32> to vector<8x512xi32>
    %xor3A_2885 = arith.xori %bitcast_convert_type3A_2882, %xor3A_2884 : vector<8x512xi32>
    %and3A_2886 = arith.andi %and3A_2881, %xor3A_2885 : vector<8x512xi32>
    %and3A_2887 = arith.constant -2147483648 : i32
    %and3A_2888 = vector.broadcast %and3A_2887 : i32 to vector<8x512xi32>
    %and3A_2889 = arith.andi %and3A_2886, %and3A_2888 : vector<8x512xi32>
    %bitcast_convert_type3A_2890 = tpu.bitcast %add3A_2877 : vector<8x512xf32> -> vector<8x512xi32>
    %or3A_2891 = arith.ori %bitcast_convert_type3A_2890, %and3A_2889 : vector<8x512xi32>
    %bitcast_convert_type3A_2892 = tpu.bitcast %or3A_2891 : vector<8x512xi32> -> vector<8x512xf32>
    %mul3A_2893 = vector.broadcast %add3A_130 : vector<1x512xf32> to vector<8x512xf32>
    %mul3A_2894 = vector.broadcast %slice3A_2852 : vector<8x1xf32> to vector<8x512xf32>
    %mul3A_2895 = arith.mulf %mul3A_2893, %mul3A_2894 : vector<8x512xf32>
    %add3A_2896 = vector.broadcast %slice3A_2851 : vector<8x1xf32> to vector<8x512xf32>
    %add3A_2897 = arith.addf %mul3A_2895, %add3A_2896 : vector<8x512xf32>
    %gt3A_2898 = arith.constant 0.000000e+00 : f32
    %gt3A_2899 = vector.broadcast %gt3A_2898 : f32 to vector<8x512xf32>
    %gt3A_2900 = arith.cmpf ogt, %bitcast_convert_type3A_2892, %gt3A_2899 : vector<8x512xf32>
    %mul3A_2901 = arith.mulf %div3A_2872, %add3A_2897 : vector<8x512xf32>
    %jit3A_2902 = arith.constant 0.000000e+00 : f32
    %broadcast_in_dim3A_2903 = vector.broadcast %jit3A_2902 : f32 to vector<8x512xf32>
    %select_n3A_2904 = arith.select %gt3A_2900, %mul3A_2901, %broadcast_in_dim3A_2903 : vector<8x512xi1>, vector<8x512xf32>
    %swap3A_2905 = arith.constant 0 : index
    %swap3A_2906 = arith.constant 328 : index
    %swap3A_2907 = arith.constant 0 : index
    %swap3A_2908 = vector.load %arg7[%swap3A_2905, %swap3A_2906, %swap3A_2907] : memref<1x512x512xf32, #tpu.memory_space<vmem>>, vector<1x8x512xf32>
    %swap3A_2909 = vector.shape_cast %swap3A_2908 : vector<1x8x512xf32> to vector<8x512xf32>
    %swap3A_2910 = vector.shape_cast %select_n3A_2904 : vector<8x512xf32> to vector<1x8x512xf32>
    tpu.vector_store %arg7[%swap3A_2905, %swap3A_2906, %swap3A_2907], %swap3A_2910 {strides = array<i32>} : memref<1x512x512xf32, #tpu.memory_space<vmem>>, vector<1x8x512xf32>,
    %slice3A_2911 = vector.extract_strided_slice %transpose3A {offsets = [336, 0], sizes = [8, 1], strides = [1, 1]} : vector<512x8xf32> to vector<8x1xf32>
    %slice3A_2912 = vector.extract_strided_slice %transpose3A {offsets = [336, 1], sizes = [8, 1], strides = [1, 1]} : vector<512x8xf32> to vector<8x1xf32>
    %slice3A_2913 = vector.extract_strided_slice %transpose3A {offsets = [336, 2], sizes = [8, 1], strides = [1, 1]} : vector<512x8xf32> to vector<8x1xf32>
    %slice3A_2914 = vector.extract_strided_slice %transpose3A {offsets = [336, 3], sizes = [8, 1], strides = [1, 1]} : vector<512x8xf32> to vector<8x1xf32>
    %slice3A_2915 = vector.extract_strided_slice %transpose3A {offsets = [336, 4], sizes = [8, 1], strides = [1, 1]} : vector<512x8xf32> to vector<8x1xf32>
    %slice3A_2916 = vector.extract_strided_slice %transpose3A {offsets = [336, 5], sizes = [8, 1], strides = [1, 1]} : vector<512x8xf32> to vector<8x1xf32>
    %slice3A_2917 = vector.extract_strided_slice %transpose3A {offsets = [336, 6], sizes = [8, 1], strides = [1, 1]} : vector<512x8xf32> to vector<8x1xf32>
    %slice3A_2918 = vector.extract_strided_slice %transpose3A {offsets = [336, 7], sizes = [8, 1], strides = [1, 1]} : vector<512x8xf32> to vector<8x1xf32>
    %sub3A_2919 = vector.broadcast %get3A_3 : vector<1x512xf32> to vector<8x512xf32>
    %sub3A_2920 = vector.broadcast %slice3A_2911 : vector<8x1xf32> to vector<8x512xf32>
    %sub3A_2921 = arith.subf %sub3A_2919, %sub3A_2920 : vector<8x512xf32>
    %sub3A_2922 = vector.broadcast %get3A_13 : vector<1x512xf32> to vector<8x512xf32>
    %sub3A_2923 = vector.broadcast %slice3A_2912 : vector<8x1xf32> to vector<8x512xf32>
    %sub3A_2924 = arith.subf %sub3A_2922, %sub3A_2923 : vector<8x512xf32>
    %mul3A_2925 = arith.mulf %sub3A_2921, %sub3A_2921 : vector<8x512xf32>
    %mul3A_2926 = arith.mulf %sub3A_2924, %sub3A_2924 : vector<8x512xf32>
    %add3A_2927 = arith.addf %mul3A_2925, %mul3A_2926 : vector<8x512xf32>
    %sub3A_2928 = vector.broadcast %slice3A_2913 : vector<8x1xf32> to vector<8x512xf32>
    %sub3A_2929 = vector.broadcast %mul3A_45 : vector<1x512xf32> to vector<8x512xf32>
    %sub3A_2930 = arith.subf %sub3A_2928, %sub3A_2929 : vector<8x512xf32>
    %mul3A_2931 = arith.mulf %sub3A_2930, %sub3A_2921 : vector<8x512xf32>
    %sub3A_2932 = vector.broadcast %slice3A_2914 : vector<8x1xf32> to vector<8x512xf32>
    %sub3A_2933 = vector.broadcast %mul3A_46 : vector<1x512xf32> to vector<8x512xf32>
    %sub3A_2934 = arith.subf %sub3A_2932, %sub3A_2933 : vector<8x512xf32>
    %mul3A_2935 = arith.mulf %sub3A_2934, %sub3A_2924 : vector<8x512xf32>
    %add3A_2936 = arith.addf %mul3A_2931, %mul3A_2935 : vector<8x512xf32>
    %abs3A_2937 = math.absf %add3A_2936 : vector<8x512xf32>
    %div3A_2938 = arith.divf %abs3A_2937, %add3A_2927 : vector<8x512xf32>
    %mul3A_2939 = vector.broadcast %slice3A_2915 : vector<8x1xf32> to vector<8x512xf32>
    %mul3A_2940 = arith.mulf %sub3A_2921, %mul3A_2939 : vector<8x512xf32>
    %mul3A_2941 = vector.broadcast %slice3A_2916 : vector<8x1xf32> to vector<8x512xf32>
    %mul3A_2942 = arith.mulf %sub3A_2924, %mul3A_2941 : vector<8x512xf32>
    %add3A_2943 = arith.addf %mul3A_2940, %mul3A_2942 : vector<8x512xf32>
    %bitcast_convert_type3A_2944 = tpu.bitcast %sub3A_2921 : vector<8x512xf32> -> vector<8x512xi32>
    %bitcast_convert_type3A_2945 = tpu.bitcast %slice3A_2915 : vector<8x1xf32> -> vector<8x1xi32>
    %and3A_2946 = vector.broadcast %bitcast_convert_type3A_2945 : vector<8x1xi32> to vector<8x512xi32>
    %and3A_2947 = arith.andi %bitcast_convert_type3A_2944, %and3A_2946 : vector<8x512xi32>
    %bitcast_convert_type3A_2948 = tpu.bitcast %sub3A_2924 : vector<8x512xf32> -> vector<8x512xi32>
    %bitcast_convert_type3A_2949 = tpu.bitcast %slice3A_2916 : vector<8x1xf32> -> vector<8x1xi32>
    %xor3A_2950 = vector.broadcast %bitcast_convert_type3A_2949 : vector<8x1xi32> to vector<8x512xi32>
    %xor3A_2951 = arith.xori %bitcast_convert_type3A_2948, %xor3A_2950 : vector<8x512xi32>
    %and3A_2952 = arith.andi %and3A_2947, %xor3A_2951 : vector<8x512xi32>
    %and3A_2953 = arith.constant -2147483648 : i32
    %and3A_2954 = vector.broadcast %and3A_2953 : i32 to vector<8x512xi32>
    %and3A_2955 = arith.andi %and3A_2952, %and3A_2954 : vector<8x512xi32>
    %bitcast_convert_type3A_2956 = tpu.bitcast %add3A_2943 : vector<8x512xf32> -> vector<8x512xi32>
    %or3A_2957 = arith.ori %bitcast_convert_type3A_2956, %and3A_2955 : vector<8x512xi32>
    %bitcast_convert_type3A_2958 = tpu.bitcast %or3A_2957 : vector<8x512xi32> -> vector<8x512xf32>
    %mul3A_2959 = vector.broadcast %add3A_130 : vector<1x512xf32> to vector<8x512xf32>
    %mul3A_2960 = vector.broadcast %slice3A_2918 : vector<8x1xf32> to vector<8x512xf32>
    %mul3A_2961 = arith.mulf %mul3A_2959, %mul3A_2960 : vector<8x512xf32>
    %add3A_2962 = vector.broadcast %slice3A_2917 : vector<8x1xf32> to vector<8x512xf32>
    %add3A_2963 = arith.addf %mul3A_2961, %add3A_2962 : vector<8x512xf32>
    %gt3A_2964 = arith.constant 0.000000e+00 : f32
    %gt3A_2965 = vector.broadcast %gt3A_2964 : f32 to vector<8x512xf32>
    %gt3A_2966 = arith.cmpf ogt, %bitcast_convert_type3A_2958, %gt3A_2965 : vector<8x512xf32>
    %mul3A_2967 = arith.mulf %div3A_2938, %add3A_2963 : vector<8x512xf32>
    %jit3A_2968 = arith.constant 0.000000e+00 : f32
    %broadcast_in_dim3A_2969 = vector.broadcast %jit3A_2968 : f32 to vector<8x512xf32>
    %select_n3A_2970 = arith.select %gt3A_2966, %mul3A_2967, %broadcast_in_dim3A_2969 : vector<8x512xi1>, vector<8x512xf32>
    %swap3A_2971 = arith.constant 0 : index
    %swap3A_2972 = arith.constant 336 : index
    %swap3A_2973 = arith.constant 0 : index
    %swap3A_2974 = vector.load %arg7[%swap3A_2971, %swap3A_2972, %swap3A_2973] : memref<1x512x512xf32, #tpu.memory_space<vmem>>, vector<1x8x512xf32>
    %swap3A_2975 = vector.shape_cast %swap3A_2974 : vector<1x8x512xf32> to vector<8x512xf32>
    %swap3A_2976 = vector.shape_cast %select_n3A_2970 : vector<8x512xf32> to vector<1x8x512xf32>
    tpu.vector_store %arg7[%swap3A_2971, %swap3A_2972, %swap3A_2973], %swap3A_2976 {strides = array<i32>} : memref<1x512x512xf32, #tpu.memory_space<vmem>>, vector<1x8x512xf32>,
    %slice3A_2977 = vector.extract_strided_slice %transpose3A {offsets = [344, 0], sizes = [8, 1], strides = [1, 1]} : vector<512x8xf32> to vector<8x1xf32>
    %slice3A_2978 = vector.extract_strided_slice %transpose3A {offsets = [344, 1], sizes = [8, 1], strides = [1, 1]} : vector<512x8xf32> to vector<8x1xf32>
    %slice3A_2979 = vector.extract_strided_slice %transpose3A {offsets = [344, 2], sizes = [8, 1], strides = [1, 1]} : vector<512x8xf32> to vector<8x1xf32>
    %slice3A_2980 = vector.extract_strided_slice %transpose3A {offsets = [344, 3], sizes = [8, 1], strides = [1, 1]} : vector<512x8xf32> to vector<8x1xf32>
    %slice3A_2981 = vector.extract_strided_slice %transpose3A {offsets = [344, 4], sizes = [8, 1], strides = [1, 1]} : vector<512x8xf32> to vector<8x1xf32>
    %slice3A_2982 = vector.extract_strided_slice %transpose3A {offsets = [344, 5], sizes = [8, 1], strides = [1, 1]} : vector<512x8xf32> to vector<8x1xf32>
    %slice3A_2983 = vector.extract_strided_slice %transpose3A {offsets = [344, 6], sizes = [8, 1], strides = [1, 1]} : vector<512x8xf32> to vector<8x1xf32>
    %slice3A_2984 = vector.extract_strided_slice %transpose3A {offsets = [344, 7], sizes = [8, 1], strides = [1, 1]} : vector<512x8xf32> to vector<8x1xf32>
    %sub3A_2985 = vector.broadcast %get3A_3 : vector<1x512xf32> to vector<8x512xf32>
    %sub3A_2986 = vector.broadcast %slice3A_2977 : vector<8x1xf32> to vector<8x512xf32>
    %sub3A_2987 = arith.subf %sub3A_2985, %sub3A_2986 : vector<8x512xf32>
    %sub3A_2988 = vector.broadcast %get3A_13 : vector<1x512xf32> to vector<8x512xf32>
    %sub3A_2989 = vector.broadcast %slice3A_2978 : vector<8x1xf32> to vector<8x512xf32>
    %sub3A_2990 = arith.subf %sub3A_2988, %sub3A_2989 : vector<8x512xf32>
    %mul3A_2991 = arith.mulf %sub3A_2987, %sub3A_2987 : vector<8x512xf32>
    %mul3A_2992 = arith.mulf %sub3A_2990, %sub3A_2990 : vector<8x512xf32>
    %add3A_2993 = arith.addf %mul3A_2991, %mul3A_2992 : vector<8x512xf32>
    %sub3A_2994 = vector.broadcast %slice3A_2979 : vector<8x1xf32> to vector<8x512xf32>
    %sub3A_2995 = vector.broadcast %mul3A_45 : vector<1x512xf32> to vector<8x512xf32>
    %sub3A_2996 = arith.subf %sub3A_2994, %sub3A_2995 : vector<8x512xf32>
    %mul3A_2997 = arith.mulf %sub3A_2996, %sub3A_2987 : vector<8x512xf32>
    %sub3A_2998 = vector.broadcast %slice3A_2980 : vector<8x1xf32> to vector<8x512xf32>
    %sub3A_2999 = vector.broadcast %mul3A_46 : vector<1x512xf32> to vector<8x512xf32>
    %sub3A_3000 = arith.subf %sub3A_2998, %sub3A_2999 : vector<8x512xf32>
    %mul3A_3001 = arith.mulf %sub3A_3000, %sub3A_2990 : vector<8x512xf32>
    %add3A_3002 = arith.addf %mul3A_2997, %mul3A_3001 : vector<8x512xf32>
    %abs3A_3003 = math.absf %add3A_3002 : vector<8x512xf32>
    %div3A_3004 = arith.divf %abs3A_3003, %add3A_2993 : vector<8x512xf32>
    %mul3A_3005 = vector.broadcast %slice3A_2981 : vector<8x1xf32> to vector<8x512xf32>
    %mul3A_3006 = arith.mulf %sub3A_2987, %mul3A_3005 : vector<8x512xf32>
    %mul3A_3007 = vector.broadcast %slice3A_2982 : vector<8x1xf32> to vector<8x512xf32>
    %mul3A_3008 = arith.mulf %sub3A_2990, %mul3A_3007 : vector<8x512xf32>
    %add3A_3009 = arith.addf %mul3A_3006, %mul3A_3008 : vector<8x512xf32>
    %bitcast_convert_type3A_3010 = tpu.bitcast %sub3A_2987 : vector<8x512xf32> -> vector<8x512xi32>
    %bitcast_convert_type3A_3011 = tpu.bitcast %slice3A_2981 : vector<8x1xf32> -> vector<8x1xi32>
    %and3A_3012 = vector.broadcast %bitcast_convert_type3A_3011 : vector<8x1xi32> to vector<8x512xi32>
    %and3A_3013 = arith.andi %bitcast_convert_type3A_3010, %and3A_3012 : vector<8x512xi32>
    %bitcast_convert_type3A_3014 = tpu.bitcast %sub3A_2990 : vector<8x512xf32> -> vector<8x512xi32>
    %bitcast_convert_type3A_3015 = tpu.bitcast %slice3A_2982 : vector<8x1xf32> -> vector<8x1xi32>
    %xor3A_3016 = vector.broadcast %bitcast_convert_type3A_3015 : vector<8x1xi32> to vector<8x512xi32>
    %xor3A_3017 = arith.xori %bitcast_convert_type3A_3014, %xor3A_3016 : vector<8x512xi32>
    %and3A_3018 = arith.andi %and3A_3013, %xor3A_3017 : vector<8x512xi32>
    %and3A_3019 = arith.constant -2147483648 : i32
    %and3A_3020 = vector.broadcast %and3A_3019 : i32 to vector<8x512xi32>
    %and3A_3021 = arith.andi %and3A_3018, %and3A_3020 : vector<8x512xi32>
    %bitcast_convert_type3A_3022 = tpu.bitcast %add3A_3009 : vector<8x512xf32> -> vector<8x512xi32>
    %or3A_3023 = arith.ori %bitcast_convert_type3A_3022, %and3A_3021 : vector<8x512xi32>
    %bitcast_convert_type3A_3024 = tpu.bitcast %or3A_3023 : vector<8x512xi32> -> vector<8x512xf32>
    %mul3A_3025 = vector.broadcast %add3A_130 : vector<1x512xf32> to vector<8x512xf32>
    %mul3A_3026 = vector.broadcast %slice3A_2984 : vector<8x1xf32> to vector<8x512xf32>
    %mul3A_3027 = arith.mulf %mul3A_3025, %mul3A_3026 : vector<8x512xf32>
    %add3A_3028 = vector.broadcast %slice3A_2983 : vector<8x1xf32> to vector<8x512xf32>
    %add3A_3029 = arith.addf %mul3A_3027, %add3A_3028 : vector<8x512xf32>
    %gt3A_3030 = arith.constant 0.000000e+00 : f32
    %gt3A_3031 = vector.broadcast %gt3A_3030 : f32 to vector<8x512xf32>
    %gt3A_3032 = arith.cmpf ogt, %bitcast_convert_type3A_3024, %gt3A_3031 : vector<8x512xf32>
    %mul3A_3033 = arith.mulf %div3A_3004, %add3A_3029 : vector<8x512xf32>
    %jit3A_3034 = arith.constant 0.000000e+00 : f32
    %broadcast_in_dim3A_3035 = vector.broadcast %jit3A_3034 : f32 to vector<8x512xf32>
    %select_n3A_3036 = arith.select %gt3A_3032, %mul3A_3033, %broadcast_in_dim3A_3035 : vector<8x512xi1>, vector<8x512xf32>
    %swap3A_3037 = arith.constant 0 : index
    %swap3A_3038 = arith.constant 344 : index
    %swap3A_3039 = arith.constant 0 : index
    %swap3A_3040 = vector.load %arg7[%swap3A_3037, %swap3A_3038, %swap3A_3039] : memref<1x512x512xf32, #tpu.memory_space<vmem>>, vector<1x8x512xf32>
    %swap3A_3041 = vector.shape_cast %swap3A_3040 : vector<1x8x512xf32> to vector<8x512xf32>
    %swap3A_3042 = vector.shape_cast %select_n3A_3036 : vector<8x512xf32> to vector<1x8x512xf32>
    tpu.vector_store %arg7[%swap3A_3037, %swap3A_3038, %swap3A_3039], %swap3A_3042 {strides = array<i32>} : memref<1x512x512xf32, #tpu.memory_space<vmem>>, vector<1x8x512xf32>,
    %slice3A_3043 = vector.extract_strided_slice %transpose3A {offsets = [352, 0], sizes = [8, 1], strides = [1, 1]} : vector<512x8xf32> to vector<8x1xf32>
    %slice3A_3044 = vector.extract_strided_slice %transpose3A {offsets = [352, 1], sizes = [8, 1], strides = [1, 1]} : vector<512x8xf32> to vector<8x1xf32>
    %slice3A_3045 = vector.extract_strided_slice %transpose3A {offsets = [352, 2], sizes = [8, 1], strides = [1, 1]} : vector<512x8xf32> to vector<8x1xf32>
    %slice3A_3046 = vector.extract_strided_slice %transpose3A {offsets = [352, 3], sizes = [8, 1], strides = [1, 1]} : vector<512x8xf32> to vector<8x1xf32>
    %slice3A_3047 = vector.extract_strided_slice %transpose3A {offsets = [352, 4], sizes = [8, 1], strides = [1, 1]} : vector<512x8xf32> to vector<8x1xf32>
    %slice3A_3048 = vector.extract_strided_slice %transpose3A {offsets = [352, 5], sizes = [8, 1], strides = [1, 1]} : vector<512x8xf32> to vector<8x1xf32>
    %slice3A_3049 = vector.extract_strided_slice %transpose3A {offsets = [352, 6], sizes = [8, 1], strides = [1, 1]} : vector<512x8xf32> to vector<8x1xf32>
    %slice3A_3050 = vector.extract_strided_slice %transpose3A {offsets = [352, 7], sizes = [8, 1], strides = [1, 1]} : vector<512x8xf32> to vector<8x1xf32>
    %sub3A_3051 = vector.broadcast %get3A_3 : vector<1x512xf32> to vector<8x512xf32>
    %sub3A_3052 = vector.broadcast %slice3A_3043 : vector<8x1xf32> to vector<8x512xf32>
    %sub3A_3053 = arith.subf %sub3A_3051, %sub3A_3052 : vector<8x512xf32>
    %sub3A_3054 = vector.broadcast %get3A_13 : vector<1x512xf32> to vector<8x512xf32>
    %sub3A_3055 = vector.broadcast %slice3A_3044 : vector<8x1xf32> to vector<8x512xf32>
    %sub3A_3056 = arith.subf %sub3A_3054, %sub3A_3055 : vector<8x512xf32>
    %mul3A_3057 = arith.mulf %sub3A_3053, %sub3A_3053 : vector<8x512xf32>
    %mul3A_3058 = arith.mulf %sub3A_3056, %sub3A_3056 : vector<8x512xf32>
    %add3A_3059 = arith.addf %mul3A_3057, %mul3A_3058 : vector<8x512xf32>
    %sub3A_3060 = vector.broadcast %slice3A_3045 : vector<8x1xf32> to vector<8x512xf32>
    %sub3A_3061 = vector.broadcast %mul3A_45 : vector<1x512xf32> to vector<8x512xf32>
    %sub3A_3062 = arith.subf %sub3A_3060, %sub3A_3061 : vector<8x512xf32>
    %mul3A_3063 = arith.mulf %sub3A_3062, %sub3A_3053 : vector<8x512xf32>
    %sub3A_3064 = vector.broadcast %slice3A_3046 : vector<8x1xf32> to vector<8x512xf32>
    %sub3A_3065 = vector.broadcast %mul3A_46 : vector<1x512xf32> to vector<8x512xf32>
    %sub3A_3066 = arith.subf %sub3A_3064, %sub3A_3065 : vector<8x512xf32>
    %mul3A_3067 = arith.mulf %sub3A_3066, %sub3A_3056 : vector<8x512xf32>
    %add3A_3068 = arith.addf %mul3A_3063, %mul3A_3067 : vector<8x512xf32>
    %abs3A_3069 = math.absf %add3A_3068 : vector<8x512xf32>
    %div3A_3070 = arith.divf %abs3A_3069, %add3A_3059 : vector<8x512xf32>
    %mul3A_3071 = vector.broadcast %slice3A_3047 : vector<8x1xf32> to vector<8x512xf32>
    %mul3A_3072 = arith.mulf %sub3A_3053, %mul3A_3071 : vector<8x512xf32>
    %mul3A_3073 = vector.broadcast %slice3A_3048 : vector<8x1xf32> to vector<8x512xf32>
    %mul3A_3074 = arith.mulf %sub3A_3056, %mul3A_3073 : vector<8x512xf32>
    %add3A_3075 = arith.addf %mul3A_3072, %mul3A_3074 : vector<8x512xf32>
    %bitcast_convert_type3A_3076 = tpu.bitcast %sub3A_3053 : vector<8x512xf32> -> vector<8x512xi32>
    %bitcast_convert_type3A_3077 = tpu.bitcast %slice3A_3047 : vector<8x1xf32> -> vector<8x1xi32>
    %and3A_3078 = vector.broadcast %bitcast_convert_type3A_3077 : vector<8x1xi32> to vector<8x512xi32>
    %and3A_3079 = arith.andi %bitcast_convert_type3A_3076, %and3A_3078 : vector<8x512xi32>
    %bitcast_convert_type3A_3080 = tpu.bitcast %sub3A_3056 : vector<8x512xf32> -> vector<8x512xi32>
    %bitcast_convert_type3A_3081 = tpu.bitcast %slice3A_3048 : vector<8x1xf32> -> vector<8x1xi32>
    %xor3A_3082 = vector.broadcast %bitcast_convert_type3A_3081 : vector<8x1xi32> to vector<8x512xi32>
    %xor3A_3083 = arith.xori %bitcast_convert_type3A_3080, %xor3A_3082 : vector<8x512xi32>
    %and3A_3084 = arith.andi %and3A_3079, %xor3A_3083 : vector<8x512xi32>
    %and3A_3085 = arith.constant -2147483648 : i32
    %and3A_3086 = vector.broadcast %and3A_3085 : i32 to vector<8x512xi32>
    %and3A_3087 = arith.andi %and3A_3084, %and3A_3086 : vector<8x512xi32>
    %bitcast_convert_type3A_3088 = tpu.bitcast %add3A_3075 : vector<8x512xf32> -> vector<8x512xi32>
    %or3A_3089 = arith.ori %bitcast_convert_type3A_3088, %and3A_3087 : vector<8x512xi32>
    %bitcast_convert_type3A_3090 = tpu.bitcast %or3A_3089 : vector<8x512xi32> -> vector<8x512xf32>
    %mul3A_3091 = vector.broadcast %add3A_130 : vector<1x512xf32> to vector<8x512xf32>
    %mul3A_3092 = vector.broadcast %slice3A_3050 : vector<8x1xf32> to vector<8x512xf32>
    %mul3A_3093 = arith.mulf %mul3A_3091, %mul3A_3092 : vector<8x512xf32>
    %add3A_3094 = vector.broadcast %slice3A_3049 : vector<8x1xf32> to vector<8x512xf32>
    %add3A_3095 = arith.addf %mul3A_3093, %add3A_3094 : vector<8x512xf32>
    %gt3A_3096 = arith.constant 0.000000e+00 : f32
    %gt3A_3097 = vector.broadcast %gt3A_3096 : f32 to vector<8x512xf32>
    %gt3A_3098 = arith.cmpf ogt, %bitcast_convert_type3A_3090, %gt3A_3097 : vector<8x512xf32>
    %mul3A_3099 = arith.mulf %div3A_3070, %add3A_3095 : vector<8x512xf32>
    %jit3A_3100 = arith.constant 0.000000e+00 : f32
    %broadcast_in_dim3A_3101 = vector.broadcast %jit3A_3100 : f32 to vector<8x512xf32>
    %select_n3A_3102 = arith.select %gt3A_3098, %mul3A_3099, %broadcast_in_dim3A_3101 : vector<8x512xi1>, vector<8x512xf32>
    %swap3A_3103 = arith.constant 0 : index
    %swap3A_3104 = arith.constant 352 : index
    %swap3A_3105 = arith.constant 0 : index
    %swap3A_3106 = vector.load %arg7[%swap3A_3103, %swap3A_3104, %swap3A_3105] : memref<1x512x512xf32, #tpu.memory_space<vmem>>, vector<1x8x512xf32>
    %swap3A_3107 = vector.shape_cast %swap3A_3106 : vector<1x8x512xf32> to vector<8x512xf32>
    %swap3A_3108 = vector.shape_cast %select_n3A_3102 : vector<8x512xf32> to vector<1x8x512xf32>
    tpu.vector_store %arg7[%swap3A_3103, %swap3A_3104, %swap3A_3105], %swap3A_3108 {strides = array<i32>} : memref<1x512x512xf32, #tpu.memory_space<vmem>>, vector<1x8x512xf32>,
    %slice3A_3109 = vector.extract_strided_slice %transpose3A {offsets = [360, 0], sizes = [8, 1], strides = [1, 1]} : vector<512x8xf32> to vector<8x1xf32>
    %slice3A_3110 = vector.extract_strided_slice %transpose3A {offsets = [360, 1], sizes = [8, 1], strides = [1, 1]} : vector<512x8xf32> to vector<8x1xf32>
    %slice3A_3111 = vector.extract_strided_slice %transpose3A {offsets = [360, 2], sizes = [8, 1], strides = [1, 1]} : vector<512x8xf32> to vector<8x1xf32>
    %slice3A_3112 = vector.extract_strided_slice %transpose3A {offsets = [360, 3], sizes = [8, 1], strides = [1, 1]} : vector<512x8xf32> to vector<8x1xf32>
    %slice3A_3113 = vector.extract_strided_slice %transpose3A {offsets = [360, 4], sizes = [8, 1], strides = [1, 1]} : vector<512x8xf32> to vector<8x1xf32>
    %slice3A_3114 = vector.extract_strided_slice %transpose3A {offsets = [360, 5], sizes = [8, 1], strides = [1, 1]} : vector<512x8xf32> to vector<8x1xf32>
    %slice3A_3115 = vector.extract_strided_slice %transpose3A {offsets = [360, 6], sizes = [8, 1], strides = [1, 1]} : vector<512x8xf32> to vector<8x1xf32>
    %slice3A_3116 = vector.extract_strided_slice %transpose3A {offsets = [360, 7], sizes = [8, 1], strides = [1, 1]} : vector<512x8xf32> to vector<8x1xf32>
    %sub3A_3117 = vector.broadcast %get3A_3 : vector<1x512xf32> to vector<8x512xf32>
    %sub3A_3118 = vector.broadcast %slice3A_3109 : vector<8x1xf32> to vector<8x512xf32>
    %sub3A_3119 = arith.subf %sub3A_3117, %sub3A_3118 : vector<8x512xf32>
    %sub3A_3120 = vector.broadcast %get3A_13 : vector<1x512xf32> to vector<8x512xf32>
    %sub3A_3121 = vector.broadcast %slice3A_3110 : vector<8x1xf32> to vector<8x512xf32>
    %sub3A_3122 = arith.subf %sub3A_3120, %sub3A_3121 : vector<8x512xf32>
    %mul3A_3123 = arith.mulf %sub3A_3119, %sub3A_3119 : vector<8x512xf32>
    %mul3A_3124 = arith.mulf %sub3A_3122, %sub3A_3122 : vector<8x512xf32>
    %add3A_3125 = arith.addf %mul3A_3123, %mul3A_3124 : vector<8x512xf32>
    %sub3A_3126 = vector.broadcast %slice3A_3111 : vector<8x1xf32> to vector<8x512xf32>
    %sub3A_3127 = vector.broadcast %mul3A_45 : vector<1x512xf32> to vector<8x512xf32>
    %sub3A_3128 = arith.subf %sub3A_3126, %sub3A_3127 : vector<8x512xf32>
    %mul3A_3129 = arith.mulf %sub3A_3128, %sub3A_3119 : vector<8x512xf32>
    %sub3A_3130 = vector.broadcast %slice3A_3112 : vector<8x1xf32> to vector<8x512xf32>
    %sub3A_3131 = vector.broadcast %mul3A_46 : vector<1x512xf32> to vector<8x512xf32>
    %sub3A_3132 = arith.subf %sub3A_3130, %sub3A_3131 : vector<8x512xf32>
    %mul3A_3133 = arith.mulf %sub3A_3132, %sub3A_3122 : vector<8x512xf32>
    %add3A_3134 = arith.addf %mul3A_3129, %mul3A_3133 : vector<8x512xf32>
    %abs3A_3135 = math.absf %add3A_3134 : vector<8x512xf32>
    %div3A_3136 = arith.divf %abs3A_3135, %add3A_3125 : vector<8x512xf32>
    %mul3A_3137 = vector.broadcast %slice3A_3113 : vector<8x1xf32> to vector<8x512xf32>
    %mul3A_3138 = arith.mulf %sub3A_3119, %mul3A_3137 : vector<8x512xf32>
    %mul3A_3139 = vector.broadcast %slice3A_3114 : vector<8x1xf32> to vector<8x512xf32>
    %mul3A_3140 = arith.mulf %sub3A_3122, %mul3A_3139 : vector<8x512xf32>
    %add3A_3141 = arith.addf %mul3A_3138, %mul3A_3140 : vector<8x512xf32>
    %bitcast_convert_type3A_3142 = tpu.bitcast %sub3A_3119 : vector<8x512xf32> -> vector<8x512xi32>
    %bitcast_convert_type3A_3143 = tpu.bitcast %slice3A_3113 : vector<8x1xf32> -> vector<8x1xi32>
    %and3A_3144 = vector.broadcast %bitcast_convert_type3A_3143 : vector<8x1xi32> to vector<8x512xi32>
    %and3A_3145 = arith.andi %bitcast_convert_type3A_3142, %and3A_3144 : vector<8x512xi32>
    %bitcast_convert_type3A_3146 = tpu.bitcast %sub3A_3122 : vector<8x512xf32> -> vector<8x512xi32>
    %bitcast_convert_type3A_3147 = tpu.bitcast %slice3A_3114 : vector<8x1xf32> -> vector<8x1xi32>
    %xor3A_3148 = vector.broadcast %bitcast_convert_type3A_3147 : vector<8x1xi32> to vector<8x512xi32>
    %xor3A_3149 = arith.xori %bitcast_convert_type3A_3146, %xor3A_3148 : vector<8x512xi32>
    %and3A_3150 = arith.andi %and3A_3145, %xor3A_3149 : vector<8x512xi32>
    %and3A_3151 = arith.constant -2147483648 : i32
    %and3A_3152 = vector.broadcast %and3A_3151 : i32 to vector<8x512xi32>
    %and3A_3153 = arith.andi %and3A_3150, %and3A_3152 : vector<8x512xi32>
    %bitcast_convert_type3A_3154 = tpu.bitcast %add3A_3141 : vector<8x512xf32> -> vector<8x512xi32>
    %or3A_3155 = arith.ori %bitcast_convert_type3A_3154, %and3A_3153 : vector<8x512xi32>
    %bitcast_convert_type3A_3156 = tpu.bitcast %or3A_3155 : vector<8x512xi32> -> vector<8x512xf32>
    %mul3A_3157 = vector.broadcast %add3A_130 : vector<1x512xf32> to vector<8x512xf32>
    %mul3A_3158 = vector.broadcast %slice3A_3116 : vector<8x1xf32> to vector<8x512xf32>
    %mul3A_3159 = arith.mulf %mul3A_3157, %mul3A_3158 : vector<8x512xf32>
    %add3A_3160 = vector.broadcast %slice3A_3115 : vector<8x1xf32> to vector<8x512xf32>
    %add3A_3161 = arith.addf %mul3A_3159, %add3A_3160 : vector<8x512xf32>
    %gt3A_3162 = arith.constant 0.000000e+00 : f32
    %gt3A_3163 = vector.broadcast %gt3A_3162 : f32 to vector<8x512xf32>
    %gt3A_3164 = arith.cmpf ogt, %bitcast_convert_type3A_3156, %gt3A_3163 : vector<8x512xf32>
    %mul3A_3165 = arith.mulf %div3A_3136, %add3A_3161 : vector<8x512xf32>
    %jit3A_3166 = arith.constant 0.000000e+00 : f32
    %broadcast_in_dim3A_3167 = vector.broadcast %jit3A_3166 : f32 to vector<8x512xf32>
    %select_n3A_3168 = arith.select %gt3A_3164, %mul3A_3165, %broadcast_in_dim3A_3167 : vector<8x512xi1>, vector<8x512xf32>
    %swap3A_3169 = arith.constant 0 : index
    %swap3A_3170 = arith.constant 360 : index
    %swap3A_3171 = arith.constant 0 : index
    %swap3A_3172 = vector.load %arg7[%swap3A_3169, %swap3A_3170, %swap3A_3171] : memref<1x512x512xf32, #tpu.memory_space<vmem>>, vector<1x8x512xf32>
    %swap3A_3173 = vector.shape_cast %swap3A_3172 : vector<1x8x512xf32> to vector<8x512xf32>
    %swap3A_3174 = vector.shape_cast %select_n3A_3168 : vector<8x512xf32> to vector<1x8x512xf32>
    tpu.vector_store %arg7[%swap3A_3169, %swap3A_3170, %swap3A_3171], %swap3A_3174 {strides = array<i32>} : memref<1x512x512xf32, #tpu.memory_space<vmem>>, vector<1x8x512xf32>,
    %slice3A_3175 = vector.extract_strided_slice %transpose3A {offsets = [368, 0], sizes = [8, 1], strides = [1, 1]} : vector<512x8xf32> to vector<8x1xf32>
    %slice3A_3176 = vector.extract_strided_slice %transpose3A {offsets = [368, 1], sizes = [8, 1], strides = [1, 1]} : vector<512x8xf32> to vector<8x1xf32>
    %slice3A_3177 = vector.extract_strided_slice %transpose3A {offsets = [368, 2], sizes = [8, 1], strides = [1, 1]} : vector<512x8xf32> to vector<8x1xf32>
    %slice3A_3178 = vector.extract_strided_slice %transpose3A {offsets = [368, 3], sizes = [8, 1], strides = [1, 1]} : vector<512x8xf32> to vector<8x1xf32>
    %slice3A_3179 = vector.extract_strided_slice %transpose3A {offsets = [368, 4], sizes = [8, 1], strides = [1, 1]} : vector<512x8xf32> to vector<8x1xf32>
    %slice3A_3180 = vector.extract_strided_slice %transpose3A {offsets = [368, 5], sizes = [8, 1], strides = [1, 1]} : vector<512x8xf32> to vector<8x1xf32>
    %slice3A_3181 = vector.extract_strided_slice %transpose3A {offsets = [368, 6], sizes = [8, 1], strides = [1, 1]} : vector<512x8xf32> to vector<8x1xf32>
    %slice3A_3182 = vector.extract_strided_slice %transpose3A {offsets = [368, 7], sizes = [8, 1], strides = [1, 1]} : vector<512x8xf32> to vector<8x1xf32>
    %sub3A_3183 = vector.broadcast %get3A_3 : vector<1x512xf32> to vector<8x512xf32>
    %sub3A_3184 = vector.broadcast %slice3A_3175 : vector<8x1xf32> to vector<8x512xf32>
    %sub3A_3185 = arith.subf %sub3A_3183, %sub3A_3184 : vector<8x512xf32>
    %sub3A_3186 = vector.broadcast %get3A_13 : vector<1x512xf32> to vector<8x512xf32>
    %sub3A_3187 = vector.broadcast %slice3A_3176 : vector<8x1xf32> to vector<8x512xf32>
    %sub3A_3188 = arith.subf %sub3A_3186, %sub3A_3187 : vector<8x512xf32>
    %mul3A_3189 = arith.mulf %sub3A_3185, %sub3A_3185 : vector<8x512xf32>
    %mul3A_3190 = arith.mulf %sub3A_3188, %sub3A_3188 : vector<8x512xf32>
    %add3A_3191 = arith.addf %mul3A_3189, %mul3A_3190 : vector<8x512xf32>
    %sub3A_3192 = vector.broadcast %slice3A_3177 : vector<8x1xf32> to vector<8x512xf32>
    %sub3A_3193 = vector.broadcast %mul3A_45 : vector<1x512xf32> to vector<8x512xf32>
    %sub3A_3194 = arith.subf %sub3A_3192, %sub3A_3193 : vector<8x512xf32>
    %mul3A_3195 = arith.mulf %sub3A_3194, %sub3A_3185 : vector<8x512xf32>
    %sub3A_3196 = vector.broadcast %slice3A_3178 : vector<8x1xf32> to vector<8x512xf32>
    %sub3A_3197 = vector.broadcast %mul3A_46 : vector<1x512xf32> to vector<8x512xf32>
    %sub3A_3198 = arith.subf %sub3A_3196, %sub3A_3197 : vector<8x512xf32>
    %mul3A_3199 = arith.mulf %sub3A_3198, %sub3A_3188 : vector<8x512xf32>
    %add3A_3200 = arith.addf %mul3A_3195, %mul3A_3199 : vector<8x512xf32>
    %abs3A_3201 = math.absf %add3A_3200 : vector<8x512xf32>
    %div3A_3202 = arith.divf %abs3A_3201, %add3A_3191 : vector<8x512xf32>
    %mul3A_3203 = vector.broadcast %slice3A_3179 : vector<8x1xf32> to vector<8x512xf32>
    %mul3A_3204 = arith.mulf %sub3A_3185, %mul3A_3203 : vector<8x512xf32>
    %mul3A_3205 = vector.broadcast %slice3A_3180 : vector<8x1xf32> to vector<8x512xf32>
    %mul3A_3206 = arith.mulf %sub3A_3188, %mul3A_3205 : vector<8x512xf32>
    %add3A_3207 = arith.addf %mul3A_3204, %mul3A_3206 : vector<8x512xf32>
    %bitcast_convert_type3A_3208 = tpu.bitcast %sub3A_3185 : vector<8x512xf32> -> vector<8x512xi32>
    %bitcast_convert_type3A_3209 = tpu.bitcast %slice3A_3179 : vector<8x1xf32> -> vector<8x1xi32>
    %and3A_3210 = vector.broadcast %bitcast_convert_type3A_3209 : vector<8x1xi32> to vector<8x512xi32>
    %and3A_3211 = arith.andi %bitcast_convert_type3A_3208, %and3A_3210 : vector<8x512xi32>
    %bitcast_convert_type3A_3212 = tpu.bitcast %sub3A_3188 : vector<8x512xf32> -> vector<8x512xi32>
    %bitcast_convert_type3A_3213 = tpu.bitcast %slice3A_3180 : vector<8x1xf32> -> vector<8x1xi32>
    %xor3A_3214 = vector.broadcast %bitcast_convert_type3A_3213 : vector<8x1xi32> to vector<8x512xi32>
    %xor3A_3215 = arith.xori %bitcast_convert_type3A_3212, %xor3A_3214 : vector<8x512xi32>
    %and3A_3216 = arith.andi %and3A_3211, %xor3A_3215 : vector<8x512xi32>
    %and3A_3217 = arith.constant -2147483648 : i32
    %and3A_3218 = vector.broadcast %and3A_3217 : i32 to vector<8x512xi32>
    %and3A_3219 = arith.andi %and3A_3216, %and3A_3218 : vector<8x512xi32>
    %bitcast_convert_type3A_3220 = tpu.bitcast %add3A_3207 : vector<8x512xf32> -> vector<8x512xi32>
    %or3A_3221 = arith.ori %bitcast_convert_type3A_3220, %and3A_3219 : vector<8x512xi32>
    %bitcast_convert_type3A_3222 = tpu.bitcast %or3A_3221 : vector<8x512xi32> -> vector<8x512xf32>
    %mul3A_3223 = vector.broadcast %add3A_130 : vector<1x512xf32> to vector<8x512xf32>
    %mul3A_3224 = vector.broadcast %slice3A_3182 : vector<8x1xf32> to vector<8x512xf32>
    %mul3A_3225 = arith.mulf %mul3A_3223, %mul3A_3224 : vector<8x512xf32>
    %add3A_3226 = vector.broadcast %slice3A_3181 : vector<8x1xf32> to vector<8x512xf32>
    %add3A_3227 = arith.addf %mul3A_3225, %add3A_3226 : vector<8x512xf32>
    %gt3A_3228 = arith.constant 0.000000e+00 : f32
    %gt3A_3229 = vector.broadcast %gt3A_3228 : f32 to vector<8x512xf32>
    %gt3A_3230 = arith.cmpf ogt, %bitcast_convert_type3A_3222, %gt3A_3229 : vector<8x512xf32>
    %mul3A_3231 = arith.mulf %div3A_3202, %add3A_3227 : vector<8x512xf32>
    %jit3A_3232 = arith.constant 0.000000e+00 : f32
    %broadcast_in_dim3A_3233 = vector.broadcast %jit3A_3232 : f32 to vector<8x512xf32>
    %select_n3A_3234 = arith.select %gt3A_3230, %mul3A_3231, %broadcast_in_dim3A_3233 : vector<8x512xi1>, vector<8x512xf32>
    %swap3A_3235 = arith.constant 0 : index
    %swap3A_3236 = arith.constant 368 : index
    %swap3A_3237 = arith.constant 0 : index
    %swap3A_3238 = vector.load %arg7[%swap3A_3235, %swap3A_3236, %swap3A_3237] : memref<1x512x512xf32, #tpu.memory_space<vmem>>, vector<1x8x512xf32>
    %swap3A_3239 = vector.shape_cast %swap3A_3238 : vector<1x8x512xf32> to vector<8x512xf32>
    %swap3A_3240 = vector.shape_cast %select_n3A_3234 : vector<8x512xf32> to vector<1x8x512xf32>
    tpu.vector_store %arg7[%swap3A_3235, %swap3A_3236, %swap3A_3237], %swap3A_3240 {strides = array<i32>} : memref<1x512x512xf32, #tpu.memory_space<vmem>>, vector<1x8x512xf32>,
    %slice3A_3241 = vector.extract_strided_slice %transpose3A {offsets = [376, 0], sizes = [8, 1], strides = [1, 1]} : vector<512x8xf32> to vector<8x1xf32>
    %slice3A_3242 = vector.extract_strided_slice %transpose3A {offsets = [376, 1], sizes = [8, 1], strides = [1, 1]} : vector<512x8xf32> to vector<8x1xf32>
    %slice3A_3243 = vector.extract_strided_slice %transpose3A {offsets = [376, 2], sizes = [8, 1], strides = [1, 1]} : vector<512x8xf32> to vector<8x1xf32>
    %slice3A_3244 = vector.extract_strided_slice %transpose3A {offsets = [376, 3], sizes = [8, 1], strides = [1, 1]} : vector<512x8xf32> to vector<8x1xf32>
    %slice3A_3245 = vector.extract_strided_slice %transpose3A {offsets = [376, 4], sizes = [8, 1], strides = [1, 1]} : vector<512x8xf32> to vector<8x1xf32>
    %slice3A_3246 = vector.extract_strided_slice %transpose3A {offsets = [376, 5], sizes = [8, 1], strides = [1, 1]} : vector<512x8xf32> to vector<8x1xf32>
    %slice3A_3247 = vector.extract_strided_slice %transpose3A {offsets = [376, 6], sizes = [8, 1], strides = [1, 1]} : vector<512x8xf32> to vector<8x1xf32>
    %slice3A_3248 = vector.extract_strided_slice %transpose3A {offsets = [376, 7], sizes = [8, 1], strides = [1, 1]} : vector<512x8xf32> to vector<8x1xf32>
    %sub3A_3249 = vector.broadcast %get3A_3 : vector<1x512xf32> to vector<8x512xf32>
    %sub3A_3250 = vector.broadcast %slice3A_3241 : vector<8x1xf32> to vector<8x512xf32>
    %sub3A_3251 = arith.subf %sub3A_3249, %sub3A_3250 : vector<8x512xf32>
    %sub3A_3252 = vector.broadcast %get3A_13 : vector<1x512xf32> to vector<8x512xf32>
    %sub3A_3253 = vector.broadcast %slice3A_3242 : vector<8x1xf32> to vector<8x512xf32>
    %sub3A_3254 = arith.subf %sub3A_3252, %sub3A_3253 : vector<8x512xf32>
    %mul3A_3255 = arith.mulf %sub3A_3251, %sub3A_3251 : vector<8x512xf32>
    %mul3A_3256 = arith.mulf %sub3A_3254, %sub3A_3254 : vector<8x512xf32>
    %add3A_3257 = arith.addf %mul3A_3255, %mul3A_3256 : vector<8x512xf32>
    %sub3A_3258 = vector.broadcast %slice3A_3243 : vector<8x1xf32> to vector<8x512xf32>
    %sub3A_3259 = vector.broadcast %mul3A_45 : vector<1x512xf32> to vector<8x512xf32>
    %sub3A_3260 = arith.subf %sub3A_3258, %sub3A_3259 : vector<8x512xf32>
    %mul3A_3261 = arith.mulf %sub3A_3260, %sub3A_3251 : vector<8x512xf32>
    %sub3A_3262 = vector.broadcast %slice3A_3244 : vector<8x1xf32> to vector<8x512xf32>
    %sub3A_3263 = vector.broadcast %mul3A_46 : vector<1x512xf32> to vector<8x512xf32>
    %sub3A_3264 = arith.subf %sub3A_3262, %sub3A_3263 : vector<8x512xf32>
    %mul3A_3265 = arith.mulf %sub3A_3264, %sub3A_3254 : vector<8x512xf32>
    %add3A_3266 = arith.addf %mul3A_3261, %mul3A_3265 : vector<8x512xf32>
    %abs3A_3267 = math.absf %add3A_3266 : vector<8x512xf32>
    %div3A_3268 = arith.divf %abs3A_3267, %add3A_3257 : vector<8x512xf32>
    %mul3A_3269 = vector.broadcast %slice3A_3245 : vector<8x1xf32> to vector<8x512xf32>
    %mul3A_3270 = arith.mulf %sub3A_3251, %mul3A_3269 : vector<8x512xf32>
    %mul3A_3271 = vector.broadcast %slice3A_3246 : vector<8x1xf32> to vector<8x512xf32>
    %mul3A_3272 = arith.mulf %sub3A_3254, %mul3A_3271 : vector<8x512xf32>
    %add3A_3273 = arith.addf %mul3A_3270, %mul3A_3272 : vector<8x512xf32>
    %bitcast_convert_type3A_3274 = tpu.bitcast %sub3A_3251 : vector<8x512xf32> -> vector<8x512xi32>
    %bitcast_convert_type3A_3275 = tpu.bitcast %slice3A_3245 : vector<8x1xf32> -> vector<8x1xi32>
    %and3A_3276 = vector.broadcast %bitcast_convert_type3A_3275 : vector<8x1xi32> to vector<8x512xi32>
    %and3A_3277 = arith.andi %bitcast_convert_type3A_3274, %and3A_3276 : vector<8x512xi32>
    %bitcast_convert_type3A_3278 = tpu.bitcast %sub3A_3254 : vector<8x512xf32> -> vector<8x512xi32>
    %bitcast_convert_type3A_3279 = tpu.bitcast %slice3A_3246 : vector<8x1xf32> -> vector<8x1xi32>
    %xor3A_3280 = vector.broadcast %bitcast_convert_type3A_3279 : vector<8x1xi32> to vector<8x512xi32>
    %xor3A_3281 = arith.xori %bitcast_convert_type3A_3278, %xor3A_3280 : vector<8x512xi32>
    %and3A_3282 = arith.andi %and3A_3277, %xor3A_3281 : vector<8x512xi32>
    %and3A_3283 = arith.constant -2147483648 : i32
    %and3A_3284 = vector.broadcast %and3A_3283 : i32 to vector<8x512xi32>
    %and3A_3285 = arith.andi %and3A_3282, %and3A_3284 : vector<8x512xi32>
    %bitcast_convert_type3A_3286 = tpu.bitcast %add3A_3273 : vector<8x512xf32> -> vector<8x512xi32>
    %or3A_3287 = arith.ori %bitcast_convert_type3A_3286, %and3A_3285 : vector<8x512xi32>
    %bitcast_convert_type3A_3288 = tpu.bitcast %or3A_3287 : vector<8x512xi32> -> vector<8x512xf32>
    %mul3A_3289 = vector.broadcast %add3A_130 : vector<1x512xf32> to vector<8x512xf32>
    %mul3A_3290 = vector.broadcast %slice3A_3248 : vector<8x1xf32> to vector<8x512xf32>
    %mul3A_3291 = arith.mulf %mul3A_3289, %mul3A_3290 : vector<8x512xf32>
    %add3A_3292 = vector.broadcast %slice3A_3247 : vector<8x1xf32> to vector<8x512xf32>
    %add3A_3293 = arith.addf %mul3A_3291, %add3A_3292 : vector<8x512xf32>
    %gt3A_3294 = arith.constant 0.000000e+00 : f32
    %gt3A_3295 = vector.broadcast %gt3A_3294 : f32 to vector<8x512xf32>
    %gt3A_3296 = arith.cmpf ogt, %bitcast_convert_type3A_3288, %gt3A_3295 : vector<8x512xf32>
    %mul3A_3297 = arith.mulf %div3A_3268, %add3A_3293 : vector<8x512xf32>
    %jit3A_3298 = arith.constant 0.000000e+00 : f32
    %broadcast_in_dim3A_3299 = vector.broadcast %jit3A_3298 : f32 to vector<8x512xf32>
    %select_n3A_3300 = arith.select %gt3A_3296, %mul3A_3297, %broadcast_in_dim3A_3299 : vector<8x512xi1>, vector<8x512xf32>
    %swap3A_3301 = arith.constant 0 : index
    %swap3A_3302 = arith.constant 376 : index
    %swap3A_3303 = arith.constant 0 : index
    %swap3A_3304 = vector.load %arg7[%swap3A_3301, %swap3A_3302, %swap3A_3303] : memref<1x512x512xf32, #tpu.memory_space<vmem>>, vector<1x8x512xf32>
    %swap3A_3305 = vector.shape_cast %swap3A_3304 : vector<1x8x512xf32> to vector<8x512xf32>
    %swap3A_3306 = vector.shape_cast %select_n3A_3300 : vector<8x512xf32> to vector<1x8x512xf32>
    tpu.vector_store %arg7[%swap3A_3301, %swap3A_3302, %swap3A_3303], %swap3A_3306 {strides = array<i32>} : memref<1x512x512xf32, #tpu.memory_space<vmem>>, vector<1x8x512xf32>,
    %slice3A_3307 = vector.extract_strided_slice %transpose3A {offsets = [384, 0], sizes = [8, 1], strides = [1, 1]} : vector<512x8xf32> to vector<8x1xf32>
    %slice3A_3308 = vector.extract_strided_slice %transpose3A {offsets = [384, 1], sizes = [8, 1], strides = [1, 1]} : vector<512x8xf32> to vector<8x1xf32>
    %slice3A_3309 = vector.extract_strided_slice %transpose3A {offsets = [384, 2], sizes = [8, 1], strides = [1, 1]} : vector<512x8xf32> to vector<8x1xf32>
    %slice3A_3310 = vector.extract_strided_slice %transpose3A {offsets = [384, 3], sizes = [8, 1], strides = [1, 1]} : vector<512x8xf32> to vector<8x1xf32>
    %slice3A_3311 = vector.extract_strided_slice %transpose3A {offsets = [384, 4], sizes = [8, 1], strides = [1, 1]} : vector<512x8xf32> to vector<8x1xf32>
    %slice3A_3312 = vector.extract_strided_slice %transpose3A {offsets = [384, 5], sizes = [8, 1], strides = [1, 1]} : vector<512x8xf32> to vector<8x1xf32>
    %slice3A_3313 = vector.extract_strided_slice %transpose3A {offsets = [384, 6], sizes = [8, 1], strides = [1, 1]} : vector<512x8xf32> to vector<8x1xf32>
    %slice3A_3314 = vector.extract_strided_slice %transpose3A {offsets = [384, 7], sizes = [8, 1], strides = [1, 1]} : vector<512x8xf32> to vector<8x1xf32>
    %sub3A_3315 = vector.broadcast %get3A_3 : vector<1x512xf32> to vector<8x512xf32>
    %sub3A_3316 = vector.broadcast %slice3A_3307 : vector<8x1xf32> to vector<8x512xf32>
    %sub3A_3317 = arith.subf %sub3A_3315, %sub3A_3316 : vector<8x512xf32>
    %sub3A_3318 = vector.broadcast %get3A_13 : vector<1x512xf32> to vector<8x512xf32>
    %sub3A_3319 = vector.broadcast %slice3A_3308 : vector<8x1xf32> to vector<8x512xf32>
    %sub3A_3320 = arith.subf %sub3A_3318, %sub3A_3319 : vector<8x512xf32>
    %mul3A_3321 = arith.mulf %sub3A_3317, %sub3A_3317 : vector<8x512xf32>
    %mul3A_3322 = arith.mulf %sub3A_3320, %sub3A_3320 : vector<8x512xf32>
    %add3A_3323 = arith.addf %mul3A_3321, %mul3A_3322 : vector<8x512xf32>
    %sub3A_3324 = vector.broadcast %slice3A_3309 : vector<8x1xf32> to vector<8x512xf32>
    %sub3A_3325 = vector.broadcast %mul3A_45 : vector<1x512xf32> to vector<8x512xf32>
    %sub3A_3326 = arith.subf %sub3A_3324, %sub3A_3325 : vector<8x512xf32>
    %mul3A_3327 = arith.mulf %sub3A_3326, %sub3A_3317 : vector<8x512xf32>
    %sub3A_3328 = vector.broadcast %slice3A_3310 : vector<8x1xf32> to vector<8x512xf32>
    %sub3A_3329 = vector.broadcast %mul3A_46 : vector<1x512xf32> to vector<8x512xf32>
    %sub3A_3330 = arith.subf %sub3A_3328, %sub3A_3329 : vector<8x512xf32>
    %mul3A_3331 = arith.mulf %sub3A_3330, %sub3A_3320 : vector<8x512xf32>
    %add3A_3332 = arith.addf %mul3A_3327, %mul3A_3331 : vector<8x512xf32>
    %abs3A_3333 = math.absf %add3A_3332 : vector<8x512xf32>
    %div3A_3334 = arith.divf %abs3A_3333, %add3A_3323 : vector<8x512xf32>
    %mul3A_3335 = vector.broadcast %slice3A_3311 : vector<8x1xf32> to vector<8x512xf32>
    %mul3A_3336 = arith.mulf %sub3A_3317, %mul3A_3335 : vector<8x512xf32>
    %mul3A_3337 = vector.broadcast %slice3A_3312 : vector<8x1xf32> to vector<8x512xf32>
    %mul3A_3338 = arith.mulf %sub3A_3320, %mul3A_3337 : vector<8x512xf32>
    %add3A_3339 = arith.addf %mul3A_3336, %mul3A_3338 : vector<8x512xf32>
    %bitcast_convert_type3A_3340 = tpu.bitcast %sub3A_3317 : vector<8x512xf32> -> vector<8x512xi32>
    %bitcast_convert_type3A_3341 = tpu.bitcast %slice3A_3311 : vector<8x1xf32> -> vector<8x1xi32>
    %and3A_3342 = vector.broadcast %bitcast_convert_type3A_3341 : vector<8x1xi32> to vector<8x512xi32>
    %and3A_3343 = arith.andi %bitcast_convert_type3A_3340, %and3A_3342 : vector<8x512xi32>
    %bitcast_convert_type3A_3344 = tpu.bitcast %sub3A_3320 : vector<8x512xf32> -> vector<8x512xi32>
    %bitcast_convert_type3A_3345 = tpu.bitcast %slice3A_3312 : vector<8x1xf32> -> vector<8x1xi32>
    %xor3A_3346 = vector.broadcast %bitcast_convert_type3A_3345 : vector<8x1xi32> to vector<8x512xi32>
    %xor3A_3347 = arith.xori %bitcast_convert_type3A_3344, %xor3A_3346 : vector<8x512xi32>
    %and3A_3348 = arith.andi %and3A_3343, %xor3A_3347 : vector<8x512xi32>
    %and3A_3349 = arith.constant -2147483648 : i32
    %and3A_3350 = vector.broadcast %and3A_3349 : i32 to vector<8x512xi32>
    %and3A_3351 = arith.andi %and3A_3348, %and3A_3350 : vector<8x512xi32>
    %bitcast_convert_type3A_3352 = tpu.bitcast %add3A_3339 : vector<8x512xf32> -> vector<8x512xi32>
    %or3A_3353 = arith.ori %bitcast_convert_type3A_3352, %and3A_3351 : vector<8x512xi32>
    %bitcast_convert_type3A_3354 = tpu.bitcast %or3A_3353 : vector<8x512xi32> -> vector<8x512xf32>
    %mul3A_3355 = vector.broadcast %add3A_130 : vector<1x512xf32> to vector<8x512xf32>
    %mul3A_3356 = vector.broadcast %slice3A_3314 : vector<8x1xf32> to vector<8x512xf32>
    %mul3A_3357 = arith.mulf %mul3A_3355, %mul3A_3356 : vector<8x512xf32>
    %add3A_3358 = vector.broadcast %slice3A_3313 : vector<8x1xf32> to vector<8x512xf32>
    %add3A_3359 = arith.addf %mul3A_3357, %add3A_3358 : vector<8x512xf32>
    %gt3A_3360 = arith.constant 0.000000e+00 : f32
    %gt3A_3361 = vector.broadcast %gt3A_3360 : f32 to vector<8x512xf32>
    %gt3A_3362 = arith.cmpf ogt, %bitcast_convert_type3A_3354, %gt3A_3361 : vector<8x512xf32>
    %mul3A_3363 = arith.mulf %div3A_3334, %add3A_3359 : vector<8x512xf32>
    %jit3A_3364 = arith.constant 0.000000e+00 : f32
    %broadcast_in_dim3A_3365 = vector.broadcast %jit3A_3364 : f32 to vector<8x512xf32>
    %select_n3A_3366 = arith.select %gt3A_3362, %mul3A_3363, %broadcast_in_dim3A_3365 : vector<8x512xi1>, vector<8x512xf32>
    %swap3A_3367 = arith.constant 0 : index
    %swap3A_3368 = arith.constant 384 : index
    %swap3A_3369 = arith.constant 0 : index
    %swap3A_3370 = vector.load %arg7[%swap3A_3367, %swap3A_3368, %swap3A_3369] : memref<1x512x512xf32, #tpu.memory_space<vmem>>, vector<1x8x512xf32>
    %swap3A_3371 = vector.shape_cast %swap3A_3370 : vector<1x8x512xf32> to vector<8x512xf32>
    %swap3A_3372 = vector.shape_cast %select_n3A_3366 : vector<8x512xf32> to vector<1x8x512xf32>
    tpu.vector_store %arg7[%swap3A_3367, %swap3A_3368, %swap3A_3369], %swap3A_3372 {strides = array<i32>} : memref<1x512x512xf32, #tpu.memory_space<vmem>>, vector<1x8x512xf32>,
    %slice3A_3373 = vector.extract_strided_slice %transpose3A {offsets = [392, 0], sizes = [8, 1], strides = [1, 1]} : vector<512x8xf32> to vector<8x1xf32>
    %slice3A_3374 = vector.extract_strided_slice %transpose3A {offsets = [392, 1], sizes = [8, 1], strides = [1, 1]} : vector<512x8xf32> to vector<8x1xf32>
    %slice3A_3375 = vector.extract_strided_slice %transpose3A {offsets = [392, 2], sizes = [8, 1], strides = [1, 1]} : vector<512x8xf32> to vector<8x1xf32>
    %slice3A_3376 = vector.extract_strided_slice %transpose3A {offsets = [392, 3], sizes = [8, 1], strides = [1, 1]} : vector<512x8xf32> to vector<8x1xf32>
    %slice3A_3377 = vector.extract_strided_slice %transpose3A {offsets = [392, 4], sizes = [8, 1], strides = [1, 1]} : vector<512x8xf32> to vector<8x1xf32>
    %slice3A_3378 = vector.extract_strided_slice %transpose3A {offsets = [392, 5], sizes = [8, 1], strides = [1, 1]} : vector<512x8xf32> to vector<8x1xf32>
    %slice3A_3379 = vector.extract_strided_slice %transpose3A {offsets = [392, 6], sizes = [8, 1], strides = [1, 1]} : vector<512x8xf32> to vector<8x1xf32>
    %slice3A_3380 = vector.extract_strided_slice %transpose3A {offsets = [392, 7], sizes = [8, 1], strides = [1, 1]} : vector<512x8xf32> to vector<8x1xf32>
    %sub3A_3381 = vector.broadcast %get3A_3 : vector<1x512xf32> to vector<8x512xf32>
    %sub3A_3382 = vector.broadcast %slice3A_3373 : vector<8x1xf32> to vector<8x512xf32>
    %sub3A_3383 = arith.subf %sub3A_3381, %sub3A_3382 : vector<8x512xf32>
    %sub3A_3384 = vector.broadcast %get3A_13 : vector<1x512xf32> to vector<8x512xf32>
    %sub3A_3385 = vector.broadcast %slice3A_3374 : vector<8x1xf32> to vector<8x512xf32>
    %sub3A_3386 = arith.subf %sub3A_3384, %sub3A_3385 : vector<8x512xf32>
    %mul3A_3387 = arith.mulf %sub3A_3383, %sub3A_3383 : vector<8x512xf32>
    %mul3A_3388 = arith.mulf %sub3A_3386, %sub3A_3386 : vector<8x512xf32>
    %add3A_3389 = arith.addf %mul3A_3387, %mul3A_3388 : vector<8x512xf32>
    %sub3A_3390 = vector.broadcast %slice3A_3375 : vector<8x1xf32> to vector<8x512xf32>
    %sub3A_3391 = vector.broadcast %mul3A_45 : vector<1x512xf32> to vector<8x512xf32>
    %sub3A_3392 = arith.subf %sub3A_3390, %sub3A_3391 : vector<8x512xf32>
    %mul3A_3393 = arith.mulf %sub3A_3392, %sub3A_3383 : vector<8x512xf32>
    %sub3A_3394 = vector.broadcast %slice3A_3376 : vector<8x1xf32> to vector<8x512xf32>
    %sub3A_3395 = vector.broadcast %mul3A_46 : vector<1x512xf32> to vector<8x512xf32>
    %sub3A_3396 = arith.subf %sub3A_3394, %sub3A_3395 : vector<8x512xf32>
    %mul3A_3397 = arith.mulf %sub3A_3396, %sub3A_3386 : vector<8x512xf32>
    %add3A_3398 = arith.addf %mul3A_3393, %mul3A_3397 : vector<8x512xf32>
    %abs3A_3399 = math.absf %add3A_3398 : vector<8x512xf32>
    %div3A_3400 = arith.divf %abs3A_3399, %add3A_3389 : vector<8x512xf32>
    %mul3A_3401 = vector.broadcast %slice3A_3377 : vector<8x1xf32> to vector<8x512xf32>
    %mul3A_3402 = arith.mulf %sub3A_3383, %mul3A_3401 : vector<8x512xf32>
    %mul3A_3403 = vector.broadcast %slice3A_3378 : vector<8x1xf32> to vector<8x512xf32>
    %mul3A_3404 = arith.mulf %sub3A_3386, %mul3A_3403 : vector<8x512xf32>
    %add3A_3405 = arith.addf %mul3A_3402, %mul3A_3404 : vector<8x512xf32>
    %bitcast_convert_type3A_3406 = tpu.bitcast %sub3A_3383 : vector<8x512xf32> -> vector<8x512xi32>
    %bitcast_convert_type3A_3407 = tpu.bitcast %slice3A_3377 : vector<8x1xf32> -> vector<8x1xi32>
    %and3A_3408 = vector.broadcast %bitcast_convert_type3A_3407 : vector<8x1xi32> to vector<8x512xi32>
    %and3A_3409 = arith.andi %bitcast_convert_type3A_3406, %and3A_3408 : vector<8x512xi32>
    %bitcast_convert_type3A_3410 = tpu.bitcast %sub3A_3386 : vector<8x512xf32> -> vector<8x512xi32>
    %bitcast_convert_type3A_3411 = tpu.bitcast %slice3A_3378 : vector<8x1xf32> -> vector<8x1xi32>
    %xor3A_3412 = vector.broadcast %bitcast_convert_type3A_3411 : vector<8x1xi32> to vector<8x512xi32>
    %xor3A_3413 = arith.xori %bitcast_convert_type3A_3410, %xor3A_3412 : vector<8x512xi32>
    %and3A_3414 = arith.andi %and3A_3409, %xor3A_3413 : vector<8x512xi32>
    %and3A_3415 = arith.constant -2147483648 : i32
    %and3A_3416 = vector.broadcast %and3A_3415 : i32 to vector<8x512xi32>
    %and3A_3417 = arith.andi %and3A_3414, %and3A_3416 : vector<8x512xi32>
    %bitcast_convert_type3A_3418 = tpu.bitcast %add3A_3405 : vector<8x512xf32> -> vector<8x512xi32>
    %or3A_3419 = arith.ori %bitcast_convert_type3A_3418, %and3A_3417 : vector<8x512xi32>
    %bitcast_convert_type3A_3420 = tpu.bitcast %or3A_3419 : vector<8x512xi32> -> vector<8x512xf32>
    %mul3A_3421 = vector.broadcast %add3A_130 : vector<1x512xf32> to vector<8x512xf32>
    %mul3A_3422 = vector.broadcast %slice3A_3380 : vector<8x1xf32> to vector<8x512xf32>
    %mul3A_3423 = arith.mulf %mul3A_3421, %mul3A_3422 : vector<8x512xf32>
    %add3A_3424 = vector.broadcast %slice3A_3379 : vector<8x1xf32> to vector<8x512xf32>
    %add3A_3425 = arith.addf %mul3A_3423, %add3A_3424 : vector<8x512xf32>
    %gt3A_3426 = arith.constant 0.000000e+00 : f32
    %gt3A_3427 = vector.broadcast %gt3A_3426 : f32 to vector<8x512xf32>
    %gt3A_3428 = arith.cmpf ogt, %bitcast_convert_type3A_3420, %gt3A_3427 : vector<8x512xf32>
    %mul3A_3429 = arith.mulf %div3A_3400, %add3A_3425 : vector<8x512xf32>
    %jit3A_3430 = arith.constant 0.000000e+00 : f32
    %broadcast_in_dim3A_3431 = vector.broadcast %jit3A_3430 : f32 to vector<8x512xf32>
    %select_n3A_3432 = arith.select %gt3A_3428, %mul3A_3429, %broadcast_in_dim3A_3431 : vector<8x512xi1>, vector<8x512xf32>
    %swap3A_3433 = arith.constant 0 : index
    %swap3A_3434 = arith.constant 392 : index
    %swap3A_3435 = arith.constant 0 : index
    %swap3A_3436 = vector.load %arg7[%swap3A_3433, %swap3A_3434, %swap3A_3435] : memref<1x512x512xf32, #tpu.memory_space<vmem>>, vector<1x8x512xf32>
    %swap3A_3437 = vector.shape_cast %swap3A_3436 : vector<1x8x512xf32> to vector<8x512xf32>
    %swap3A_3438 = vector.shape_cast %select_n3A_3432 : vector<8x512xf32> to vector<1x8x512xf32>
    tpu.vector_store %arg7[%swap3A_3433, %swap3A_3434, %swap3A_3435], %swap3A_3438 {strides = array<i32>} : memref<1x512x512xf32, #tpu.memory_space<vmem>>, vector<1x8x512xf32>,
    %slice3A_3439 = vector.extract_strided_slice %transpose3A {offsets = [400, 0], sizes = [8, 1], strides = [1, 1]} : vector<512x8xf32> to vector<8x1xf32>
    %slice3A_3440 = vector.extract_strided_slice %transpose3A {offsets = [400, 1], sizes = [8, 1], strides = [1, 1]} : vector<512x8xf32> to vector<8x1xf32>
    %slice3A_3441 = vector.extract_strided_slice %transpose3A {offsets = [400, 2], sizes = [8, 1], strides = [1, 1]} : vector<512x8xf32> to vector<8x1xf32>
    %slice3A_3442 = vector.extract_strided_slice %transpose3A {offsets = [400, 3], sizes = [8, 1], strides = [1, 1]} : vector<512x8xf32> to vector<8x1xf32>
    %slice3A_3443 = vector.extract_strided_slice %transpose3A {offsets = [400, 4], sizes = [8, 1], strides = [1, 1]} : vector<512x8xf32> to vector<8x1xf32>
    %slice3A_3444 = vector.extract_strided_slice %transpose3A {offsets = [400, 5], sizes = [8, 1], strides = [1, 1]} : vector<512x8xf32> to vector<8x1xf32>
    %slice3A_3445 = vector.extract_strided_slice %transpose3A {offsets = [400, 6], sizes = [8, 1], strides = [1, 1]} : vector<512x8xf32> to vector<8x1xf32>
    %slice3A_3446 = vector.extract_strided_slice %transpose3A {offsets = [400, 7], sizes = [8, 1], strides = [1, 1]} : vector<512x8xf32> to vector<8x1xf32>
    %sub3A_3447 = vector.broadcast %get3A_3 : vector<1x512xf32> to vector<8x512xf32>
    %sub3A_3448 = vector.broadcast %slice3A_3439 : vector<8x1xf32> to vector<8x512xf32>
    %sub3A_3449 = arith.subf %sub3A_3447, %sub3A_3448 : vector<8x512xf32>
    %sub3A_3450 = vector.broadcast %get3A_13 : vector<1x512xf32> to vector<8x512xf32>
    %sub3A_3451 = vector.broadcast %slice3A_3440 : vector<8x1xf32> to vector<8x512xf32>
    %sub3A_3452 = arith.subf %sub3A_3450, %sub3A_3451 : vector<8x512xf32>
    %mul3A_3453 = arith.mulf %sub3A_3449, %sub3A_3449 : vector<8x512xf32>
    %mul3A_3454 = arith.mulf %sub3A_3452, %sub3A_3452 : vector<8x512xf32>
    %add3A_3455 = arith.addf %mul3A_3453, %mul3A_3454 : vector<8x512xf32>
    %sub3A_3456 = vector.broadcast %slice3A_3441 : vector<8x1xf32> to vector<8x512xf32>
    %sub3A_3457 = vector.broadcast %mul3A_45 : vector<1x512xf32> to vector<8x512xf32>
    %sub3A_3458 = arith.subf %sub3A_3456, %sub3A_3457 : vector<8x512xf32>
    %mul3A_3459 = arith.mulf %sub3A_3458, %sub3A_3449 : vector<8x512xf32>
    %sub3A_3460 = vector.broadcast %slice3A_3442 : vector<8x1xf32> to vector<8x512xf32>
    %sub3A_3461 = vector.broadcast %mul3A_46 : vector<1x512xf32> to vector<8x512xf32>
    %sub3A_3462 = arith.subf %sub3A_3460, %sub3A_3461 : vector<8x512xf32>
    %mul3A_3463 = arith.mulf %sub3A_3462, %sub3A_3452 : vector<8x512xf32>
    %add3A_3464 = arith.addf %mul3A_3459, %mul3A_3463 : vector<8x512xf32>
    %abs3A_3465 = math.absf %add3A_3464 : vector<8x512xf32>
    %div3A_3466 = arith.divf %abs3A_3465, %add3A_3455 : vector<8x512xf32>
    %mul3A_3467 = vector.broadcast %slice3A_3443 : vector<8x1xf32> to vector<8x512xf32>
    %mul3A_3468 = arith.mulf %sub3A_3449, %mul3A_3467 : vector<8x512xf32>
    %mul3A_3469 = vector.broadcast %slice3A_3444 : vector<8x1xf32> to vector<8x512xf32>
    %mul3A_3470 = arith.mulf %sub3A_3452, %mul3A_3469 : vector<8x512xf32>
    %add3A_3471 = arith.addf %mul3A_3468, %mul3A_3470 : vector<8x512xf32>
    %bitcast_convert_type3A_3472 = tpu.bitcast %sub3A_3449 : vector<8x512xf32> -> vector<8x512xi32>
    %bitcast_convert_type3A_3473 = tpu.bitcast %slice3A_3443 : vector<8x1xf32> -> vector<8x1xi32>
    %and3A_3474 = vector.broadcast %bitcast_convert_type3A_3473 : vector<8x1xi32> to vector<8x512xi32>
    %and3A_3475 = arith.andi %bitcast_convert_type3A_3472, %and3A_3474 : vector<8x512xi32>
    %bitcast_convert_type3A_3476 = tpu.bitcast %sub3A_3452 : vector<8x512xf32> -> vector<8x512xi32>
    %bitcast_convert_type3A_3477 = tpu.bitcast %slice3A_3444 : vector<8x1xf32> -> vector<8x1xi32>
    %xor3A_3478 = vector.broadcast %bitcast_convert_type3A_3477 : vector<8x1xi32> to vector<8x512xi32>
    %xor3A_3479 = arith.xori %bitcast_convert_type3A_3476, %xor3A_3478 : vector<8x512xi32>
    %and3A_3480 = arith.andi %and3A_3475, %xor3A_3479 : vector<8x512xi32>
    %and3A_3481 = arith.constant -2147483648 : i32
    %and3A_3482 = vector.broadcast %and3A_3481 : i32 to vector<8x512xi32>
    %and3A_3483 = arith.andi %and3A_3480, %and3A_3482 : vector<8x512xi32>
    %bitcast_convert_type3A_3484 = tpu.bitcast %add3A_3471 : vector<8x512xf32> -> vector<8x512xi32>
    %or3A_3485 = arith.ori %bitcast_convert_type3A_3484, %and3A_3483 : vector<8x512xi32>
    %bitcast_convert_type3A_3486 = tpu.bitcast %or3A_3485 : vector<8x512xi32> -> vector<8x512xf32>
    %mul3A_3487 = vector.broadcast %add3A_130 : vector<1x512xf32> to vector<8x512xf32>
    %mul3A_3488 = vector.broadcast %slice3A_3446 : vector<8x1xf32> to vector<8x512xf32>
    %mul3A_3489 = arith.mulf %mul3A_3487, %mul3A_3488 : vector<8x512xf32>
    %add3A_3490 = vector.broadcast %slice3A_3445 : vector<8x1xf32> to vector<8x512xf32>
    %add3A_3491 = arith.addf %mul3A_3489, %add3A_3490 : vector<8x512xf32>
    %gt3A_3492 = arith.constant 0.000000e+00 : f32
    %gt3A_3493 = vector.broadcast %gt3A_3492 : f32 to vector<8x512xf32>
    %gt3A_3494 = arith.cmpf ogt, %bitcast_convert_type3A_3486, %gt3A_3493 : vector<8x512xf32>
    %mul3A_3495 = arith.mulf %div3A_3466, %add3A_3491 : vector<8x512xf32>
    %jit3A_3496 = arith.constant 0.000000e+00 : f32
    %broadcast_in_dim3A_3497 = vector.broadcast %jit3A_3496 : f32 to vector<8x512xf32>
    %select_n3A_3498 = arith.select %gt3A_3494, %mul3A_3495, %broadcast_in_dim3A_3497 : vector<8x512xi1>, vector<8x512xf32>
    %swap3A_3499 = arith.constant 0 : index
    %swap3A_3500 = arith.constant 400 : index
    %swap3A_3501 = arith.constant 0 : index
    %swap3A_3502 = vector.load %arg7[%swap3A_3499, %swap3A_3500, %swap3A_3501] : memref<1x512x512xf32, #tpu.memory_space<vmem>>, vector<1x8x512xf32>
    %swap3A_3503 = vector.shape_cast %swap3A_3502 : vector<1x8x512xf32> to vector<8x512xf32>
    %swap3A_3504 = vector.shape_cast %select_n3A_3498 : vector<8x512xf32> to vector<1x8x512xf32>
    tpu.vector_store %arg7[%swap3A_3499, %swap3A_3500, %swap3A_3501], %swap3A_3504 {strides = array<i32>} : memref<1x512x512xf32, #tpu.memory_space<vmem>>, vector<1x8x512xf32>,
    %slice3A_3505 = vector.extract_strided_slice %transpose3A {offsets = [408, 0], sizes = [8, 1], strides = [1, 1]} : vector<512x8xf32> to vector<8x1xf32>
    %slice3A_3506 = vector.extract_strided_slice %transpose3A {offsets = [408, 1], sizes = [8, 1], strides = [1, 1]} : vector<512x8xf32> to vector<8x1xf32>
    %slice3A_3507 = vector.extract_strided_slice %transpose3A {offsets = [408, 2], sizes = [8, 1], strides = [1, 1]} : vector<512x8xf32> to vector<8x1xf32>
    %slice3A_3508 = vector.extract_strided_slice %transpose3A {offsets = [408, 3], sizes = [8, 1], strides = [1, 1]} : vector<512x8xf32> to vector<8x1xf32>
    %slice3A_3509 = vector.extract_strided_slice %transpose3A {offsets = [408, 4], sizes = [8, 1], strides = [1, 1]} : vector<512x8xf32> to vector<8x1xf32>
    %slice3A_3510 = vector.extract_strided_slice %transpose3A {offsets = [408, 5], sizes = [8, 1], strides = [1, 1]} : vector<512x8xf32> to vector<8x1xf32>
    %slice3A_3511 = vector.extract_strided_slice %transpose3A {offsets = [408, 6], sizes = [8, 1], strides = [1, 1]} : vector<512x8xf32> to vector<8x1xf32>
    %slice3A_3512 = vector.extract_strided_slice %transpose3A {offsets = [408, 7], sizes = [8, 1], strides = [1, 1]} : vector<512x8xf32> to vector<8x1xf32>
    %sub3A_3513 = vector.broadcast %get3A_3 : vector<1x512xf32> to vector<8x512xf32>
    %sub3A_3514 = vector.broadcast %slice3A_3505 : vector<8x1xf32> to vector<8x512xf32>
    %sub3A_3515 = arith.subf %sub3A_3513, %sub3A_3514 : vector<8x512xf32>
    %sub3A_3516 = vector.broadcast %get3A_13 : vector<1x512xf32> to vector<8x512xf32>
    %sub3A_3517 = vector.broadcast %slice3A_3506 : vector<8x1xf32> to vector<8x512xf32>
    %sub3A_3518 = arith.subf %sub3A_3516, %sub3A_3517 : vector<8x512xf32>
    %mul3A_3519 = arith.mulf %sub3A_3515, %sub3A_3515 : vector<8x512xf32>
    %mul3A_3520 = arith.mulf %sub3A_3518, %sub3A_3518 : vector<8x512xf32>
    %add3A_3521 = arith.addf %mul3A_3519, %mul3A_3520 : vector<8x512xf32>
    %sub3A_3522 = vector.broadcast %slice3A_3507 : vector<8x1xf32> to vector<8x512xf32>
    %sub3A_3523 = vector.broadcast %mul3A_45 : vector<1x512xf32> to vector<8x512xf32>
    %sub3A_3524 = arith.subf %sub3A_3522, %sub3A_3523 : vector<8x512xf32>
    %mul3A_3525 = arith.mulf %sub3A_3524, %sub3A_3515 : vector<8x512xf32>
    %sub3A_3526 = vector.broadcast %slice3A_3508 : vector<8x1xf32> to vector<8x512xf32>
    %sub3A_3527 = vector.broadcast %mul3A_46 : vector<1x512xf32> to vector<8x512xf32>
    %sub3A_3528 = arith.subf %sub3A_3526, %sub3A_3527 : vector<8x512xf32>
    %mul3A_3529 = arith.mulf %sub3A_3528, %sub3A_3518 : vector<8x512xf32>
    %add3A_3530 = arith.addf %mul3A_3525, %mul3A_3529 : vector<8x512xf32>
    %abs3A_3531 = math.absf %add3A_3530 : vector<8x512xf32>
    %div3A_3532 = arith.divf %abs3A_3531, %add3A_3521 : vector<8x512xf32>
    %mul3A_3533 = vector.broadcast %slice3A_3509 : vector<8x1xf32> to vector<8x512xf32>
    %mul3A_3534 = arith.mulf %sub3A_3515, %mul3A_3533 : vector<8x512xf32>
    %mul3A_3535 = vector.broadcast %slice3A_3510 : vector<8x1xf32> to vector<8x512xf32>
    %mul3A_3536 = arith.mulf %sub3A_3518, %mul3A_3535 : vector<8x512xf32>
    %add3A_3537 = arith.addf %mul3A_3534, %mul3A_3536 : vector<8x512xf32>
    %bitcast_convert_type3A_3538 = tpu.bitcast %sub3A_3515 : vector<8x512xf32> -> vector<8x512xi32>
    %bitcast_convert_type3A_3539 = tpu.bitcast %slice3A_3509 : vector<8x1xf32> -> vector<8x1xi32>
    %and3A_3540 = vector.broadcast %bitcast_convert_type3A_3539 : vector<8x1xi32> to vector<8x512xi32>
    %and3A_3541 = arith.andi %bitcast_convert_type3A_3538, %and3A_3540 : vector<8x512xi32>
    %bitcast_convert_type3A_3542 = tpu.bitcast %sub3A_3518 : vector<8x512xf32> -> vector<8x512xi32>
    %bitcast_convert_type3A_3543 = tpu.bitcast %slice3A_3510 : vector<8x1xf32> -> vector<8x1xi32>
    %xor3A_3544 = vector.broadcast %bitcast_convert_type3A_3543 : vector<8x1xi32> to vector<8x512xi32>
    %xor3A_3545 = arith.xori %bitcast_convert_type3A_3542, %xor3A_3544 : vector<8x512xi32>
    %and3A_3546 = arith.andi %and3A_3541, %xor3A_3545 : vector<8x512xi32>
    %and3A_3547 = arith.constant -2147483648 : i32
    %and3A_3548 = vector.broadcast %and3A_3547 : i32 to vector<8x512xi32>
    %and3A_3549 = arith.andi %and3A_3546, %and3A_3548 : vector<8x512xi32>
    %bitcast_convert_type3A_3550 = tpu.bitcast %add3A_3537 : vector<8x512xf32> -> vector<8x512xi32>
    %or3A_3551 = arith.ori %bitcast_convert_type3A_3550, %and3A_3549 : vector<8x512xi32>
    %bitcast_convert_type3A_3552 = tpu.bitcast %or3A_3551 : vector<8x512xi32> -> vector<8x512xf32>
    %mul3A_3553 = vector.broadcast %add3A_130 : vector<1x512xf32> to vector<8x512xf32>
    %mul3A_3554 = vector.broadcast %slice3A_3512 : vector<8x1xf32> to vector<8x512xf32>
    %mul3A_3555 = arith.mulf %mul3A_3553, %mul3A_3554 : vector<8x512xf32>
    %add3A_3556 = vector.broadcast %slice3A_3511 : vector<8x1xf32> to vector<8x512xf32>
    %add3A_3557 = arith.addf %mul3A_3555, %add3A_3556 : vector<8x512xf32>
    %gt3A_3558 = arith.constant 0.000000e+00 : f32
    %gt3A_3559 = vector.broadcast %gt3A_3558 : f32 to vector<8x512xf32>
    %gt3A_3560 = arith.cmpf ogt, %bitcast_convert_type3A_3552, %gt3A_3559 : vector<8x512xf32>
    %mul3A_3561 = arith.mulf %div3A_3532, %add3A_3557 : vector<8x512xf32>
    %jit3A_3562 = arith.constant 0.000000e+00 : f32
    %broadcast_in_dim3A_3563 = vector.broadcast %jit3A_3562 : f32 to vector<8x512xf32>
    %select_n3A_3564 = arith.select %gt3A_3560, %mul3A_3561, %broadcast_in_dim3A_3563 : vector<8x512xi1>, vector<8x512xf32>
    %swap3A_3565 = arith.constant 0 : index
    %swap3A_3566 = arith.constant 408 : index
    %swap3A_3567 = arith.constant 0 : index
    %swap3A_3568 = vector.load %arg7[%swap3A_3565, %swap3A_3566, %swap3A_3567] : memref<1x512x512xf32, #tpu.memory_space<vmem>>, vector<1x8x512xf32>
    %swap3A_3569 = vector.shape_cast %swap3A_3568 : vector<1x8x512xf32> to vector<8x512xf32>
    %swap3A_3570 = vector.shape_cast %select_n3A_3564 : vector<8x512xf32> to vector<1x8x512xf32>
    tpu.vector_store %arg7[%swap3A_3565, %swap3A_3566, %swap3A_3567], %swap3A_3570 {strides = array<i32>} : memref<1x512x512xf32, #tpu.memory_space<vmem>>, vector<1x8x512xf32>,
    %slice3A_3571 = vector.extract_strided_slice %transpose3A {offsets = [416, 0], sizes = [8, 1], strides = [1, 1]} : vector<512x8xf32> to vector<8x1xf32>
    %slice3A_3572 = vector.extract_strided_slice %transpose3A {offsets = [416, 1], sizes = [8, 1], strides = [1, 1]} : vector<512x8xf32> to vector<8x1xf32>
    %slice3A_3573 = vector.extract_strided_slice %transpose3A {offsets = [416, 2], sizes = [8, 1], strides = [1, 1]} : vector<512x8xf32> to vector<8x1xf32>
    %slice3A_3574 = vector.extract_strided_slice %transpose3A {offsets = [416, 3], sizes = [8, 1], strides = [1, 1]} : vector<512x8xf32> to vector<8x1xf32>
    %slice3A_3575 = vector.extract_strided_slice %transpose3A {offsets = [416, 4], sizes = [8, 1], strides = [1, 1]} : vector<512x8xf32> to vector<8x1xf32>
    %slice3A_3576 = vector.extract_strided_slice %transpose3A {offsets = [416, 5], sizes = [8, 1], strides = [1, 1]} : vector<512x8xf32> to vector<8x1xf32>
    %slice3A_3577 = vector.extract_strided_slice %transpose3A {offsets = [416, 6], sizes = [8, 1], strides = [1, 1]} : vector<512x8xf32> to vector<8x1xf32>
    %slice3A_3578 = vector.extract_strided_slice %transpose3A {offsets = [416, 7], sizes = [8, 1], strides = [1, 1]} : vector<512x8xf32> to vector<8x1xf32>
    %sub3A_3579 = vector.broadcast %get3A_3 : vector<1x512xf32> to vector<8x512xf32>
    %sub3A_3580 = vector.broadcast %slice3A_3571 : vector<8x1xf32> to vector<8x512xf32>
    %sub3A_3581 = arith.subf %sub3A_3579, %sub3A_3580 : vector<8x512xf32>
    %sub3A_3582 = vector.broadcast %get3A_13 : vector<1x512xf32> to vector<8x512xf32>
    %sub3A_3583 = vector.broadcast %slice3A_3572 : vector<8x1xf32> to vector<8x512xf32>
    %sub3A_3584 = arith.subf %sub3A_3582, %sub3A_3583 : vector<8x512xf32>
    %mul3A_3585 = arith.mulf %sub3A_3581, %sub3A_3581 : vector<8x512xf32>
    %mul3A_3586 = arith.mulf %sub3A_3584, %sub3A_3584 : vector<8x512xf32>
    %add3A_3587 = arith.addf %mul3A_3585, %mul3A_3586 : vector<8x512xf32>
    %sub3A_3588 = vector.broadcast %slice3A_3573 : vector<8x1xf32> to vector<8x512xf32>
    %sub3A_3589 = vector.broadcast %mul3A_45 : vector<1x512xf32> to vector<8x512xf32>
    %sub3A_3590 = arith.subf %sub3A_3588, %sub3A_3589 : vector<8x512xf32>
    %mul3A_3591 = arith.mulf %sub3A_3590, %sub3A_3581 : vector<8x512xf32>
    %sub3A_3592 = vector.broadcast %slice3A_3574 : vector<8x1xf32> to vector<8x512xf32>
    %sub3A_3593 = vector.broadcast %mul3A_46 : vector<1x512xf32> to vector<8x512xf32>
    %sub3A_3594 = arith.subf %sub3A_3592, %sub3A_3593 : vector<8x512xf32>
    %mul3A_3595 = arith.mulf %sub3A_3594, %sub3A_3584 : vector<8x512xf32>
    %add3A_3596 = arith.addf %mul3A_3591, %mul3A_3595 : vector<8x512xf32>
    %abs3A_3597 = math.absf %add3A_3596 : vector<8x512xf32>
    %div3A_3598 = arith.divf %abs3A_3597, %add3A_3587 : vector<8x512xf32>
    %mul3A_3599 = vector.broadcast %slice3A_3575 : vector<8x1xf32> to vector<8x512xf32>
    %mul3A_3600 = arith.mulf %sub3A_3581, %mul3A_3599 : vector<8x512xf32>
    %mul3A_3601 = vector.broadcast %slice3A_3576 : vector<8x1xf32> to vector<8x512xf32>
    %mul3A_3602 = arith.mulf %sub3A_3584, %mul3A_3601 : vector<8x512xf32>
    %add3A_3603 = arith.addf %mul3A_3600, %mul3A_3602 : vector<8x512xf32>
    %bitcast_convert_type3A_3604 = tpu.bitcast %sub3A_3581 : vector<8x512xf32> -> vector<8x512xi32>
    %bitcast_convert_type3A_3605 = tpu.bitcast %slice3A_3575 : vector<8x1xf32> -> vector<8x1xi32>
    %and3A_3606 = vector.broadcast %bitcast_convert_type3A_3605 : vector<8x1xi32> to vector<8x512xi32>
    %and3A_3607 = arith.andi %bitcast_convert_type3A_3604, %and3A_3606 : vector<8x512xi32>
    %bitcast_convert_type3A_3608 = tpu.bitcast %sub3A_3584 : vector<8x512xf32> -> vector<8x512xi32>
    %bitcast_convert_type3A_3609 = tpu.bitcast %slice3A_3576 : vector<8x1xf32> -> vector<8x1xi32>
    %xor3A_3610 = vector.broadcast %bitcast_convert_type3A_3609 : vector<8x1xi32> to vector<8x512xi32>
    %xor3A_3611 = arith.xori %bitcast_convert_type3A_3608, %xor3A_3610 : vector<8x512xi32>
    %and3A_3612 = arith.andi %and3A_3607, %xor3A_3611 : vector<8x512xi32>
    %and3A_3613 = arith.constant -2147483648 : i32
    %and3A_3614 = vector.broadcast %and3A_3613 : i32 to vector<8x512xi32>
    %and3A_3615 = arith.andi %and3A_3612, %and3A_3614 : vector<8x512xi32>
    %bitcast_convert_type3A_3616 = tpu.bitcast %add3A_3603 : vector<8x512xf32> -> vector<8x512xi32>
    %or3A_3617 = arith.ori %bitcast_convert_type3A_3616, %and3A_3615 : vector<8x512xi32>
    %bitcast_convert_type3A_3618 = tpu.bitcast %or3A_3617 : vector<8x512xi32> -> vector<8x512xf32>
    %mul3A_3619 = vector.broadcast %add3A_130 : vector<1x512xf32> to vector<8x512xf32>
    %mul3A_3620 = vector.broadcast %slice3A_3578 : vector<8x1xf32> to vector<8x512xf32>
    %mul3A_3621 = arith.mulf %mul3A_3619, %mul3A_3620 : vector<8x512xf32>
    %add3A_3622 = vector.broadcast %slice3A_3577 : vector<8x1xf32> to vector<8x512xf32>
    %add3A_3623 = arith.addf %mul3A_3621, %add3A_3622 : vector<8x512xf32>
    %gt3A_3624 = arith.constant 0.000000e+00 : f32
    %gt3A_3625 = vector.broadcast %gt3A_3624 : f32 to vector<8x512xf32>
    %gt3A_3626 = arith.cmpf ogt, %bitcast_convert_type3A_3618, %gt3A_3625 : vector<8x512xf32>
    %mul3A_3627 = arith.mulf %div3A_3598, %add3A_3623 : vector<8x512xf32>
    %jit3A_3628 = arith.constant 0.000000e+00 : f32
    %broadcast_in_dim3A_3629 = vector.broadcast %jit3A_3628 : f32 to vector<8x512xf32>
    %select_n3A_3630 = arith.select %gt3A_3626, %mul3A_3627, %broadcast_in_dim3A_3629 : vector<8x512xi1>, vector<8x512xf32>
    %swap3A_3631 = arith.constant 0 : index
    %swap3A_3632 = arith.constant 416 : index
    %swap3A_3633 = arith.constant 0 : index
    %swap3A_3634 = vector.load %arg7[%swap3A_3631, %swap3A_3632, %swap3A_3633] : memref<1x512x512xf32, #tpu.memory_space<vmem>>, vector<1x8x512xf32>
    %swap3A_3635 = vector.shape_cast %swap3A_3634 : vector<1x8x512xf32> to vector<8x512xf32>
    %swap3A_3636 = vector.shape_cast %select_n3A_3630 : vector<8x512xf32> to vector<1x8x512xf32>
    tpu.vector_store %arg7[%swap3A_3631, %swap3A_3632, %swap3A_3633], %swap3A_3636 {strides = array<i32>} : memref<1x512x512xf32, #tpu.memory_space<vmem>>, vector<1x8x512xf32>,
    %slice3A_3637 = vector.extract_strided_slice %transpose3A {offsets = [424, 0], sizes = [8, 1], strides = [1, 1]} : vector<512x8xf32> to vector<8x1xf32>
    %slice3A_3638 = vector.extract_strided_slice %transpose3A {offsets = [424, 1], sizes = [8, 1], strides = [1, 1]} : vector<512x8xf32> to vector<8x1xf32>
    %slice3A_3639 = vector.extract_strided_slice %transpose3A {offsets = [424, 2], sizes = [8, 1], strides = [1, 1]} : vector<512x8xf32> to vector<8x1xf32>
    %slice3A_3640 = vector.extract_strided_slice %transpose3A {offsets = [424, 3], sizes = [8, 1], strides = [1, 1]} : vector<512x8xf32> to vector<8x1xf32>
    %slice3A_3641 = vector.extract_strided_slice %transpose3A {offsets = [424, 4], sizes = [8, 1], strides = [1, 1]} : vector<512x8xf32> to vector<8x1xf32>
    %slice3A_3642 = vector.extract_strided_slice %transpose3A {offsets = [424, 5], sizes = [8, 1], strides = [1, 1]} : vector<512x8xf32> to vector<8x1xf32>
    %slice3A_3643 = vector.extract_strided_slice %transpose3A {offsets = [424, 6], sizes = [8, 1], strides = [1, 1]} : vector<512x8xf32> to vector<8x1xf32>
    %slice3A_3644 = vector.extract_strided_slice %transpose3A {offsets = [424, 7], sizes = [8, 1], strides = [1, 1]} : vector<512x8xf32> to vector<8x1xf32>
    %sub3A_3645 = vector.broadcast %get3A_3 : vector<1x512xf32> to vector<8x512xf32>
    %sub3A_3646 = vector.broadcast %slice3A_3637 : vector<8x1xf32> to vector<8x512xf32>
    %sub3A_3647 = arith.subf %sub3A_3645, %sub3A_3646 : vector<8x512xf32>
    %sub3A_3648 = vector.broadcast %get3A_13 : vector<1x512xf32> to vector<8x512xf32>
    %sub3A_3649 = vector.broadcast %slice3A_3638 : vector<8x1xf32> to vector<8x512xf32>
    %sub3A_3650 = arith.subf %sub3A_3648, %sub3A_3649 : vector<8x512xf32>
    %mul3A_3651 = arith.mulf %sub3A_3647, %sub3A_3647 : vector<8x512xf32>
    %mul3A_3652 = arith.mulf %sub3A_3650, %sub3A_3650 : vector<8x512xf32>
    %add3A_3653 = arith.addf %mul3A_3651, %mul3A_3652 : vector<8x512xf32>
    %sub3A_3654 = vector.broadcast %slice3A_3639 : vector<8x1xf32> to vector<8x512xf32>
    %sub3A_3655 = vector.broadcast %mul3A_45 : vector<1x512xf32> to vector<8x512xf32>
    %sub3A_3656 = arith.subf %sub3A_3654, %sub3A_3655 : vector<8x512xf32>
    %mul3A_3657 = arith.mulf %sub3A_3656, %sub3A_3647 : vector<8x512xf32>
    %sub3A_3658 = vector.broadcast %slice3A_3640 : vector<8x1xf32> to vector<8x512xf32>
    %sub3A_3659 = vector.broadcast %mul3A_46 : vector<1x512xf32> to vector<8x512xf32>
    %sub3A_3660 = arith.subf %sub3A_3658, %sub3A_3659 : vector<8x512xf32>
    %mul3A_3661 = arith.mulf %sub3A_3660, %sub3A_3650 : vector<8x512xf32>
    %add3A_3662 = arith.addf %mul3A_3657, %mul3A_3661 : vector<8x512xf32>
    %abs3A_3663 = math.absf %add3A_3662 : vector<8x512xf32>
    %div3A_3664 = arith.divf %abs3A_3663, %add3A_3653 : vector<8x512xf32>
    %mul3A_3665 = vector.broadcast %slice3A_3641 : vector<8x1xf32> to vector<8x512xf32>
    %mul3A_3666 = arith.mulf %sub3A_3647, %mul3A_3665 : vector<8x512xf32>
    %mul3A_3667 = vector.broadcast %slice3A_3642 : vector<8x1xf32> to vector<8x512xf32>
    %mul3A_3668 = arith.mulf %sub3A_3650, %mul3A_3667 : vector<8x512xf32>
    %add3A_3669 = arith.addf %mul3A_3666, %mul3A_3668 : vector<8x512xf32>
    %bitcast_convert_type3A_3670 = tpu.bitcast %sub3A_3647 : vector<8x512xf32> -> vector<8x512xi32>
    %bitcast_convert_type3A_3671 = tpu.bitcast %slice3A_3641 : vector<8x1xf32> -> vector<8x1xi32>
    %and3A_3672 = vector.broadcast %bitcast_convert_type3A_3671 : vector<8x1xi32> to vector<8x512xi32>
    %and3A_3673 = arith.andi %bitcast_convert_type3A_3670, %and3A_3672 : vector<8x512xi32>
    %bitcast_convert_type3A_3674 = tpu.bitcast %sub3A_3650 : vector<8x512xf32> -> vector<8x512xi32>
    %bitcast_convert_type3A_3675 = tpu.bitcast %slice3A_3642 : vector<8x1xf32> -> vector<8x1xi32>
    %xor3A_3676 = vector.broadcast %bitcast_convert_type3A_3675 : vector<8x1xi32> to vector<8x512xi32>
    %xor3A_3677 = arith.xori %bitcast_convert_type3A_3674, %xor3A_3676 : vector<8x512xi32>
    %and3A_3678 = arith.andi %and3A_3673, %xor3A_3677 : vector<8x512xi32>
    %and3A_3679 = arith.constant -2147483648 : i32
    %and3A_3680 = vector.broadcast %and3A_3679 : i32 to vector<8x512xi32>
    %and3A_3681 = arith.andi %and3A_3678, %and3A_3680 : vector<8x512xi32>
    %bitcast_convert_type3A_3682 = tpu.bitcast %add3A_3669 : vector<8x512xf32> -> vector<8x512xi32>
    %or3A_3683 = arith.ori %bitcast_convert_type3A_3682, %and3A_3681 : vector<8x512xi32>
    %bitcast_convert_type3A_3684 = tpu.bitcast %or3A_3683 : vector<8x512xi32> -> vector<8x512xf32>
    %mul3A_3685 = vector.broadcast %add3A_130 : vector<1x512xf32> to vector<8x512xf32>
    %mul3A_3686 = vector.broadcast %slice3A_3644 : vector<8x1xf32> to vector<8x512xf32>
    %mul3A_3687 = arith.mulf %mul3A_3685, %mul3A_3686 : vector<8x512xf32>
    %add3A_3688 = vector.broadcast %slice3A_3643 : vector<8x1xf32> to vector<8x512xf32>
    %add3A_3689 = arith.addf %mul3A_3687, %add3A_3688 : vector<8x512xf32>
    %gt3A_3690 = arith.constant 0.000000e+00 : f32
    %gt3A_3691 = vector.broadcast %gt3A_3690 : f32 to vector<8x512xf32>
    %gt3A_3692 = arith.cmpf ogt, %bitcast_convert_type3A_3684, %gt3A_3691 : vector<8x512xf32>
    %mul3A_3693 = arith.mulf %div3A_3664, %add3A_3689 : vector<8x512xf32>
    %jit3A_3694 = arith.constant 0.000000e+00 : f32
    %broadcast_in_dim3A_3695 = vector.broadcast %jit3A_3694 : f32 to vector<8x512xf32>
    %select_n3A_3696 = arith.select %gt3A_3692, %mul3A_3693, %broadcast_in_dim3A_3695 : vector<8x512xi1>, vector<8x512xf32>
    %swap3A_3697 = arith.constant 0 : index
    %swap3A_3698 = arith.constant 424 : index
    %swap3A_3699 = arith.constant 0 : index
    %swap3A_3700 = vector.load %arg7[%swap3A_3697, %swap3A_3698, %swap3A_3699] : memref<1x512x512xf32, #tpu.memory_space<vmem>>, vector<1x8x512xf32>
    %swap3A_3701 = vector.shape_cast %swap3A_3700 : vector<1x8x512xf32> to vector<8x512xf32>
    %swap3A_3702 = vector.shape_cast %select_n3A_3696 : vector<8x512xf32> to vector<1x8x512xf32>
    tpu.vector_store %arg7[%swap3A_3697, %swap3A_3698, %swap3A_3699], %swap3A_3702 {strides = array<i32>} : memref<1x512x512xf32, #tpu.memory_space<vmem>>, vector<1x8x512xf32>,
    %slice3A_3703 = vector.extract_strided_slice %transpose3A {offsets = [432, 0], sizes = [8, 1], strides = [1, 1]} : vector<512x8xf32> to vector<8x1xf32>
    %slice3A_3704 = vector.extract_strided_slice %transpose3A {offsets = [432, 1], sizes = [8, 1], strides = [1, 1]} : vector<512x8xf32> to vector<8x1xf32>
    %slice3A_3705 = vector.extract_strided_slice %transpose3A {offsets = [432, 2], sizes = [8, 1], strides = [1, 1]} : vector<512x8xf32> to vector<8x1xf32>
    %slice3A_3706 = vector.extract_strided_slice %transpose3A {offsets = [432, 3], sizes = [8, 1], strides = [1, 1]} : vector<512x8xf32> to vector<8x1xf32>
    %slice3A_3707 = vector.extract_strided_slice %transpose3A {offsets = [432, 4], sizes = [8, 1], strides = [1, 1]} : vector<512x8xf32> to vector<8x1xf32>
    %slice3A_3708 = vector.extract_strided_slice %transpose3A {offsets = [432, 5], sizes = [8, 1], strides = [1, 1]} : vector<512x8xf32> to vector<8x1xf32>
    %slice3A_3709 = vector.extract_strided_slice %transpose3A {offsets = [432, 6], sizes = [8, 1], strides = [1, 1]} : vector<512x8xf32> to vector<8x1xf32>
    %slice3A_3710 = vector.extract_strided_slice %transpose3A {offsets = [432, 7], sizes = [8, 1], strides = [1, 1]} : vector<512x8xf32> to vector<8x1xf32>
    %sub3A_3711 = vector.broadcast %get3A_3 : vector<1x512xf32> to vector<8x512xf32>
    %sub3A_3712 = vector.broadcast %slice3A_3703 : vector<8x1xf32> to vector<8x512xf32>
    %sub3A_3713 = arith.subf %sub3A_3711, %sub3A_3712 : vector<8x512xf32>
    %sub3A_3714 = vector.broadcast %get3A_13 : vector<1x512xf32> to vector<8x512xf32>
    %sub3A_3715 = vector.broadcast %slice3A_3704 : vector<8x1xf32> to vector<8x512xf32>
    %sub3A_3716 = arith.subf %sub3A_3714, %sub3A_3715 : vector<8x512xf32>
    %mul3A_3717 = arith.mulf %sub3A_3713, %sub3A_3713 : vector<8x512xf32>
    %mul3A_3718 = arith.mulf %sub3A_3716, %sub3A_3716 : vector<8x512xf32>
    %add3A_3719 = arith.addf %mul3A_3717, %mul3A_3718 : vector<8x512xf32>
    %sub3A_3720 = vector.broadcast %slice3A_3705 : vector<8x1xf32> to vector<8x512xf32>
    %sub3A_3721 = vector.broadcast %mul3A_45 : vector<1x512xf32> to vector<8x512xf32>
    %sub3A_3722 = arith.subf %sub3A_3720, %sub3A_3721 : vector<8x512xf32>
    %mul3A_3723 = arith.mulf %sub3A_3722, %sub3A_3713 : vector<8x512xf32>
    %sub3A_3724 = vector.broadcast %slice3A_3706 : vector<8x1xf32> to vector<8x512xf32>
    %sub3A_3725 = vector.broadcast %mul3A_46 : vector<1x512xf32> to vector<8x512xf32>
    %sub3A_3726 = arith.subf %sub3A_3724, %sub3A_3725 : vector<8x512xf32>
    %mul3A_3727 = arith.mulf %sub3A_3726, %sub3A_3716 : vector<8x512xf32>
    %add3A_3728 = arith.addf %mul3A_3723, %mul3A_3727 : vector<8x512xf32>
    %abs3A_3729 = math.absf %add3A_3728 : vector<8x512xf32>
    %div3A_3730 = arith.divf %abs3A_3729, %add3A_3719 : vector<8x512xf32>
    %mul3A_3731 = vector.broadcast %slice3A_3707 : vector<8x1xf32> to vector<8x512xf32>
    %mul3A_3732 = arith.mulf %sub3A_3713, %mul3A_3731 : vector<8x512xf32>
    %mul3A_3733 = vector.broadcast %slice3A_3708 : vector<8x1xf32> to vector<8x512xf32>
    %mul3A_3734 = arith.mulf %sub3A_3716, %mul3A_3733 : vector<8x512xf32>
    %add3A_3735 = arith.addf %mul3A_3732, %mul3A_3734 : vector<8x512xf32>
    %bitcast_convert_type3A_3736 = tpu.bitcast %sub3A_3713 : vector<8x512xf32> -> vector<8x512xi32>
    %bitcast_convert_type3A_3737 = tpu.bitcast %slice3A_3707 : vector<8x1xf32> -> vector<8x1xi32>
    %and3A_3738 = vector.broadcast %bitcast_convert_type3A_3737 : vector<8x1xi32> to vector<8x512xi32>
    %and3A_3739 = arith.andi %bitcast_convert_type3A_3736, %and3A_3738 : vector<8x512xi32>
    %bitcast_convert_type3A_3740 = tpu.bitcast %sub3A_3716 : vector<8x512xf32> -> vector<8x512xi32>
    %bitcast_convert_type3A_3741 = tpu.bitcast %slice3A_3708 : vector<8x1xf32> -> vector<8x1xi32>
    %xor3A_3742 = vector.broadcast %bitcast_convert_type3A_3741 : vector<8x1xi32> to vector<8x512xi32>
    %xor3A_3743 = arith.xori %bitcast_convert_type3A_3740, %xor3A_3742 : vector<8x512xi32>
    %and3A_3744 = arith.andi %and3A_3739, %xor3A_3743 : vector<8x512xi32>
    %and3A_3745 = arith.constant -2147483648 : i32
    %and3A_3746 = vector.broadcast %and3A_3745 : i32 to vector<8x512xi32>
    %and3A_3747 = arith.andi %and3A_3744, %and3A_3746 : vector<8x512xi32>
    %bitcast_convert_type3A_3748 = tpu.bitcast %add3A_3735 : vector<8x512xf32> -> vector<8x512xi32>
    %or3A_3749 = arith.ori %bitcast_convert_type3A_3748, %and3A_3747 : vector<8x512xi32>
    %bitcast_convert_type3A_3750 = tpu.bitcast %or3A_3749 : vector<8x512xi32> -> vector<8x512xf32>
    %mul3A_3751 = vector.broadcast %add3A_130 : vector<1x512xf32> to vector<8x512xf32>
    %mul3A_3752 = vector.broadcast %slice3A_3710 : vector<8x1xf32> to vector<8x512xf32>
    %mul3A_3753 = arith.mulf %mul3A_3751, %mul3A_3752 : vector<8x512xf32>
    %add3A_3754 = vector.broadcast %slice3A_3709 : vector<8x1xf32> to vector<8x512xf32>
    %add3A_3755 = arith.addf %mul3A_3753, %add3A_3754 : vector<8x512xf32>
    %gt3A_3756 = arith.constant 0.000000e+00 : f32
    %gt3A_3757 = vector.broadcast %gt3A_3756 : f32 to vector<8x512xf32>
    %gt3A_3758 = arith.cmpf ogt, %bitcast_convert_type3A_3750, %gt3A_3757 : vector<8x512xf32>
    %mul3A_3759 = arith.mulf %div3A_3730, %add3A_3755 : vector<8x512xf32>
    %jit3A_3760 = arith.constant 0.000000e+00 : f32
    %broadcast_in_dim3A_3761 = vector.broadcast %jit3A_3760 : f32 to vector<8x512xf32>
    %select_n3A_3762 = arith.select %gt3A_3758, %mul3A_3759, %broadcast_in_dim3A_3761 : vector<8x512xi1>, vector<8x512xf32>
    %swap3A_3763 = arith.constant 0 : index
    %swap3A_3764 = arith.constant 432 : index
    %swap3A_3765 = arith.constant 0 : index
    %swap3A_3766 = vector.load %arg7[%swap3A_3763, %swap3A_3764, %swap3A_3765] : memref<1x512x512xf32, #tpu.memory_space<vmem>>, vector<1x8x512xf32>
    %swap3A_3767 = vector.shape_cast %swap3A_3766 : vector<1x8x512xf32> to vector<8x512xf32>
    %swap3A_3768 = vector.shape_cast %select_n3A_3762 : vector<8x512xf32> to vector<1x8x512xf32>
    tpu.vector_store %arg7[%swap3A_3763, %swap3A_3764, %swap3A_3765], %swap3A_3768 {strides = array<i32>} : memref<1x512x512xf32, #tpu.memory_space<vmem>>, vector<1x8x512xf32>,
    %slice3A_3769 = vector.extract_strided_slice %transpose3A {offsets = [440, 0], sizes = [8, 1], strides = [1, 1]} : vector<512x8xf32> to vector<8x1xf32>
    %slice3A_3770 = vector.extract_strided_slice %transpose3A {offsets = [440, 1], sizes = [8, 1], strides = [1, 1]} : vector<512x8xf32> to vector<8x1xf32>
    %slice3A_3771 = vector.extract_strided_slice %transpose3A {offsets = [440, 2], sizes = [8, 1], strides = [1, 1]} : vector<512x8xf32> to vector<8x1xf32>
    %slice3A_3772 = vector.extract_strided_slice %transpose3A {offsets = [440, 3], sizes = [8, 1], strides = [1, 1]} : vector<512x8xf32> to vector<8x1xf32>
    %slice3A_3773 = vector.extract_strided_slice %transpose3A {offsets = [440, 4], sizes = [8, 1], strides = [1, 1]} : vector<512x8xf32> to vector<8x1xf32>
    %slice3A_3774 = vector.extract_strided_slice %transpose3A {offsets = [440, 5], sizes = [8, 1], strides = [1, 1]} : vector<512x8xf32> to vector<8x1xf32>
    %slice3A_3775 = vector.extract_strided_slice %transpose3A {offsets = [440, 6], sizes = [8, 1], strides = [1, 1]} : vector<512x8xf32> to vector<8x1xf32>
    %slice3A_3776 = vector.extract_strided_slice %transpose3A {offsets = [440, 7], sizes = [8, 1], strides = [1, 1]} : vector<512x8xf32> to vector<8x1xf32>
    %sub3A_3777 = vector.broadcast %get3A_3 : vector<1x512xf32> to vector<8x512xf32>
    %sub3A_3778 = vector.broadcast %slice3A_3769 : vector<8x1xf32> to vector<8x512xf32>
    %sub3A_3779 = arith.subf %sub3A_3777, %sub3A_3778 : vector<8x512xf32>
    %sub3A_3780 = vector.broadcast %get3A_13 : vector<1x512xf32> to vector<8x512xf32>
    %sub3A_3781 = vector.broadcast %slice3A_3770 : vector<8x1xf32> to vector<8x512xf32>
    %sub3A_3782 = arith.subf %sub3A_3780, %sub3A_3781 : vector<8x512xf32>
    %mul3A_3783 = arith.mulf %sub3A_3779, %sub3A_3779 : vector<8x512xf32>
    %mul3A_3784 = arith.mulf %sub3A_3782, %sub3A_3782 : vector<8x512xf32>
    %add3A_3785 = arith.addf %mul3A_3783, %mul3A_3784 : vector<8x512xf32>
    %sub3A_3786 = vector.broadcast %slice3A_3771 : vector<8x1xf32> to vector<8x512xf32>
    %sub3A_3787 = vector.broadcast %mul3A_45 : vector<1x512xf32> to vector<8x512xf32>
    %sub3A_3788 = arith.subf %sub3A_3786, %sub3A_3787 : vector<8x512xf32>
    %mul3A_3789 = arith.mulf %sub3A_3788, %sub3A_3779 : vector<8x512xf32>
    %sub3A_3790 = vector.broadcast %slice3A_3772 : vector<8x1xf32> to vector<8x512xf32>
    %sub3A_3791 = vector.broadcast %mul3A_46 : vector<1x512xf32> to vector<8x512xf32>
    %sub3A_3792 = arith.subf %sub3A_3790, %sub3A_3791 : vector<8x512xf32>
    %mul3A_3793 = arith.mulf %sub3A_3792, %sub3A_3782 : vector<8x512xf32>
    %add3A_3794 = arith.addf %mul3A_3789, %mul3A_3793 : vector<8x512xf32>
    %abs3A_3795 = math.absf %add3A_3794 : vector<8x512xf32>
    %div3A_3796 = arith.divf %abs3A_3795, %add3A_3785 : vector<8x512xf32>
    %mul3A_3797 = vector.broadcast %slice3A_3773 : vector<8x1xf32> to vector<8x512xf32>
    %mul3A_3798 = arith.mulf %sub3A_3779, %mul3A_3797 : vector<8x512xf32>
    %mul3A_3799 = vector.broadcast %slice3A_3774 : vector<8x1xf32> to vector<8x512xf32>
    %mul3A_3800 = arith.mulf %sub3A_3782, %mul3A_3799 : vector<8x512xf32>
    %add3A_3801 = arith.addf %mul3A_3798, %mul3A_3800 : vector<8x512xf32>
    %bitcast_convert_type3A_3802 = tpu.bitcast %sub3A_3779 : vector<8x512xf32> -> vector<8x512xi32>
    %bitcast_convert_type3A_3803 = tpu.bitcast %slice3A_3773 : vector<8x1xf32> -> vector<8x1xi32>
    %and3A_3804 = vector.broadcast %bitcast_convert_type3A_3803 : vector<8x1xi32> to vector<8x512xi32>
    %and3A_3805 = arith.andi %bitcast_convert_type3A_3802, %and3A_3804 : vector<8x512xi32>
    %bitcast_convert_type3A_3806 = tpu.bitcast %sub3A_3782 : vector<8x512xf32> -> vector<8x512xi32>
    %bitcast_convert_type3A_3807 = tpu.bitcast %slice3A_3774 : vector<8x1xf32> -> vector<8x1xi32>
    %xor3A_3808 = vector.broadcast %bitcast_convert_type3A_3807 : vector<8x1xi32> to vector<8x512xi32>
    %xor3A_3809 = arith.xori %bitcast_convert_type3A_3806, %xor3A_3808 : vector<8x512xi32>
    %and3A_3810 = arith.andi %and3A_3805, %xor3A_3809 : vector<8x512xi32>
    %and3A_3811 = arith.constant -2147483648 : i32
    %and3A_3812 = vector.broadcast %and3A_3811 : i32 to vector<8x512xi32>
    %and3A_3813 = arith.andi %and3A_3810, %and3A_3812 : vector<8x512xi32>
    %bitcast_convert_type3A_3814 = tpu.bitcast %add3A_3801 : vector<8x512xf32> -> vector<8x512xi32>
    %or3A_3815 = arith.ori %bitcast_convert_type3A_3814, %and3A_3813 : vector<8x512xi32>
    %bitcast_convert_type3A_3816 = tpu.bitcast %or3A_3815 : vector<8x512xi32> -> vector<8x512xf32>
    %mul3A_3817 = vector.broadcast %add3A_130 : vector<1x512xf32> to vector<8x512xf32>
    %mul3A_3818 = vector.broadcast %slice3A_3776 : vector<8x1xf32> to vector<8x512xf32>
    %mul3A_3819 = arith.mulf %mul3A_3817, %mul3A_3818 : vector<8x512xf32>
    %add3A_3820 = vector.broadcast %slice3A_3775 : vector<8x1xf32> to vector<8x512xf32>
    %add3A_3821 = arith.addf %mul3A_3819, %add3A_3820 : vector<8x512xf32>
    %gt3A_3822 = arith.constant 0.000000e+00 : f32
    %gt3A_3823 = vector.broadcast %gt3A_3822 : f32 to vector<8x512xf32>
    %gt3A_3824 = arith.cmpf ogt, %bitcast_convert_type3A_3816, %gt3A_3823 : vector<8x512xf32>
    %mul3A_3825 = arith.mulf %div3A_3796, %add3A_3821 : vector<8x512xf32>
    %jit3A_3826 = arith.constant 0.000000e+00 : f32
    %broadcast_in_dim3A_3827 = vector.broadcast %jit3A_3826 : f32 to vector<8x512xf32>
    %select_n3A_3828 = arith.select %gt3A_3824, %mul3A_3825, %broadcast_in_dim3A_3827 : vector<8x512xi1>, vector<8x512xf32>
    %swap3A_3829 = arith.constant 0 : index
    %swap3A_3830 = arith.constant 440 : index
    %swap3A_3831 = arith.constant 0 : index
    %swap3A_3832 = vector.load %arg7[%swap3A_3829, %swap3A_3830, %swap3A_3831] : memref<1x512x512xf32, #tpu.memory_space<vmem>>, vector<1x8x512xf32>
    %swap3A_3833 = vector.shape_cast %swap3A_3832 : vector<1x8x512xf32> to vector<8x512xf32>
    %swap3A_3834 = vector.shape_cast %select_n3A_3828 : vector<8x512xf32> to vector<1x8x512xf32>
    tpu.vector_store %arg7[%swap3A_3829, %swap3A_3830, %swap3A_3831], %swap3A_3834 {strides = array<i32>} : memref<1x512x512xf32, #tpu.memory_space<vmem>>, vector<1x8x512xf32>,
    %slice3A_3835 = vector.extract_strided_slice %transpose3A {offsets = [448, 0], sizes = [8, 1], strides = [1, 1]} : vector<512x8xf32> to vector<8x1xf32>
    %slice3A_3836 = vector.extract_strided_slice %transpose3A {offsets = [448, 1], sizes = [8, 1], strides = [1, 1]} : vector<512x8xf32> to vector<8x1xf32>
    %slice3A_3837 = vector.extract_strided_slice %transpose3A {offsets = [448, 2], sizes = [8, 1], strides = [1, 1]} : vector<512x8xf32> to vector<8x1xf32>
    %slice3A_3838 = vector.extract_strided_slice %transpose3A {offsets = [448, 3], sizes = [8, 1], strides = [1, 1]} : vector<512x8xf32> to vector<8x1xf32>
    %slice3A_3839 = vector.extract_strided_slice %transpose3A {offsets = [448, 4], sizes = [8, 1], strides = [1, 1]} : vector<512x8xf32> to vector<8x1xf32>
    %slice3A_3840 = vector.extract_strided_slice %transpose3A {offsets = [448, 5], sizes = [8, 1], strides = [1, 1]} : vector<512x8xf32> to vector<8x1xf32>
    %slice3A_3841 = vector.extract_strided_slice %transpose3A {offsets = [448, 6], sizes = [8, 1], strides = [1, 1]} : vector<512x8xf32> to vector<8x1xf32>
    %slice3A_3842 = vector.extract_strided_slice %transpose3A {offsets = [448, 7], sizes = [8, 1], strides = [1, 1]} : vector<512x8xf32> to vector<8x1xf32>
    %sub3A_3843 = vector.broadcast %get3A_3 : vector<1x512xf32> to vector<8x512xf32>
    %sub3A_3844 = vector.broadcast %slice3A_3835 : vector<8x1xf32> to vector<8x512xf32>
    %sub3A_3845 = arith.subf %sub3A_3843, %sub3A_3844 : vector<8x512xf32>
    %sub3A_3846 = vector.broadcast %get3A_13 : vector<1x512xf32> to vector<8x512xf32>
    %sub3A_3847 = vector.broadcast %slice3A_3836 : vector<8x1xf32> to vector<8x512xf32>
    %sub3A_3848 = arith.subf %sub3A_3846, %sub3A_3847 : vector<8x512xf32>
    %mul3A_3849 = arith.mulf %sub3A_3845, %sub3A_3845 : vector<8x512xf32>
    %mul3A_3850 = arith.mulf %sub3A_3848, %sub3A_3848 : vector<8x512xf32>
    %add3A_3851 = arith.addf %mul3A_3849, %mul3A_3850 : vector<8x512xf32>
    %sub3A_3852 = vector.broadcast %slice3A_3837 : vector<8x1xf32> to vector<8x512xf32>
    %sub3A_3853 = vector.broadcast %mul3A_45 : vector<1x512xf32> to vector<8x512xf32>
    %sub3A_3854 = arith.subf %sub3A_3852, %sub3A_3853 : vector<8x512xf32>
    %mul3A_3855 = arith.mulf %sub3A_3854, %sub3A_3845 : vector<8x512xf32>
    %sub3A_3856 = vector.broadcast %slice3A_3838 : vector<8x1xf32> to vector<8x512xf32>
    %sub3A_3857 = vector.broadcast %mul3A_46 : vector<1x512xf32> to vector<8x512xf32>
    %sub3A_3858 = arith.subf %sub3A_3856, %sub3A_3857 : vector<8x512xf32>
    %mul3A_3859 = arith.mulf %sub3A_3858, %sub3A_3848 : vector<8x512xf32>
    %add3A_3860 = arith.addf %mul3A_3855, %mul3A_3859 : vector<8x512xf32>
    %abs3A_3861 = math.absf %add3A_3860 : vector<8x512xf32>
    %div3A_3862 = arith.divf %abs3A_3861, %add3A_3851 : vector<8x512xf32>
    %mul3A_3863 = vector.broadcast %slice3A_3839 : vector<8x1xf32> to vector<8x512xf32>
    %mul3A_3864 = arith.mulf %sub3A_3845, %mul3A_3863 : vector<8x512xf32>
    %mul3A_3865 = vector.broadcast %slice3A_3840 : vector<8x1xf32> to vector<8x512xf32>
    %mul3A_3866 = arith.mulf %sub3A_3848, %mul3A_3865 : vector<8x512xf32>
    %add3A_3867 = arith.addf %mul3A_3864, %mul3A_3866 : vector<8x512xf32>
    %bitcast_convert_type3A_3868 = tpu.bitcast %sub3A_3845 : vector<8x512xf32> -> vector<8x512xi32>
    %bitcast_convert_type3A_3869 = tpu.bitcast %slice3A_3839 : vector<8x1xf32> -> vector<8x1xi32>
    %and3A_3870 = vector.broadcast %bitcast_convert_type3A_3869 : vector<8x1xi32> to vector<8x512xi32>
    %and3A_3871 = arith.andi %bitcast_convert_type3A_3868, %and3A_3870 : vector<8x512xi32>
    %bitcast_convert_type3A_3872 = tpu.bitcast %sub3A_3848 : vector<8x512xf32> -> vector<8x512xi32>
    %bitcast_convert_type3A_3873 = tpu.bitcast %slice3A_3840 : vector<8x1xf32> -> vector<8x1xi32>
    %xor3A_3874 = vector.broadcast %bitcast_convert_type3A_3873 : vector<8x1xi32> to vector<8x512xi32>
    %xor3A_3875 = arith.xori %bitcast_convert_type3A_3872, %xor3A_3874 : vector<8x512xi32>
    %and3A_3876 = arith.andi %and3A_3871, %xor3A_3875 : vector<8x512xi32>
    %and3A_3877 = arith.constant -2147483648 : i32
    %and3A_3878 = vector.broadcast %and3A_3877 : i32 to vector<8x512xi32>
    %and3A_3879 = arith.andi %and3A_3876, %and3A_3878 : vector<8x512xi32>
    %bitcast_convert_type3A_3880 = tpu.bitcast %add3A_3867 : vector<8x512xf32> -> vector<8x512xi32>
    %or3A_3881 = arith.ori %bitcast_convert_type3A_3880, %and3A_3879 : vector<8x512xi32>
    %bitcast_convert_type3A_3882 = tpu.bitcast %or3A_3881 : vector<8x512xi32> -> vector<8x512xf32>
    %mul3A_3883 = vector.broadcast %add3A_130 : vector<1x512xf32> to vector<8x512xf32>
    %mul3A_3884 = vector.broadcast %slice3A_3842 : vector<8x1xf32> to vector<8x512xf32>
    %mul3A_3885 = arith.mulf %mul3A_3883, %mul3A_3884 : vector<8x512xf32>
    %add3A_3886 = vector.broadcast %slice3A_3841 : vector<8x1xf32> to vector<8x512xf32>
    %add3A_3887 = arith.addf %mul3A_3885, %add3A_3886 : vector<8x512xf32>
    %gt3A_3888 = arith.constant 0.000000e+00 : f32
    %gt3A_3889 = vector.broadcast %gt3A_3888 : f32 to vector<8x512xf32>
    %gt3A_3890 = arith.cmpf ogt, %bitcast_convert_type3A_3882, %gt3A_3889 : vector<8x512xf32>
    %mul3A_3891 = arith.mulf %div3A_3862, %add3A_3887 : vector<8x512xf32>
    %jit3A_3892 = arith.constant 0.000000e+00 : f32
    %broadcast_in_dim3A_3893 = vector.broadcast %jit3A_3892 : f32 to vector<8x512xf32>
    %select_n3A_3894 = arith.select %gt3A_3890, %mul3A_3891, %broadcast_in_dim3A_3893 : vector<8x512xi1>, vector<8x512xf32>
    %swap3A_3895 = arith.constant 0 : index
    %swap3A_3896 = arith.constant 448 : index
    %swap3A_3897 = arith.constant 0 : index
    %swap3A_3898 = vector.load %arg7[%swap3A_3895, %swap3A_3896, %swap3A_3897] : memref<1x512x512xf32, #tpu.memory_space<vmem>>, vector<1x8x512xf32>
    %swap3A_3899 = vector.shape_cast %swap3A_3898 : vector<1x8x512xf32> to vector<8x512xf32>
    %swap3A_3900 = vector.shape_cast %select_n3A_3894 : vector<8x512xf32> to vector<1x8x512xf32>
    tpu.vector_store %arg7[%swap3A_3895, %swap3A_3896, %swap3A_3897], %swap3A_3900 {strides = array<i32>} : memref<1x512x512xf32, #tpu.memory_space<vmem>>, vector<1x8x512xf32>,
    %slice3A_3901 = vector.extract_strided_slice %transpose3A {offsets = [456, 0], sizes = [8, 1], strides = [1, 1]} : vector<512x8xf32> to vector<8x1xf32>
    %slice3A_3902 = vector.extract_strided_slice %transpose3A {offsets = [456, 1], sizes = [8, 1], strides = [1, 1]} : vector<512x8xf32> to vector<8x1xf32>
    %slice3A_3903 = vector.extract_strided_slice %transpose3A {offsets = [456, 2], sizes = [8, 1], strides = [1, 1]} : vector<512x8xf32> to vector<8x1xf32>
    %slice3A_3904 = vector.extract_strided_slice %transpose3A {offsets = [456, 3], sizes = [8, 1], strides = [1, 1]} : vector<512x8xf32> to vector<8x1xf32>
    %slice3A_3905 = vector.extract_strided_slice %transpose3A {offsets = [456, 4], sizes = [8, 1], strides = [1, 1]} : vector<512x8xf32> to vector<8x1xf32>
    %slice3A_3906 = vector.extract_strided_slice %transpose3A {offsets = [456, 5], sizes = [8, 1], strides = [1, 1]} : vector<512x8xf32> to vector<8x1xf32>
    %slice3A_3907 = vector.extract_strided_slice %transpose3A {offsets = [456, 6], sizes = [8, 1], strides = [1, 1]} : vector<512x8xf32> to vector<8x1xf32>
    %slice3A_3908 = vector.extract_strided_slice %transpose3A {offsets = [456, 7], sizes = [8, 1], strides = [1, 1]} : vector<512x8xf32> to vector<8x1xf32>
    %sub3A_3909 = vector.broadcast %get3A_3 : vector<1x512xf32> to vector<8x512xf32>
    %sub3A_3910 = vector.broadcast %slice3A_3901 : vector<8x1xf32> to vector<8x512xf32>
    %sub3A_3911 = arith.subf %sub3A_3909, %sub3A_3910 : vector<8x512xf32>
    %sub3A_3912 = vector.broadcast %get3A_13 : vector<1x512xf32> to vector<8x512xf32>
    %sub3A_3913 = vector.broadcast %slice3A_3902 : vector<8x1xf32> to vector<8x512xf32>
    %sub3A_3914 = arith.subf %sub3A_3912, %sub3A_3913 : vector<8x512xf32>
    %mul3A_3915 = arith.mulf %sub3A_3911, %sub3A_3911 : vector<8x512xf32>
    %mul3A_3916 = arith.mulf %sub3A_3914, %sub3A_3914 : vector<8x512xf32>
    %add3A_3917 = arith.addf %mul3A_3915, %mul3A_3916 : vector<8x512xf32>
    %sub3A_3918 = vector.broadcast %slice3A_3903 : vector<8x1xf32> to vector<8x512xf32>
    %sub3A_3919 = vector.broadcast %mul3A_45 : vector<1x512xf32> to vector<8x512xf32>
    %sub3A_3920 = arith.subf %sub3A_3918, %sub3A_3919 : vector<8x512xf32>
    %mul3A_3921 = arith.mulf %sub3A_3920, %sub3A_3911 : vector<8x512xf32>
    %sub3A_3922 = vector.broadcast %slice3A_3904 : vector<8x1xf32> to vector<8x512xf32>
    %sub3A_3923 = vector.broadcast %mul3A_46 : vector<1x512xf32> to vector<8x512xf32>
    %sub3A_3924 = arith.subf %sub3A_3922, %sub3A_3923 : vector<8x512xf32>
    %mul3A_3925 = arith.mulf %sub3A_3924, %sub3A_3914 : vector<8x512xf32>
    %add3A_3926 = arith.addf %mul3A_3921, %mul3A_3925 : vector<8x512xf32>
    %abs3A_3927 = math.absf %add3A_3926 : vector<8x512xf32>
    %div3A_3928 = arith.divf %abs3A_3927, %add3A_3917 : vector<8x512xf32>
    %mul3A_3929 = vector.broadcast %slice3A_3905 : vector<8x1xf32> to vector<8x512xf32>
    %mul3A_3930 = arith.mulf %sub3A_3911, %mul3A_3929 : vector<8x512xf32>
    %mul3A_3931 = vector.broadcast %slice3A_3906 : vector<8x1xf32> to vector<8x512xf32>
    %mul3A_3932 = arith.mulf %sub3A_3914, %mul3A_3931 : vector<8x512xf32>
    %add3A_3933 = arith.addf %mul3A_3930, %mul3A_3932 : vector<8x512xf32>
    %bitcast_convert_type3A_3934 = tpu.bitcast %sub3A_3911 : vector<8x512xf32> -> vector<8x512xi32>
    %bitcast_convert_type3A_3935 = tpu.bitcast %slice3A_3905 : vector<8x1xf32> -> vector<8x1xi32>
    %and3A_3936 = vector.broadcast %bitcast_convert_type3A_3935 : vector<8x1xi32> to vector<8x512xi32>
    %and3A_3937 = arith.andi %bitcast_convert_type3A_3934, %and3A_3936 : vector<8x512xi32>
    %bitcast_convert_type3A_3938 = tpu.bitcast %sub3A_3914 : vector<8x512xf32> -> vector<8x512xi32>
    %bitcast_convert_type3A_3939 = tpu.bitcast %slice3A_3906 : vector<8x1xf32> -> vector<8x1xi32>
    %xor3A_3940 = vector.broadcast %bitcast_convert_type3A_3939 : vector<8x1xi32> to vector<8x512xi32>
    %xor3A_3941 = arith.xori %bitcast_convert_type3A_3938, %xor3A_3940 : vector<8x512xi32>
    %and3A_3942 = arith.andi %and3A_3937, %xor3A_3941 : vector<8x512xi32>
    %and3A_3943 = arith.constant -2147483648 : i32
    %and3A_3944 = vector.broadcast %and3A_3943 : i32 to vector<8x512xi32>
    %and3A_3945 = arith.andi %and3A_3942, %and3A_3944 : vector<8x512xi32>
    %bitcast_convert_type3A_3946 = tpu.bitcast %add3A_3933 : vector<8x512xf32> -> vector<8x512xi32>
    %or3A_3947 = arith.ori %bitcast_convert_type3A_3946, %and3A_3945 : vector<8x512xi32>
    %bitcast_convert_type3A_3948 = tpu.bitcast %or3A_3947 : vector<8x512xi32> -> vector<8x512xf32>
    %mul3A_3949 = vector.broadcast %add3A_130 : vector<1x512xf32> to vector<8x512xf32>
    %mul3A_3950 = vector.broadcast %slice3A_3908 : vector<8x1xf32> to vector<8x512xf32>
    %mul3A_3951 = arith.mulf %mul3A_3949, %mul3A_3950 : vector<8x512xf32>
    %add3A_3952 = vector.broadcast %slice3A_3907 : vector<8x1xf32> to vector<8x512xf32>
    %add3A_3953 = arith.addf %mul3A_3951, %add3A_3952 : vector<8x512xf32>
    %gt3A_3954 = arith.constant 0.000000e+00 : f32
    %gt3A_3955 = vector.broadcast %gt3A_3954 : f32 to vector<8x512xf32>
    %gt3A_3956 = arith.cmpf ogt, %bitcast_convert_type3A_3948, %gt3A_3955 : vector<8x512xf32>
    %mul3A_3957 = arith.mulf %div3A_3928, %add3A_3953 : vector<8x512xf32>
    %jit3A_3958 = arith.constant 0.000000e+00 : f32
    %broadcast_in_dim3A_3959 = vector.broadcast %jit3A_3958 : f32 to vector<8x512xf32>
    %select_n3A_3960 = arith.select %gt3A_3956, %mul3A_3957, %broadcast_in_dim3A_3959 : vector<8x512xi1>, vector<8x512xf32>
    %swap3A_3961 = arith.constant 0 : index
    %swap3A_3962 = arith.constant 456 : index
    %swap3A_3963 = arith.constant 0 : index
    %swap3A_3964 = vector.load %arg7[%swap3A_3961, %swap3A_3962, %swap3A_3963] : memref<1x512x512xf32, #tpu.memory_space<vmem>>, vector<1x8x512xf32>
    %swap3A_3965 = vector.shape_cast %swap3A_3964 : vector<1x8x512xf32> to vector<8x512xf32>
    %swap3A_3966 = vector.shape_cast %select_n3A_3960 : vector<8x512xf32> to vector<1x8x512xf32>
    tpu.vector_store %arg7[%swap3A_3961, %swap3A_3962, %swap3A_3963], %swap3A_3966 {strides = array<i32>} : memref<1x512x512xf32, #tpu.memory_space<vmem>>, vector<1x8x512xf32>,
    %slice3A_3967 = vector.extract_strided_slice %transpose3A {offsets = [464, 0], sizes = [8, 1], strides = [1, 1]} : vector<512x8xf32> to vector<8x1xf32>
    %slice3A_3968 = vector.extract_strided_slice %transpose3A {offsets = [464, 1], sizes = [8, 1], strides = [1, 1]} : vector<512x8xf32> to vector<8x1xf32>
    %slice3A_3969 = vector.extract_strided_slice %transpose3A {offsets = [464, 2], sizes = [8, 1], strides = [1, 1]} : vector<512x8xf32> to vector<8x1xf32>
    %slice3A_3970 = vector.extract_strided_slice %transpose3A {offsets = [464, 3], sizes = [8, 1], strides = [1, 1]} : vector<512x8xf32> to vector<8x1xf32>
    %slice3A_3971 = vector.extract_strided_slice %transpose3A {offsets = [464, 4], sizes = [8, 1], strides = [1, 1]} : vector<512x8xf32> to vector<8x1xf32>
    %slice3A_3972 = vector.extract_strided_slice %transpose3A {offsets = [464, 5], sizes = [8, 1], strides = [1, 1]} : vector<512x8xf32> to vector<8x1xf32>
    %slice3A_3973 = vector.extract_strided_slice %transpose3A {offsets = [464, 6], sizes = [8, 1], strides = [1, 1]} : vector<512x8xf32> to vector<8x1xf32>
    %slice3A_3974 = vector.extract_strided_slice %transpose3A {offsets = [464, 7], sizes = [8, 1], strides = [1, 1]} : vector<512x8xf32> to vector<8x1xf32>
    %sub3A_3975 = vector.broadcast %get3A_3 : vector<1x512xf32> to vector<8x512xf32>
    %sub3A_3976 = vector.broadcast %slice3A_3967 : vector<8x1xf32> to vector<8x512xf32>
    %sub3A_3977 = arith.subf %sub3A_3975, %sub3A_3976 : vector<8x512xf32>
    %sub3A_3978 = vector.broadcast %get3A_13 : vector<1x512xf32> to vector<8x512xf32>
    %sub3A_3979 = vector.broadcast %slice3A_3968 : vector<8x1xf32> to vector<8x512xf32>
    %sub3A_3980 = arith.subf %sub3A_3978, %sub3A_3979 : vector<8x512xf32>
    %mul3A_3981 = arith.mulf %sub3A_3977, %sub3A_3977 : vector<8x512xf32>
    %mul3A_3982 = arith.mulf %sub3A_3980, %sub3A_3980 : vector<8x512xf32>
    %add3A_3983 = arith.addf %mul3A_3981, %mul3A_3982 : vector<8x512xf32>
    %sub3A_3984 = vector.broadcast %slice3A_3969 : vector<8x1xf32> to vector<8x512xf32>
    %sub3A_3985 = vector.broadcast %mul3A_45 : vector<1x512xf32> to vector<8x512xf32>
    %sub3A_3986 = arith.subf %sub3A_3984, %sub3A_3985 : vector<8x512xf32>
    %mul3A_3987 = arith.mulf %sub3A_3986, %sub3A_3977 : vector<8x512xf32>
    %sub3A_3988 = vector.broadcast %slice3A_3970 : vector<8x1xf32> to vector<8x512xf32>
    %sub3A_3989 = vector.broadcast %mul3A_46 : vector<1x512xf32> to vector<8x512xf32>
    %sub3A_3990 = arith.subf %sub3A_3988, %sub3A_3989 : vector<8x512xf32>
    %mul3A_3991 = arith.mulf %sub3A_3990, %sub3A_3980 : vector<8x512xf32>
    %add3A_3992 = arith.addf %mul3A_3987, %mul3A_3991 : vector<8x512xf32>
    %abs3A_3993 = math.absf %add3A_3992 : vector<8x512xf32>
    %div3A_3994 = arith.divf %abs3A_3993, %add3A_3983 : vector<8x512xf32>
    %mul3A_3995 = vector.broadcast %slice3A_3971 : vector<8x1xf32> to vector<8x512xf32>
    %mul3A_3996 = arith.mulf %sub3A_3977, %mul3A_3995 : vector<8x512xf32>
    %mul3A_3997 = vector.broadcast %slice3A_3972 : vector<8x1xf32> to vector<8x512xf32>
    %mul3A_3998 = arith.mulf %sub3A_3980, %mul3A_3997 : vector<8x512xf32>
    %add3A_3999 = arith.addf %mul3A_3996, %mul3A_3998 : vector<8x512xf32>
    %bitcast_convert_type3A_4000 = tpu.bitcast %sub3A_3977 : vector<8x512xf32> -> vector<8x512xi32>
    %bitcast_convert_type3A_4001 = tpu.bitcast %slice3A_3971 : vector<8x1xf32> -> vector<8x1xi32>
    %and3A_4002 = vector.broadcast %bitcast_convert_type3A_4001 : vector<8x1xi32> to vector<8x512xi32>
    %and3A_4003 = arith.andi %bitcast_convert_type3A_4000, %and3A_4002 : vector<8x512xi32>
    %bitcast_convert_type3A_4004 = tpu.bitcast %sub3A_3980 : vector<8x512xf32> -> vector<8x512xi32>
    %bitcast_convert_type3A_4005 = tpu.bitcast %slice3A_3972 : vector<8x1xf32> -> vector<8x1xi32>
    %xor3A_4006 = vector.broadcast %bitcast_convert_type3A_4005 : vector<8x1xi32> to vector<8x512xi32>
    %xor3A_4007 = arith.xori %bitcast_convert_type3A_4004, %xor3A_4006 : vector<8x512xi32>
    %and3A_4008 = arith.andi %and3A_4003, %xor3A_4007 : vector<8x512xi32>
    %and3A_4009 = arith.constant -2147483648 : i32
    %and3A_4010 = vector.broadcast %and3A_4009 : i32 to vector<8x512xi32>
    %and3A_4011 = arith.andi %and3A_4008, %and3A_4010 : vector<8x512xi32>
    %bitcast_convert_type3A_4012 = tpu.bitcast %add3A_3999 : vector<8x512xf32> -> vector<8x512xi32>
    %or3A_4013 = arith.ori %bitcast_convert_type3A_4012, %and3A_4011 : vector<8x512xi32>
    %bitcast_convert_type3A_4014 = tpu.bitcast %or3A_4013 : vector<8x512xi32> -> vector<8x512xf32>
    %mul3A_4015 = vector.broadcast %add3A_130 : vector<1x512xf32> to vector<8x512xf32>
    %mul3A_4016 = vector.broadcast %slice3A_3974 : vector<8x1xf32> to vector<8x512xf32>
    %mul3A_4017 = arith.mulf %mul3A_4015, %mul3A_4016 : vector<8x512xf32>
    %add3A_4018 = vector.broadcast %slice3A_3973 : vector<8x1xf32> to vector<8x512xf32>
    %add3A_4019 = arith.addf %mul3A_4017, %add3A_4018 : vector<8x512xf32>
    %gt3A_4020 = arith.constant 0.000000e+00 : f32
    %gt3A_4021 = vector.broadcast %gt3A_4020 : f32 to vector<8x512xf32>
    %gt3A_4022 = arith.cmpf ogt, %bitcast_convert_type3A_4014, %gt3A_4021 : vector<8x512xf32>
    %mul3A_4023 = arith.mulf %div3A_3994, %add3A_4019 : vector<8x512xf32>
    %jit3A_4024 = arith.constant 0.000000e+00 : f32
    %broadcast_in_dim3A_4025 = vector.broadcast %jit3A_4024 : f32 to vector<8x512xf32>
    %select_n3A_4026 = arith.select %gt3A_4022, %mul3A_4023, %broadcast_in_dim3A_4025 : vector<8x512xi1>, vector<8x512xf32>
    %swap3A_4027 = arith.constant 0 : index
    %swap3A_4028 = arith.constant 464 : index
    %swap3A_4029 = arith.constant 0 : index
    %swap3A_4030 = vector.load %arg7[%swap3A_4027, %swap3A_4028, %swap3A_4029] : memref<1x512x512xf32, #tpu.memory_space<vmem>>, vector<1x8x512xf32>
    %swap3A_4031 = vector.shape_cast %swap3A_4030 : vector<1x8x512xf32> to vector<8x512xf32>
    %swap3A_4032 = vector.shape_cast %select_n3A_4026 : vector<8x512xf32> to vector<1x8x512xf32>
    tpu.vector_store %arg7[%swap3A_4027, %swap3A_4028, %swap3A_4029], %swap3A_4032 {strides = array<i32>} : memref<1x512x512xf32, #tpu.memory_space<vmem>>, vector<1x8x512xf32>,
    %slice3A_4033 = vector.extract_strided_slice %transpose3A {offsets = [472, 0], sizes = [8, 1], strides = [1, 1]} : vector<512x8xf32> to vector<8x1xf32>
    %slice3A_4034 = vector.extract_strided_slice %transpose3A {offsets = [472, 1], sizes = [8, 1], strides = [1, 1]} : vector<512x8xf32> to vector<8x1xf32>
    %slice3A_4035 = vector.extract_strided_slice %transpose3A {offsets = [472, 2], sizes = [8, 1], strides = [1, 1]} : vector<512x8xf32> to vector<8x1xf32>
    %slice3A_4036 = vector.extract_strided_slice %transpose3A {offsets = [472, 3], sizes = [8, 1], strides = [1, 1]} : vector<512x8xf32> to vector<8x1xf32>
    %slice3A_4037 = vector.extract_strided_slice %transpose3A {offsets = [472, 4], sizes = [8, 1], strides = [1, 1]} : vector<512x8xf32> to vector<8x1xf32>
    %slice3A_4038 = vector.extract_strided_slice %transpose3A {offsets = [472, 5], sizes = [8, 1], strides = [1, 1]} : vector<512x8xf32> to vector<8x1xf32>
    %slice3A_4039 = vector.extract_strided_slice %transpose3A {offsets = [472, 6], sizes = [8, 1], strides = [1, 1]} : vector<512x8xf32> to vector<8x1xf32>
    %slice3A_4040 = vector.extract_strided_slice %transpose3A {offsets = [472, 7], sizes = [8, 1], strides = [1, 1]} : vector<512x8xf32> to vector<8x1xf32>
    %sub3A_4041 = vector.broadcast %get3A_3 : vector<1x512xf32> to vector<8x512xf32>
    %sub3A_4042 = vector.broadcast %slice3A_4033 : vector<8x1xf32> to vector<8x512xf32>
    %sub3A_4043 = arith.subf %sub3A_4041, %sub3A_4042 : vector<8x512xf32>
    %sub3A_4044 = vector.broadcast %get3A_13 : vector<1x512xf32> to vector<8x512xf32>
    %sub3A_4045 = vector.broadcast %slice3A_4034 : vector<8x1xf32> to vector<8x512xf32>
    %sub3A_4046 = arith.subf %sub3A_4044, %sub3A_4045 : vector<8x512xf32>
    %mul3A_4047 = arith.mulf %sub3A_4043, %sub3A_4043 : vector<8x512xf32>
    %mul3A_4048 = arith.mulf %sub3A_4046, %sub3A_4046 : vector<8x512xf32>
    %add3A_4049 = arith.addf %mul3A_4047, %mul3A_4048 : vector<8x512xf32>
    %sub3A_4050 = vector.broadcast %slice3A_4035 : vector<8x1xf32> to vector<8x512xf32>
    %sub3A_4051 = vector.broadcast %mul3A_45 : vector<1x512xf32> to vector<8x512xf32>
    %sub3A_4052 = arith.subf %sub3A_4050, %sub3A_4051 : vector<8x512xf32>
    %mul3A_4053 = arith.mulf %sub3A_4052, %sub3A_4043 : vector<8x512xf32>
    %sub3A_4054 = vector.broadcast %slice3A_4036 : vector<8x1xf32> to vector<8x512xf32>
    %sub3A_4055 = vector.broadcast %mul3A_46 : vector<1x512xf32> to vector<8x512xf32>
    %sub3A_4056 = arith.subf %sub3A_4054, %sub3A_4055 : vector<8x512xf32>
    %mul3A_4057 = arith.mulf %sub3A_4056, %sub3A_4046 : vector<8x512xf32>
    %add3A_4058 = arith.addf %mul3A_4053, %mul3A_4057 : vector<8x512xf32>
    %abs3A_4059 = math.absf %add3A_4058 : vector<8x512xf32>
    %div3A_4060 = arith.divf %abs3A_4059, %add3A_4049 : vector<8x512xf32>
    %mul3A_4061 = vector.broadcast %slice3A_4037 : vector<8x1xf32> to vector<8x512xf32>
    %mul3A_4062 = arith.mulf %sub3A_4043, %mul3A_4061 : vector<8x512xf32>
    %mul3A_4063 = vector.broadcast %slice3A_4038 : vector<8x1xf32> to vector<8x512xf32>
    %mul3A_4064 = arith.mulf %sub3A_4046, %mul3A_4063 : vector<8x512xf32>
    %add3A_4065 = arith.addf %mul3A_4062, %mul3A_4064 : vector<8x512xf32>
    %bitcast_convert_type3A_4066 = tpu.bitcast %sub3A_4043 : vector<8x512xf32> -> vector<8x512xi32>
    %bitcast_convert_type3A_4067 = tpu.bitcast %slice3A_4037 : vector<8x1xf32> -> vector<8x1xi32>
    %and3A_4068 = vector.broadcast %bitcast_convert_type3A_4067 : vector<8x1xi32> to vector<8x512xi32>
    %and3A_4069 = arith.andi %bitcast_convert_type3A_4066, %and3A_4068 : vector<8x512xi32>
    %bitcast_convert_type3A_4070 = tpu.bitcast %sub3A_4046 : vector<8x512xf32> -> vector<8x512xi32>
    %bitcast_convert_type3A_4071 = tpu.bitcast %slice3A_4038 : vector<8x1xf32> -> vector<8x1xi32>
    %xor3A_4072 = vector.broadcast %bitcast_convert_type3A_4071 : vector<8x1xi32> to vector<8x512xi32>
    %xor3A_4073 = arith.xori %bitcast_convert_type3A_4070, %xor3A_4072 : vector<8x512xi32>
    %and3A_4074 = arith.andi %and3A_4069, %xor3A_4073 : vector<8x512xi32>
    %and3A_4075 = arith.constant -2147483648 : i32
    %and3A_4076 = vector.broadcast %and3A_4075 : i32 to vector<8x512xi32>
    %and3A_4077 = arith.andi %and3A_4074, %and3A_4076 : vector<8x512xi32>
    %bitcast_convert_type3A_4078 = tpu.bitcast %add3A_4065 : vector<8x512xf32> -> vector<8x512xi32>
    %or3A_4079 = arith.ori %bitcast_convert_type3A_4078, %and3A_4077 : vector<8x512xi32>
    %bitcast_convert_type3A_4080 = tpu.bitcast %or3A_4079 : vector<8x512xi32> -> vector<8x512xf32>
    %mul3A_4081 = vector.broadcast %add3A_130 : vector<1x512xf32> to vector<8x512xf32>
    %mul3A_4082 = vector.broadcast %slice3A_4040 : vector<8x1xf32> to vector<8x512xf32>
    %mul3A_4083 = arith.mulf %mul3A_4081, %mul3A_4082 : vector<8x512xf32>
    %add3A_4084 = vector.broadcast %slice3A_4039 : vector<8x1xf32> to vector<8x512xf32>
    %add3A_4085 = arith.addf %mul3A_4083, %add3A_4084 : vector<8x512xf32>
    %gt3A_4086 = arith.constant 0.000000e+00 : f32
    %gt3A_4087 = vector.broadcast %gt3A_4086 : f32 to vector<8x512xf32>
    %gt3A_4088 = arith.cmpf ogt, %bitcast_convert_type3A_4080, %gt3A_4087 : vector<8x512xf32>
    %mul3A_4089 = arith.mulf %div3A_4060, %add3A_4085 : vector<8x512xf32>
    %jit3A_4090 = arith.constant 0.000000e+00 : f32
    %broadcast_in_dim3A_4091 = vector.broadcast %jit3A_4090 : f32 to vector<8x512xf32>
    %select_n3A_4092 = arith.select %gt3A_4088, %mul3A_4089, %broadcast_in_dim3A_4091 : vector<8x512xi1>, vector<8x512xf32>
    %swap3A_4093 = arith.constant 0 : index
    %swap3A_4094 = arith.constant 472 : index
    %swap3A_4095 = arith.constant 0 : index
    %swap3A_4096 = vector.load %arg7[%swap3A_4093, %swap3A_4094, %swap3A_4095] : memref<1x512x512xf32, #tpu.memory_space<vmem>>, vector<1x8x512xf32>
    %swap3A_4097 = vector.shape_cast %swap3A_4096 : vector<1x8x512xf32> to vector<8x512xf32>
    %swap3A_4098 = vector.shape_cast %select_n3A_4092 : vector<8x512xf32> to vector<1x8x512xf32>
    tpu.vector_store %arg7[%swap3A_4093, %swap3A_4094, %swap3A_4095], %swap3A_4098 {strides = array<i32>} : memref<1x512x512xf32, #tpu.memory_space<vmem>>, vector<1x8x512xf32>,
    %slice3A_4099 = vector.extract_strided_slice %transpose3A {offsets = [480, 0], sizes = [8, 1], strides = [1, 1]} : vector<512x8xf32> to vector<8x1xf32>
    %slice3A_4100 = vector.extract_strided_slice %transpose3A {offsets = [480, 1], sizes = [8, 1], strides = [1, 1]} : vector<512x8xf32> to vector<8x1xf32>
    %slice3A_4101 = vector.extract_strided_slice %transpose3A {offsets = [480, 2], sizes = [8, 1], strides = [1, 1]} : vector<512x8xf32> to vector<8x1xf32>
    %slice3A_4102 = vector.extract_strided_slice %transpose3A {offsets = [480, 3], sizes = [8, 1], strides = [1, 1]} : vector<512x8xf32> to vector<8x1xf32>
    %slice3A_4103 = vector.extract_strided_slice %transpose3A {offsets = [480, 4], sizes = [8, 1], strides = [1, 1]} : vector<512x8xf32> to vector<8x1xf32>
    %slice3A_4104 = vector.extract_strided_slice %transpose3A {offsets = [480, 5], sizes = [8, 1], strides = [1, 1]} : vector<512x8xf32> to vector<8x1xf32>
    %slice3A_4105 = vector.extract_strided_slice %transpose3A {offsets = [480, 6], sizes = [8, 1], strides = [1, 1]} : vector<512x8xf32> to vector<8x1xf32>
    %slice3A_4106 = vector.extract_strided_slice %transpose3A {offsets = [480, 7], sizes = [8, 1], strides = [1, 1]} : vector<512x8xf32> to vector<8x1xf32>
    %sub3A_4107 = vector.broadcast %get3A_3 : vector<1x512xf32> to vector<8x512xf32>
    %sub3A_4108 = vector.broadcast %slice3A_4099 : vector<8x1xf32> to vector<8x512xf32>
    %sub3A_4109 = arith.subf %sub3A_4107, %sub3A_4108 : vector<8x512xf32>
    %sub3A_4110 = vector.broadcast %get3A_13 : vector<1x512xf32> to vector<8x512xf32>
    %sub3A_4111 = vector.broadcast %slice3A_4100 : vector<8x1xf32> to vector<8x512xf32>
    %sub3A_4112 = arith.subf %sub3A_4110, %sub3A_4111 : vector<8x512xf32>
    %mul3A_4113 = arith.mulf %sub3A_4109, %sub3A_4109 : vector<8x512xf32>
    %mul3A_4114 = arith.mulf %sub3A_4112, %sub3A_4112 : vector<8x512xf32>
    %add3A_4115 = arith.addf %mul3A_4113, %mul3A_4114 : vector<8x512xf32>
    %sub3A_4116 = vector.broadcast %slice3A_4101 : vector<8x1xf32> to vector<8x512xf32>
    %sub3A_4117 = vector.broadcast %mul3A_45 : vector<1x512xf32> to vector<8x512xf32>
    %sub3A_4118 = arith.subf %sub3A_4116, %sub3A_4117 : vector<8x512xf32>
    %mul3A_4119 = arith.mulf %sub3A_4118, %sub3A_4109 : vector<8x512xf32>
    %sub3A_4120 = vector.broadcast %slice3A_4102 : vector<8x1xf32> to vector<8x512xf32>
    %sub3A_4121 = vector.broadcast %mul3A_46 : vector<1x512xf32> to vector<8x512xf32>
    %sub3A_4122 = arith.subf %sub3A_4120, %sub3A_4121 : vector<8x512xf32>
    %mul3A_4123 = arith.mulf %sub3A_4122, %sub3A_4112 : vector<8x512xf32>
    %add3A_4124 = arith.addf %mul3A_4119, %mul3A_4123 : vector<8x512xf32>
    %abs3A_4125 = math.absf %add3A_4124 : vector<8x512xf32>
    %div3A_4126 = arith.divf %abs3A_4125, %add3A_4115 : vector<8x512xf32>
    %mul3A_4127 = vector.broadcast %slice3A_4103 : vector<8x1xf32> to vector<8x512xf32>
    %mul3A_4128 = arith.mulf %sub3A_4109, %mul3A_4127 : vector<8x512xf32>
    %mul3A_4129 = vector.broadcast %slice3A_4104 : vector<8x1xf32> to vector<8x512xf32>
    %mul3A_4130 = arith.mulf %sub3A_4112, %mul3A_4129 : vector<8x512xf32>
    %add3A_4131 = arith.addf %mul3A_4128, %mul3A_4130 : vector<8x512xf32>
    %bitcast_convert_type3A_4132 = tpu.bitcast %sub3A_4109 : vector<8x512xf32> -> vector<8x512xi32>
    %bitcast_convert_type3A_4133 = tpu.bitcast %slice3A_4103 : vector<8x1xf32> -> vector<8x1xi32>
    %and3A_4134 = vector.broadcast %bitcast_convert_type3A_4133 : vector<8x1xi32> to vector<8x512xi32>
    %and3A_4135 = arith.andi %bitcast_convert_type3A_4132, %and3A_4134 : vector<8x512xi32>
    %bitcast_convert_type3A_4136 = tpu.bitcast %sub3A_4112 : vector<8x512xf32> -> vector<8x512xi32>
    %bitcast_convert_type3A_4137 = tpu.bitcast %slice3A_4104 : vector<8x1xf32> -> vector<8x1xi32>
    %xor3A_4138 = vector.broadcast %bitcast_convert_type3A_4137 : vector<8x1xi32> to vector<8x512xi32>
    %xor3A_4139 = arith.xori %bitcast_convert_type3A_4136, %xor3A_4138 : vector<8x512xi32>
    %and3A_4140 = arith.andi %and3A_4135, %xor3A_4139 : vector<8x512xi32>
    %and3A_4141 = arith.constant -2147483648 : i32
    %and3A_4142 = vector.broadcast %and3A_4141 : i32 to vector<8x512xi32>
    %and3A_4143 = arith.andi %and3A_4140, %and3A_4142 : vector<8x512xi32>
    %bitcast_convert_type3A_4144 = tpu.bitcast %add3A_4131 : vector<8x512xf32> -> vector<8x512xi32>
    %or3A_4145 = arith.ori %bitcast_convert_type3A_4144, %and3A_4143 : vector<8x512xi32>
    %bitcast_convert_type3A_4146 = tpu.bitcast %or3A_4145 : vector<8x512xi32> -> vector<8x512xf32>
    %mul3A_4147 = vector.broadcast %add3A_130 : vector<1x512xf32> to vector<8x512xf32>
    %mul3A_4148 = vector.broadcast %slice3A_4106 : vector<8x1xf32> to vector<8x512xf32>
    %mul3A_4149 = arith.mulf %mul3A_4147, %mul3A_4148 : vector<8x512xf32>
    %add3A_4150 = vector.broadcast %slice3A_4105 : vector<8x1xf32> to vector<8x512xf32>
    %add3A_4151 = arith.addf %mul3A_4149, %add3A_4150 : vector<8x512xf32>
    %gt3A_4152 = arith.constant 0.000000e+00 : f32
    %gt3A_4153 = vector.broadcast %gt3A_4152 : f32 to vector<8x512xf32>
    %gt3A_4154 = arith.cmpf ogt, %bitcast_convert_type3A_4146, %gt3A_4153 : vector<8x512xf32>
    %mul3A_4155 = arith.mulf %div3A_4126, %add3A_4151 : vector<8x512xf32>
    %jit3A_4156 = arith.constant 0.000000e+00 : f32
    %broadcast_in_dim3A_4157 = vector.broadcast %jit3A_4156 : f32 to vector<8x512xf32>
    %select_n3A_4158 = arith.select %gt3A_4154, %mul3A_4155, %broadcast_in_dim3A_4157 : vector<8x512xi1>, vector<8x512xf32>
    %swap3A_4159 = arith.constant 0 : index
    %swap3A_4160 = arith.constant 480 : index
    %swap3A_4161 = arith.constant 0 : index
    %swap3A_4162 = vector.load %arg7[%swap3A_4159, %swap3A_4160, %swap3A_4161] : memref<1x512x512xf32, #tpu.memory_space<vmem>>, vector<1x8x512xf32>
    %swap3A_4163 = vector.shape_cast %swap3A_4162 : vector<1x8x512xf32> to vector<8x512xf32>
    %swap3A_4164 = vector.shape_cast %select_n3A_4158 : vector<8x512xf32> to vector<1x8x512xf32>
    tpu.vector_store %arg7[%swap3A_4159, %swap3A_4160, %swap3A_4161], %swap3A_4164 {strides = array<i32>} : memref<1x512x512xf32, #tpu.memory_space<vmem>>, vector<1x8x512xf32>,
    %slice3A_4165 = vector.extract_strided_slice %transpose3A {offsets = [488, 0], sizes = [8, 1], strides = [1, 1]} : vector<512x8xf32> to vector<8x1xf32>
    %slice3A_4166 = vector.extract_strided_slice %transpose3A {offsets = [488, 1], sizes = [8, 1], strides = [1, 1]} : vector<512x8xf32> to vector<8x1xf32>
    %slice3A_4167 = vector.extract_strided_slice %transpose3A {offsets = [488, 2], sizes = [8, 1], strides = [1, 1]} : vector<512x8xf32> to vector<8x1xf32>
    %slice3A_4168 = vector.extract_strided_slice %transpose3A {offsets = [488, 3], sizes = [8, 1], strides = [1, 1]} : vector<512x8xf32> to vector<8x1xf32>
    %slice3A_4169 = vector.extract_strided_slice %transpose3A {offsets = [488, 4], sizes = [8, 1], strides = [1, 1]} : vector<512x8xf32> to vector<8x1xf32>
    %slice3A_4170 = vector.extract_strided_slice %transpose3A {offsets = [488, 5], sizes = [8, 1], strides = [1, 1]} : vector<512x8xf32> to vector<8x1xf32>
    %slice3A_4171 = vector.extract_strided_slice %transpose3A {offsets = [488, 6], sizes = [8, 1], strides = [1, 1]} : vector<512x8xf32> to vector<8x1xf32>
    %slice3A_4172 = vector.extract_strided_slice %transpose3A {offsets = [488, 7], sizes = [8, 1], strides = [1, 1]} : vector<512x8xf32> to vector<8x1xf32>
    %sub3A_4173 = vector.broadcast %get3A_3 : vector<1x512xf32> to vector<8x512xf32>
    %sub3A_4174 = vector.broadcast %slice3A_4165 : vector<8x1xf32> to vector<8x512xf32>
    %sub3A_4175 = arith.subf %sub3A_4173, %sub3A_4174 : vector<8x512xf32>
    %sub3A_4176 = vector.broadcast %get3A_13 : vector<1x512xf32> to vector<8x512xf32>
    %sub3A_4177 = vector.broadcast %slice3A_4166 : vector<8x1xf32> to vector<8x512xf32>
    %sub3A_4178 = arith.subf %sub3A_4176, %sub3A_4177 : vector<8x512xf32>
    %mul3A_4179 = arith.mulf %sub3A_4175, %sub3A_4175 : vector<8x512xf32>
    %mul3A_4180 = arith.mulf %sub3A_4178, %sub3A_4178 : vector<8x512xf32>
    %add3A_4181 = arith.addf %mul3A_4179, %mul3A_4180 : vector<8x512xf32>
    %sub3A_4182 = vector.broadcast %slice3A_4167 : vector<8x1xf32> to vector<8x512xf32>
    %sub3A_4183 = vector.broadcast %mul3A_45 : vector<1x512xf32> to vector<8x512xf32>
    %sub3A_4184 = arith.subf %sub3A_4182, %sub3A_4183 : vector<8x512xf32>
    %mul3A_4185 = arith.mulf %sub3A_4184, %sub3A_4175 : vector<8x512xf32>
    %sub3A_4186 = vector.broadcast %slice3A_4168 : vector<8x1xf32> to vector<8x512xf32>
    %sub3A_4187 = vector.broadcast %mul3A_46 : vector<1x512xf32> to vector<8x512xf32>
    %sub3A_4188 = arith.subf %sub3A_4186, %sub3A_4187 : vector<8x512xf32>
    %mul3A_4189 = arith.mulf %sub3A_4188, %sub3A_4178 : vector<8x512xf32>
    %add3A_4190 = arith.addf %mul3A_4185, %mul3A_4189 : vector<8x512xf32>
    %abs3A_4191 = math.absf %add3A_4190 : vector<8x512xf32>
    %div3A_4192 = arith.divf %abs3A_4191, %add3A_4181 : vector<8x512xf32>
    %mul3A_4193 = vector.broadcast %slice3A_4169 : vector<8x1xf32> to vector<8x512xf32>
    %mul3A_4194 = arith.mulf %sub3A_4175, %mul3A_4193 : vector<8x512xf32>
    %mul3A_4195 = vector.broadcast %slice3A_4170 : vector<8x1xf32> to vector<8x512xf32>
    %mul3A_4196 = arith.mulf %sub3A_4178, %mul3A_4195 : vector<8x512xf32>
    %add3A_4197 = arith.addf %mul3A_4194, %mul3A_4196 : vector<8x512xf32>
    %bitcast_convert_type3A_4198 = tpu.bitcast %sub3A_4175 : vector<8x512xf32> -> vector<8x512xi32>
    %bitcast_convert_type3A_4199 = tpu.bitcast %slice3A_4169 : vector<8x1xf32> -> vector<8x1xi32>
    %and3A_4200 = vector.broadcast %bitcast_convert_type3A_4199 : vector<8x1xi32> to vector<8x512xi32>
    %and3A_4201 = arith.andi %bitcast_convert_type3A_4198, %and3A_4200 : vector<8x512xi32>
    %bitcast_convert_type3A_4202 = tpu.bitcast %sub3A_4178 : vector<8x512xf32> -> vector<8x512xi32>
    %bitcast_convert_type3A_4203 = tpu.bitcast %slice3A_4170 : vector<8x1xf32> -> vector<8x1xi32>
    %xor3A_4204 = vector.broadcast %bitcast_convert_type3A_4203 : vector<8x1xi32> to vector<8x512xi32>
    %xor3A_4205 = arith.xori %bitcast_convert_type3A_4202, %xor3A_4204 : vector<8x512xi32>
    %and3A_4206 = arith.andi %and3A_4201, %xor3A_4205 : vector<8x512xi32>
    %and3A_4207 = arith.constant -2147483648 : i32
    %and3A_4208 = vector.broadcast %and3A_4207 : i32 to vector<8x512xi32>
    %and3A_4209 = arith.andi %and3A_4206, %and3A_4208 : vector<8x512xi32>
    %bitcast_convert_type3A_4210 = tpu.bitcast %add3A_4197 : vector<8x512xf32> -> vector<8x512xi32>
    %or3A_4211 = arith.ori %bitcast_convert_type3A_4210, %and3A_4209 : vector<8x512xi32>
    %bitcast_convert_type3A_4212 = tpu.bitcast %or3A_4211 : vector<8x512xi32> -> vector<8x512xf32>
    %mul3A_4213 = vector.broadcast %add3A_130 : vector<1x512xf32> to vector<8x512xf32>
    %mul3A_4214 = vector.broadcast %slice3A_4172 : vector<8x1xf32> to vector<8x512xf32>
    %mul3A_4215 = arith.mulf %mul3A_4213, %mul3A_4214 : vector<8x512xf32>
    %add3A_4216 = vector.broadcast %slice3A_4171 : vector<8x1xf32> to vector<8x512xf32>
    %add3A_4217 = arith.addf %mul3A_4215, %add3A_4216 : vector<8x512xf32>
    %gt3A_4218 = arith.constant 0.000000e+00 : f32
    %gt3A_4219 = vector.broadcast %gt3A_4218 : f32 to vector<8x512xf32>
    %gt3A_4220 = arith.cmpf ogt, %bitcast_convert_type3A_4212, %gt3A_4219 : vector<8x512xf32>
    %mul3A_4221 = arith.mulf %div3A_4192, %add3A_4217 : vector<8x512xf32>
    %jit3A_4222 = arith.constant 0.000000e+00 : f32
    %broadcast_in_dim3A_4223 = vector.broadcast %jit3A_4222 : f32 to vector<8x512xf32>
    %select_n3A_4224 = arith.select %gt3A_4220, %mul3A_4221, %broadcast_in_dim3A_4223 : vector<8x512xi1>, vector<8x512xf32>
    %swap3A_4225 = arith.constant 0 : index
    %swap3A_4226 = arith.constant 488 : index
    %swap3A_4227 = arith.constant 0 : index
    %swap3A_4228 = vector.load %arg7[%swap3A_4225, %swap3A_4226, %swap3A_4227] : memref<1x512x512xf32, #tpu.memory_space<vmem>>, vector<1x8x512xf32>
    %swap3A_4229 = vector.shape_cast %swap3A_4228 : vector<1x8x512xf32> to vector<8x512xf32>
    %swap3A_4230 = vector.shape_cast %select_n3A_4224 : vector<8x512xf32> to vector<1x8x512xf32>
    tpu.vector_store %arg7[%swap3A_4225, %swap3A_4226, %swap3A_4227], %swap3A_4230 {strides = array<i32>} : memref<1x512x512xf32, #tpu.memory_space<vmem>>, vector<1x8x512xf32>,
    %slice3A_4231 = vector.extract_strided_slice %transpose3A {offsets = [496, 0], sizes = [8, 1], strides = [1, 1]} : vector<512x8xf32> to vector<8x1xf32>
    %slice3A_4232 = vector.extract_strided_slice %transpose3A {offsets = [496, 1], sizes = [8, 1], strides = [1, 1]} : vector<512x8xf32> to vector<8x1xf32>
    %slice3A_4233 = vector.extract_strided_slice %transpose3A {offsets = [496, 2], sizes = [8, 1], strides = [1, 1]} : vector<512x8xf32> to vector<8x1xf32>
    %slice3A_4234 = vector.extract_strided_slice %transpose3A {offsets = [496, 3], sizes = [8, 1], strides = [1, 1]} : vector<512x8xf32> to vector<8x1xf32>
    %slice3A_4235 = vector.extract_strided_slice %transpose3A {offsets = [496, 4], sizes = [8, 1], strides = [1, 1]} : vector<512x8xf32> to vector<8x1xf32>
    %slice3A_4236 = vector.extract_strided_slice %transpose3A {offsets = [496, 5], sizes = [8, 1], strides = [1, 1]} : vector<512x8xf32> to vector<8x1xf32>
    %slice3A_4237 = vector.extract_strided_slice %transpose3A {offsets = [496, 6], sizes = [8, 1], strides = [1, 1]} : vector<512x8xf32> to vector<8x1xf32>
    %slice3A_4238 = vector.extract_strided_slice %transpose3A {offsets = [496, 7], sizes = [8, 1], strides = [1, 1]} : vector<512x8xf32> to vector<8x1xf32>
    %sub3A_4239 = vector.broadcast %get3A_3 : vector<1x512xf32> to vector<8x512xf32>
    %sub3A_4240 = vector.broadcast %slice3A_4231 : vector<8x1xf32> to vector<8x512xf32>
    %sub3A_4241 = arith.subf %sub3A_4239, %sub3A_4240 : vector<8x512xf32>
    %sub3A_4242 = vector.broadcast %get3A_13 : vector<1x512xf32> to vector<8x512xf32>
    %sub3A_4243 = vector.broadcast %slice3A_4232 : vector<8x1xf32> to vector<8x512xf32>
    %sub3A_4244 = arith.subf %sub3A_4242, %sub3A_4243 : vector<8x512xf32>
    %mul3A_4245 = arith.mulf %sub3A_4241, %sub3A_4241 : vector<8x512xf32>
    %mul3A_4246 = arith.mulf %sub3A_4244, %sub3A_4244 : vector<8x512xf32>
    %add3A_4247 = arith.addf %mul3A_4245, %mul3A_4246 : vector<8x512xf32>
    %sub3A_4248 = vector.broadcast %slice3A_4233 : vector<8x1xf32> to vector<8x512xf32>
    %sub3A_4249 = vector.broadcast %mul3A_45 : vector<1x512xf32> to vector<8x512xf32>
    %sub3A_4250 = arith.subf %sub3A_4248, %sub3A_4249 : vector<8x512xf32>
    %mul3A_4251 = arith.mulf %sub3A_4250, %sub3A_4241 : vector<8x512xf32>
    %sub3A_4252 = vector.broadcast %slice3A_4234 : vector<8x1xf32> to vector<8x512xf32>
    %sub3A_4253 = vector.broadcast %mul3A_46 : vector<1x512xf32> to vector<8x512xf32>
    %sub3A_4254 = arith.subf %sub3A_4252, %sub3A_4253 : vector<8x512xf32>
    %mul3A_4255 = arith.mulf %sub3A_4254, %sub3A_4244 : vector<8x512xf32>
    %add3A_4256 = arith.addf %mul3A_4251, %mul3A_4255 : vector<8x512xf32>
    %abs3A_4257 = math.absf %add3A_4256 : vector<8x512xf32>
    %div3A_4258 = arith.divf %abs3A_4257, %add3A_4247 : vector<8x512xf32>
    %mul3A_4259 = vector.broadcast %slice3A_4235 : vector<8x1xf32> to vector<8x512xf32>
    %mul3A_4260 = arith.mulf %sub3A_4241, %mul3A_4259 : vector<8x512xf32>
    %mul3A_4261 = vector.broadcast %slice3A_4236 : vector<8x1xf32> to vector<8x512xf32>
    %mul3A_4262 = arith.mulf %sub3A_4244, %mul3A_4261 : vector<8x512xf32>
    %add3A_4263 = arith.addf %mul3A_4260, %mul3A_4262 : vector<8x512xf32>
    %bitcast_convert_type3A_4264 = tpu.bitcast %sub3A_4241 : vector<8x512xf32> -> vector<8x512xi32>
    %bitcast_convert_type3A_4265 = tpu.bitcast %slice3A_4235 : vector<8x1xf32> -> vector<8x1xi32>
    %and3A_4266 = vector.broadcast %bitcast_convert_type3A_4265 : vector<8x1xi32> to vector<8x512xi32>
    %and3A_4267 = arith.andi %bitcast_convert_type3A_4264, %and3A_4266 : vector<8x512xi32>
    %bitcast_convert_type3A_4268 = tpu.bitcast %sub3A_4244 : vector<8x512xf32> -> vector<8x512xi32>
    %bitcast_convert_type3A_4269 = tpu.bitcast %slice3A_4236 : vector<8x1xf32> -> vector<8x1xi32>
    %xor3A_4270 = vector.broadcast %bitcast_convert_type3A_4269 : vector<8x1xi32> to vector<8x512xi32>
    %xor3A_4271 = arith.xori %bitcast_convert_type3A_4268, %xor3A_4270 : vector<8x512xi32>
    %and3A_4272 = arith.andi %and3A_4267, %xor3A_4271 : vector<8x512xi32>
    %and3A_4273 = arith.constant -2147483648 : i32
    %and3A_4274 = vector.broadcast %and3A_4273 : i32 to vector<8x512xi32>
    %and3A_4275 = arith.andi %and3A_4272, %and3A_4274 : vector<8x512xi32>
    %bitcast_convert_type3A_4276 = tpu.bitcast %add3A_4263 : vector<8x512xf32> -> vector<8x512xi32>
    %or3A_4277 = arith.ori %bitcast_convert_type3A_4276, %and3A_4275 : vector<8x512xi32>
    %bitcast_convert_type3A_4278 = tpu.bitcast %or3A_4277 : vector<8x512xi32> -> vector<8x512xf32>
    %mul3A_4279 = vector.broadcast %add3A_130 : vector<1x512xf32> to vector<8x512xf32>
    %mul3A_4280 = vector.broadcast %slice3A_4238 : vector<8x1xf32> to vector<8x512xf32>
    %mul3A_4281 = arith.mulf %mul3A_4279, %mul3A_4280 : vector<8x512xf32>
    %add3A_4282 = vector.broadcast %slice3A_4237 : vector<8x1xf32> to vector<8x512xf32>
    %add3A_4283 = arith.addf %mul3A_4281, %add3A_4282 : vector<8x512xf32>
    %gt3A_4284 = arith.constant 0.000000e+00 : f32
    %gt3A_4285 = vector.broadcast %gt3A_4284 : f32 to vector<8x512xf32>
    %gt3A_4286 = arith.cmpf ogt, %bitcast_convert_type3A_4278, %gt3A_4285 : vector<8x512xf32>
    %mul3A_4287 = arith.mulf %div3A_4258, %add3A_4283 : vector<8x512xf32>
    %jit3A_4288 = arith.constant 0.000000e+00 : f32
    %broadcast_in_dim3A_4289 = vector.broadcast %jit3A_4288 : f32 to vector<8x512xf32>
    %select_n3A_4290 = arith.select %gt3A_4286, %mul3A_4287, %broadcast_in_dim3A_4289 : vector<8x512xi1>, vector<8x512xf32>
    %swap3A_4291 = arith.constant 0 : index
    %swap3A_4292 = arith.constant 496 : index
    %swap3A_4293 = arith.constant 0 : index
    %swap3A_4294 = vector.load %arg7[%swap3A_4291, %swap3A_4292, %swap3A_4293] : memref<1x512x512xf32, #tpu.memory_space<vmem>>, vector<1x8x512xf32>
    %swap3A_4295 = vector.shape_cast %swap3A_4294 : vector<1x8x512xf32> to vector<8x512xf32>
    %swap3A_4296 = vector.shape_cast %select_n3A_4290 : vector<8x512xf32> to vector<1x8x512xf32>
    tpu.vector_store %arg7[%swap3A_4291, %swap3A_4292, %swap3A_4293], %swap3A_4296 {strides = array<i32>} : memref<1x512x512xf32, #tpu.memory_space<vmem>>, vector<1x8x512xf32>,
    %slice3A_4297 = vector.extract_strided_slice %transpose3A {offsets = [504, 0], sizes = [8, 1], strides = [1, 1]} : vector<512x8xf32> to vector<8x1xf32>
    %slice3A_4298 = vector.extract_strided_slice %transpose3A {offsets = [504, 1], sizes = [8, 1], strides = [1, 1]} : vector<512x8xf32> to vector<8x1xf32>
    %slice3A_4299 = vector.extract_strided_slice %transpose3A {offsets = [504, 2], sizes = [8, 1], strides = [1, 1]} : vector<512x8xf32> to vector<8x1xf32>
    %slice3A_4300 = vector.extract_strided_slice %transpose3A {offsets = [504, 3], sizes = [8, 1], strides = [1, 1]} : vector<512x8xf32> to vector<8x1xf32>
    %slice3A_4301 = vector.extract_strided_slice %transpose3A {offsets = [504, 4], sizes = [8, 1], strides = [1, 1]} : vector<512x8xf32> to vector<8x1xf32>
    %slice3A_4302 = vector.extract_strided_slice %transpose3A {offsets = [504, 5], sizes = [8, 1], strides = [1, 1]} : vector<512x8xf32> to vector<8x1xf32>
    %slice3A_4303 = vector.extract_strided_slice %transpose3A {offsets = [504, 6], sizes = [8, 1], strides = [1, 1]} : vector<512x8xf32> to vector<8x1xf32>
    %slice3A_4304 = vector.extract_strided_slice %transpose3A {offsets = [504, 7], sizes = [8, 1], strides = [1, 1]} : vector<512x8xf32> to vector<8x1xf32>
    %sub3A_4305 = vector.broadcast %get3A_3 : vector<1x512xf32> to vector<8x512xf32>
    %sub3A_4306 = vector.broadcast %slice3A_4297 : vector<8x1xf32> to vector<8x512xf32>
    %sub3A_4307 = arith.subf %sub3A_4305, %sub3A_4306 : vector<8x512xf32>
    %sub3A_4308 = vector.broadcast %get3A_13 : vector<1x512xf32> to vector<8x512xf32>
    %sub3A_4309 = vector.broadcast %slice3A_4298 : vector<8x1xf32> to vector<8x512xf32>
    %sub3A_4310 = arith.subf %sub3A_4308, %sub3A_4309 : vector<8x512xf32>
    %mul3A_4311 = arith.mulf %sub3A_4307, %sub3A_4307 : vector<8x512xf32>
    %mul3A_4312 = arith.mulf %sub3A_4310, %sub3A_4310 : vector<8x512xf32>
    %add3A_4313 = arith.addf %mul3A_4311, %mul3A_4312 : vector<8x512xf32>
    %sub3A_4314 = vector.broadcast %slice3A_4299 : vector<8x1xf32> to vector<8x512xf32>
    %sub3A_4315 = vector.broadcast %mul3A_45 : vector<1x512xf32> to vector<8x512xf32>
    %sub3A_4316 = arith.subf %sub3A_4314, %sub3A_4315 : vector<8x512xf32>
    %mul3A_4317 = arith.mulf %sub3A_4316, %sub3A_4307 : vector<8x512xf32>
    %sub3A_4318 = vector.broadcast %slice3A_4300 : vector<8x1xf32> to vector<8x512xf32>
    %sub3A_4319 = vector.broadcast %mul3A_46 : vector<1x512xf32> to vector<8x512xf32>
    %sub3A_4320 = arith.subf %sub3A_4318, %sub3A_4319 : vector<8x512xf32>
    %mul3A_4321 = arith.mulf %sub3A_4320, %sub3A_4310 : vector<8x512xf32>
    %add3A_4322 = arith.addf %mul3A_4317, %mul3A_4321 : vector<8x512xf32>
    %abs3A_4323 = math.absf %add3A_4322 : vector<8x512xf32>
    %div3A_4324 = arith.divf %abs3A_4323, %add3A_4313 : vector<8x512xf32>
    %mul3A_4325 = vector.broadcast %slice3A_4301 : vector<8x1xf32> to vector<8x512xf32>
    %mul3A_4326 = arith.mulf %sub3A_4307, %mul3A_4325 : vector<8x512xf32>
    %mul3A_4327 = vector.broadcast %slice3A_4302 : vector<8x1xf32> to vector<8x512xf32>
    %mul3A_4328 = arith.mulf %sub3A_4310, %mul3A_4327 : vector<8x512xf32>
    %add3A_4329 = arith.addf %mul3A_4326, %mul3A_4328 : vector<8x512xf32>
    %bitcast_convert_type3A_4330 = tpu.bitcast %sub3A_4307 : vector<8x512xf32> -> vector<8x512xi32>
    %bitcast_convert_type3A_4331 = tpu.bitcast %slice3A_4301 : vector<8x1xf32> -> vector<8x1xi32>
    %and3A_4332 = vector.broadcast %bitcast_convert_type3A_4331 : vector<8x1xi32> to vector<8x512xi32>
    %and3A_4333 = arith.andi %bitcast_convert_type3A_4330, %and3A_4332 : vector<8x512xi32>
    %bitcast_convert_type3A_4334 = tpu.bitcast %sub3A_4310 : vector<8x512xf32> -> vector<8x512xi32>
    %bitcast_convert_type3A_4335 = tpu.bitcast %slice3A_4302 : vector<8x1xf32> -> vector<8x1xi32>
    %xor3A_4336 = vector.broadcast %bitcast_convert_type3A_4335 : vector<8x1xi32> to vector<8x512xi32>
    %xor3A_4337 = arith.xori %bitcast_convert_type3A_4334, %xor3A_4336 : vector<8x512xi32>
    %and3A_4338 = arith.andi %and3A_4333, %xor3A_4337 : vector<8x512xi32>
    %and3A_4339 = arith.constant -2147483648 : i32
    %and3A_4340 = vector.broadcast %and3A_4339 : i32 to vector<8x512xi32>
    %and3A_4341 = arith.andi %and3A_4338, %and3A_4340 : vector<8x512xi32>
    %bitcast_convert_type3A_4342 = tpu.bitcast %add3A_4329 : vector<8x512xf32> -> vector<8x512xi32>
    %or3A_4343 = arith.ori %bitcast_convert_type3A_4342, %and3A_4341 : vector<8x512xi32>
    %bitcast_convert_type3A_4344 = tpu.bitcast %or3A_4343 : vector<8x512xi32> -> vector<8x512xf32>
    %mul3A_4345 = vector.broadcast %add3A_130 : vector<1x512xf32> to vector<8x512xf32>
    %mul3A_4346 = vector.broadcast %slice3A_4304 : vector<8x1xf32> to vector<8x512xf32>
    %mul3A_4347 = arith.mulf %mul3A_4345, %mul3A_4346 : vector<8x512xf32>
    %add3A_4348 = vector.broadcast %slice3A_4303 : vector<8x1xf32> to vector<8x512xf32>
    %add3A_4349 = arith.addf %mul3A_4347, %add3A_4348 : vector<8x512xf32>
    %gt3A_4350 = arith.constant 0.000000e+00 : f32
    %gt3A_4351 = vector.broadcast %gt3A_4350 : f32 to vector<8x512xf32>
    %gt3A_4352 = arith.cmpf ogt, %bitcast_convert_type3A_4344, %gt3A_4351 : vector<8x512xf32>
    %mul3A_4353 = arith.mulf %div3A_4324, %add3A_4349 : vector<8x512xf32>
    %jit3A_4354 = arith.constant 0.000000e+00 : f32
    %broadcast_in_dim3A_4355 = vector.broadcast %jit3A_4354 : f32 to vector<8x512xf32>
    %select_n3A_4356 = arith.select %gt3A_4352, %mul3A_4353, %broadcast_in_dim3A_4355 : vector<8x512xi1>, vector<8x512xf32>
    %swap3A_4357 = arith.constant 0 : index
    %swap3A_4358 = arith.constant 504 : index
    %swap3A_4359 = arith.constant 0 : index
    %swap3A_4360 = vector.load %arg7[%swap3A_4357, %swap3A_4358, %swap3A_4359] : memref<1x512x512xf32, #tpu.memory_space<vmem>>, vector<1x8x512xf32>
    %swap3A_4361 = vector.shape_cast %swap3A_4360 : vector<1x8x512xf32> to vector<8x512xf32>
    %swap3A_4362 = vector.shape_cast %select_n3A_4356 : vector<8x512xf32> to vector<1x8x512xf32>
    tpu.vector_store %arg7[%swap3A_4357, %swap3A_4358, %swap3A_4359], %swap3A_4362 {strides = array<i32>} : memref<1x512x512xf32, #tpu.memory_space<vmem>>, vector<1x8x512xf32>,
    return
  }
  func.func @transform_0(%arg0: i32) -> i32 {
    %c0_i32 = arith.constant 0 : i32
    %c0_i32_0 = arith.constant 0 : i32
    return %c0_i32 : i32
  }
  func.func @transform_1(%arg0: i32) -> (i32, i32, i32) {
    %add3A = arith.constant 1 : i32
    %add3A_0 = arith.addi %arg0, %add3A : i32
    %c0_i32 = arith.constant 0 : i32
    %c0_i32_1 = arith.constant 0 : i32
    %c0_i32_2 = arith.constant 0 : i32
    return %add3A_0, %c0_i32, %c0_i32_1 : i32, i32, i32
  }
  func.func @transform_2(%arg0: i32) -> (i32, i32, i32) {
    %c0_i32 = arith.constant 0 : i32
    %c0_i32_0 = arith.constant 0 : i32
    %c0_i32_1 = arith.constant 0 : i32
    return %arg0, %c0_i32, %c0_i32_0 : i32, i32, i32
  }
  func.func @transform_3(%arg0: i32) -> (i32, i32, i32) {
    %add3A = arith.constant 21 : i32
    %add3A_0 = arith.addi %arg0, %add3A : i32
    %c0_i32 = arith.constant 0 : i32
    %c0_i32_1 = arith.constant 0 : i32
    %c0_i32_2 = arith.constant 0 : i32
    return %add3A_0, %c0_i32, %c0_i32_1 : i32, i32, i32
  }
  func.func @transform_4(%arg0: i32) -> (i32, i32, i32) {
    %add3A = arith.constant 20 : i32
    %add3A_0 = arith.addi %arg0, %add3A : i32
    %c0_i32 = arith.constant 0 : i32
    %c0_i32_1 = arith.constant 0 : i32
    %c0_i32_2 = arith.constant 0 : i32
    return %add3A_0, %c0_i32, %c0_i32_1 : i32, i32, i32
  }
  func.func @transform_5(%arg0: i32) -> (i32, i32, i32) {
    %c0_i32 = arith.constant 0 : i32
    %c0_i32_0 = arith.constant 0 : i32
    %c0_i32_1 = arith.constant 0 : i32
    %c0_i32_2 = arith.constant 0 : i32
    return %c0_i32, %c0_i32_0, %c0_i32_1 : i32, i32, i32
  }
  func.func @transform_6(%arg0: i32) -> (i32, i32, i32) {
    %c0_i32 = arith.constant 0 : i32
    %c0_i32_0 = arith.constant 0 : i32
    %c0_i32_1 = arith.constant 0 : i32
    return %arg0, %c0_i32, %c0_i32_0 : i32, i32, i32
  }
}

</mosaic_0001>

<sc_bundles>
// kernel: kernel.4.cloned.1.call-start
scs
__scs_entry_jumppad:
0x0: {  	(pc) =	sbr.rel $0x88, $3  }
0x1: {  	(tag) =	ssettag $0x0;
	lr =	simm.s32 $0x1  }
0x2: {  	[smem:$0x3F98] =	sst lr;
	_ =	strace $0xD0000000  }
0x3: {  	_ = 	snop  }
0x4: {  	_ = 	snop  }
0x5: {  	_ = 	snop  }
0x6: {  	_ = 	snop  }
0x7: {  	_ = 	snop  }
__scs_overlays_trampoline_lowered:
0x8: {  	[smem:$0x3FA7] =	sst s0  }
0x9: {  	[smem:$0x3FA8] =	sst s1  }
0xa: {  	[smem:$0x3FA9] =	sst s2  }
0xb: {  	[smem:$0x3FAA] =	sst s3  }
0xc: {  	[smem:$0x3FAB] =	sst s4  }
0xd: {  	[smem:$0x3FAC] =	sst s5  }
0xe: {  	[smem:$0x3FAD] =	sst s6  }
0xf: {  	[smem:$0x3FAE] =	sst s7  }
0x10: {  	[smem:$0x3FAF] =	sst s8  }
0x11: {  	[smem:$0x3FB0] =	sst s9;
	s0 =	simm.s32 @!p0 $0x0  }
0x12: {  	s1 =	sld [smem:$0x3F96];
	s0 =	simm.s32 @p0 $0x1  }
0x13: {  	[smem:$0x3FB1] =	sst s0;
	s0 =	simm.s32 @!p1 $0x0  }
0x14: {  	s2 =	sld [smem:$0x3F95];
	s0 =	simm.s32 @p1 $0x1  }
0x15: {  	[smem:$0x3FB2] =	sst s0;
	s0 =	simm.s32 @!p2 $0x0  }
0x16: {  	s3 =	sld [smem:$0x3FDB];
	s0 =	simm.s32 @p2 $0x1  }
0x17: {  	s4 =	simm.s32 $0x1BF5;
	[smem:$0x3FB4] =	sst s0  }
0x18: {  	s0 =	sld [smem:$0x3F97];
	_ =	swait.ge [sflag:s4], $0x0  }
0x19: {  	s7 =	sld [smem:$0x3F98]  }
0x1a: {  	s8 =	sadd.s32 $0xFFFFE003, lr  }
0x1b: {  	s9 =	sadd.s32 $0xFFFFFEF7, lr;
	s5 =	simm.s32 $0xFFFFFFFF;
	p2 =	slt.u32 s8, $0xFFFFF086  }
0x1c: {  	p1 =	slt.u32 s9, $0xF7A;
	s5 =	simm.s32 @!p2 $0x0  }
0x1d: {  	s5 =	simm.s32 @p1 $0x1;
	p0 =	seq.s32 s7, s2  }
0x1e: {  	s7 =	smul.u32 @!p0 $0xF7A, s2;
	p2 =	seq.s32 @!p0 s5, $0x0  }
0x1f: {  	s9 =	smul.u32 $0xF7A, s1;
	s8 =	simm.s32 @!p0 $0x1BF5;
	p2 =	por !p2, p0  }
0x20: {  	[sflag:s8] =	ssyncset.s32 @!p0 $0xFFFFF086;
	s6 =	sadd.s32 @!p0 s3, s7;
	s7 =	simm.s32 @!p0 $0x108  }
0x21: {  	s3 =	sadd.s32 s3, s9;
	s6 =	sadd.s32 @!p0 $0x88, s6;
	s7 =	simm.s32 @p2 $0x1082  }
0x22: {  	[simem:s7], [sflag:s8] =	dma.local @!p0 [hbm:s6], $0xF7A  }
0x23: {  	s9 =	sor.u32 $0xD0000000, s2;
	s6 =	simm.s32 $0x108;
	_ =	swait.ge @!p0 [sflag:s8], $0x0  }
0x24: {  	s3 =	sadd.s32 $0x88, s3;
	s6 =	simm.s32 @!p1 $0x1082;
	[sflag:s4] =	ssyncset.s32 $0xFFFFF086  }
0x25: {  	[simem:s6], [sflag:s4] =	dma.local [hbm:s3], $0xF7A  }
0x26: {  	[smem:$0x3F98] =	sst s1;
	(tag) =	ssettag s2;
	_ =	strace s9  }
0x27: {  	s1 =	sld [smem:$0x3FA8]  }
0x28: {  	s2 =	sld [smem:$0x3FA9]  }
0x29: {  	s4 =	sld [smem:$0x3FAB]  }
0x2a: {  	p0 =	seq.s32 s5, $0x0;
	s5 =	sld [smem:$0x3FAC]  }
0x2b: {  	s6 =	sld [smem:$0x3FAD]  }
0x2c: {  	s7 =	sld [smem:$0x3FAE]  }
0x2d: {  	s3 =	simm.s32 $0x108;
	s8 =	sld [smem:$0x3FAF]  }
0x2e: {  	s3 =	simm.s32 @!p0 $0x1082;
	s9 =	sld [smem:$0x3FB0]  }
0x2f: {  	lr =	sadd.s32 s0, s3;
	s0 =	sld [smem:$0x3FA7]  }
0x30: {  	s3 =	sld [smem:$0x3FAA]  }
0x31: {  	[smem:$0x3FB3] =	sst s10  }
0x32: {  	s10 =	sld [smem:$0x3FB1];
	_ =	sdelay $0x3  }
0x33: {  	p0 =	seq.s32 s10, $0x1;
	s10 =	sld [smem:$0x3FB3];
	_ =	sdelay $0x3  }
0x34: {  	[smem:$0x3FB3] =	sst s10  }
0x35: {  	s10 =	sld [smem:$0x3FB2];
	_ =	sdelay $0x3  }
0x36: {  	p1 =	seq.s32 s10, $0x1;
	s10 =	sld [smem:$0x3FB3];
	_ =	sdelay $0x3  }
0x37: {  	[smem:$0x3FB3] =	sst s10  }
0x38: {  	s10 =	sld [smem:$0x3FB4]  }
0x39: {  	_ = 	snop;
	(pc) =	sbr.ind lr, $3  }
0x3a: {  	_ = 	snop  }
0x3b: {  	_ = 	snop  }
0x3c: {  	p2 =	seq.s32 s10, $0x1;
	s10 =	sld [smem:$0x3FB3]  }
0x3d: {  	_ =	shalt  }
0x3e: {  	_ =	shalt  }
0x3f: {  	_ =	shalt  }
0x40: {  	_ =	shalt  }
0x41: {  	_ =	shalt  }
0x42: {  	_ =	shalt  }
0x43: {  	_ =	shalt  }
0x44: {  	_ =	shalt  }
0x45: {  	_ =	shalt  }
0x46: {  	_ =	shalt  }
0x47: {  	_ =	shalt  }
0x48: {  	_ =	shalt  }
0x49: {  	_ =	shalt  }
0x4a: {  	_ =	shalt  }
0x4b: {  	_ =	shalt  }
0x4c: {  	_ =	shalt  }
0x4d: {  	_ =	shalt  }
0x4e: {  	_ =	shalt  }
0x4f: {  	_ =	shalt  }
0x50: {  	_ =	shalt  }
0x51: {  	_ =	shalt  }
0x52: {  	_ =	shalt  }
0x53: {  	_ =	shalt  }
0x54: {  	_ =	shalt  }
0x55: {  	_ =	shalt  }
0x56: {  	_ =	shalt  }
0x57: {  	_ =	shalt  }
0x58: {  	_ =	shalt  }
0x59: {  	_ =	shalt  }
0x5a: {  	_ =	shalt  }
0x5b: {  	_ =	shalt  }
0x5c: {  	_ =	shalt  }
0x5d: {  	_ =	shalt  }
0x5e: {  	_ =	shalt  }
0x5f: {  	_ =	shalt  }
0x60: {  	_ =	shalt  }
0x61: {  	_ =	shalt  }
0x62: {  	_ =	shalt  }
0x63: {  	_ =	shalt  }
0x64: {  	_ =	shalt  }
0x65: {  	_ =	shalt  }
0x66: {  	_ =	shalt  }
0x67: {  	_ =	shalt  }
0x68: {  	_ =	shalt  }
0x69: {  	_ =	shalt  }
0x6a: {  	_ =	shalt  }
0x6b: {  	_ =	shalt  }
0x6c: {  	_ =	shalt  }
0x6d: {  	_ =	shalt  }
0x6e: {  	_ =	shalt  }
0x6f: {  	_ =	shalt  }
0x70: {  	_ =	shalt  }
0x71: {  	_ =	shalt  }
0x72: {  	_ =	shalt  }
0x73: {  	_ =	shalt  }
0x74: {  	_ =	shalt  }
0x75: {  	_ =	shalt  }
0x76: {  	_ =	shalt  }
0x77: {  	_ =	shalt  }
0x78: {  	_ =	shalt  }
0x79: {  	_ =	shalt  }
0x7a: {  	_ =	shalt  }
0x7b: {  	_ =	shalt  }
0x7c: {  	_ =	shalt  }
0x7d: {  	_ =	shalt  }
0x7e: {  	_ =	shalt  }
0x7f: {  	_ =	shalt  }
0x80: {  	_ =	shalt  }
0x81: {  	_ =	shalt  }
0x82: {  	_ =	shalt  }
0x83: {  	_ =	shalt  }
0x84: {  	_ =	shalt  }
0x85: {  	_ =	shalt  }
0x86: {  	_ =	shalt  }
0x87: {  	_ =	shalt  }
.Lfunc_end0:
.L_simem_size_0:
called_computation_lowered:
.L_overlay_start_0:
0x88: {  	s2 =	sld [smem:$0x3FD9]  }
0x89: {  	s3 =	sld [smem:$0x3FFE];
	_ =	sdelay $0x1  }
0x8a: {  	s1 =	srdreg.scid  }
0x8b: {  	s0 =	sand.u32 $0x1, s1  }
0x8c: {  	s18 =	sshll.u32 s0, $0xA;
	s2 =	sadd.s32 s3, s2  }
0x8d: {  	s2 =	sadd.s32 s2, s18  }
0x8e: {  	[smem:$0x3FBF] =	sst s2  }
0x8f: {  	_ = 	snop  }
0x90: {  	s2 =	sld [smem:$0x3FC8]  }
0x91: {  	s19 =	sld [smem:$0x3FC7]  }
0x92: {  	s4 =	sld [smem:$0x3FD0];
	(tm) =	ssettm $0x1  }
0x93: {  	s5 =	sld [smem:$0x3FFB];
	_ =	sdelay $0x3  }
0x94: {  	_ =	strace s5  }
0x95: {  	s5 =	sld [smem:$0x3FFC];
	_ =	sdelay $0x3  }
0x96: {  	_ =	strace s5  }
0x97: {  	s5 =	sld [smem:$0x3FFD];
	_ =	sdelay $0x3  }
0x98: {  	_ =	strace s5  }
0x99: {  	_ =	strace $0x8FFFFFFF  }
0x9a: {  	s20 =	sld [smem:$0x3FDB];
	_ =	sdelay $0x1  }
0x9b: {  	s6 =	simm.s32 $_scs_section_size  }
0x9c: {  	s7 =	simm.s32 $_size__tile_overlayer_lowered;
	s8 =	simm.s32 $_tile_overlayer_lowered  }
0x9d: {  	s23 =	simm.s32 $0x1BFF;
	s22 =	sshll.u32 s8, $0x1;
	s5 =	sadd.s32 s6, s20  }
0x9e: {  	s9 =	simm.s32 $0x0;
	s21 =	sshll.u32 s7, $0x1;
	s7 =	sadd.s32 s22, s5  }
0x9f: {  	[timem:s9], [sflag:s23] =	dma.local [hbm:s7], s21  }
0xa0: {  	_ =	swait.ge [sflag:s23], s21  }
0xa1: {  	s6 =	ssub.s32 $0x0, s21;
	[sflag:s23] =	ssyncset.done $0x0  }
0xa2: {  	[sflag:s23] =	ssyncadd.s32 s6;
	_ =	sdelay $0x1  }
0xa3: {  	s24 =	simm.s32 $0x1B8B  }
0xa4: {  	_ =	swait.ge [sflag:s24], $0x1  }
0xa5: {  	[sflag:s24] =	ssyncset.done $0x0  }
0xa6: {  	s25 =	simm.s32 $0x1B8E;
	[sflag:s24] =	ssyncadd.s32 $0xFFFFFFFF  }
0xa7: {  	s26 =	simm.s32 $execute0_lowered;
	[smem:$0x3FD2] =	sst s25  }
0xa8: {  	s6 =	sshll.u32 s26, $0x1;
	_ =	strace $0x80000046;
	[dreg:$0x1] =	wrdreg $0xFFFFFFFF  }
0xa9: {  	s28 =	simm.s32 $_size_execute0_lowered;
	s5 =	sadd.s32 s5, s6;
	[dreg:$0x0] =	wrdreg $0x0  }
0xaa: {  	s6 =	sshll.u32 s28, $0x1;
	[dreg:$0x2] =	wrdreg s5  }
0xab: {  	[dreg:$0x3] =	wrdreg s6  }
0xac: {  	[dreg:$0x4] =	wrdreg $0xC0  }
0xad: {  	_ =	task [dreg:s9], $0x5FFFF  }
0xae: {  	[dreg:$0x1] =	wrdreg $0xFFFFFFFF  }
0xaf: {  	[dreg:$0x0] =	wrdreg $0x60  }
0xb0: {  	[dreg:$0x2] =	wrdreg s2  }
0xb1: {  	[dreg:$0x3] =	wrdreg s19  }
0xb2: {  	[dreg:$0x4] =	wrdreg s4  }
0xb3: {  	[dreg:$0x5] =	wrdreg $0x9  }
0xb4: {  	_ =	task.clear_ibuf [dreg:s9], $0x6FFFF;
	_ =	strace $0x90000046  }
0xb5: {  	s29 =	simm.s32 $0x9;
	_ =	strace $0x80000048  }
0xb6: {  	_ =	swait.ge [sflag:s29], $0x1  }
0xb7: {  	[sflag:s29] =	ssyncadd.s32 $0xFFFFFFFF  }
0xb8: {  	_ =	strace $0x90000048  }
0xb9: {  	_ =	sfence  }
0xba: {  	s30 =	sld [smem:$0x0];
	_ =	sdelay $0x2  }
0xbb: {  	s31 =	sshll.u32 s1, $0xD;
	s1 =	sshrl.u32 s1, $0x2  }
0xbc: {  	s3 =	sand.u32 $0x4000, s31;
	s1 =	sadd.s32 s1, s30  }
0xbd: {  	s0 =	sor.u32 s3, s0;
	s1 =	sshll.u32 s1, $0x11  }
0xbe: {  	s0 =	sor.u32 s1, s0  }
0xbf: {  	s0 =	sadd.s32 $0x8F2B, s0  }
0xc0: {  	[sflag:s0] =	ssyncadd.remote.s32 $0x1  }
0xc1: {  	_ =	sfence.sel $0xFFFF  }
0xc2: {  	[dreg:$0x0] =	wrdreg $0xFFFFFFFF;
	(pc) =	sbr.abs _section_cstart, $3  }
0xc3: {  	[dreg:$0x1] =	wrdreg $0xFFFFFFFF  }
0xc4: {  	_ =	task.clear_ibuf [dreg:s9], $0x2FFFF;
	_ =	strace $0x9FFFFFFF  }
0xc5: {  	(tm) =	ssettm $0x7FFFFFFF  }
tec
execute0_lowered:
.L_overlay_start_1:
0x0: {  	(tag) =	ssettag $0x1  }
0x1: {  	s0 =	srdreg.scid  }
0x2: {  	s5 =	sand.u32 $0x1, s0;
	s0 =	stileid.u32  }
0x3: {  	s6 =	sshll.u32 s0, $0x1;
	s7 =	ssub.s32 $0x0, s5  }
0x4: {  	p0 =	sne.s32 s6, s7  }
.Ltmp0:
0x5: {  	_ = 	snop;
	(pc) =	sbr.rel @p0 .LBB2_3-.Ltmp0, $4  }
0x6: {  	s1 =	rddreg [dreg:$0x0]  }
0x7: {  	s3 =	rddreg [dreg:$0x1]  }
0x8: {  	s4 =	rddreg [dreg:$0x2]  }
0x9: {  	s2 =	rddreg [dreg:$0x3];
	_ =	strace $0x80000047  }
0xa: {  	s5 =	ssub.s32 $0x2, s5  }
0xb: {  	s6 =	sshrl.u32 s5, $0x1  }
0xc: {  	s7 =	simm.s32 $0x400;
	s8 =	simm.s32 $0x1;
	s5 =	ssub.s32 s5, s6  }
0xd: {  	v0 =	vimm.f32 $0.0e+00;
	v1 =	vimm.f32 $1.000000000e+00;
	s9 =	simm.s32 $0x200;
	s6 =	simm.s32 $0x0;
	s5 =	smax.u32 s5, $0x1  }
.LBB2_2:
0xe: {  	[tilespmem:s7], [sflag:$0x1] =	stream.linear.gather [hbm4b:s3+s6], $0x200, $0x38;
	[tilespmem:$0x600] =	vst v63  }
0xf: {  	_ =	swait.ge [sflag:s8], $0x200  }
0x10: {  	[sflag:s8] =	ssyncset.done $0x0  }
0x11: {  	[sflag:s8] =	ssyncadd.s32 $0xFFFFFE00  }
0x12: {  	[tilespmem:$0x0] =	vst v0  }
0x13: {  	[tilespmem:$0x10] =	vst v0  }
0x14: {  	[tilespmem:$0x20] =	vst v0  }
0x15: {  	[tilespmem:$0x30] =	vst v0  }
0x16: {  	[tilespmem:$0x40] =	vst v0  }
0x17: {  	[tilespmem:$0x50] =	vst v0  }
0x18: {  	[tilespmem:$0x60] =	vst v0  }
0x19: {  	[tilespmem:$0x70] =	vst v0  }
0x1a: {  	[tilespmem:$0x80] =	vst v0  }
0x1b: {  	[tilespmem:$0x90] =	vst v0  }
0x1c: {  	[tilespmem:$0xA0] =	vst v0  }
0x1d: {  	[tilespmem:$0xB0] =	vst v0  }
0x1e: {  	[tilespmem:$0xC0] =	vst v0  }
0x1f: {  	[tilespmem:$0xD0] =	vst v0  }
0x20: {  	[tilespmem:$0xE0] =	vst v0  }
0x21: {  	[tilespmem:$0xF0] =	vst v0  }
0x22: {  	[tilespmem:$0x100] =	vst v0  }
0x23: {  	[tilespmem:$0x110] =	vst v0  }
0x24: {  	[tilespmem:$0x120] =	vst v0  }
0x25: {  	[tilespmem:$0x130] =	vst v0  }
0x26: {  	[tilespmem:$0x140] =	vst v0  }
0x27: {  	[tilespmem:$0x150] =	vst v0  }
0x28: {  	[tilespmem:$0x160] =	vst v0  }
0x29: {  	[tilespmem:$0x170] =	vst v0  }
0x2a: {  	[tilespmem:$0x180] =	vst v0  }
0x2b: {  	[tilespmem:$0x190] =	vst v0  }
0x2c: {  	[tilespmem:$0x1A0] =	vst v0  }
0x2d: {  	[tilespmem:$0x1B0] =	vst v0  }
0x2e: {  	[tilespmem:$0x1C0] =	vst v0  }
0x2f: {  	[tilespmem:$0x1D0] =	vst v0  }
0x30: {  	[tilespmem:$0x1E0] =	vst v0  }
0x31: {  	[tilespmem:$0x1F0] =	vst v0  }
0x32: {  	[tilespmem:s7], [sflag:$0x1] =	stream.linear.gather [hbm4b:s1+s6], $0x100, $0x38;
	[tilespmem:$0x600] =	vst v63  }
0x33: {  	_ =	swait.ge [sflag:s8], $0x100  }
0x34: {  	[sflag:s8] =	ssyncset.done $0x0  }
0x35: {  	[sflag:s8] =	ssyncadd.s32 $0xFFFFFF00  }
0x36: {  	v2 =	vld [tilespmem:$0x400];
	_ =	sdelay $0x7  }
0x37: {  	[tilespmem:v2+s6+$0x0] =	vst.idx.msk $0xffff, v1  }
0x38: {  	v2 =	vld [tilespmem:$0x410];
	_ =	sdelay $0x7  }
0x39: {  	[tilespmem:v2+s6+$0x0] =	vst.idx.msk $0xffff, v1  }
0x3a: {  	v2 =	vld [tilespmem:$0x420];
	_ =	sdelay $0x7  }
0x3b: {  	[tilespmem:v2+s6+$0x0] =	vst.idx.msk $0xffff, v1  }
0x3c: {  	v2 =	vld [tilespmem:$0x430];
	_ =	sdelay $0x7  }
0x3d: {  	[tilespmem:v2+s6+$0x0] =	vst.idx.msk $0xffff, v1  }
0x3e: {  	v2 =	vld [tilespmem:$0x440];
	_ =	sdelay $0x7  }
0x3f: {  	[tilespmem:v2+s6+$0x0] =	vst.idx.msk $0xffff, v1  }
0x40: {  	v2 =	vld [tilespmem:$0x450];
	_ =	sdelay $0x7  }
0x41: {  	[tilespmem:v2+s6+$0x0] =	vst.idx.msk $0xffff, v1  }
0x42: {  	v2 =	vld [tilespmem:$0x460];
	_ =	sdelay $0x7  }
0x43: {  	[tilespmem:v2+s6+$0x0] =	vst.idx.msk $0xffff, v1  }
0x44: {  	v2 =	vld [tilespmem:$0x470];
	_ =	sdelay $0x7  }
0x45: {  	[tilespmem:v2+s6+$0x0] =	vst.idx.msk $0xffff, v1  }
0x46: {  	v2 =	vld [tilespmem:$0x480];
	_ =	sdelay $0x7  }
0x47: {  	[tilespmem:v2+s6+$0x0] =	vst.idx.msk $0xffff, v1  }
0x48: {  	v2 =	vld [tilespmem:$0x490];
	_ =	sdelay $0x7  }
0x49: {  	[tilespmem:v2+s6+$0x0] =	vst.idx.msk $0xffff, v1  }
0x4a: {  	v2 =	vld [tilespmem:$0x4A0];
	_ =	sdelay $0x7  }
0x4b: {  	[tilespmem:v2+s6+$0x0] =	vst.idx.msk $0xffff, v1  }
0x4c: {  	v2 =	vld [tilespmem:$0x4B0];
	_ =	sdelay $0x7  }
0x4d: {  	[tilespmem:v2+s6+$0x0] =	vst.idx.msk $0xffff, v1  }
0x4e: {  	v2 =	vld [tilespmem:$0x4C0];
	_ =	sdelay $0x7  }
0x4f: {  	[tilespmem:v2+s6+$0x0] =	vst.idx.msk $0xffff, v1  }
0x50: {  	v2 =	vld [tilespmem:$0x4D0];
	_ =	sdelay $0x7  }
0x51: {  	[tilespmem:v2+s6+$0x0] =	vst.idx.msk $0xffff, v1  }
0x52: {  	v2 =	vld [tilespmem:$0x4E0];
	_ =	sdelay $0x7  }
0x53: {  	[tilespmem:v2+s6+$0x0] =	vst.idx.msk $0xffff, v1  }
0x54: {  	v2 =	vld [tilespmem:$0x4F0];
	_ =	sdelay $0x7  }
0x55: {  	[tilespmem:v2+s6+$0x0] =	vst.idx.msk $0xffff, v1  }
0x56: {  	[tilespmem:s7], [sflag:$0x1] =	stream.linear.gather [hbm4b:s3+s6], $0x200, $0x38;
	[tilespmem:$0x600] =	vst v63  }
0x57: {  	_ =	swait.ge [sflag:s8], $0x200  }
0x58: {  	[sflag:s8] =	ssyncset.done $0x0  }
0x59: {  	[sflag:s8] =	ssyncadd.s32 $0xFFFFFE00  }
0x5a: {  	v2 =	vld [tilespmem:$0x0]  }
0x5b: {  	v3 =	vld [tilespmem:$0x400]  }
0x5c: {  	v4 =	vld [tilespmem:$0x10]  }
0x5d: {  	v5 =	vld [tilespmem:$0x410]  }
0x5e: {  	v6 =	vld [tilespmem:$0x20]  }
0x5f: {  	v7 =	vld [tilespmem:$0x420]  }
0x60: {  	v8 =	vld [tilespmem:$0x30]  }
0x61: {  	v9 =	vld [tilespmem:$0x430]  }
0x62: {  	v10 =	vld [tilespmem:$0x40]  }
0x63: {  	v11 =	vld [tilespmem:$0x440]  }
0x64: {  	v12 =	vld [tilespmem:$0x50]  }
0x65: {  	v13 =	vld [tilespmem:$0x450]  }
0x66: {  	v14 =	vld [tilespmem:$0x60]  }
0x67: {  	v15 =	vld [tilespmem:$0x460]  }
0x68: {  	v16 =	vld [tilespmem:$0x70]  }
0x69: {  	v17 =	vld [tilespmem:$0x470]  }
0x6a: {  	v18 =	vld [tilespmem:$0x80]  }
0x6b: {  	v19 =	vld [tilespmem:$0x480]  }
0x6c: {  	v20 =	vld [tilespmem:$0x90]  }
0x6d: {  	v21 =	vld [tilespmem:$0x490]  }
0x6e: {  	v22 =	vld [tilespmem:$0xA0]  }
0x6f: {  	v23 =	vld [tilespmem:$0x4A0]  }
0x70: {  	v24 =	vld [tilespmem:$0xB0]  }
0x71: {  	v25 =	vld [tilespmem:$0x4B0]  }
0x72: {  	v26 =	vld [tilespmem:$0xC0]  }
0x73: {  	v27 =	vld [tilespmem:$0x4C0]  }
0x74: {  	v28 =	vld [tilespmem:$0xD0]  }
0x75: {  	v29 =	vld [tilespmem:$0x4D0]  }
0x76: {  	v30 =	vld [tilespmem:$0xE0]  }
0x77: {  	v31 =	vld [tilespmem:$0x4E0]  }
0x78: {  	v32 =	vld [tilespmem:$0xF0]  }
0x79: {  	v33 =	vld [tilespmem:$0x4F0]  }
0x7a: {  	v34 =	vld [tilespmem:$0x100]  }
0x7b: {  	v35 =	vld [tilespmem:$0x500]  }
0x7c: {  	v36 =	vld [tilespmem:$0x110]  }
0x7d: {  	v41 =	vld [tilespmem:$0x130];
	vm0 =	veq.s32 v3, $0x4  }
0x7e: {  	v43 =	vld [tilespmem:$0x530];
	vm9 =	veq.s32 v5, $0x4;
	vm10 =	veq.s32 v7, $0x4;
	v37 =	vsel vm0, $0x3F266666, v1  }
0x7f: {  	v46 =	vld [tilespmem:$0x140];
	vm11 =	veq.s32 v9, $0x4;
	v63 =	vsel vm9, $0x3F266666, v1;
	v2 =	vmul.f32 v37, v2  }
0x80: {  	v48 =	vld [tilespmem:$0x540];
	vm12 =	veq.s32 v11, $0x4;
	v40 =	vsel vm10, $0x3F266666, v1;
	v4 =	vmul.f32 v63, v4  }
0x81: {  	v51 =	vld [tilespmem:$0x150];
	vm13 =	veq.s32 v13, $0x4;
	v42 =	vsel vm11, $0x3F266666, v1;
	[tilespmem:$0x200] =	vst v2;
	v2 =	vmul.f32 v40, v6  }
0x82: {  	v53 =	vld [tilespmem:$0x550];
	vm14 =	veq.s32 v15, $0x4;
	v45 =	vsel vm12, $0x3F266666, v1;
	v44 =	vmul.f32 v42, v8;
	[tilespmem:$0x210] =	vst v4  }
0x83: {  	v56 =	vld [tilespmem:$0x160];
	vm15 =	veq.s32 v17, $0x4;
	v47 =	vsel vm13, $0x3F266666, v1;
	[tilespmem:$0x220] =	vst v2;
	v2 =	vmul.f32 v45, v10  }
0x84: {  	v58 =	vld [tilespmem:$0x560];
	vm4 =	veq.s32 v19, $0x4;
	v50 =	vsel vm14, $0x3F266666, v1;
	v49 =	vmul.f32 v47, v12;
	[tilespmem:$0x230] =	vst v44  }
0x85: {  	v61 =	vld [tilespmem:$0x170];
	vm5 =	veq.s32 v21, $0x4;
	v52 =	vsel vm15, $0x3F266666, v1;
	[tilespmem:$0x240] =	vst v2;
	v2 =	vmul.f32 v50, v14  }
0x86: {  	v38 =	vld [tilespmem:$0x1B0];
	vm6 =	veq.s32 v23, $0x4;
	v55 =	vsel vm4, $0x3F266666, v1;
	v54 =	vmul.f32 v52, v16;
	[tilespmem:$0x250] =	vst v49  }
0x87: {  	v3 =	vld [tilespmem:$0x510];
	vm7 =	veq.s32 v25, $0x4;
	v57 =	vsel vm5, $0x3F266666, v1;
	[tilespmem:$0x260] =	vst v2;
	v2 =	vmul.f32 v55, v18  }
0x88: {  	v5 =	vld [tilespmem:$0x120];
	v60 =	vsel vm6, $0x3F266666, v1;
	vm9 =	veq.s32 v29, $0x4;
	v59 =	vmul.f32 v57, v20;
	[tilespmem:$0x270] =	vst v54  }
0x89: {  	v7 =	vld [tilespmem:$0x520];
	vm8 =	veq.s32 v27, $0x4;
	v25 =	vsel vm9, $0x3F266666, v1;
	[tilespmem:$0x280] =	vst v2;
	v2 =	vmul.f32 v60, v22  }
0x8a: {  	v23 =	vsel vm8, $0x3F266666, v1;
	v29 =	vld [tilespmem:$0x190];
	vm15 =	veq.s32 v43, $0x4;
	v27 =	vmul.f32 v25, v28;
	[tilespmem:$0x290] =	vst v59  }
0x8b: {  	vm10 =	veq.s32 v31, $0x4;
	v31 =	vld [tilespmem:$0x590];
	v39 =	vsel vm15, $0x3F266666, v1;
	[tilespmem:$0x2A0] =	vst v2;
	v2 =	vmul.f32 v23, v26  }
0x8c: {  	vm12 =	veq.s32 v35, $0x4;
	v35 =	vld [tilespmem:$0x5A0];
	v28 =	vsel vm10, $0x3F266666, v1;
	v41 =	vmul.f32 v39, v41;
	[tilespmem:$0x2D0] =	vst v27  }
0x8d: {  	v62 =	vsel vm7, $0x3F266666, v1;
	vm11 =	veq.s32 v33, $0x4;
	v43 =	vld [tilespmem:$0x1C0];
	[tilespmem:$0x2C0] =	vst v2;
	v2 =	vmul.f32 v28, v30  }
0x8e: {  	vm4 =	veq.s32 v48, $0x4;
	v48 =	vld [tilespmem:$0x1D0];
	v33 =	vsel vm12, $0x3F266666, v1;
	[tilespmem:$0x330] =	vst v41;
	v22 =	vmul.f32 v62, v24  }
0x8f: {  	v63 =	vld [tilespmem:$0x570];
	vm14 =	veq.s32 v7, $0x4;
	v30 =	vsel vm11, $0x3F266666, v1;
	[tilespmem:$0x2E0] =	vst v2;
	v2 =	vmul.f32 v33, v34  }
0x90: {  	vm13 =	veq.s32 v3, $0x4;
	v37 =	vsel vm14, $0x3F266666, v1;
	v26 =	vld [tilespmem:$0x580];
	[tilespmem:$0x2B0] =	vst v22;
	v32 =	vmul.f32 v30, v32  }
0x91: {  	v40 =	vld [tilespmem:$0x5B0];
	v34 =	vsel vm13, $0x3F266666, v1;
	[tilespmem:$0x300] =	vst v2;
	v2 =	vmul.f32 v37, v5  }
0x92: {  	vm5 =	veq.s32 v53, $0x4;
	v42 =	vsel vm4, $0x3F266666, v1;
	v24 =	vld [tilespmem:$0x180];
	[tilespmem:$0x2F0] =	vst v32;
	v36 =	vmul.f32 v34, v36  }
0x93: {  	vm6 =	veq.s32 v58, $0x4;
	v44 =	vsel vm5, $0x3F266666, v1;
	v3 =	vld [tilespmem:$0x1A0];
	[tilespmem:$0x320] =	vst v2;
	v2 =	vmul.f32 v42, v46  }
0x94: {  	v47 =	vsel vm6, $0x3F266666, v1;
	v45 =	vld [tilespmem:$0x5C0];
	vm7 =	veq.s32 v63, $0x4;
	[tilespmem:$0x310] =	vst v36;
	v46 =	vmul.f32 v44, v51  }
0x95: {  	v49 =	vsel vm7, $0x3F266666, v1;
	v50 =	vld [tilespmem:$0x5D0];
	vm8 =	veq.s32 v26, $0x4;
	[tilespmem:$0x340] =	vst v2;
	v2 =	vmul.f32 v47, v56  }
0x96: {  	v53 =	vld [tilespmem:$0x5E0];
	vm9 =	veq.s32 v31, $0x4;
	v52 =	vsel vm8, $0x3F266666, v1;
	v51 =	vmul.f32 v49, v61;
	[tilespmem:$0x350] =	vst v46  }
0x97: {  	vm10 =	veq.s32 v35, $0x4;
	v54 =	vsel vm9, $0x3F266666, v1;
	v55 =	vld [tilespmem:$0x5F0];
	[tilespmem:$0x360] =	vst v2;
	v2 =	vmul.f32 v52, v24  }
0x98: {  	v58 =	vld [tilespmem:$0x1E0];
	v57 =	vsel vm10, $0x3F266666, v1;
	vm11 =	veq.s32 v40, $0x4;
	[tilespmem:$0x370] =	vst v51;
	v56 =	vmul.f32 v54, v29  }
0x99: {  	v59 =	vld [tilespmem:$0x1F0];
	vm12 =	veq.s32 v45, $0x4;
	[tilespmem:$0x380] =	vst v2;
	v2 =	vmul.f32 v57, v3;
	v3 =	vsel vm11, $0x3F266666, v1  }
0x9a: {  	v60 =	vsel vm12, $0x3F266666, v1;
	vm13 =	veq.s32 v50, $0x4;
	[tilespmem:$0x390] =	vst v56;
	v3 =	vmul.f32 v3, v38  }
0x9b: {  	vm14 =	veq.s32 v53, $0x4;
	v61 =	vsel vm13, $0x3F266666, v1;
	[tilespmem:$0x3A0] =	vst v2;
	v2 =	vmul.f32 v60, v43  }
0x9c: {  	v62 =	vsel vm14, $0x3F266666, v1;
	vm15 =	veq.s32 v55, $0x4;
	[tilespmem:$0x3B0] =	vst v3;
	v3 =	vmul.f32 v61, v48  }
0x9d: {  	v63 =	vsel vm15, $0x3F266666, v1;
	[tilespmem:$0x3C0] =	vst v2;
	v2 =	vmul.f32 v62, v58  }
0x9e: {  	[tilespmem:$0x3D0] =	vst v3;
	v3 =	vmul.f32 v63, v59  }
0x9f: {  	p0 =	sne.s32 s5, $0x1;
	[tilespmem:$0x3E0] =	vst v2  }
.Ltmp1:
0xa0: {  	[tilespmem:$0x3F0] =	vst v3;
	(pc) =	sbr.rel @p0 .LBB2_2-.Ltmp1, $4  }
0xa1: {  	[hbm4b:s4+s6] =	stream.linear.scatter [tilespmem:s9], [sflag:$0x1], $0x200, $0x38;
	[tilespmem:$0x600] =	vst v63  }
0xa2: {  	_ =	swait.ge [sflag:s8], $0x200  }
0xa3: {  	[sflag:s8] =	ssyncset.done $0x0  }
0xa4: {  	s5 =	sadd.s32 $0xFFFFFFFF, s5;
	[sflag:s8] =	ssyncadd.s32 $0xFFFFFE00  }
.LBB2_3:
0xa5: {  	_ =	sfence.sel $0x180000  }
0xa6: {  	[bflag:$0x0] =	sbarrier.arrive $0xFFFF  }
0xa7: {  	p0 =	sne.s32 s0, $0x0;
	_ =	strace $0x90000047  }
0xa8: {  	s0 =	sadd.s32 @!p0 $0x100000, s2;
	[bflag:$0x2] =	sbarrier.arrive $0xFFFF  }
0xa9: {  	[sflag:s0] =	ssyncadd.tile.s32 @!p0 $0x1;
	_ =	shalt  }
.Lfunc_end2:
_tile_overlayer_lowered:
.L_overlay_start_2:
0xaa: {  	(tag) =	ssettag $0x2  }
0xab: {  	s0 =	rddreg [dreg:$0x0];
	s2 =	stileid.u32  }
0xac: {  	s1 =	rddreg [dreg:$0x1];
	p0 =	sne.s32 s2, $0x0  }
0xad: {  	s3 =	rddreg [dreg:$0x2];
	[bflag:$0x3] =	sbarrier.arrive $0xFFFF;
	s2 =	simm.s32 @!p0 $0x1C01  }
0xae: {  	[timem:s3], [sflag:s2] =	dma.local @!p0 [hbm:s0], s1  }
0xaf: {  	s0 =	simm.s32 @!p0 $0x1  }
0xb0: {  	_ =	swait.ge @!p0 [sflag:s0], s1  }
0xb1: {  	s1 =	ssub.s32 @!p0 $0x0, s1;
	[sflag:s0] =	ssyncset.done @!p0 $0x0  }
0xb2: {  	[sflag:s0] =	ssyncadd.s32 @!p0 s1  }
0xb3: {  	[bflag:$0x3] =	sbarrier.arrive $0xFFFF  }
0xb4: {  	_ =	shalt  }

</sc_bundles>
